<compile_context>
chip_gen: v7x
topology: tpu7x:2x2x1
jax: 0.10.2.dev20260603
libtpu: 0.0.44.dev20260713+nightly
codegen_flags: <defaults>
</compile_context>

<pallas_src>
import functools

import jax
import jax.numpy as jnp
from jax import lax
from jax.experimental import pallas as pl
from jax.experimental.pallas import tpu as pltpu
from jax.experimental.pallas import tpu_sc as plsc


def _vq_body(h_ref, Wq_ref, bq_ref, cb_ref, idx_ref, dsum_ref, K):
    h = h_ref[0]
    z = lax.dot_general(Wq_ref[...], h, (((1,), (0,)), ((), ())),
                        preferred_element_type=jnp.float32)
    z = z + bq_ref[...]
    cb = cb_ref[...]
    cn = jnp.sum(cb * cb, axis=1, keepdims=True)
    zn = jnp.sum(z * z, axis=0, keepdims=True)
    s2 = lax.dot_general(cb + cb, z, (((1,), (0,)), ((), ())),
                        preferred_element_type=jnp.float32)
    CH = 8
    rmin = rt = None
    for t in range(K // CH):
        st = s2[t * CH:(t + 1) * CH, :]
        cnt = cn[t * CH:(t + 1) * CH, :]
        dt = (zn + cnt) - st
        if t == 0:
            rmin = dt
            rt = jnp.zeros(dt.shape, jnp.int32)
        else:
            lt = dt < rmin
            rmin = jnp.where(lt, dt, rmin)
            rt = jnp.where(lt, t, rt)
    dmin = jnp.min(rmin, axis=0, keepdims=True)
    row = lax.broadcasted_iota(jnp.int32, rmin.shape, 0)
    kk = rt * CH + row
    idx_ref[0] = jnp.min(jnp.where(rmin == dmin, kk, K), axis=0, keepdims=True)
    dsum_ref[...] = jnp.sum(dmin, axis=1, keepdims=True)[None]


def _branch_a_kernel(h_ref, Wq_ref, bq_ref, cb_ref,
                     Wpq_a_ref, bpq_a_ref, cb_b_ref, Wpq_b_ref, bpq_b_ref,
                     idx_ref, dsum_ref, pa_ref, pb_ref, *, K):
    @pl.when(pl.program_id(0) == 0)
    def _prep():
        pa = lax.dot_general(cb_ref[...], Wpq_a_ref[...],
                             (((1,), (1,)), ((), ())),
                             preferred_element_type=jnp.float32)
        pa_ref[...] = pa + bpq_a_ref[...]
        pb = lax.dot_general(cb_b_ref[...], Wpq_b_ref[...],
                             (((1,), (1,)), ((), ())),
                             preferred_element_type=jnp.float32)
        pb_ref[...] = pb + bpq_b_ref[...]

    _vq_body(h_ref, Wq_ref, bq_ref, cb_ref, idx_ref, dsum_ref, K)


def _branch_b_kernel(h_ref, Wq_ref, bq_ref, cb_ref, idx_ref, dsum_ref, *, K):
    _vq_body(h_ref, Wq_ref, bq_ref, cb_ref, idx_ref, dsum_ref, K)


def _full(shape):
    n = len(shape)
    return pl.BlockSpec(shape, lambda b: (0,) * n)


def _vq_argmin_a(h3, Wq, bq, cb, Wpq_a, bpq_a, cb_b, Wpq_b, bpq_b):
    B, C_in, HW = h3.shape
    emb = Wq.shape[0]
    K = cb.shape[0]
    Ca = Wpq_a.shape[0]
    Cb = Wpq_b.shape[0]
    return pl.pallas_call(
        functools.partial(_branch_a_kernel, K=K),
        grid=(B,),
        in_specs=[
            pl.BlockSpec((1, C_in, HW), lambda b: (b, 0, 0)),
            _full((emb, C_in)), _full((emb, 1)), _full((K, emb)),
            _full((Ca, emb)), _full((1, Ca)),
            _full(cb_b.shape), _full(Wpq_b.shape), _full((1, Cb)),
        ],
        out_specs=[
            pl.BlockSpec((1, 1, HW), lambda b: (b, 0, 0)),
            pl.BlockSpec((1, 1, 1), lambda b: (b, 0, 0)),
            _full((K, Ca)), _full((K, Cb)),
        ],
        out_shape=[
            jax.ShapeDtypeStruct((B, 1, HW), jnp.int32),
            jax.ShapeDtypeStruct((B, 1, 1), jnp.float32),
            jax.ShapeDtypeStruct((K, Ca), jnp.float32),
            jax.ShapeDtypeStruct((K, Cb), jnp.float32),
        ],
    )(h3, Wq, bq.reshape(emb, 1), cb,
      Wpq_a, bpq_a.reshape(1, Ca), cb_b, Wpq_b, bpq_b.reshape(1, Cb))


def _vq_argmin_b(h3, Wq, bq, cb):
    B, C_in, HW = h3.shape
    emb = Wq.shape[0]
    K = cb.shape[0]
    return pl.pallas_call(
        functools.partial(_branch_b_kernel, K=K),
        grid=(B,),
        in_specs=[
            pl.BlockSpec((1, C_in, HW), lambda b: (b, 0, 0)),
            _full((emb, C_in)), _full((emb, 1)), _full((K, emb)),
        ],
        out_specs=[
            pl.BlockSpec((1, 1, HW), lambda b: (b, 0, 0)),
            pl.BlockSpec((1, 1, 1), lambda b: (b, 0, 0)),
        ],
        out_shape=[
            jax.ShapeDtypeStruct((B, 1, HW), jnp.int32),
            jax.ShapeDtypeStruct((B, 1, 1), jnp.float32),
        ],
    )(h3, Wq, bq.reshape(emb, 1), cb)


def _sc_gather_rows(table, idx_flat):
    N = idx_flat.shape[0]
    D = table.shape[1]
    info = plsc.get_sparse_core_info()
    NC = info.num_cores
    NW = NC * info.num_subcores
    n_per_w = N // NW
    CHUNK = 128
    n_chunks = n_per_w // CHUNK
    idx2 = idx_flat.reshape(N // CHUNK, CHUNK)
    mesh = plsc.VectorSubcoreMesh(core_axis_name="c", subcore_axis_name="s")

    @functools.partial(
        pl.kernel, mesh=mesh,
        out_type=jax.ShapeDtypeStruct((N, D), jnp.float32),
        scratch_types=[
            pltpu.VMEM((n_chunks, CHUNK), jnp.int32),
            pltpu.VMEM((n_per_w, D), jnp.float32),
            pltpu.SemaphoreType.DMA,
        ],
    )
    def k(table_hbm, idx_hbm, out_hbm, idx_v, rows_v, sem):
        wid = lax.axis_index("s") * NC + lax.axis_index("c")
        pltpu.sync_copy(idx_hbm.at[pl.ds(wid * n_chunks, n_chunks)], idx_v)
        copies = [
            pltpu.async_copy(table_hbm.at[idx_v.at[j]],
                             rows_v.at[pl.ds(j * CHUNK, CHUNK)], sem)
            for j in range(n_chunks)
        ]
        for c in copies:
            c.wait()
        pltpu.sync_copy(rows_v, out_hbm.at[pl.ds(wid * n_per_w, n_per_w)])

    return k(table, idx2)


def kernel(h_identity, h_others, codebook_identity, codebook_others,
           Wq_id, bq_id, Wpq_id, bpq_id, Wq_ot, bq_ot, Wpq_ot, bpq_ot):
    B, _, H, W = h_identity.shape
    HW = H * W
    emb_id = Wq_id.shape[0]
    emb_ot = Wq_ot.shape[0]

    idx_id, dsum_id, p_id, p_ot = _vq_argmin_a(
        h_identity.reshape(B, -1, HW), Wq_id, bq_id, codebook_identity,
        Wpq_id, bpq_id, codebook_others, Wpq_ot, bpq_ot)
    rows_id = _sc_gather_rows(p_id, idx_id.reshape(B * HW))
    idx_ot, dsum_ot = _vq_argmin_b(
        h_others.reshape(B, -1, HW), Wq_ot, bq_ot, codebook_others)
    rows_ot = _sc_gather_rows(p_ot, idx_ot.reshape(B * HW))

    out_id = rows_id.reshape(B, HW, -1).transpose(0, 2, 1).reshape(B, -1, H, W)
    out_ot = rows_ot.reshape(B, HW, -1).transpose(0, 2, 1).reshape(B, -1, H, W)
    loss_id = jnp.sum(dsum_id) * (1.25 / (B * HW * emb_id))
    loss_ot = jnp.sum(dsum_ot) * (1.25 / (B * HW * emb_ot))
    return (out_id, out_ot, loss_id, loss_ot,
            idx_id.reshape(B, H, W), idx_ot.reshape(B, H, W))

# --- scband reference (transcript-rebuilt; emitter-appended) ---
"""Pipeline reference for scband-vqgandecompose-model-79388175499549 (READ-ONLY COPY).

The authoritative reference and input builder live on the scoring server;
editing this copy changes nothing except your own understanding.
"""

import jax, jax.numpy as jnp
import numpy as np


def conv1x1(x, W, b):
    # x: [B, Cin, H, W], W: [Cout, Cin], b: [Cout]
    return jnp.einsum('bchw,oc->bohw', x, W) + b[None, :, None, None]


def vector_quantize(z, codebook, beta=0.25):
    # z: [B, C, H, W]; codebook: [K, C]
    B, C, H, W = z.shape
    z_p = jnp.transpose(z, (0, 2, 3, 1))  # [B, H, W, C]
    z_flat = z_p.reshape(-1, C)
    # squared L2 distances to every code
    d = (jnp.sum(z_flat ** 2, axis=1, keepdims=True)
         + jnp.sum(codebook ** 2, axis=1)[None, :]
         - 2.0 * z_flat @ codebook.T)
    idx = jnp.argmin(d, axis=1)
    z_q = jnp.take(codebook, idx, axis=0).reshape(B, H, W, C)
    loss = (jnp.mean((jax.lax.stop_gradient(z_q) - z_p) ** 2)
            + beta * jnp.mean((z_q - jax.lax.stop_gradient(z_p)) ** 2))
    # straight-through estimator
    z_q = z_p + jax.lax.stop_gradient(z_q - z_p)
    z_q = jnp.transpose(z_q, (0, 3, 1, 2))
    return z_q, loss, idx.reshape(B, H, W)


def setup_inputs(seed: int = 0) -> dict:
    key = jax.random.key(seed)
    ks = jax.random.split(key, 12)
    B = 8
    H = W = 32
    z_channels = 256
    embed_dim = 256
    n_embed = 1024
    return {
        'h_identity': jax.random.normal(ks[0], (B, z_channels, H, W), dtype=jnp.float32),
        'h_others': jax.random.normal(ks[1], (B, z_channels // 2, H, W), dtype=jnp.float32),
        'codebook_identity': jax.random.uniform(ks[2], (n_embed, embed_dim), minval=-1.0 / n_embed, maxval=1.0 / n_embed, dtype=jnp.float32),
        'codebook_others': jax.random.uniform(ks[3], (n_embed, embed_dim // 2), minval=-1.0 / n_embed, maxval=1.0 / n_embed, dtype=jnp.float32),
        'Wq_id': jax.random.normal(ks[4], (embed_dim, z_channels), dtype=jnp.float32) * 0.02,
        'bq_id': jnp.zeros((embed_dim,), dtype=jnp.float32),
        'Wpq_id': jax.random.normal(ks[5], (z_channels, embed_dim), dtype=jnp.float32) * 0.02,
        'bpq_id': jnp.zeros((z_channels,), dtype=jnp.float32),
        'Wq_ot': jax.random.normal(ks[6], (embed_dim // 2, z_channels // 2), dtype=jnp.float32) * 0.02,
        'bq_ot': jnp.zeros((embed_dim // 2,), dtype=jnp.float32),
        'Wpq_ot': jax.random.normal(ks[7], (z_channels // 2, embed_dim // 2), dtype=jnp.float32) * 0.02,
        'bpq_ot': jnp.zeros((z_channels // 2,), dtype=jnp.float32),
    }


def reference(h_identity, h_others, codebook_identity, codebook_others,
              Wq_id, bq_id, Wpq_id, bpq_id, Wq_ot, bq_ot, Wpq_ot, bpq_ot):
    # identity branch: quant_conv -> VQ(embed_dim=256) -> post_quant_conv
    z_id = conv1x1(h_identity, Wq_id, bq_id)
    q_id, loss_id, idx_id = vector_quantize(z_id, codebook_identity, beta=0.25)
    out_id = conv1x1(q_id, Wpq_id, bpq_id)
    # others branch: quant_conv -> VQ(embed_dim=128) -> post_quant_conv
    z_ot = conv1x1(h_others, Wq_ot, bq_ot)
    q_ot, loss_ot, idx_ot = vector_quantize(z_ot, codebook_others, beta=0.25)
    out_ot = conv1x1(q_ot, Wpq_ot, bpq_ot)
    return out_id, out_ot, loss_id, loss_ot, idx_id, idx_ot

if __name__ == "__main__":
    import jax
    _d = setup_inputs()
    print(jax.jit(kernel)(*tuple(_d.values())))

</pallas_src>

<mosaic_0001>
#map = affine_map<(d0, d1) -> (0, 0)>
module attributes {stable_mosaic.version = 14 : i64} {
  func.func @k(%arg0: i32, %arg1: i32, %arg2: memref<1024x256xf32, #tpu.memory_space<hbm>>, %arg3: memref<64x128xi32, #tpu.memory_space<hbm>>, %arg4: memref<8192x256xf32, #tpu.memory_space<hbm>>, %arg5: memref<2x128xi32, #tpu.memory_space<vmem>>, %arg6: memref<256x256xf32, #tpu.memory_space<vmem>>, %arg7: memref<!tpu.dma_semaphore, #tpu.memory_space<semaphore_mem>>) attributes {dimension_semantics = [#tpu.dimension_semantics<core_parallel>, #tpu.dimension_semantics<subcore_parallel>], iteration_bounds = array<i64: 2, 16>, scalar_prefetch = 0 : i64, scratch_operands = 3 : i64, tpu.core_type = #tpu.core_type<sc_vector_subcore>, window_params = [{transform_indices = #map}, {transform_indices = #map}, {transform_indices = #map}]} {
    %mul3A = arith.constant 2 : i32
    %mul3A_0 = arith.muli %arg1, %mul3A : i32
    %add3A = arith.addi %mul3A_0, %arg0 : i32
    %mul3A_1 = arith.constant 2 : i32
    %mul3A_2 = arith.muli %add3A, %mul3A_1 : i32
    "tpu.region"() ({
      %run_scoped3A = tpu.sem_alloc : memref<!tpu.dma_semaphore, #tpu.memory_space<semaphore_mem>>
      %dma_start3A_43 = arith.constant 0 : i32
      %dma_start3A_44 = tpu.memref_slice %arg3[%mul3A_2, %dma_start3A_43] : memref<64x128xi32, #tpu.memory_space<hbm>> -> memref<2x128xi32, #tpu.memory_space<hbm>>
      %dma_start3A_45 = arith.constant 0 : i32
      %dma_start3A_46 = tpu.memref_slice %arg3[%mul3A_2, %dma_start3A_45] : memref<64x128xi32, #tpu.memory_space<hbm>> -> memref<2x128xi32, #tpu.memory_space<hbm>>
      tpu.enqueue_dma source(%dma_start3A_46 : memref<2x128xi32, #tpu.memory_space<hbm>>) target(%arg5 : memref<2x128xi32, #tpu.memory_space<vmem>>) target_semaphore(%run_scoped3A : memref<!tpu.dma_semaphore, #tpu.memory_space<semaphore_mem>>)
      %dma_wait3A_47 = arith.constant 0 : i32
      %dma_wait3A_48 = tpu.memref_slice %arg3[%mul3A_2, %dma_wait3A_47] : memref<64x128xi32, #tpu.memory_space<hbm>> -> memref<2x128xi32, #tpu.memory_space<hbm>>
      %dma_wait3A_49 = arith.constant 0 : i32
      %dma_wait3A_50 = tpu.memref_slice %arg3[%mul3A_2, %dma_wait3A_49] : memref<64x128xi32, #tpu.memory_space<hbm>> -> memref<2x128xi32, #tpu.memory_space<hbm>>
      tpu.wait_dma2 semaphore(%run_scoped3A : memref<!tpu.dma_semaphore, #tpu.memory_space<semaphore_mem>>) src(%dma_wait3A_50 : memref<2x128xi32, #tpu.memory_space<hbm>>) dst(%arg5 : memref<2x128xi32, #tpu.memory_space<vmem>>)
      tpu.yield
    }) : () -> ()
    %dma_start3A = arith.constant 0 : i32
    %dma_start3A_3 = arith.constant 0 : i32
    %dma_start3A_4 = arith.constant 0 : i32
    %dma_start3A_5 = tpu.memref_slice %arg6[%dma_start3A_3, %dma_start3A_4] : memref<256x256xf32, #tpu.memory_space<vmem>> -> memref<128x256xf32, #tpu.memory_space<vmem>>
    %dma_start3A_6 = arith.constant 0 : i32
    %dma_start3A_7 = tpu.memref_slice %arg5[%dma_start3A, %dma_start3A_6] : memref<2x128xi32, #tpu.memory_space<vmem>> -> memref<1x128xi32, #tpu.memory_space<vmem>>
    %dma_start3A_8 = tpu.memref_squeeze %dma_start3A_7 : memref<1x128xi32, #tpu.memory_space<vmem>> -> memref<128xi32, #tpu.memory_space<vmem>>
    %dma_start3A_9 = arith.constant 0 : i32
    %dma_start3A_10 = arith.constant 0 : i32
    %dma_start3A_11 = tpu.memref_slice %arg2[%dma_start3A_9, %dma_start3A_10] : memref<1024x256xf32, #tpu.memory_space<hbm>> -> memref<1024x256xf32, #tpu.memory_space<hbm>>
    tpu.enqueue_indirect_dma source(%dma_start3A_11 : memref<1024x256xf32, #tpu.memory_space<hbm>>) target(%dma_start3A_5 : memref<128x256xf32, #tpu.memory_space<vmem>>) offsets(%dma_start3A_8 : memref<128xi32, #tpu.memory_space<vmem>>) semaphore(%arg7 : memref<!tpu.dma_semaphore, #tpu.memory_space<semaphore_mem>>)
    %dma_start3A_12 = arith.constant 1 : i32
    %dma_start3A_13 = arith.constant 128 : i32
    %dma_start3A_14 = arith.constant 0 : i32
    %dma_start3A_15 = tpu.memref_slice %arg6[%dma_start3A_13, %dma_start3A_14] : memref<256x256xf32, #tpu.memory_space<vmem>> -> memref<128x256xf32, #tpu.memory_space<vmem>>
    %dma_start3A_16 = arith.constant 0 : i32
    %dma_start3A_17 = tpu.memref_slice %arg5[%dma_start3A_12, %dma_start3A_16] : memref<2x128xi32, #tpu.memory_space<vmem>> -> memref<1x128xi32, #tpu.memory_space<vmem>>
    %dma_start3A_18 = tpu.memref_squeeze %dma_start3A_17 : memref<1x128xi32, #tpu.memory_space<vmem>> -> memref<128xi32, #tpu.memory_space<vmem>>
    %dma_start3A_19 = arith.constant 0 : i32
    %dma_start3A_20 = arith.constant 0 : i32
    %dma_start3A_21 = tpu.memref_slice %arg2[%dma_start3A_19, %dma_start3A_20] : memref<1024x256xf32, #tpu.memory_space<hbm>> -> memref<1024x256xf32, #tpu.memory_space<hbm>>
    tpu.enqueue_indirect_dma source(%dma_start3A_21 : memref<1024x256xf32, #tpu.memory_space<hbm>>) target(%dma_start3A_15 : memref<128x256xf32, #tpu.memory_space<vmem>>) offsets(%dma_start3A_18 : memref<128xi32, #tpu.memory_space<vmem>>) semaphore(%arg7 : memref<!tpu.dma_semaphore, #tpu.memory_space<semaphore_mem>>)
    %dma_wait3A = arith.constant 0 : i32
    %dma_wait3A_22 = arith.constant 0 : i32
    %dma_wait3A_23 = arith.constant 0 : i32
    %dma_wait3A_24 = tpu.memref_slice %arg6[%dma_wait3A_22, %dma_wait3A_23] : memref<256x256xf32, #tpu.memory_space<vmem>> -> memref<128x256xf32, #tpu.memory_space<vmem>>
    %dma_wait3A_25 = arith.constant 0 : i32
    %dma_wait3A_26 = tpu.memref_slice %arg5[%dma_wait3A, %dma_wait3A_25] : memref<2x128xi32, #tpu.memory_space<vmem>> -> memref<1x128xi32, #tpu.memory_space<vmem>>
    %dma_wait3A_27 = tpu.memref_squeeze %dma_wait3A_26 : memref<1x128xi32, #tpu.memory_space<vmem>> -> memref<128xi32, #tpu.memory_space<vmem>>
    %dma_wait3A_28 = arith.constant 0 : i32
    %dma_wait3A_29 = arith.constant 0 : i32
    %dma_wait3A_30 = tpu.memref_slice %arg2[%dma_wait3A_28, %dma_wait3A_29] : memref<1024x256xf32, #tpu.memory_space<hbm>> -> memref<1024x256xf32, #tpu.memory_space<hbm>>
    tpu.wait_indirect_dma semaphore(%arg7 : memref<!tpu.dma_semaphore, #tpu.memory_space<semaphore_mem>>) src(%dma_wait3A_30 : memref<1024x256xf32, #tpu.memory_space<hbm>>) dst(%dma_wait3A_24 : memref<128x256xf32, #tpu.memory_space<vmem>>)
    %dma_wait3A_31 = arith.constant 1 : i32
    %dma_wait3A_32 = arith.constant 128 : i32
    %dma_wait3A_33 = arith.constant 0 : i32
    %dma_wait3A_34 = tpu.memref_slice %arg6[%dma_wait3A_32, %dma_wait3A_33] : memref<256x256xf32, #tpu.memory_space<vmem>> -> memref<128x256xf32, #tpu.memory_space<vmem>>
    %dma_wait3A_35 = arith.constant 0 : i32
    %dma_wait3A_36 = tpu.memref_slice %arg5[%dma_wait3A_31, %dma_wait3A_35] : memref<2x128xi32, #tpu.memory_space<vmem>> -> memref<1x128xi32, #tpu.memory_space<vmem>>
    %dma_wait3A_37 = tpu.memref_squeeze %dma_wait3A_36 : memref<1x128xi32, #tpu.memory_space<vmem>> -> memref<128xi32, #tpu.memory_space<vmem>>
    %dma_wait3A_38 = arith.constant 0 : i32
    %dma_wait3A_39 = arith.constant 0 : i32
    %dma_wait3A_40 = tpu.memref_slice %arg2[%dma_wait3A_38, %dma_wait3A_39] : memref<1024x256xf32, #tpu.memory_space<hbm>> -> memref<1024x256xf32, #tpu.memory_space<hbm>>
    tpu.wait_indirect_dma semaphore(%arg7 : memref<!tpu.dma_semaphore, #tpu.memory_space<semaphore_mem>>) src(%dma_wait3A_40 : memref<1024x256xf32, #tpu.memory_space<hbm>>) dst(%dma_wait3A_34 : memref<128x256xf32, #tpu.memory_space<vmem>>)
    %mul3A_41 = arith.constant 256 : i32
    %mul3A_42 = arith.muli %add3A, %mul3A_41 : i32
    "tpu.region"() ({
      %run_scoped3A = tpu.sem_alloc : memref<!tpu.dma_semaphore, #tpu.memory_space<semaphore_mem>>
      %dma_start3A_43 = arith.constant 0 : i32
      %dma_start3A_44 = tpu.memref_slice %arg4[%mul3A_42, %dma_start3A_43] : memref<8192x256xf32, #tpu.memory_space<hbm>> -> memref<256x256xf32, #tpu.memory_space<hbm>>
      %dma_start3A_45 = arith.constant 0 : i32
      %dma_start3A_46 = tpu.memref_slice %arg4[%mul3A_42, %dma_start3A_45] : memref<8192x256xf32, #tpu.memory_space<hbm>> -> memref<256x256xf32, #tpu.memory_space<hbm>>
      tpu.enqueue_dma source(%arg6 : memref<256x256xf32, #tpu.memory_space<vmem>>) target(%dma_start3A_46 : memref<256x256xf32, #tpu.memory_space<hbm>>) target_semaphore(%run_scoped3A : memref<!tpu.dma_semaphore, #tpu.memory_space<semaphore_mem>>)
      %dma_wait3A_47 = arith.constant 0 : i32
      %dma_wait3A_48 = tpu.memref_slice %arg4[%mul3A_42, %dma_wait3A_47] : memref<8192x256xf32, #tpu.memory_space<hbm>> -> memref<256x256xf32, #tpu.memory_space<hbm>>
      %dma_wait3A_49 = arith.constant 0 : i32
      %dma_wait3A_50 = tpu.memref_slice %arg4[%mul3A_42, %dma_wait3A_49] : memref<8192x256xf32, #tpu.memory_space<hbm>> -> memref<256x256xf32, #tpu.memory_space<hbm>>
      tpu.wait_dma2 semaphore(%run_scoped3A : memref<!tpu.dma_semaphore, #tpu.memory_space<semaphore_mem>>) src(%arg6 : memref<256x256xf32, #tpu.memory_space<vmem>>) dst(%dma_wait3A_50 : memref<256x256xf32, #tpu.memory_space<hbm>>)
      tpu.yield
    }) : () -> ()
    return
  }
}

#map = affine_map<(d0, d1) -> (0, 0)>
module attributes {stable_mosaic.version = 14 : i64} {
  func.func @k(%arg0: i32, %arg1: i32, %arg2: memref<1024x128xf32, #tpu.memory_space<hbm>>, %arg3: memref<64x128xi32, #tpu.memory_space<hbm>>, %arg4: memref<8192x128xf32, #tpu.memory_space<hbm>>, %arg5: memref<2x128xi32, #tpu.memory_space<vmem>>, %arg6: memref<256x128xf32, #tpu.memory_space<vmem>>, %arg7: memref<!tpu.dma_semaphore, #tpu.memory_space<semaphore_mem>>) attributes {dimension_semantics = [#tpu.dimension_semantics<core_parallel>, #tpu.dimension_semantics<subcore_parallel>], iteration_bounds = array<i64: 2, 16>, scalar_prefetch = 0 : i64, scratch_operands = 3 : i64, tpu.core_type = #tpu.core_type<sc_vector_subcore>, window_params = [{transform_indices = #map}, {transform_indices = #map}, {transform_indices = #map}]} {
    %mul3A = arith.constant 2 : i32
    %mul3A_0 = arith.muli %arg1, %mul3A : i32
    %add3A = arith.addi %mul3A_0, %arg0 : i32
    %mul3A_1 = arith.constant 2 : i32
    %mul3A_2 = arith.muli %add3A, %mul3A_1 : i32
    "tpu.region"() ({
      %run_scoped3A = tpu.sem_alloc : memref<!tpu.dma_semaphore, #tpu.memory_space<semaphore_mem>>
      %dma_start3A_43 = arith.constant 0 : i32
      %dma_start3A_44 = tpu.memref_slice %arg3[%mul3A_2, %dma_start3A_43] : memref<64x128xi32, #tpu.memory_space<hbm>> -> memref<2x128xi32, #tpu.memory_space<hbm>>
      %dma_start3A_45 = arith.constant 0 : i32
      %dma_start3A_46 = tpu.memref_slice %arg3[%mul3A_2, %dma_start3A_45] : memref<64x128xi32, #tpu.memory_space<hbm>> -> memref<2x128xi32, #tpu.memory_space<hbm>>
      tpu.enqueue_dma source(%dma_start3A_46 : memref<2x128xi32, #tpu.memory_space<hbm>>) target(%arg5 : memref<2x128xi32, #tpu.memory_space<vmem>>) target_semaphore(%run_scoped3A : memref<!tpu.dma_semaphore, #tpu.memory_space<semaphore_mem>>)
      %dma_wait3A_47 = arith.constant 0 : i32
      %dma_wait3A_48 = tpu.memref_slice %arg3[%mul3A_2, %dma_wait3A_47] : memref<64x128xi32, #tpu.memory_space<hbm>> -> memref<2x128xi32, #tpu.memory_space<hbm>>
      %dma_wait3A_49 = arith.constant 0 : i32
      %dma_wait3A_50 = tpu.memref_slice %arg3[%mul3A_2, %dma_wait3A_49] : memref<64x128xi32, #tpu.memory_space<hbm>> -> memref<2x128xi32, #tpu.memory_space<hbm>>
      tpu.wait_dma2 semaphore(%run_scoped3A : memref<!tpu.dma_semaphore, #tpu.memory_space<semaphore_mem>>) src(%dma_wait3A_50 : memref<2x128xi32, #tpu.memory_space<hbm>>) dst(%arg5 : memref<2x128xi32, #tpu.memory_space<vmem>>)
      tpu.yield
    }) : () -> ()
    %dma_start3A = arith.constant 0 : i32
    %dma_start3A_3 = arith.constant 0 : i32
    %dma_start3A_4 = arith.constant 0 : i32
    %dma_start3A_5 = tpu.memref_slice %arg6[%dma_start3A_3, %dma_start3A_4] : memref<256x128xf32, #tpu.memory_space<vmem>> -> memref<128x128xf32, #tpu.memory_space<vmem>>
    %dma_start3A_6 = arith.constant 0 : i32
    %dma_start3A_7 = tpu.memref_slice %arg5[%dma_start3A, %dma_start3A_6] : memref<2x128xi32, #tpu.memory_space<vmem>> -> memref<1x128xi32, #tpu.memory_space<vmem>>
    %dma_start3A_8 = tpu.memref_squeeze %dma_start3A_7 : memref<1x128xi32, #tpu.memory_space<vmem>> -> memref<128xi32, #tpu.memory_space<vmem>>
    %dma_start3A_9 = arith.constant 0 : i32
    %dma_start3A_10 = arith.constant 0 : i32
    %dma_start3A_11 = tpu.memref_slice %arg2[%dma_start3A_9, %dma_start3A_10] : memref<1024x128xf32, #tpu.memory_space<hbm>> -> memref<1024x128xf32, #tpu.memory_space<hbm>>
    tpu.enqueue_indirect_dma source(%dma_start3A_11 : memref<1024x128xf32, #tpu.memory_space<hbm>>) target(%dma_start3A_5 : memref<128x128xf32, #tpu.memory_space<vmem>>) offsets(%dma_start3A_8 : memref<128xi32, #tpu.memory_space<vmem>>) semaphore(%arg7 : memref<!tpu.dma_semaphore, #tpu.memory_space<semaphore_mem>>)
    %dma_start3A_12 = arith.constant 1 : i32
    %dma_start3A_13 = arith.constant 128 : i32
    %dma_start3A_14 = arith.constant 0 : i32
    %dma_start3A_15 = tpu.memref_slice %arg6[%dma_start3A_13, %dma_start3A_14] : memref<256x128xf32, #tpu.memory_space<vmem>> -> memref<128x128xf32, #tpu.memory_space<vmem>>
    %dma_start3A_16 = arith.constant 0 : i32
    %dma_start3A_17 = tpu.memref_slice %arg5[%dma_start3A_12, %dma_start3A_16] : memref<2x128xi32, #tpu.memory_space<vmem>> -> memref<1x128xi32, #tpu.memory_space<vmem>>
    %dma_start3A_18 = tpu.memref_squeeze %dma_start3A_17 : memref<1x128xi32, #tpu.memory_space<vmem>> -> memref<128xi32, #tpu.memory_space<vmem>>
    %dma_start3A_19 = arith.constant 0 : i32
    %dma_start3A_20 = arith.constant 0 : i32
    %dma_start3A_21 = tpu.memref_slice %arg2[%dma_start3A_19, %dma_start3A_20] : memref<1024x128xf32, #tpu.memory_space<hbm>> -> memref<1024x128xf32, #tpu.memory_space<hbm>>
    tpu.enqueue_indirect_dma source(%dma_start3A_21 : memref<1024x128xf32, #tpu.memory_space<hbm>>) target(%dma_start3A_15 : memref<128x128xf32, #tpu.memory_space<vmem>>) offsets(%dma_start3A_18 : memref<128xi32, #tpu.memory_space<vmem>>) semaphore(%arg7 : memref<!tpu.dma_semaphore, #tpu.memory_space<semaphore_mem>>)
    %dma_wait3A = arith.constant 0 : i32
    %dma_wait3A_22 = arith.constant 0 : i32
    %dma_wait3A_23 = arith.constant 0 : i32
    %dma_wait3A_24 = tpu.memref_slice %arg6[%dma_wait3A_22, %dma_wait3A_23] : memref<256x128xf32, #tpu.memory_space<vmem>> -> memref<128x128xf32, #tpu.memory_space<vmem>>
    %dma_wait3A_25 = arith.constant 0 : i32
    %dma_wait3A_26 = tpu.memref_slice %arg5[%dma_wait3A, %dma_wait3A_25] : memref<2x128xi32, #tpu.memory_space<vmem>> -> memref<1x128xi32, #tpu.memory_space<vmem>>
    %dma_wait3A_27 = tpu.memref_squeeze %dma_wait3A_26 : memref<1x128xi32, #tpu.memory_space<vmem>> -> memref<128xi32, #tpu.memory_space<vmem>>
    %dma_wait3A_28 = arith.constant 0 : i32
    %dma_wait3A_29 = arith.constant 0 : i32
    %dma_wait3A_30 = tpu.memref_slice %arg2[%dma_wait3A_28, %dma_wait3A_29] : memref<1024x128xf32, #tpu.memory_space<hbm>> -> memref<1024x128xf32, #tpu.memory_space<hbm>>
    tpu.wait_indirect_dma semaphore(%arg7 : memref<!tpu.dma_semaphore, #tpu.memory_space<semaphore_mem>>) src(%dma_wait3A_30 : memref<1024x128xf32, #tpu.memory_space<hbm>>) dst(%dma_wait3A_24 : memref<128x128xf32, #tpu.memory_space<vmem>>)
    %dma_wait3A_31 = arith.constant 1 : i32
    %dma_wait3A_32 = arith.constant 128 : i32
    %dma_wait3A_33 = arith.constant 0 : i32
    %dma_wait3A_34 = tpu.memref_slice %arg6[%dma_wait3A_32, %dma_wait3A_33] : memref<256x128xf32, #tpu.memory_space<vmem>> -> memref<128x128xf32, #tpu.memory_space<vmem>>
    %dma_wait3A_35 = arith.constant 0 : i32
    %dma_wait3A_36 = tpu.memref_slice %arg5[%dma_wait3A_31, %dma_wait3A_35] : memref<2x128xi32, #tpu.memory_space<vmem>> -> memref<1x128xi32, #tpu.memory_space<vmem>>
    %dma_wait3A_37 = tpu.memref_squeeze %dma_wait3A_36 : memref<1x128xi32, #tpu.memory_space<vmem>> -> memref<128xi32, #tpu.memory_space<vmem>>
    %dma_wait3A_38 = arith.constant 0 : i32
    %dma_wait3A_39 = arith.constant 0 : i32
    %dma_wait3A_40 = tpu.memref_slice %arg2[%dma_wait3A_38, %dma_wait3A_39] : memref<1024x128xf32, #tpu.memory_space<hbm>> -> memref<1024x128xf32, #tpu.memory_space<hbm>>
    tpu.wait_indirect_dma semaphore(%arg7 : memref<!tpu.dma_semaphore, #tpu.memory_space<semaphore_mem>>) src(%dma_wait3A_40 : memref<1024x128xf32, #tpu.memory_space<hbm>>) dst(%dma_wait3A_34 : memref<128x128xf32, #tpu.memory_space<vmem>>)
    %mul3A_41 = arith.constant 256 : i32
    %mul3A_42 = arith.muli %add3A, %mul3A_41 : i32
    "tpu.region"() ({
      %run_scoped3A = tpu.sem_alloc : memref<!tpu.dma_semaphore, #tpu.memory_space<semaphore_mem>>
      %dma_start3A_43 = arith.constant 0 : i32
      %dma_start3A_44 = tpu.memref_slice %arg4[%mul3A_42, %dma_start3A_43] : memref<8192x128xf32, #tpu.memory_space<hbm>> -> memref<256x128xf32, #tpu.memory_space<hbm>>
      %dma_start3A_45 = arith.constant 0 : i32
      %dma_start3A_46 = tpu.memref_slice %arg4[%mul3A_42, %dma_start3A_45] : memref<8192x128xf32, #tpu.memory_space<hbm>> -> memref<256x128xf32, #tpu.memory_space<hbm>>
      tpu.enqueue_dma source(%arg6 : memref<256x128xf32, #tpu.memory_space<vmem>>) target(%dma_start3A_46 : memref<256x128xf32, #tpu.memory_space<hbm>>) target_semaphore(%run_scoped3A : memref<!tpu.dma_semaphore, #tpu.memory_space<semaphore_mem>>)
      %dma_wait3A_47 = arith.constant 0 : i32
      %dma_wait3A_48 = tpu.memref_slice %arg4[%mul3A_42, %dma_wait3A_47] : memref<8192x128xf32, #tpu.memory_space<hbm>> -> memref<256x128xf32, #tpu.memory_space<hbm>>
      %dma_wait3A_49 = arith.constant 0 : i32
      %dma_wait3A_50 = tpu.memref_slice %arg4[%mul3A_42, %dma_wait3A_49] : memref<8192x128xf32, #tpu.memory_space<hbm>> -> memref<256x128xf32, #tpu.memory_space<hbm>>
      tpu.wait_dma2 semaphore(%run_scoped3A : memref<!tpu.dma_semaphore, #tpu.memory_space<semaphore_mem>>) src(%arg6 : memref<256x128xf32, #tpu.memory_space<vmem>>) dst(%dma_wait3A_50 : memref<256x128xf32, #tpu.memory_space<hbm>>)
      tpu.yield
    }) : () -> ()
    return
  }
}

module attributes {stable_mosaic.version = 14 : i64} {
  func.func @_branch_b_kernel(%arg0: i32, %arg1: memref<1x128x1024xf32, #tpu.memory_space<vmem>>, %arg2: memref<128x128xf32, #tpu.memory_space<vmem>>, %arg3: memref<128x1xf32, #tpu.memory_space<vmem>>, %arg4: memref<1024x128xf32, #tpu.memory_space<vmem>>, %arg5: memref<1x1x1024xi32, #tpu.memory_space<vmem>>, %arg6: memref<1x1x1xf32, #tpu.memory_space<vmem>>) attributes {dimension_semantics = [#tpu.dimension_semantics<arbitrary>], iteration_bounds = array<i64: 8>, scalar_prefetch = 0 : i64, scratch_operands = 0 : i64, tpu.core_type = #tpu.core_type<tc>, window_params = [{transform_indices = @transform_0, window_bounds = array<i64: 1, 128, 1024>}, {pipeline_mode = #tpu.pipeline_mode<synchronous>, transform_indices = @transform_1, window_bounds = array<i64: 128, 128>}, {pipeline_mode = #tpu.pipeline_mode<synchronous>, transform_indices = @transform_2, window_bounds = array<i64: 128, 1>}, {pipeline_mode = #tpu.pipeline_mode<synchronous>, transform_indices = @transform_3, window_bounds = array<i64: 1024, 128>}, {transform_indices = @transform_4, window_bounds = array<i64: 1, 1, 1024>}, {transform_indices = @transform_5, window_bounds = array<i64: 1, 1, 1>}]} {
    %get3A = arith.constant 0 : index
    %get3A_0 = arith.constant 0 : index
    %get3A_1 = arith.constant 0 : index
    %get3A_2 = vector.load %arg1[%get3A, %get3A_0, %get3A_1] : memref<1x128x1024xf32, #tpu.memory_space<vmem>>, vector<1x128x1024xf32>
    %get3A_3 = vector.shape_cast %get3A_2 : vector<1x128x1024xf32> to vector<128x1024xf32>
    %get3A_4 = arith.constant 0 : index
    %get3A_5 = arith.constant 0 : index
    %get3A_6 = vector.load %arg2[%get3A_4, %get3A_5] : memref<128x128xf32, #tpu.memory_space<vmem>>, vector<128x128xf32>
    %dot_general3A = arith.constant dense<0.000000e+00> : vector<128x1024xf32>
    %dot_general3A_7 = tpu.matmul %get3A_6, %get3A_3, %dot_general3A {dimension_numbers = #tpu.dot_dimension_numbers<[1], [0], [0], [1], [0, 0, 1, 1], [], []>, transpose_lhs_hint = false} : vector<128x128xf32>, vector<128x1024xf32>, vector<128x1024xf32> -> vector<128x1024xf32>
    %get3A_8 = arith.constant 0 : index
    %get3A_9 = arith.constant 0 : index
    %get3A_10 = vector.load %arg3[%get3A_8, %get3A_9] : memref<128x1xf32, #tpu.memory_space<vmem>>, vector<128x1xf32>
    %add3A = vector.broadcast %get3A_10 : vector<128x1xf32> to vector<128x1024xf32>
    %add3A_11 = arith.addf %dot_general3A_7, %add3A : vector<128x1024xf32>
    %get3A_12 = arith.constant 0 : index
    %get3A_13 = arith.constant 0 : index
    %get3A_14 = vector.load %arg4[%get3A_12, %get3A_13] : memref<1024x128xf32, #tpu.memory_space<vmem>>, vector<1024x128xf32>
    %mul3A = arith.mulf %get3A_14, %get3A_14 : vector<1024x128xf32>
    %reduce_sum3A = arith.constant dense<0.000000e+00> : vector<1024xf32>
    %reduce_sum3A_15 = vector.multi_reduction <add>, %mul3A, %reduce_sum3A [1] : vector<1024x128xf32> to vector<1024xf32>
    %broadcast_in_dim3A = vector.shape_cast %reduce_sum3A_15 : vector<1024xf32> to vector<1024x1xf32>
    %mul3A_16 = arith.mulf %add3A_11, %add3A_11 : vector<128x1024xf32>
    %reduce_sum3A_17 = arith.constant dense<0.000000e+00> : vector<1024xf32>
    %reduce_sum3A_18 = vector.multi_reduction <add>, %mul3A_16, %reduce_sum3A_17 [0] : vector<128x1024xf32> to vector<1024xf32>
    %broadcast_in_dim3A_19 = vector.shape_cast %reduce_sum3A_18 : vector<1024xf32> to vector<1x1024xf32>
    %add3A_20 = arith.addf %get3A_14, %get3A_14 : vector<1024x128xf32>
    %dot_general3A_21 = arith.constant dense<0.000000e+00> : vector<1024x1024xf32>
    %dot_general3A_22 = tpu.matmul %add3A_20, %add3A_11, %dot_general3A_21 {dimension_numbers = #tpu.dot_dimension_numbers<[1], [0], [0], [1], [0, 0, 1, 1], [], []>, transpose_lhs_hint = false} : vector<1024x128xf32>, vector<128x1024xf32>, vector<1024x1024xf32> -> vector<1024x1024xf32>
    %slice3A = vector.extract_strided_slice %dot_general3A_22 {offsets = [0, 0], sizes = [8, 1024], strides = [1, 1]} : vector<1024x1024xf32> to vector<8x1024xf32>
    %slice3A_23 = vector.extract_strided_slice %broadcast_in_dim3A {offsets = [0, 0], sizes = [8, 1], strides = [1, 1]} : vector<1024x1xf32> to vector<8x1xf32>
    %add3A_24 = vector.broadcast %broadcast_in_dim3A_19 : vector<1x1024xf32> to vector<8x1024xf32>
    %add3A_25 = vector.broadcast %slice3A_23 : vector<8x1xf32> to vector<8x1024xf32>
    %add3A_26 = arith.addf %add3A_24, %add3A_25 : vector<8x1024xf32>
    %sub3A = arith.subf %add3A_26, %slice3A : vector<8x1024xf32>
    %broadcast_in_dim3A_27 = arith.constant 0 : i32
    %broadcast_in_dim3A_28 = vector.broadcast %broadcast_in_dim3A_27 : i32 to vector<8x1024xi32>
    %slice3A_29 = vector.extract_strided_slice %dot_general3A_22 {offsets = [8, 0], sizes = [8, 1024], strides = [1, 1]} : vector<1024x1024xf32> to vector<8x1024xf32>
    %slice3A_30 = vector.extract_strided_slice %broadcast_in_dim3A {offsets = [8, 0], sizes = [8, 1], strides = [1, 1]} : vector<1024x1xf32> to vector<8x1xf32>
    %add3A_31 = vector.broadcast %broadcast_in_dim3A_19 : vector<1x1024xf32> to vector<8x1024xf32>
    %add3A_32 = vector.broadcast %slice3A_30 : vector<8x1xf32> to vector<8x1024xf32>
    %add3A_33 = arith.addf %add3A_31, %add3A_32 : vector<8x1024xf32>
    %sub3A_34 = arith.subf %add3A_33, %slice3A_29 : vector<8x1024xf32>
    %lt3A = arith.cmpf olt, %sub3A_34, %sub3A : vector<8x1024xf32>
    %select_n3A = arith.select %lt3A, %sub3A_34, %sub3A : vector<8x1024xi1>, vector<8x1024xf32>
    %jit3A = arith.constant 1 : i32
    %broadcast_in_dim3A_35 = vector.broadcast %jit3A : i32 to vector<8x1024xi32>
    %select_n3A_36 = arith.select %lt3A, %broadcast_in_dim3A_35, %broadcast_in_dim3A_28 : vector<8x1024xi1>, vector<8x1024xi32>
    %slice3A_37 = vector.extract_strided_slice %dot_general3A_22 {offsets = [16, 0], sizes = [8, 1024], strides = [1, 1]} : vector<1024x1024xf32> to vector<8x1024xf32>
    %slice3A_38 = vector.extract_strided_slice %broadcast_in_dim3A {offsets = [16, 0], sizes = [8, 1], strides = [1, 1]} : vector<1024x1xf32> to vector<8x1xf32>
    %add3A_39 = vector.broadcast %broadcast_in_dim3A_19 : vector<1x1024xf32> to vector<8x1024xf32>
    %add3A_40 = vector.broadcast %slice3A_38 : vector<8x1xf32> to vector<8x1024xf32>
    %add3A_41 = arith.addf %add3A_39, %add3A_40 : vector<8x1024xf32>
    %sub3A_42 = arith.subf %add3A_41, %slice3A_37 : vector<8x1024xf32>
    %lt3A_43 = arith.cmpf olt, %sub3A_42, %select_n3A : vector<8x1024xf32>
    %select_n3A_44 = arith.select %lt3A_43, %sub3A_42, %select_n3A : vector<8x1024xi1>, vector<8x1024xf32>
    %jit3A_45 = arith.constant 2 : i32
    %broadcast_in_dim3A_46 = vector.broadcast %jit3A_45 : i32 to vector<8x1024xi32>
    %select_n3A_47 = arith.select %lt3A_43, %broadcast_in_dim3A_46, %select_n3A_36 : vector<8x1024xi1>, vector<8x1024xi32>
    %slice3A_48 = vector.extract_strided_slice %dot_general3A_22 {offsets = [24, 0], sizes = [8, 1024], strides = [1, 1]} : vector<1024x1024xf32> to vector<8x1024xf32>
    %slice3A_49 = vector.extract_strided_slice %broadcast_in_dim3A {offsets = [24, 0], sizes = [8, 1], strides = [1, 1]} : vector<1024x1xf32> to vector<8x1xf32>
    %add3A_50 = vector.broadcast %broadcast_in_dim3A_19 : vector<1x1024xf32> to vector<8x1024xf32>
    %add3A_51 = vector.broadcast %slice3A_49 : vector<8x1xf32> to vector<8x1024xf32>
    %add3A_52 = arith.addf %add3A_50, %add3A_51 : vector<8x1024xf32>
    %sub3A_53 = arith.subf %add3A_52, %slice3A_48 : vector<8x1024xf32>
    %lt3A_54 = arith.cmpf olt, %sub3A_53, %select_n3A_44 : vector<8x1024xf32>
    %select_n3A_55 = arith.select %lt3A_54, %sub3A_53, %select_n3A_44 : vector<8x1024xi1>, vector<8x1024xf32>
    %jit3A_56 = arith.constant 3 : i32
    %broadcast_in_dim3A_57 = vector.broadcast %jit3A_56 : i32 to vector<8x1024xi32>
    %select_n3A_58 = arith.select %lt3A_54, %broadcast_in_dim3A_57, %select_n3A_47 : vector<8x1024xi1>, vector<8x1024xi32>
    %slice3A_59 = vector.extract_strided_slice %dot_general3A_22 {offsets = [32, 0], sizes = [8, 1024], strides = [1, 1]} : vector<1024x1024xf32> to vector<8x1024xf32>
    %slice3A_60 = vector.extract_strided_slice %broadcast_in_dim3A {offsets = [32, 0], sizes = [8, 1], strides = [1, 1]} : vector<1024x1xf32> to vector<8x1xf32>
    %add3A_61 = vector.broadcast %broadcast_in_dim3A_19 : vector<1x1024xf32> to vector<8x1024xf32>
    %add3A_62 = vector.broadcast %slice3A_60 : vector<8x1xf32> to vector<8x1024xf32>
    %add3A_63 = arith.addf %add3A_61, %add3A_62 : vector<8x1024xf32>
    %sub3A_64 = arith.subf %add3A_63, %slice3A_59 : vector<8x1024xf32>
    %lt3A_65 = arith.cmpf olt, %sub3A_64, %select_n3A_55 : vector<8x1024xf32>
    %select_n3A_66 = arith.select %lt3A_65, %sub3A_64, %select_n3A_55 : vector<8x1024xi1>, vector<8x1024xf32>
    %jit3A_67 = arith.constant 4 : i32
    %broadcast_in_dim3A_68 = vector.broadcast %jit3A_67 : i32 to vector<8x1024xi32>
    %select_n3A_69 = arith.select %lt3A_65, %broadcast_in_dim3A_68, %select_n3A_58 : vector<8x1024xi1>, vector<8x1024xi32>
    %slice3A_70 = vector.extract_strided_slice %dot_general3A_22 {offsets = [40, 0], sizes = [8, 1024], strides = [1, 1]} : vector<1024x1024xf32> to vector<8x1024xf32>
    %slice3A_71 = vector.extract_strided_slice %broadcast_in_dim3A {offsets = [40, 0], sizes = [8, 1], strides = [1, 1]} : vector<1024x1xf32> to vector<8x1xf32>
    %add3A_72 = vector.broadcast %broadcast_in_dim3A_19 : vector<1x1024xf32> to vector<8x1024xf32>
    %add3A_73 = vector.broadcast %slice3A_71 : vector<8x1xf32> to vector<8x1024xf32>
    %add3A_74 = arith.addf %add3A_72, %add3A_73 : vector<8x1024xf32>
    %sub3A_75 = arith.subf %add3A_74, %slice3A_70 : vector<8x1024xf32>
    %lt3A_76 = arith.cmpf olt, %sub3A_75, %select_n3A_66 : vector<8x1024xf32>
    %select_n3A_77 = arith.select %lt3A_76, %sub3A_75, %select_n3A_66 : vector<8x1024xi1>, vector<8x1024xf32>
    %jit3A_78 = arith.constant 5 : i32
    %broadcast_in_dim3A_79 = vector.broadcast %jit3A_78 : i32 to vector<8x1024xi32>
    %select_n3A_80 = arith.select %lt3A_76, %broadcast_in_dim3A_79, %select_n3A_69 : vector<8x1024xi1>, vector<8x1024xi32>
    %slice3A_81 = vector.extract_strided_slice %dot_general3A_22 {offsets = [48, 0], sizes = [8, 1024], strides = [1, 1]} : vector<1024x1024xf32> to vector<8x1024xf32>
    %slice3A_82 = vector.extract_strided_slice %broadcast_in_dim3A {offsets = [48, 0], sizes = [8, 1], strides = [1, 1]} : vector<1024x1xf32> to vector<8x1xf32>
    %add3A_83 = vector.broadcast %broadcast_in_dim3A_19 : vector<1x1024xf32> to vector<8x1024xf32>
    %add3A_84 = vector.broadcast %slice3A_82 : vector<8x1xf32> to vector<8x1024xf32>
    %add3A_85 = arith.addf %add3A_83, %add3A_84 : vector<8x1024xf32>
    %sub3A_86 = arith.subf %add3A_85, %slice3A_81 : vector<8x1024xf32>
    %lt3A_87 = arith.cmpf olt, %sub3A_86, %select_n3A_77 : vector<8x1024xf32>
    %select_n3A_88 = arith.select %lt3A_87, %sub3A_86, %select_n3A_77 : vector<8x1024xi1>, vector<8x1024xf32>
    %jit3A_89 = arith.constant 6 : i32
    %broadcast_in_dim3A_90 = vector.broadcast %jit3A_89 : i32 to vector<8x1024xi32>
    %select_n3A_91 = arith.select %lt3A_87, %broadcast_in_dim3A_90, %select_n3A_80 : vector<8x1024xi1>, vector<8x1024xi32>
    %slice3A_92 = vector.extract_strided_slice %dot_general3A_22 {offsets = [56, 0], sizes = [8, 1024], strides = [1, 1]} : vector<1024x1024xf32> to vector<8x1024xf32>
    %slice3A_93 = vector.extract_strided_slice %broadcast_in_dim3A {offsets = [56, 0], sizes = [8, 1], strides = [1, 1]} : vector<1024x1xf32> to vector<8x1xf32>
    %add3A_94 = vector.broadcast %broadcast_in_dim3A_19 : vector<1x1024xf32> to vector<8x1024xf32>
    %add3A_95 = vector.broadcast %slice3A_93 : vector<8x1xf32> to vector<8x1024xf32>
    %add3A_96 = arith.addf %add3A_94, %add3A_95 : vector<8x1024xf32>
    %sub3A_97 = arith.subf %add3A_96, %slice3A_92 : vector<8x1024xf32>
    %lt3A_98 = arith.cmpf olt, %sub3A_97, %select_n3A_88 : vector<8x1024xf32>
    %select_n3A_99 = arith.select %lt3A_98, %sub3A_97, %select_n3A_88 : vector<8x1024xi1>, vector<8x1024xf32>
    %jit3A_100 = arith.constant 7 : i32
    %broadcast_in_dim3A_101 = vector.broadcast %jit3A_100 : i32 to vector<8x1024xi32>
    %select_n3A_102 = arith.select %lt3A_98, %broadcast_in_dim3A_101, %select_n3A_91 : vector<8x1024xi1>, vector<8x1024xi32>
    %slice3A_103 = vector.extract_strided_slice %dot_general3A_22 {offsets = [64, 0], sizes = [8, 1024], strides = [1, 1]} : vector<1024x1024xf32> to vector<8x1024xf32>
    %slice3A_104 = vector.extract_strided_slice %broadcast_in_dim3A {offsets = [64, 0], sizes = [8, 1], strides = [1, 1]} : vector<1024x1xf32> to vector<8x1xf32>
    %add3A_105 = vector.broadcast %broadcast_in_dim3A_19 : vector<1x1024xf32> to vector<8x1024xf32>
    %add3A_106 = vector.broadcast %slice3A_104 : vector<8x1xf32> to vector<8x1024xf32>
    %add3A_107 = arith.addf %add3A_105, %add3A_106 : vector<8x1024xf32>
    %sub3A_108 = arith.subf %add3A_107, %slice3A_103 : vector<8x1024xf32>
    %lt3A_109 = arith.cmpf olt, %sub3A_108, %select_n3A_99 : vector<8x1024xf32>
    %select_n3A_110 = arith.select %lt3A_109, %sub3A_108, %select_n3A_99 : vector<8x1024xi1>, vector<8x1024xf32>
    %jit3A_111 = arith.constant 8 : i32
    %broadcast_in_dim3A_112 = vector.broadcast %jit3A_111 : i32 to vector<8x1024xi32>
    %select_n3A_113 = arith.select %lt3A_109, %broadcast_in_dim3A_112, %select_n3A_102 : vector<8x1024xi1>, vector<8x1024xi32>
    %slice3A_114 = vector.extract_strided_slice %dot_general3A_22 {offsets = [72, 0], sizes = [8, 1024], strides = [1, 1]} : vector<1024x1024xf32> to vector<8x1024xf32>
    %slice3A_115 = vector.extract_strided_slice %broadcast_in_dim3A {offsets = [72, 0], sizes = [8, 1], strides = [1, 1]} : vector<1024x1xf32> to vector<8x1xf32>
    %add3A_116 = vector.broadcast %broadcast_in_dim3A_19 : vector<1x1024xf32> to vector<8x1024xf32>
    %add3A_117 = vector.broadcast %slice3A_115 : vector<8x1xf32> to vector<8x1024xf32>
    %add3A_118 = arith.addf %add3A_116, %add3A_117 : vector<8x1024xf32>
    %sub3A_119 = arith.subf %add3A_118, %slice3A_114 : vector<8x1024xf32>
    %lt3A_120 = arith.cmpf olt, %sub3A_119, %select_n3A_110 : vector<8x1024xf32>
    %select_n3A_121 = arith.select %lt3A_120, %sub3A_119, %select_n3A_110 : vector<8x1024xi1>, vector<8x1024xf32>
    %jit3A_122 = arith.constant 9 : i32
    %broadcast_in_dim3A_123 = vector.broadcast %jit3A_122 : i32 to vector<8x1024xi32>
    %select_n3A_124 = arith.select %lt3A_120, %broadcast_in_dim3A_123, %select_n3A_113 : vector<8x1024xi1>, vector<8x1024xi32>
    %slice3A_125 = vector.extract_strided_slice %dot_general3A_22 {offsets = [80, 0], sizes = [8, 1024], strides = [1, 1]} : vector<1024x1024xf32> to vector<8x1024xf32>
    %slice3A_126 = vector.extract_strided_slice %broadcast_in_dim3A {offsets = [80, 0], sizes = [8, 1], strides = [1, 1]} : vector<1024x1xf32> to vector<8x1xf32>
    %add3A_127 = vector.broadcast %broadcast_in_dim3A_19 : vector<1x1024xf32> to vector<8x1024xf32>
    %add3A_128 = vector.broadcast %slice3A_126 : vector<8x1xf32> to vector<8x1024xf32>
    %add3A_129 = arith.addf %add3A_127, %add3A_128 : vector<8x1024xf32>
    %sub3A_130 = arith.subf %add3A_129, %slice3A_125 : vector<8x1024xf32>
    %lt3A_131 = arith.cmpf olt, %sub3A_130, %select_n3A_121 : vector<8x1024xf32>
    %select_n3A_132 = arith.select %lt3A_131, %sub3A_130, %select_n3A_121 : vector<8x1024xi1>, vector<8x1024xf32>
    %jit3A_133 = arith.constant 10 : i32
    %broadcast_in_dim3A_134 = vector.broadcast %jit3A_133 : i32 to vector<8x1024xi32>
    %select_n3A_135 = arith.select %lt3A_131, %broadcast_in_dim3A_134, %select_n3A_124 : vector<8x1024xi1>, vector<8x1024xi32>
    %slice3A_136 = vector.extract_strided_slice %dot_general3A_22 {offsets = [88, 0], sizes = [8, 1024], strides = [1, 1]} : vector<1024x1024xf32> to vector<8x1024xf32>
    %slice3A_137 = vector.extract_strided_slice %broadcast_in_dim3A {offsets = [88, 0], sizes = [8, 1], strides = [1, 1]} : vector<1024x1xf32> to vector<8x1xf32>
    %add3A_138 = vector.broadcast %broadcast_in_dim3A_19 : vector<1x1024xf32> to vector<8x1024xf32>
    %add3A_139 = vector.broadcast %slice3A_137 : vector<8x1xf32> to vector<8x1024xf32>
    %add3A_140 = arith.addf %add3A_138, %add3A_139 : vector<8x1024xf32>
    %sub3A_141 = arith.subf %add3A_140, %slice3A_136 : vector<8x1024xf32>
    %lt3A_142 = arith.cmpf olt, %sub3A_141, %select_n3A_132 : vector<8x1024xf32>
    %select_n3A_143 = arith.select %lt3A_142, %sub3A_141, %select_n3A_132 : vector<8x1024xi1>, vector<8x1024xf32>
    %jit3A_144 = arith.constant 11 : i32
    %broadcast_in_dim3A_145 = vector.broadcast %jit3A_144 : i32 to vector<8x1024xi32>
    %select_n3A_146 = arith.select %lt3A_142, %broadcast_in_dim3A_145, %select_n3A_135 : vector<8x1024xi1>, vector<8x1024xi32>
    %slice3A_147 = vector.extract_strided_slice %dot_general3A_22 {offsets = [96, 0], sizes = [8, 1024], strides = [1, 1]} : vector<1024x1024xf32> to vector<8x1024xf32>
    %slice3A_148 = vector.extract_strided_slice %broadcast_in_dim3A {offsets = [96, 0], sizes = [8, 1], strides = [1, 1]} : vector<1024x1xf32> to vector<8x1xf32>
    %add3A_149 = vector.broadcast %broadcast_in_dim3A_19 : vector<1x1024xf32> to vector<8x1024xf32>
    %add3A_150 = vector.broadcast %slice3A_148 : vector<8x1xf32> to vector<8x1024xf32>
    %add3A_151 = arith.addf %add3A_149, %add3A_150 : vector<8x1024xf32>
    %sub3A_152 = arith.subf %add3A_151, %slice3A_147 : vector<8x1024xf32>
    %lt3A_153 = arith.cmpf olt, %sub3A_152, %select_n3A_143 : vector<8x1024xf32>
    %select_n3A_154 = arith.select %lt3A_153, %sub3A_152, %select_n3A_143 : vector<8x1024xi1>, vector<8x1024xf32>
    %jit3A_155 = arith.constant 12 : i32
    %broadcast_in_dim3A_156 = vector.broadcast %jit3A_155 : i32 to vector<8x1024xi32>
    %select_n3A_157 = arith.select %lt3A_153, %broadcast_in_dim3A_156, %select_n3A_146 : vector<8x1024xi1>, vector<8x1024xi32>
    %slice3A_158 = vector.extract_strided_slice %dot_general3A_22 {offsets = [104, 0], sizes = [8, 1024], strides = [1, 1]} : vector<1024x1024xf32> to vector<8x1024xf32>
    %slice3A_159 = vector.extract_strided_slice %broadcast_in_dim3A {offsets = [104, 0], sizes = [8, 1], strides = [1, 1]} : vector<1024x1xf32> to vector<8x1xf32>
    %add3A_160 = vector.broadcast %broadcast_in_dim3A_19 : vector<1x1024xf32> to vector<8x1024xf32>
    %add3A_161 = vector.broadcast %slice3A_159 : vector<8x1xf32> to vector<8x1024xf32>
    %add3A_162 = arith.addf %add3A_160, %add3A_161 : vector<8x1024xf32>
    %sub3A_163 = arith.subf %add3A_162, %slice3A_158 : vector<8x1024xf32>
    %lt3A_164 = arith.cmpf olt, %sub3A_163, %select_n3A_154 : vector<8x1024xf32>
    %select_n3A_165 = arith.select %lt3A_164, %sub3A_163, %select_n3A_154 : vector<8x1024xi1>, vector<8x1024xf32>
    %jit3A_166 = arith.constant 13 : i32
    %broadcast_in_dim3A_167 = vector.broadcast %jit3A_166 : i32 to vector<8x1024xi32>
    %select_n3A_168 = arith.select %lt3A_164, %broadcast_in_dim3A_167, %select_n3A_157 : vector<8x1024xi1>, vector<8x1024xi32>
    %slice3A_169 = vector.extract_strided_slice %dot_general3A_22 {offsets = [112, 0], sizes = [8, 1024], strides = [1, 1]} : vector<1024x1024xf32> to vector<8x1024xf32>
    %slice3A_170 = vector.extract_strided_slice %broadcast_in_dim3A {offsets = [112, 0], sizes = [8, 1], strides = [1, 1]} : vector<1024x1xf32> to vector<8x1xf32>
    %add3A_171 = vector.broadcast %broadcast_in_dim3A_19 : vector<1x1024xf32> to vector<8x1024xf32>
    %add3A_172 = vector.broadcast %slice3A_170 : vector<8x1xf32> to vector<8x1024xf32>
    %add3A_173 = arith.addf %add3A_171, %add3A_172 : vector<8x1024xf32>
    %sub3A_174 = arith.subf %add3A_173, %slice3A_169 : vector<8x1024xf32>
    %lt3A_175 = arith.cmpf olt, %sub3A_174, %select_n3A_165 : vector<8x1024xf32>
    %select_n3A_176 = arith.select %lt3A_175, %sub3A_174, %select_n3A_165 : vector<8x1024xi1>, vector<8x1024xf32>
    %jit3A_177 = arith.constant 14 : i32
    %broadcast_in_dim3A_178 = vector.broadcast %jit3A_177 : i32 to vector<8x1024xi32>
    %select_n3A_179 = arith.select %lt3A_175, %broadcast_in_dim3A_178, %select_n3A_168 : vector<8x1024xi1>, vector<8x1024xi32>
    %slice3A_180 = vector.extract_strided_slice %dot_general3A_22 {offsets = [120, 0], sizes = [8, 1024], strides = [1, 1]} : vector<1024x1024xf32> to vector<8x1024xf32>
    %slice3A_181 = vector.extract_strided_slice %broadcast_in_dim3A {offsets = [120, 0], sizes = [8, 1], strides = [1, 1]} : vector<1024x1xf32> to vector<8x1xf32>
    %add3A_182 = vector.broadcast %broadcast_in_dim3A_19 : vector<1x1024xf32> to vector<8x1024xf32>
    %add3A_183 = vector.broadcast %slice3A_181 : vector<8x1xf32> to vector<8x1024xf32>
    %add3A_184 = arith.addf %add3A_182, %add3A_183 : vector<8x1024xf32>
    %sub3A_185 = arith.subf %add3A_184, %slice3A_180 : vector<8x1024xf32>
    %lt3A_186 = arith.cmpf olt, %sub3A_185, %select_n3A_176 : vector<8x1024xf32>
    %select_n3A_187 = arith.select %lt3A_186, %sub3A_185, %select_n3A_176 : vector<8x1024xi1>, vector<8x1024xf32>
    %jit3A_188 = arith.constant 15 : i32
    %broadcast_in_dim3A_189 = vector.broadcast %jit3A_188 : i32 to vector<8x1024xi32>
    %select_n3A_190 = arith.select %lt3A_186, %broadcast_in_dim3A_189, %select_n3A_179 : vector<8x1024xi1>, vector<8x1024xi32>
    %slice3A_191 = vector.extract_strided_slice %dot_general3A_22 {offsets = [128, 0], sizes = [8, 1024], strides = [1, 1]} : vector<1024x1024xf32> to vector<8x1024xf32>
    %slice3A_192 = vector.extract_strided_slice %broadcast_in_dim3A {offsets = [128, 0], sizes = [8, 1], strides = [1, 1]} : vector<1024x1xf32> to vector<8x1xf32>
    %add3A_193 = vector.broadcast %broadcast_in_dim3A_19 : vector<1x1024xf32> to vector<8x1024xf32>
    %add3A_194 = vector.broadcast %slice3A_192 : vector<8x1xf32> to vector<8x1024xf32>
    %add3A_195 = arith.addf %add3A_193, %add3A_194 : vector<8x1024xf32>
    %sub3A_196 = arith.subf %add3A_195, %slice3A_191 : vector<8x1024xf32>
    %lt3A_197 = arith.cmpf olt, %sub3A_196, %select_n3A_187 : vector<8x1024xf32>
    %select_n3A_198 = arith.select %lt3A_197, %sub3A_196, %select_n3A_187 : vector<8x1024xi1>, vector<8x1024xf32>
    %jit3A_199 = arith.constant 16 : i32
    %broadcast_in_dim3A_200 = vector.broadcast %jit3A_199 : i32 to vector<8x1024xi32>
    %select_n3A_201 = arith.select %lt3A_197, %broadcast_in_dim3A_200, %select_n3A_190 : vector<8x1024xi1>, vector<8x1024xi32>
    %slice3A_202 = vector.extract_strided_slice %dot_general3A_22 {offsets = [136, 0], sizes = [8, 1024], strides = [1, 1]} : vector<1024x1024xf32> to vector<8x1024xf32>
    %slice3A_203 = vector.extract_strided_slice %broadcast_in_dim3A {offsets = [136, 0], sizes = [8, 1], strides = [1, 1]} : vector<1024x1xf32> to vector<8x1xf32>
    %add3A_204 = vector.broadcast %broadcast_in_dim3A_19 : vector<1x1024xf32> to vector<8x1024xf32>
    %add3A_205 = vector.broadcast %slice3A_203 : vector<8x1xf32> to vector<8x1024xf32>
    %add3A_206 = arith.addf %add3A_204, %add3A_205 : vector<8x1024xf32>
    %sub3A_207 = arith.subf %add3A_206, %slice3A_202 : vector<8x1024xf32>
    %lt3A_208 = arith.cmpf olt, %sub3A_207, %select_n3A_198 : vector<8x1024xf32>
    %select_n3A_209 = arith.select %lt3A_208, %sub3A_207, %select_n3A_198 : vector<8x1024xi1>, vector<8x1024xf32>
    %jit3A_210 = arith.constant 17 : i32
    %broadcast_in_dim3A_211 = vector.broadcast %jit3A_210 : i32 to vector<8x1024xi32>
    %select_n3A_212 = arith.select %lt3A_208, %broadcast_in_dim3A_211, %select_n3A_201 : vector<8x1024xi1>, vector<8x1024xi32>
    %slice3A_213 = vector.extract_strided_slice %dot_general3A_22 {offsets = [144, 0], sizes = [8, 1024], strides = [1, 1]} : vector<1024x1024xf32> to vector<8x1024xf32>
    %slice3A_214 = vector.extract_strided_slice %broadcast_in_dim3A {offsets = [144, 0], sizes = [8, 1], strides = [1, 1]} : vector<1024x1xf32> to vector<8x1xf32>
    %add3A_215 = vector.broadcast %broadcast_in_dim3A_19 : vector<1x1024xf32> to vector<8x1024xf32>
    %add3A_216 = vector.broadcast %slice3A_214 : vector<8x1xf32> to vector<8x1024xf32>
    %add3A_217 = arith.addf %add3A_215, %add3A_216 : vector<8x1024xf32>
    %sub3A_218 = arith.subf %add3A_217, %slice3A_213 : vector<8x1024xf32>
    %lt3A_219 = arith.cmpf olt, %sub3A_218, %select_n3A_209 : vector<8x1024xf32>
    %select_n3A_220 = arith.select %lt3A_219, %sub3A_218, %select_n3A_209 : vector<8x1024xi1>, vector<8x1024xf32>
    %jit3A_221 = arith.constant 18 : i32
    %broadcast_in_dim3A_222 = vector.broadcast %jit3A_221 : i32 to vector<8x1024xi32>
    %select_n3A_223 = arith.select %lt3A_219, %broadcast_in_dim3A_222, %select_n3A_212 : vector<8x1024xi1>, vector<8x1024xi32>
    %slice3A_224 = vector.extract_strided_slice %dot_general3A_22 {offsets = [152, 0], sizes = [8, 1024], strides = [1, 1]} : vector<1024x1024xf32> to vector<8x1024xf32>
    %slice3A_225 = vector.extract_strided_slice %broadcast_in_dim3A {offsets = [152, 0], sizes = [8, 1], strides = [1, 1]} : vector<1024x1xf32> to vector<8x1xf32>
    %add3A_226 = vector.broadcast %broadcast_in_dim3A_19 : vector<1x1024xf32> to vector<8x1024xf32>
    %add3A_227 = vector.broadcast %slice3A_225 : vector<8x1xf32> to vector<8x1024xf32>
    %add3A_228 = arith.addf %add3A_226, %add3A_227 : vector<8x1024xf32>
    %sub3A_229 = arith.subf %add3A_228, %slice3A_224 : vector<8x1024xf32>
    %lt3A_230 = arith.cmpf olt, %sub3A_229, %select_n3A_220 : vector<8x1024xf32>
    %select_n3A_231 = arith.select %lt3A_230, %sub3A_229, %select_n3A_220 : vector<8x1024xi1>, vector<8x1024xf32>
    %jit3A_232 = arith.constant 19 : i32
    %broadcast_in_dim3A_233 = vector.broadcast %jit3A_232 : i32 to vector<8x1024xi32>
    %select_n3A_234 = arith.select %lt3A_230, %broadcast_in_dim3A_233, %select_n3A_223 : vector<8x1024xi1>, vector<8x1024xi32>
    %slice3A_235 = vector.extract_strided_slice %dot_general3A_22 {offsets = [160, 0], sizes = [8, 1024], strides = [1, 1]} : vector<1024x1024xf32> to vector<8x1024xf32>
    %slice3A_236 = vector.extract_strided_slice %broadcast_in_dim3A {offsets = [160, 0], sizes = [8, 1], strides = [1, 1]} : vector<1024x1xf32> to vector<8x1xf32>
    %add3A_237 = vector.broadcast %broadcast_in_dim3A_19 : vector<1x1024xf32> to vector<8x1024xf32>
    %add3A_238 = vector.broadcast %slice3A_236 : vector<8x1xf32> to vector<8x1024xf32>
    %add3A_239 = arith.addf %add3A_237, %add3A_238 : vector<8x1024xf32>
    %sub3A_240 = arith.subf %add3A_239, %slice3A_235 : vector<8x1024xf32>
    %lt3A_241 = arith.cmpf olt, %sub3A_240, %select_n3A_231 : vector<8x1024xf32>
    %select_n3A_242 = arith.select %lt3A_241, %sub3A_240, %select_n3A_231 : vector<8x1024xi1>, vector<8x1024xf32>
    %jit3A_243 = arith.constant 20 : i32
    %broadcast_in_dim3A_244 = vector.broadcast %jit3A_243 : i32 to vector<8x1024xi32>
    %select_n3A_245 = arith.select %lt3A_241, %broadcast_in_dim3A_244, %select_n3A_234 : vector<8x1024xi1>, vector<8x1024xi32>
    %slice3A_246 = vector.extract_strided_slice %dot_general3A_22 {offsets = [168, 0], sizes = [8, 1024], strides = [1, 1]} : vector<1024x1024xf32> to vector<8x1024xf32>
    %slice3A_247 = vector.extract_strided_slice %broadcast_in_dim3A {offsets = [168, 0], sizes = [8, 1], strides = [1, 1]} : vector<1024x1xf32> to vector<8x1xf32>
    %add3A_248 = vector.broadcast %broadcast_in_dim3A_19 : vector<1x1024xf32> to vector<8x1024xf32>
    %add3A_249 = vector.broadcast %slice3A_247 : vector<8x1xf32> to vector<8x1024xf32>
    %add3A_250 = arith.addf %add3A_248, %add3A_249 : vector<8x1024xf32>
    %sub3A_251 = arith.subf %add3A_250, %slice3A_246 : vector<8x1024xf32>
    %lt3A_252 = arith.cmpf olt, %sub3A_251, %select_n3A_242 : vector<8x1024xf32>
    %select_n3A_253 = arith.select %lt3A_252, %sub3A_251, %select_n3A_242 : vector<8x1024xi1>, vector<8x1024xf32>
    %jit3A_254 = arith.constant 21 : i32
    %broadcast_in_dim3A_255 = vector.broadcast %jit3A_254 : i32 to vector<8x1024xi32>
    %select_n3A_256 = arith.select %lt3A_252, %broadcast_in_dim3A_255, %select_n3A_245 : vector<8x1024xi1>, vector<8x1024xi32>
    %slice3A_257 = vector.extract_strided_slice %dot_general3A_22 {offsets = [176, 0], sizes = [8, 1024], strides = [1, 1]} : vector<1024x1024xf32> to vector<8x1024xf32>
    %slice3A_258 = vector.extract_strided_slice %broadcast_in_dim3A {offsets = [176, 0], sizes = [8, 1], strides = [1, 1]} : vector<1024x1xf32> to vector<8x1xf32>
    %add3A_259 = vector.broadcast %broadcast_in_dim3A_19 : vector<1x1024xf32> to vector<8x1024xf32>
    %add3A_260 = vector.broadcast %slice3A_258 : vector<8x1xf32> to vector<8x1024xf32>
    %add3A_261 = arith.addf %add3A_259, %add3A_260 : vector<8x1024xf32>
    %sub3A_262 = arith.subf %add3A_261, %slice3A_257 : vector<8x1024xf32>
    %lt3A_263 = arith.cmpf olt, %sub3A_262, %select_n3A_253 : vector<8x1024xf32>
    %select_n3A_264 = arith.select %lt3A_263, %sub3A_262, %select_n3A_253 : vector<8x1024xi1>, vector<8x1024xf32>
    %jit3A_265 = arith.constant 22 : i32
    %broadcast_in_dim3A_266 = vector.broadcast %jit3A_265 : i32 to vector<8x1024xi32>
    %select_n3A_267 = arith.select %lt3A_263, %broadcast_in_dim3A_266, %select_n3A_256 : vector<8x1024xi1>, vector<8x1024xi32>
    %slice3A_268 = vector.extract_strided_slice %dot_general3A_22 {offsets = [184, 0], sizes = [8, 1024], strides = [1, 1]} : vector<1024x1024xf32> to vector<8x1024xf32>
    %slice3A_269 = vector.extract_strided_slice %broadcast_in_dim3A {offsets = [184, 0], sizes = [8, 1], strides = [1, 1]} : vector<1024x1xf32> to vector<8x1xf32>
    %add3A_270 = vector.broadcast %broadcast_in_dim3A_19 : vector<1x1024xf32> to vector<8x1024xf32>
    %add3A_271 = vector.broadcast %slice3A_269 : vector<8x1xf32> to vector<8x1024xf32>
    %add3A_272 = arith.addf %add3A_270, %add3A_271 : vector<8x1024xf32>
    %sub3A_273 = arith.subf %add3A_272, %slice3A_268 : vector<8x1024xf32>
    %lt3A_274 = arith.cmpf olt, %sub3A_273, %select_n3A_264 : vector<8x1024xf32>
    %select_n3A_275 = arith.select %lt3A_274, %sub3A_273, %select_n3A_264 : vector<8x1024xi1>, vector<8x1024xf32>
    %jit3A_276 = arith.constant 23 : i32
    %broadcast_in_dim3A_277 = vector.broadcast %jit3A_276 : i32 to vector<8x1024xi32>
    %select_n3A_278 = arith.select %lt3A_274, %broadcast_in_dim3A_277, %select_n3A_267 : vector<8x1024xi1>, vector<8x1024xi32>
    %slice3A_279 = vector.extract_strided_slice %dot_general3A_22 {offsets = [192, 0], sizes = [8, 1024], strides = [1, 1]} : vector<1024x1024xf32> to vector<8x1024xf32>
    %slice3A_280 = vector.extract_strided_slice %broadcast_in_dim3A {offsets = [192, 0], sizes = [8, 1], strides = [1, 1]} : vector<1024x1xf32> to vector<8x1xf32>
    %add3A_281 = vector.broadcast %broadcast_in_dim3A_19 : vector<1x1024xf32> to vector<8x1024xf32>
    %add3A_282 = vector.broadcast %slice3A_280 : vector<8x1xf32> to vector<8x1024xf32>
    %add3A_283 = arith.addf %add3A_281, %add3A_282 : vector<8x1024xf32>
    %sub3A_284 = arith.subf %add3A_283, %slice3A_279 : vector<8x1024xf32>
    %lt3A_285 = arith.cmpf olt, %sub3A_284, %select_n3A_275 : vector<8x1024xf32>
    %select_n3A_286 = arith.select %lt3A_285, %sub3A_284, %select_n3A_275 : vector<8x1024xi1>, vector<8x1024xf32>
    %jit3A_287 = arith.constant 24 : i32
    %broadcast_in_dim3A_288 = vector.broadcast %jit3A_287 : i32 to vector<8x1024xi32>
    %select_n3A_289 = arith.select %lt3A_285, %broadcast_in_dim3A_288, %select_n3A_278 : vector<8x1024xi1>, vector<8x1024xi32>
    %slice3A_290 = vector.extract_strided_slice %dot_general3A_22 {offsets = [200, 0], sizes = [8, 1024], strides = [1, 1]} : vector<1024x1024xf32> to vector<8x1024xf32>
    %slice3A_291 = vector.extract_strided_slice %broadcast_in_dim3A {offsets = [200, 0], sizes = [8, 1], strides = [1, 1]} : vector<1024x1xf32> to vector<8x1xf32>
    %add3A_292 = vector.broadcast %broadcast_in_dim3A_19 : vector<1x1024xf32> to vector<8x1024xf32>
    %add3A_293 = vector.broadcast %slice3A_291 : vector<8x1xf32> to vector<8x1024xf32>
    %add3A_294 = arith.addf %add3A_292, %add3A_293 : vector<8x1024xf32>
    %sub3A_295 = arith.subf %add3A_294, %slice3A_290 : vector<8x1024xf32>
    %lt3A_296 = arith.cmpf olt, %sub3A_295, %select_n3A_286 : vector<8x1024xf32>
    %select_n3A_297 = arith.select %lt3A_296, %sub3A_295, %select_n3A_286 : vector<8x1024xi1>, vector<8x1024xf32>
    %jit3A_298 = arith.constant 25 : i32
    %broadcast_in_dim3A_299 = vector.broadcast %jit3A_298 : i32 to vector<8x1024xi32>
    %select_n3A_300 = arith.select %lt3A_296, %broadcast_in_dim3A_299, %select_n3A_289 : vector<8x1024xi1>, vector<8x1024xi32>
    %slice3A_301 = vector.extract_strided_slice %dot_general3A_22 {offsets = [208, 0], sizes = [8, 1024], strides = [1, 1]} : vector<1024x1024xf32> to vector<8x1024xf32>
    %slice3A_302 = vector.extract_strided_slice %broadcast_in_dim3A {offsets = [208, 0], sizes = [8, 1], strides = [1, 1]} : vector<1024x1xf32> to vector<8x1xf32>
    %add3A_303 = vector.broadcast %broadcast_in_dim3A_19 : vector<1x1024xf32> to vector<8x1024xf32>
    %add3A_304 = vector.broadcast %slice3A_302 : vector<8x1xf32> to vector<8x1024xf32>
    %add3A_305 = arith.addf %add3A_303, %add3A_304 : vector<8x1024xf32>
    %sub3A_306 = arith.subf %add3A_305, %slice3A_301 : vector<8x1024xf32>
    %lt3A_307 = arith.cmpf olt, %sub3A_306, %select_n3A_297 : vector<8x1024xf32>
    %select_n3A_308 = arith.select %lt3A_307, %sub3A_306, %select_n3A_297 : vector<8x1024xi1>, vector<8x1024xf32>
    %jit3A_309 = arith.constant 26 : i32
    %broadcast_in_dim3A_310 = vector.broadcast %jit3A_309 : i32 to vector<8x1024xi32>
    %select_n3A_311 = arith.select %lt3A_307, %broadcast_in_dim3A_310, %select_n3A_300 : vector<8x1024xi1>, vector<8x1024xi32>
    %slice3A_312 = vector.extract_strided_slice %dot_general3A_22 {offsets = [216, 0], sizes = [8, 1024], strides = [1, 1]} : vector<1024x1024xf32> to vector<8x1024xf32>
    %slice3A_313 = vector.extract_strided_slice %broadcast_in_dim3A {offsets = [216, 0], sizes = [8, 1], strides = [1, 1]} : vector<1024x1xf32> to vector<8x1xf32>
    %add3A_314 = vector.broadcast %broadcast_in_dim3A_19 : vector<1x1024xf32> to vector<8x1024xf32>
    %add3A_315 = vector.broadcast %slice3A_313 : vector<8x1xf32> to vector<8x1024xf32>
    %add3A_316 = arith.addf %add3A_314, %add3A_315 : vector<8x1024xf32>
    %sub3A_317 = arith.subf %add3A_316, %slice3A_312 : vector<8x1024xf32>
    %lt3A_318 = arith.cmpf olt, %sub3A_317, %select_n3A_308 : vector<8x1024xf32>
    %select_n3A_319 = arith.select %lt3A_318, %sub3A_317, %select_n3A_308 : vector<8x1024xi1>, vector<8x1024xf32>
    %jit3A_320 = arith.constant 27 : i32
    %broadcast_in_dim3A_321 = vector.broadcast %jit3A_320 : i32 to vector<8x1024xi32>
    %select_n3A_322 = arith.select %lt3A_318, %broadcast_in_dim3A_321, %select_n3A_311 : vector<8x1024xi1>, vector<8x1024xi32>
    %slice3A_323 = vector.extract_strided_slice %dot_general3A_22 {offsets = [224, 0], sizes = [8, 1024], strides = [1, 1]} : vector<1024x1024xf32> to vector<8x1024xf32>
    %slice3A_324 = vector.extract_strided_slice %broadcast_in_dim3A {offsets = [224, 0], sizes = [8, 1], strides = [1, 1]} : vector<1024x1xf32> to vector<8x1xf32>
    %add3A_325 = vector.broadcast %broadcast_in_dim3A_19 : vector<1x1024xf32> to vector<8x1024xf32>
    %add3A_326 = vector.broadcast %slice3A_324 : vector<8x1xf32> to vector<8x1024xf32>
    %add3A_327 = arith.addf %add3A_325, %add3A_326 : vector<8x1024xf32>
    %sub3A_328 = arith.subf %add3A_327, %slice3A_323 : vector<8x1024xf32>
    %lt3A_329 = arith.cmpf olt, %sub3A_328, %select_n3A_319 : vector<8x1024xf32>
    %select_n3A_330 = arith.select %lt3A_329, %sub3A_328, %select_n3A_319 : vector<8x1024xi1>, vector<8x1024xf32>
    %jit3A_331 = arith.constant 28 : i32
    %broadcast_in_dim3A_332 = vector.broadcast %jit3A_331 : i32 to vector<8x1024xi32>
    %select_n3A_333 = arith.select %lt3A_329, %broadcast_in_dim3A_332, %select_n3A_322 : vector<8x1024xi1>, vector<8x1024xi32>
    %slice3A_334 = vector.extract_strided_slice %dot_general3A_22 {offsets = [232, 0], sizes = [8, 1024], strides = [1, 1]} : vector<1024x1024xf32> to vector<8x1024xf32>
    %slice3A_335 = vector.extract_strided_slice %broadcast_in_dim3A {offsets = [232, 0], sizes = [8, 1], strides = [1, 1]} : vector<1024x1xf32> to vector<8x1xf32>
    %add3A_336 = vector.broadcast %broadcast_in_dim3A_19 : vector<1x1024xf32> to vector<8x1024xf32>
    %add3A_337 = vector.broadcast %slice3A_335 : vector<8x1xf32> to vector<8x1024xf32>
    %add3A_338 = arith.addf %add3A_336, %add3A_337 : vector<8x1024xf32>
    %sub3A_339 = arith.subf %add3A_338, %slice3A_334 : vector<8x1024xf32>
    %lt3A_340 = arith.cmpf olt, %sub3A_339, %select_n3A_330 : vector<8x1024xf32>
    %select_n3A_341 = arith.select %lt3A_340, %sub3A_339, %select_n3A_330 : vector<8x1024xi1>, vector<8x1024xf32>
    %jit3A_342 = arith.constant 29 : i32
    %broadcast_in_dim3A_343 = vector.broadcast %jit3A_342 : i32 to vector<8x1024xi32>
    %select_n3A_344 = arith.select %lt3A_340, %broadcast_in_dim3A_343, %select_n3A_333 : vector<8x1024xi1>, vector<8x1024xi32>
    %slice3A_345 = vector.extract_strided_slice %dot_general3A_22 {offsets = [240, 0], sizes = [8, 1024], strides = [1, 1]} : vector<1024x1024xf32> to vector<8x1024xf32>
    %slice3A_346 = vector.extract_strided_slice %broadcast_in_dim3A {offsets = [240, 0], sizes = [8, 1], strides = [1, 1]} : vector<1024x1xf32> to vector<8x1xf32>
    %add3A_347 = vector.broadcast %broadcast_in_dim3A_19 : vector<1x1024xf32> to vector<8x1024xf32>
    %add3A_348 = vector.broadcast %slice3A_346 : vector<8x1xf32> to vector<8x1024xf32>
    %add3A_349 = arith.addf %add3A_347, %add3A_348 : vector<8x1024xf32>
    %sub3A_350 = arith.subf %add3A_349, %slice3A_345 : vector<8x1024xf32>
    %lt3A_351 = arith.cmpf olt, %sub3A_350, %select_n3A_341 : vector<8x1024xf32>
    %select_n3A_352 = arith.select %lt3A_351, %sub3A_350, %select_n3A_341 : vector<8x1024xi1>, vector<8x1024xf32>
    %jit3A_353 = arith.constant 30 : i32
    %broadcast_in_dim3A_354 = vector.broadcast %jit3A_353 : i32 to vector<8x1024xi32>
    %select_n3A_355 = arith.select %lt3A_351, %broadcast_in_dim3A_354, %select_n3A_344 : vector<8x1024xi1>, vector<8x1024xi32>
    %slice3A_356 = vector.extract_strided_slice %dot_general3A_22 {offsets = [248, 0], sizes = [8, 1024], strides = [1, 1]} : vector<1024x1024xf32> to vector<8x1024xf32>
    %slice3A_357 = vector.extract_strided_slice %broadcast_in_dim3A {offsets = [248, 0], sizes = [8, 1], strides = [1, 1]} : vector<1024x1xf32> to vector<8x1xf32>
    %add3A_358 = vector.broadcast %broadcast_in_dim3A_19 : vector<1x1024xf32> to vector<8x1024xf32>
    %add3A_359 = vector.broadcast %slice3A_357 : vector<8x1xf32> to vector<8x1024xf32>
    %add3A_360 = arith.addf %add3A_358, %add3A_359 : vector<8x1024xf32>
    %sub3A_361 = arith.subf %add3A_360, %slice3A_356 : vector<8x1024xf32>
    %lt3A_362 = arith.cmpf olt, %sub3A_361, %select_n3A_352 : vector<8x1024xf32>
    %select_n3A_363 = arith.select %lt3A_362, %sub3A_361, %select_n3A_352 : vector<8x1024xi1>, vector<8x1024xf32>
    %jit3A_364 = arith.constant 31 : i32
    %broadcast_in_dim3A_365 = vector.broadcast %jit3A_364 : i32 to vector<8x1024xi32>
    %select_n3A_366 = arith.select %lt3A_362, %broadcast_in_dim3A_365, %select_n3A_355 : vector<8x1024xi1>, vector<8x1024xi32>
    %slice3A_367 = vector.extract_strided_slice %dot_general3A_22 {offsets = [256, 0], sizes = [8, 1024], strides = [1, 1]} : vector<1024x1024xf32> to vector<8x1024xf32>
    %slice3A_368 = vector.extract_strided_slice %broadcast_in_dim3A {offsets = [256, 0], sizes = [8, 1], strides = [1, 1]} : vector<1024x1xf32> to vector<8x1xf32>
    %add3A_369 = vector.broadcast %broadcast_in_dim3A_19 : vector<1x1024xf32> to vector<8x1024xf32>
    %add3A_370 = vector.broadcast %slice3A_368 : vector<8x1xf32> to vector<8x1024xf32>
    %add3A_371 = arith.addf %add3A_369, %add3A_370 : vector<8x1024xf32>
    %sub3A_372 = arith.subf %add3A_371, %slice3A_367 : vector<8x1024xf32>
    %lt3A_373 = arith.cmpf olt, %sub3A_372, %select_n3A_363 : vector<8x1024xf32>
    %select_n3A_374 = arith.select %lt3A_373, %sub3A_372, %select_n3A_363 : vector<8x1024xi1>, vector<8x1024xf32>
    %jit3A_375 = arith.constant 32 : i32
    %broadcast_in_dim3A_376 = vector.broadcast %jit3A_375 : i32 to vector<8x1024xi32>
    %select_n3A_377 = arith.select %lt3A_373, %broadcast_in_dim3A_376, %select_n3A_366 : vector<8x1024xi1>, vector<8x1024xi32>
    %slice3A_378 = vector.extract_strided_slice %dot_general3A_22 {offsets = [264, 0], sizes = [8, 1024], strides = [1, 1]} : vector<1024x1024xf32> to vector<8x1024xf32>
    %slice3A_379 = vector.extract_strided_slice %broadcast_in_dim3A {offsets = [264, 0], sizes = [8, 1], strides = [1, 1]} : vector<1024x1xf32> to vector<8x1xf32>
    %add3A_380 = vector.broadcast %broadcast_in_dim3A_19 : vector<1x1024xf32> to vector<8x1024xf32>
    %add3A_381 = vector.broadcast %slice3A_379 : vector<8x1xf32> to vector<8x1024xf32>
    %add3A_382 = arith.addf %add3A_380, %add3A_381 : vector<8x1024xf32>
    %sub3A_383 = arith.subf %add3A_382, %slice3A_378 : vector<8x1024xf32>
    %lt3A_384 = arith.cmpf olt, %sub3A_383, %select_n3A_374 : vector<8x1024xf32>
    %select_n3A_385 = arith.select %lt3A_384, %sub3A_383, %select_n3A_374 : vector<8x1024xi1>, vector<8x1024xf32>
    %jit3A_386 = arith.constant 33 : i32
    %broadcast_in_dim3A_387 = vector.broadcast %jit3A_386 : i32 to vector<8x1024xi32>
    %select_n3A_388 = arith.select %lt3A_384, %broadcast_in_dim3A_387, %select_n3A_377 : vector<8x1024xi1>, vector<8x1024xi32>
    %slice3A_389 = vector.extract_strided_slice %dot_general3A_22 {offsets = [272, 0], sizes = [8, 1024], strides = [1, 1]} : vector<1024x1024xf32> to vector<8x1024xf32>
    %slice3A_390 = vector.extract_strided_slice %broadcast_in_dim3A {offsets = [272, 0], sizes = [8, 1], strides = [1, 1]} : vector<1024x1xf32> to vector<8x1xf32>
    %add3A_391 = vector.broadcast %broadcast_in_dim3A_19 : vector<1x1024xf32> to vector<8x1024xf32>
    %add3A_392 = vector.broadcast %slice3A_390 : vector<8x1xf32> to vector<8x1024xf32>
    %add3A_393 = arith.addf %add3A_391, %add3A_392 : vector<8x1024xf32>
    %sub3A_394 = arith.subf %add3A_393, %slice3A_389 : vector<8x1024xf32>
    %lt3A_395 = arith.cmpf olt, %sub3A_394, %select_n3A_385 : vector<8x1024xf32>
    %select_n3A_396 = arith.select %lt3A_395, %sub3A_394, %select_n3A_385 : vector<8x1024xi1>, vector<8x1024xf32>
    %jit3A_397 = arith.constant 34 : i32
    %broadcast_in_dim3A_398 = vector.broadcast %jit3A_397 : i32 to vector<8x1024xi32>
    %select_n3A_399 = arith.select %lt3A_395, %broadcast_in_dim3A_398, %select_n3A_388 : vector<8x1024xi1>, vector<8x1024xi32>
    %slice3A_400 = vector.extract_strided_slice %dot_general3A_22 {offsets = [280, 0], sizes = [8, 1024], strides = [1, 1]} : vector<1024x1024xf32> to vector<8x1024xf32>
    %slice3A_401 = vector.extract_strided_slice %broadcast_in_dim3A {offsets = [280, 0], sizes = [8, 1], strides = [1, 1]} : vector<1024x1xf32> to vector<8x1xf32>
    %add3A_402 = vector.broadcast %broadcast_in_dim3A_19 : vector<1x1024xf32> to vector<8x1024xf32>
    %add3A_403 = vector.broadcast %slice3A_401 : vector<8x1xf32> to vector<8x1024xf32>
    %add3A_404 = arith.addf %add3A_402, %add3A_403 : vector<8x1024xf32>
    %sub3A_405 = arith.subf %add3A_404, %slice3A_400 : vector<8x1024xf32>
    %lt3A_406 = arith.cmpf olt, %sub3A_405, %select_n3A_396 : vector<8x1024xf32>
    %select_n3A_407 = arith.select %lt3A_406, %sub3A_405, %select_n3A_396 : vector<8x1024xi1>, vector<8x1024xf32>
    %jit3A_408 = arith.constant 35 : i32
    %broadcast_in_dim3A_409 = vector.broadcast %jit3A_408 : i32 to vector<8x1024xi32>
    %select_n3A_410 = arith.select %lt3A_406, %broadcast_in_dim3A_409, %select_n3A_399 : vector<8x1024xi1>, vector<8x1024xi32>
    %slice3A_411 = vector.extract_strided_slice %dot_general3A_22 {offsets = [288, 0], sizes = [8, 1024], strides = [1, 1]} : vector<1024x1024xf32> to vector<8x1024xf32>
    %slice3A_412 = vector.extract_strided_slice %broadcast_in_dim3A {offsets = [288, 0], sizes = [8, 1], strides = [1, 1]} : vector<1024x1xf32> to vector<8x1xf32>
    %add3A_413 = vector.broadcast %broadcast_in_dim3A_19 : vector<1x1024xf32> to vector<8x1024xf32>
    %add3A_414 = vector.broadcast %slice3A_412 : vector<8x1xf32> to vector<8x1024xf32>
    %add3A_415 = arith.addf %add3A_413, %add3A_414 : vector<8x1024xf32>
    %sub3A_416 = arith.subf %add3A_415, %slice3A_411 : vector<8x1024xf32>
    %lt3A_417 = arith.cmpf olt, %sub3A_416, %select_n3A_407 : vector<8x1024xf32>
    %select_n3A_418 = arith.select %lt3A_417, %sub3A_416, %select_n3A_407 : vector<8x1024xi1>, vector<8x1024xf32>
    %jit3A_419 = arith.constant 36 : i32
    %broadcast_in_dim3A_420 = vector.broadcast %jit3A_419 : i32 to vector<8x1024xi32>
    %select_n3A_421 = arith.select %lt3A_417, %broadcast_in_dim3A_420, %select_n3A_410 : vector<8x1024xi1>, vector<8x1024xi32>
    %slice3A_422 = vector.extract_strided_slice %dot_general3A_22 {offsets = [296, 0], sizes = [8, 1024], strides = [1, 1]} : vector<1024x1024xf32> to vector<8x1024xf32>
    %slice3A_423 = vector.extract_strided_slice %broadcast_in_dim3A {offsets = [296, 0], sizes = [8, 1], strides = [1, 1]} : vector<1024x1xf32> to vector<8x1xf32>
    %add3A_424 = vector.broadcast %broadcast_in_dim3A_19 : vector<1x1024xf32> to vector<8x1024xf32>
    %add3A_425 = vector.broadcast %slice3A_423 : vector<8x1xf32> to vector<8x1024xf32>
    %add3A_426 = arith.addf %add3A_424, %add3A_425 : vector<8x1024xf32>
    %sub3A_427 = arith.subf %add3A_426, %slice3A_422 : vector<8x1024xf32>
    %lt3A_428 = arith.cmpf olt, %sub3A_427, %select_n3A_418 : vector<8x1024xf32>
    %select_n3A_429 = arith.select %lt3A_428, %sub3A_427, %select_n3A_418 : vector<8x1024xi1>, vector<8x1024xf32>
    %jit3A_430 = arith.constant 37 : i32
    %broadcast_in_dim3A_431 = vector.broadcast %jit3A_430 : i32 to vector<8x1024xi32>
    %select_n3A_432 = arith.select %lt3A_428, %broadcast_in_dim3A_431, %select_n3A_421 : vector<8x1024xi1>, vector<8x1024xi32>
    %slice3A_433 = vector.extract_strided_slice %dot_general3A_22 {offsets = [304, 0], sizes = [8, 1024], strides = [1, 1]} : vector<1024x1024xf32> to vector<8x1024xf32>
    %slice3A_434 = vector.extract_strided_slice %broadcast_in_dim3A {offsets = [304, 0], sizes = [8, 1], strides = [1, 1]} : vector<1024x1xf32> to vector<8x1xf32>
    %add3A_435 = vector.broadcast %broadcast_in_dim3A_19 : vector<1x1024xf32> to vector<8x1024xf32>
    %add3A_436 = vector.broadcast %slice3A_434 : vector<8x1xf32> to vector<8x1024xf32>
    %add3A_437 = arith.addf %add3A_435, %add3A_436 : vector<8x1024xf32>
    %sub3A_438 = arith.subf %add3A_437, %slice3A_433 : vector<8x1024xf32>
    %lt3A_439 = arith.cmpf olt, %sub3A_438, %select_n3A_429 : vector<8x1024xf32>
    %select_n3A_440 = arith.select %lt3A_439, %sub3A_438, %select_n3A_429 : vector<8x1024xi1>, vector<8x1024xf32>
    %jit3A_441 = arith.constant 38 : i32
    %broadcast_in_dim3A_442 = vector.broadcast %jit3A_441 : i32 to vector<8x1024xi32>
    %select_n3A_443 = arith.select %lt3A_439, %broadcast_in_dim3A_442, %select_n3A_432 : vector<8x1024xi1>, vector<8x1024xi32>
    %slice3A_444 = vector.extract_strided_slice %dot_general3A_22 {offsets = [312, 0], sizes = [8, 1024], strides = [1, 1]} : vector<1024x1024xf32> to vector<8x1024xf32>
    %slice3A_445 = vector.extract_strided_slice %broadcast_in_dim3A {offsets = [312, 0], sizes = [8, 1], strides = [1, 1]} : vector<1024x1xf32> to vector<8x1xf32>
    %add3A_446 = vector.broadcast %broadcast_in_dim3A_19 : vector<1x1024xf32> to vector<8x1024xf32>
    %add3A_447 = vector.broadcast %slice3A_445 : vector<8x1xf32> to vector<8x1024xf32>
    %add3A_448 = arith.addf %add3A_446, %add3A_447 : vector<8x1024xf32>
    %sub3A_449 = arith.subf %add3A_448, %slice3A_444 : vector<8x1024xf32>
    %lt3A_450 = arith.cmpf olt, %sub3A_449, %select_n3A_440 : vector<8x1024xf32>
    %select_n3A_451 = arith.select %lt3A_450, %sub3A_449, %select_n3A_440 : vector<8x1024xi1>, vector<8x1024xf32>
    %jit3A_452 = arith.constant 39 : i32
    %broadcast_in_dim3A_453 = vector.broadcast %jit3A_452 : i32 to vector<8x1024xi32>
    %select_n3A_454 = arith.select %lt3A_450, %broadcast_in_dim3A_453, %select_n3A_443 : vector<8x1024xi1>, vector<8x1024xi32>
    %slice3A_455 = vector.extract_strided_slice %dot_general3A_22 {offsets = [320, 0], sizes = [8, 1024], strides = [1, 1]} : vector<1024x1024xf32> to vector<8x1024xf32>
    %slice3A_456 = vector.extract_strided_slice %broadcast_in_dim3A {offsets = [320, 0], sizes = [8, 1], strides = [1, 1]} : vector<1024x1xf32> to vector<8x1xf32>
    %add3A_457 = vector.broadcast %broadcast_in_dim3A_19 : vector<1x1024xf32> to vector<8x1024xf32>
    %add3A_458 = vector.broadcast %slice3A_456 : vector<8x1xf32> to vector<8x1024xf32>
    %add3A_459 = arith.addf %add3A_457, %add3A_458 : vector<8x1024xf32>
    %sub3A_460 = arith.subf %add3A_459, %slice3A_455 : vector<8x1024xf32>
    %lt3A_461 = arith.cmpf olt, %sub3A_460, %select_n3A_451 : vector<8x1024xf32>
    %select_n3A_462 = arith.select %lt3A_461, %sub3A_460, %select_n3A_451 : vector<8x1024xi1>, vector<8x1024xf32>
    %jit3A_463 = arith.constant 40 : i32
    %broadcast_in_dim3A_464 = vector.broadcast %jit3A_463 : i32 to vector<8x1024xi32>
    %select_n3A_465 = arith.select %lt3A_461, %broadcast_in_dim3A_464, %select_n3A_454 : vector<8x1024xi1>, vector<8x1024xi32>
    %slice3A_466 = vector.extract_strided_slice %dot_general3A_22 {offsets = [328, 0], sizes = [8, 1024], strides = [1, 1]} : vector<1024x1024xf32> to vector<8x1024xf32>
    %slice3A_467 = vector.extract_strided_slice %broadcast_in_dim3A {offsets = [328, 0], sizes = [8, 1], strides = [1, 1]} : vector<1024x1xf32> to vector<8x1xf32>
    %add3A_468 = vector.broadcast %broadcast_in_dim3A_19 : vector<1x1024xf32> to vector<8x1024xf32>
    %add3A_469 = vector.broadcast %slice3A_467 : vector<8x1xf32> to vector<8x1024xf32>
    %add3A_470 = arith.addf %add3A_468, %add3A_469 : vector<8x1024xf32>
    %sub3A_471 = arith.subf %add3A_470, %slice3A_466 : vector<8x1024xf32>
    %lt3A_472 = arith.cmpf olt, %sub3A_471, %select_n3A_462 : vector<8x1024xf32>
    %select_n3A_473 = arith.select %lt3A_472, %sub3A_471, %select_n3A_462 : vector<8x1024xi1>, vector<8x1024xf32>
    %jit3A_474 = arith.constant 41 : i32
    %broadcast_in_dim3A_475 = vector.broadcast %jit3A_474 : i32 to vector<8x1024xi32>
    %select_n3A_476 = arith.select %lt3A_472, %broadcast_in_dim3A_475, %select_n3A_465 : vector<8x1024xi1>, vector<8x1024xi32>
    %slice3A_477 = vector.extract_strided_slice %dot_general3A_22 {offsets = [336, 0], sizes = [8, 1024], strides = [1, 1]} : vector<1024x1024xf32> to vector<8x1024xf32>
    %slice3A_478 = vector.extract_strided_slice %broadcast_in_dim3A {offsets = [336, 0], sizes = [8, 1], strides = [1, 1]} : vector<1024x1xf32> to vector<8x1xf32>
    %add3A_479 = vector.broadcast %broadcast_in_dim3A_19 : vector<1x1024xf32> to vector<8x1024xf32>
    %add3A_480 = vector.broadcast %slice3A_478 : vector<8x1xf32> to vector<8x1024xf32>
    %add3A_481 = arith.addf %add3A_479, %add3A_480 : vector<8x1024xf32>
    %sub3A_482 = arith.subf %add3A_481, %slice3A_477 : vector<8x1024xf32>
    %lt3A_483 = arith.cmpf olt, %sub3A_482, %select_n3A_473 : vector<8x1024xf32>
    %select_n3A_484 = arith.select %lt3A_483, %sub3A_482, %select_n3A_473 : vector<8x1024xi1>, vector<8x1024xf32>
    %jit3A_485 = arith.constant 42 : i32
    %broadcast_in_dim3A_486 = vector.broadcast %jit3A_485 : i32 to vector<8x1024xi32>
    %select_n3A_487 = arith.select %lt3A_483, %broadcast_in_dim3A_486, %select_n3A_476 : vector<8x1024xi1>, vector<8x1024xi32>
    %slice3A_488 = vector.extract_strided_slice %dot_general3A_22 {offsets = [344, 0], sizes = [8, 1024], strides = [1, 1]} : vector<1024x1024xf32> to vector<8x1024xf32>
    %slice3A_489 = vector.extract_strided_slice %broadcast_in_dim3A {offsets = [344, 0], sizes = [8, 1], strides = [1, 1]} : vector<1024x1xf32> to vector<8x1xf32>
    %add3A_490 = vector.broadcast %broadcast_in_dim3A_19 : vector<1x1024xf32> to vector<8x1024xf32>
    %add3A_491 = vector.broadcast %slice3A_489 : vector<8x1xf32> to vector<8x1024xf32>
    %add3A_492 = arith.addf %add3A_490, %add3A_491 : vector<8x1024xf32>
    %sub3A_493 = arith.subf %add3A_492, %slice3A_488 : vector<8x1024xf32>
    %lt3A_494 = arith.cmpf olt, %sub3A_493, %select_n3A_484 : vector<8x1024xf32>
    %select_n3A_495 = arith.select %lt3A_494, %sub3A_493, %select_n3A_484 : vector<8x1024xi1>, vector<8x1024xf32>
    %jit3A_496 = arith.constant 43 : i32
    %broadcast_in_dim3A_497 = vector.broadcast %jit3A_496 : i32 to vector<8x1024xi32>
    %select_n3A_498 = arith.select %lt3A_494, %broadcast_in_dim3A_497, %select_n3A_487 : vector<8x1024xi1>, vector<8x1024xi32>
    %slice3A_499 = vector.extract_strided_slice %dot_general3A_22 {offsets = [352, 0], sizes = [8, 1024], strides = [1, 1]} : vector<1024x1024xf32> to vector<8x1024xf32>
    %slice3A_500 = vector.extract_strided_slice %broadcast_in_dim3A {offsets = [352, 0], sizes = [8, 1], strides = [1, 1]} : vector<1024x1xf32> to vector<8x1xf32>
    %add3A_501 = vector.broadcast %broadcast_in_dim3A_19 : vector<1x1024xf32> to vector<8x1024xf32>
    %add3A_502 = vector.broadcast %slice3A_500 : vector<8x1xf32> to vector<8x1024xf32>
    %add3A_503 = arith.addf %add3A_501, %add3A_502 : vector<8x1024xf32>
    %sub3A_504 = arith.subf %add3A_503, %slice3A_499 : vector<8x1024xf32>
    %lt3A_505 = arith.cmpf olt, %sub3A_504, %select_n3A_495 : vector<8x1024xf32>
    %select_n3A_506 = arith.select %lt3A_505, %sub3A_504, %select_n3A_495 : vector<8x1024xi1>, vector<8x1024xf32>
    %jit3A_507 = arith.constant 44 : i32
    %broadcast_in_dim3A_508 = vector.broadcast %jit3A_507 : i32 to vector<8x1024xi32>
    %select_n3A_509 = arith.select %lt3A_505, %broadcast_in_dim3A_508, %select_n3A_498 : vector<8x1024xi1>, vector<8x1024xi32>
    %slice3A_510 = vector.extract_strided_slice %dot_general3A_22 {offsets = [360, 0], sizes = [8, 1024], strides = [1, 1]} : vector<1024x1024xf32> to vector<8x1024xf32>
    %slice3A_511 = vector.extract_strided_slice %broadcast_in_dim3A {offsets = [360, 0], sizes = [8, 1], strides = [1, 1]} : vector<1024x1xf32> to vector<8x1xf32>
    %add3A_512 = vector.broadcast %broadcast_in_dim3A_19 : vector<1x1024xf32> to vector<8x1024xf32>
    %add3A_513 = vector.broadcast %slice3A_511 : vector<8x1xf32> to vector<8x1024xf32>
    %add3A_514 = arith.addf %add3A_512, %add3A_513 : vector<8x1024xf32>
    %sub3A_515 = arith.subf %add3A_514, %slice3A_510 : vector<8x1024xf32>
    %lt3A_516 = arith.cmpf olt, %sub3A_515, %select_n3A_506 : vector<8x1024xf32>
    %select_n3A_517 = arith.select %lt3A_516, %sub3A_515, %select_n3A_506 : vector<8x1024xi1>, vector<8x1024xf32>
    %jit3A_518 = arith.constant 45 : i32
    %broadcast_in_dim3A_519 = vector.broadcast %jit3A_518 : i32 to vector<8x1024xi32>
    %select_n3A_520 = arith.select %lt3A_516, %broadcast_in_dim3A_519, %select_n3A_509 : vector<8x1024xi1>, vector<8x1024xi32>
    %slice3A_521 = vector.extract_strided_slice %dot_general3A_22 {offsets = [368, 0], sizes = [8, 1024], strides = [1, 1]} : vector<1024x1024xf32> to vector<8x1024xf32>
    %slice3A_522 = vector.extract_strided_slice %broadcast_in_dim3A {offsets = [368, 0], sizes = [8, 1], strides = [1, 1]} : vector<1024x1xf32> to vector<8x1xf32>
    %add3A_523 = vector.broadcast %broadcast_in_dim3A_19 : vector<1x1024xf32> to vector<8x1024xf32>
    %add3A_524 = vector.broadcast %slice3A_522 : vector<8x1xf32> to vector<8x1024xf32>
    %add3A_525 = arith.addf %add3A_523, %add3A_524 : vector<8x1024xf32>
    %sub3A_526 = arith.subf %add3A_525, %slice3A_521 : vector<8x1024xf32>
    %lt3A_527 = arith.cmpf olt, %sub3A_526, %select_n3A_517 : vector<8x1024xf32>
    %select_n3A_528 = arith.select %lt3A_527, %sub3A_526, %select_n3A_517 : vector<8x1024xi1>, vector<8x1024xf32>
    %jit3A_529 = arith.constant 46 : i32
    %broadcast_in_dim3A_530 = vector.broadcast %jit3A_529 : i32 to vector<8x1024xi32>
    %select_n3A_531 = arith.select %lt3A_527, %broadcast_in_dim3A_530, %select_n3A_520 : vector<8x1024xi1>, vector<8x1024xi32>
    %slice3A_532 = vector.extract_strided_slice %dot_general3A_22 {offsets = [376, 0], sizes = [8, 1024], strides = [1, 1]} : vector<1024x1024xf32> to vector<8x1024xf32>
    %slice3A_533 = vector.extract_strided_slice %broadcast_in_dim3A {offsets = [376, 0], sizes = [8, 1], strides = [1, 1]} : vector<1024x1xf32> to vector<8x1xf32>
    %add3A_534 = vector.broadcast %broadcast_in_dim3A_19 : vector<1x1024xf32> to vector<8x1024xf32>
    %add3A_535 = vector.broadcast %slice3A_533 : vector<8x1xf32> to vector<8x1024xf32>
    %add3A_536 = arith.addf %add3A_534, %add3A_535 : vector<8x1024xf32>
    %sub3A_537 = arith.subf %add3A_536, %slice3A_532 : vector<8x1024xf32>
    %lt3A_538 = arith.cmpf olt, %sub3A_537, %select_n3A_528 : vector<8x1024xf32>
    %select_n3A_539 = arith.select %lt3A_538, %sub3A_537, %select_n3A_528 : vector<8x1024xi1>, vector<8x1024xf32>
    %jit3A_540 = arith.constant 47 : i32
    %broadcast_in_dim3A_541 = vector.broadcast %jit3A_540 : i32 to vector<8x1024xi32>
    %select_n3A_542 = arith.select %lt3A_538, %broadcast_in_dim3A_541, %select_n3A_531 : vector<8x1024xi1>, vector<8x1024xi32>
    %slice3A_543 = vector.extract_strided_slice %dot_general3A_22 {offsets = [384, 0], sizes = [8, 1024], strides = [1, 1]} : vector<1024x1024xf32> to vector<8x1024xf32>
    %slice3A_544 = vector.extract_strided_slice %broadcast_in_dim3A {offsets = [384, 0], sizes = [8, 1], strides = [1, 1]} : vector<1024x1xf32> to vector<8x1xf32>
    %add3A_545 = vector.broadcast %broadcast_in_dim3A_19 : vector<1x1024xf32> to vector<8x1024xf32>
    %add3A_546 = vector.broadcast %slice3A_544 : vector<8x1xf32> to vector<8x1024xf32>
    %add3A_547 = arith.addf %add3A_545, %add3A_546 : vector<8x1024xf32>
    %sub3A_548 = arith.subf %add3A_547, %slice3A_543 : vector<8x1024xf32>
    %lt3A_549 = arith.cmpf olt, %sub3A_548, %select_n3A_539 : vector<8x1024xf32>
    %select_n3A_550 = arith.select %lt3A_549, %sub3A_548, %select_n3A_539 : vector<8x1024xi1>, vector<8x1024xf32>
    %jit3A_551 = arith.constant 48 : i32
    %broadcast_in_dim3A_552 = vector.broadcast %jit3A_551 : i32 to vector<8x1024xi32>
    %select_n3A_553 = arith.select %lt3A_549, %broadcast_in_dim3A_552, %select_n3A_542 : vector<8x1024xi1>, vector<8x1024xi32>
    %slice3A_554 = vector.extract_strided_slice %dot_general3A_22 {offsets = [392, 0], sizes = [8, 1024], strides = [1, 1]} : vector<1024x1024xf32> to vector<8x1024xf32>
    %slice3A_555 = vector.extract_strided_slice %broadcast_in_dim3A {offsets = [392, 0], sizes = [8, 1], strides = [1, 1]} : vector<1024x1xf32> to vector<8x1xf32>
    %add3A_556 = vector.broadcast %broadcast_in_dim3A_19 : vector<1x1024xf32> to vector<8x1024xf32>
    %add3A_557 = vector.broadcast %slice3A_555 : vector<8x1xf32> to vector<8x1024xf32>
    %add3A_558 = arith.addf %add3A_556, %add3A_557 : vector<8x1024xf32>
    %sub3A_559 = arith.subf %add3A_558, %slice3A_554 : vector<8x1024xf32>
    %lt3A_560 = arith.cmpf olt, %sub3A_559, %select_n3A_550 : vector<8x1024xf32>
    %select_n3A_561 = arith.select %lt3A_560, %sub3A_559, %select_n3A_550 : vector<8x1024xi1>, vector<8x1024xf32>
    %jit3A_562 = arith.constant 49 : i32
    %broadcast_in_dim3A_563 = vector.broadcast %jit3A_562 : i32 to vector<8x1024xi32>
    %select_n3A_564 = arith.select %lt3A_560, %broadcast_in_dim3A_563, %select_n3A_553 : vector<8x1024xi1>, vector<8x1024xi32>
    %slice3A_565 = vector.extract_strided_slice %dot_general3A_22 {offsets = [400, 0], sizes = [8, 1024], strides = [1, 1]} : vector<1024x1024xf32> to vector<8x1024xf32>
    %slice3A_566 = vector.extract_strided_slice %broadcast_in_dim3A {offsets = [400, 0], sizes = [8, 1], strides = [1, 1]} : vector<1024x1xf32> to vector<8x1xf32>
    %add3A_567 = vector.broadcast %broadcast_in_dim3A_19 : vector<1x1024xf32> to vector<8x1024xf32>
    %add3A_568 = vector.broadcast %slice3A_566 : vector<8x1xf32> to vector<8x1024xf32>
    %add3A_569 = arith.addf %add3A_567, %add3A_568 : vector<8x1024xf32>
    %sub3A_570 = arith.subf %add3A_569, %slice3A_565 : vector<8x1024xf32>
    %lt3A_571 = arith.cmpf olt, %sub3A_570, %select_n3A_561 : vector<8x1024xf32>
    %select_n3A_572 = arith.select %lt3A_571, %sub3A_570, %select_n3A_561 : vector<8x1024xi1>, vector<8x1024xf32>
    %jit3A_573 = arith.constant 50 : i32
    %broadcast_in_dim3A_574 = vector.broadcast %jit3A_573 : i32 to vector<8x1024xi32>
    %select_n3A_575 = arith.select %lt3A_571, %broadcast_in_dim3A_574, %select_n3A_564 : vector<8x1024xi1>, vector<8x1024xi32>
    %slice3A_576 = vector.extract_strided_slice %dot_general3A_22 {offsets = [408, 0], sizes = [8, 1024], strides = [1, 1]} : vector<1024x1024xf32> to vector<8x1024xf32>
    %slice3A_577 = vector.extract_strided_slice %broadcast_in_dim3A {offsets = [408, 0], sizes = [8, 1], strides = [1, 1]} : vector<1024x1xf32> to vector<8x1xf32>
    %add3A_578 = vector.broadcast %broadcast_in_dim3A_19 : vector<1x1024xf32> to vector<8x1024xf32>
    %add3A_579 = vector.broadcast %slice3A_577 : vector<8x1xf32> to vector<8x1024xf32>
    %add3A_580 = arith.addf %add3A_578, %add3A_579 : vector<8x1024xf32>
    %sub3A_581 = arith.subf %add3A_580, %slice3A_576 : vector<8x1024xf32>
    %lt3A_582 = arith.cmpf olt, %sub3A_581, %select_n3A_572 : vector<8x1024xf32>
    %select_n3A_583 = arith.select %lt3A_582, %sub3A_581, %select_n3A_572 : vector<8x1024xi1>, vector<8x1024xf32>
    %jit3A_584 = arith.constant 51 : i32
    %broadcast_in_dim3A_585 = vector.broadcast %jit3A_584 : i32 to vector<8x1024xi32>
    %select_n3A_586 = arith.select %lt3A_582, %broadcast_in_dim3A_585, %select_n3A_575 : vector<8x1024xi1>, vector<8x1024xi32>
    %slice3A_587 = vector.extract_strided_slice %dot_general3A_22 {offsets = [416, 0], sizes = [8, 1024], strides = [1, 1]} : vector<1024x1024xf32> to vector<8x1024xf32>
    %slice3A_588 = vector.extract_strided_slice %broadcast_in_dim3A {offsets = [416, 0], sizes = [8, 1], strides = [1, 1]} : vector<1024x1xf32> to vector<8x1xf32>
    %add3A_589 = vector.broadcast %broadcast_in_dim3A_19 : vector<1x1024xf32> to vector<8x1024xf32>
    %add3A_590 = vector.broadcast %slice3A_588 : vector<8x1xf32> to vector<8x1024xf32>
    %add3A_591 = arith.addf %add3A_589, %add3A_590 : vector<8x1024xf32>
    %sub3A_592 = arith.subf %add3A_591, %slice3A_587 : vector<8x1024xf32>
    %lt3A_593 = arith.cmpf olt, %sub3A_592, %select_n3A_583 : vector<8x1024xf32>
    %select_n3A_594 = arith.select %lt3A_593, %sub3A_592, %select_n3A_583 : vector<8x1024xi1>, vector<8x1024xf32>
    %jit3A_595 = arith.constant 52 : i32
    %broadcast_in_dim3A_596 = vector.broadcast %jit3A_595 : i32 to vector<8x1024xi32>
    %select_n3A_597 = arith.select %lt3A_593, %broadcast_in_dim3A_596, %select_n3A_586 : vector<8x1024xi1>, vector<8x1024xi32>
    %slice3A_598 = vector.extract_strided_slice %dot_general3A_22 {offsets = [424, 0], sizes = [8, 1024], strides = [1, 1]} : vector<1024x1024xf32> to vector<8x1024xf32>
    %slice3A_599 = vector.extract_strided_slice %broadcast_in_dim3A {offsets = [424, 0], sizes = [8, 1], strides = [1, 1]} : vector<1024x1xf32> to vector<8x1xf32>
    %add3A_600 = vector.broadcast %broadcast_in_dim3A_19 : vector<1x1024xf32> to vector<8x1024xf32>
    %add3A_601 = vector.broadcast %slice3A_599 : vector<8x1xf32> to vector<8x1024xf32>
    %add3A_602 = arith.addf %add3A_600, %add3A_601 : vector<8x1024xf32>
    %sub3A_603 = arith.subf %add3A_602, %slice3A_598 : vector<8x1024xf32>
    %lt3A_604 = arith.cmpf olt, %sub3A_603, %select_n3A_594 : vector<8x1024xf32>
    %select_n3A_605 = arith.select %lt3A_604, %sub3A_603, %select_n3A_594 : vector<8x1024xi1>, vector<8x1024xf32>
    %jit3A_606 = arith.constant 53 : i32
    %broadcast_in_dim3A_607 = vector.broadcast %jit3A_606 : i32 to vector<8x1024xi32>
    %select_n3A_608 = arith.select %lt3A_604, %broadcast_in_dim3A_607, %select_n3A_597 : vector<8x1024xi1>, vector<8x1024xi32>
    %slice3A_609 = vector.extract_strided_slice %dot_general3A_22 {offsets = [432, 0], sizes = [8, 1024], strides = [1, 1]} : vector<1024x1024xf32> to vector<8x1024xf32>
    %slice3A_610 = vector.extract_strided_slice %broadcast_in_dim3A {offsets = [432, 0], sizes = [8, 1], strides = [1, 1]} : vector<1024x1xf32> to vector<8x1xf32>
    %add3A_611 = vector.broadcast %broadcast_in_dim3A_19 : vector<1x1024xf32> to vector<8x1024xf32>
    %add3A_612 = vector.broadcast %slice3A_610 : vector<8x1xf32> to vector<8x1024xf32>
    %add3A_613 = arith.addf %add3A_611, %add3A_612 : vector<8x1024xf32>
    %sub3A_614 = arith.subf %add3A_613, %slice3A_609 : vector<8x1024xf32>
    %lt3A_615 = arith.cmpf olt, %sub3A_614, %select_n3A_605 : vector<8x1024xf32>
    %select_n3A_616 = arith.select %lt3A_615, %sub3A_614, %select_n3A_605 : vector<8x1024xi1>, vector<8x1024xf32>
    %jit3A_617 = arith.constant 54 : i32
    %broadcast_in_dim3A_618 = vector.broadcast %jit3A_617 : i32 to vector<8x1024xi32>
    %select_n3A_619 = arith.select %lt3A_615, %broadcast_in_dim3A_618, %select_n3A_608 : vector<8x1024xi1>, vector<8x1024xi32>
    %slice3A_620 = vector.extract_strided_slice %dot_general3A_22 {offsets = [440, 0], sizes = [8, 1024], strides = [1, 1]} : vector<1024x1024xf32> to vector<8x1024xf32>
    %slice3A_621 = vector.extract_strided_slice %broadcast_in_dim3A {offsets = [440, 0], sizes = [8, 1], strides = [1, 1]} : vector<1024x1xf32> to vector<8x1xf32>
    %add3A_622 = vector.broadcast %broadcast_in_dim3A_19 : vector<1x1024xf32> to vector<8x1024xf32>
    %add3A_623 = vector.broadcast %slice3A_621 : vector<8x1xf32> to vector<8x1024xf32>
    %add3A_624 = arith.addf %add3A_622, %add3A_623 : vector<8x1024xf32>
    %sub3A_625 = arith.subf %add3A_624, %slice3A_620 : vector<8x1024xf32>
    %lt3A_626 = arith.cmpf olt, %sub3A_625, %select_n3A_616 : vector<8x1024xf32>
    %select_n3A_627 = arith.select %lt3A_626, %sub3A_625, %select_n3A_616 : vector<8x1024xi1>, vector<8x1024xf32>
    %jit3A_628 = arith.constant 55 : i32
    %broadcast_in_dim3A_629 = vector.broadcast %jit3A_628 : i32 to vector<8x1024xi32>
    %select_n3A_630 = arith.select %lt3A_626, %broadcast_in_dim3A_629, %select_n3A_619 : vector<8x1024xi1>, vector<8x1024xi32>
    %slice3A_631 = vector.extract_strided_slice %dot_general3A_22 {offsets = [448, 0], sizes = [8, 1024], strides = [1, 1]} : vector<1024x1024xf32> to vector<8x1024xf32>
    %slice3A_632 = vector.extract_strided_slice %broadcast_in_dim3A {offsets = [448, 0], sizes = [8, 1], strides = [1, 1]} : vector<1024x1xf32> to vector<8x1xf32>
    %add3A_633 = vector.broadcast %broadcast_in_dim3A_19 : vector<1x1024xf32> to vector<8x1024xf32>
    %add3A_634 = vector.broadcast %slice3A_632 : vector<8x1xf32> to vector<8x1024xf32>
    %add3A_635 = arith.addf %add3A_633, %add3A_634 : vector<8x1024xf32>
    %sub3A_636 = arith.subf %add3A_635, %slice3A_631 : vector<8x1024xf32>
    %lt3A_637 = arith.cmpf olt, %sub3A_636, %select_n3A_627 : vector<8x1024xf32>
    %select_n3A_638 = arith.select %lt3A_637, %sub3A_636, %select_n3A_627 : vector<8x1024xi1>, vector<8x1024xf32>
    %jit3A_639 = arith.constant 56 : i32
    %broadcast_in_dim3A_640 = vector.broadcast %jit3A_639 : i32 to vector<8x1024xi32>
    %select_n3A_641 = arith.select %lt3A_637, %broadcast_in_dim3A_640, %select_n3A_630 : vector<8x1024xi1>, vector<8x1024xi32>
    %slice3A_642 = vector.extract_strided_slice %dot_general3A_22 {offsets = [456, 0], sizes = [8, 1024], strides = [1, 1]} : vector<1024x1024xf32> to vector<8x1024xf32>
    %slice3A_643 = vector.extract_strided_slice %broadcast_in_dim3A {offsets = [456, 0], sizes = [8, 1], strides = [1, 1]} : vector<1024x1xf32> to vector<8x1xf32>
    %add3A_644 = vector.broadcast %broadcast_in_dim3A_19 : vector<1x1024xf32> to vector<8x1024xf32>
    %add3A_645 = vector.broadcast %slice3A_643 : vector<8x1xf32> to vector<8x1024xf32>
    %add3A_646 = arith.addf %add3A_644, %add3A_645 : vector<8x1024xf32>
    %sub3A_647 = arith.subf %add3A_646, %slice3A_642 : vector<8x1024xf32>
    %lt3A_648 = arith.cmpf olt, %sub3A_647, %select_n3A_638 : vector<8x1024xf32>
    %select_n3A_649 = arith.select %lt3A_648, %sub3A_647, %select_n3A_638 : vector<8x1024xi1>, vector<8x1024xf32>
    %jit3A_650 = arith.constant 57 : i32
    %broadcast_in_dim3A_651 = vector.broadcast %jit3A_650 : i32 to vector<8x1024xi32>
    %select_n3A_652 = arith.select %lt3A_648, %broadcast_in_dim3A_651, %select_n3A_641 : vector<8x1024xi1>, vector<8x1024xi32>
    %slice3A_653 = vector.extract_strided_slice %dot_general3A_22 {offsets = [464, 0], sizes = [8, 1024], strides = [1, 1]} : vector<1024x1024xf32> to vector<8x1024xf32>
    %slice3A_654 = vector.extract_strided_slice %broadcast_in_dim3A {offsets = [464, 0], sizes = [8, 1], strides = [1, 1]} : vector<1024x1xf32> to vector<8x1xf32>
    %add3A_655 = vector.broadcast %broadcast_in_dim3A_19 : vector<1x1024xf32> to vector<8x1024xf32>
    %add3A_656 = vector.broadcast %slice3A_654 : vector<8x1xf32> to vector<8x1024xf32>
    %add3A_657 = arith.addf %add3A_655, %add3A_656 : vector<8x1024xf32>
    %sub3A_658 = arith.subf %add3A_657, %slice3A_653 : vector<8x1024xf32>
    %lt3A_659 = arith.cmpf olt, %sub3A_658, %select_n3A_649 : vector<8x1024xf32>
    %select_n3A_660 = arith.select %lt3A_659, %sub3A_658, %select_n3A_649 : vector<8x1024xi1>, vector<8x1024xf32>
    %jit3A_661 = arith.constant 58 : i32
    %broadcast_in_dim3A_662 = vector.broadcast %jit3A_661 : i32 to vector<8x1024xi32>
    %select_n3A_663 = arith.select %lt3A_659, %broadcast_in_dim3A_662, %select_n3A_652 : vector<8x1024xi1>, vector<8x1024xi32>
    %slice3A_664 = vector.extract_strided_slice %dot_general3A_22 {offsets = [472, 0], sizes = [8, 1024], strides = [1, 1]} : vector<1024x1024xf32> to vector<8x1024xf32>
    %slice3A_665 = vector.extract_strided_slice %broadcast_in_dim3A {offsets = [472, 0], sizes = [8, 1], strides = [1, 1]} : vector<1024x1xf32> to vector<8x1xf32>
    %add3A_666 = vector.broadcast %broadcast_in_dim3A_19 : vector<1x1024xf32> to vector<8x1024xf32>
    %add3A_667 = vector.broadcast %slice3A_665 : vector<8x1xf32> to vector<8x1024xf32>
    %add3A_668 = arith.addf %add3A_666, %add3A_667 : vector<8x1024xf32>
    %sub3A_669 = arith.subf %add3A_668, %slice3A_664 : vector<8x1024xf32>
    %lt3A_670 = arith.cmpf olt, %sub3A_669, %select_n3A_660 : vector<8x1024xf32>
    %select_n3A_671 = arith.select %lt3A_670, %sub3A_669, %select_n3A_660 : vector<8x1024xi1>, vector<8x1024xf32>
    %jit3A_672 = arith.constant 59 : i32
    %broadcast_in_dim3A_673 = vector.broadcast %jit3A_672 : i32 to vector<8x1024xi32>
    %select_n3A_674 = arith.select %lt3A_670, %broadcast_in_dim3A_673, %select_n3A_663 : vector<8x1024xi1>, vector<8x1024xi32>
    %slice3A_675 = vector.extract_strided_slice %dot_general3A_22 {offsets = [480, 0], sizes = [8, 1024], strides = [1, 1]} : vector<1024x1024xf32> to vector<8x1024xf32>
    %slice3A_676 = vector.extract_strided_slice %broadcast_in_dim3A {offsets = [480, 0], sizes = [8, 1], strides = [1, 1]} : vector<1024x1xf32> to vector<8x1xf32>
    %add3A_677 = vector.broadcast %broadcast_in_dim3A_19 : vector<1x1024xf32> to vector<8x1024xf32>
    %add3A_678 = vector.broadcast %slice3A_676 : vector<8x1xf32> to vector<8x1024xf32>
    %add3A_679 = arith.addf %add3A_677, %add3A_678 : vector<8x1024xf32>
    %sub3A_680 = arith.subf %add3A_679, %slice3A_675 : vector<8x1024xf32>
    %lt3A_681 = arith.cmpf olt, %sub3A_680, %select_n3A_671 : vector<8x1024xf32>
    %select_n3A_682 = arith.select %lt3A_681, %sub3A_680, %select_n3A_671 : vector<8x1024xi1>, vector<8x1024xf32>
    %jit3A_683 = arith.constant 60 : i32
    %broadcast_in_dim3A_684 = vector.broadcast %jit3A_683 : i32 to vector<8x1024xi32>
    %select_n3A_685 = arith.select %lt3A_681, %broadcast_in_dim3A_684, %select_n3A_674 : vector<8x1024xi1>, vector<8x1024xi32>
    %slice3A_686 = vector.extract_strided_slice %dot_general3A_22 {offsets = [488, 0], sizes = [8, 1024], strides = [1, 1]} : vector<1024x1024xf32> to vector<8x1024xf32>
    %slice3A_687 = vector.extract_strided_slice %broadcast_in_dim3A {offsets = [488, 0], sizes = [8, 1], strides = [1, 1]} : vector<1024x1xf32> to vector<8x1xf32>
    %add3A_688 = vector.broadcast %broadcast_in_dim3A_19 : vector<1x1024xf32> to vector<8x1024xf32>
    %add3A_689 = vector.broadcast %slice3A_687 : vector<8x1xf32> to vector<8x1024xf32>
    %add3A_690 = arith.addf %add3A_688, %add3A_689 : vector<8x1024xf32>
    %sub3A_691 = arith.subf %add3A_690, %slice3A_686 : vector<8x1024xf32>
    %lt3A_692 = arith.cmpf olt, %sub3A_691, %select_n3A_682 : vector<8x1024xf32>
    %select_n3A_693 = arith.select %lt3A_692, %sub3A_691, %select_n3A_682 : vector<8x1024xi1>, vector<8x1024xf32>
    %jit3A_694 = arith.constant 61 : i32
    %broadcast_in_dim3A_695 = vector.broadcast %jit3A_694 : i32 to vector<8x1024xi32>
    %select_n3A_696 = arith.select %lt3A_692, %broadcast_in_dim3A_695, %select_n3A_685 : vector<8x1024xi1>, vector<8x1024xi32>
    %slice3A_697 = vector.extract_strided_slice %dot_general3A_22 {offsets = [496, 0], sizes = [8, 1024], strides = [1, 1]} : vector<1024x1024xf32> to vector<8x1024xf32>
    %slice3A_698 = vector.extract_strided_slice %broadcast_in_dim3A {offsets = [496, 0], sizes = [8, 1], strides = [1, 1]} : vector<1024x1xf32> to vector<8x1xf32>
    %add3A_699 = vector.broadcast %broadcast_in_dim3A_19 : vector<1x1024xf32> to vector<8x1024xf32>
    %add3A_700 = vector.broadcast %slice3A_698 : vector<8x1xf32> to vector<8x1024xf32>
    %add3A_701 = arith.addf %add3A_699, %add3A_700 : vector<8x1024xf32>
    %sub3A_702 = arith.subf %add3A_701, %slice3A_697 : vector<8x1024xf32>
    %lt3A_703 = arith.cmpf olt, %sub3A_702, %select_n3A_693 : vector<8x1024xf32>
    %select_n3A_704 = arith.select %lt3A_703, %sub3A_702, %select_n3A_693 : vector<8x1024xi1>, vector<8x1024xf32>
    %jit3A_705 = arith.constant 62 : i32
    %broadcast_in_dim3A_706 = vector.broadcast %jit3A_705 : i32 to vector<8x1024xi32>
    %select_n3A_707 = arith.select %lt3A_703, %broadcast_in_dim3A_706, %select_n3A_696 : vector<8x1024xi1>, vector<8x1024xi32>
    %slice3A_708 = vector.extract_strided_slice %dot_general3A_22 {offsets = [504, 0], sizes = [8, 1024], strides = [1, 1]} : vector<1024x1024xf32> to vector<8x1024xf32>
    %slice3A_709 = vector.extract_strided_slice %broadcast_in_dim3A {offsets = [504, 0], sizes = [8, 1], strides = [1, 1]} : vector<1024x1xf32> to vector<8x1xf32>
    %add3A_710 = vector.broadcast %broadcast_in_dim3A_19 : vector<1x1024xf32> to vector<8x1024xf32>
    %add3A_711 = vector.broadcast %slice3A_709 : vector<8x1xf32> to vector<8x1024xf32>
    %add3A_712 = arith.addf %add3A_710, %add3A_711 : vector<8x1024xf32>
    %sub3A_713 = arith.subf %add3A_712, %slice3A_708 : vector<8x1024xf32>
    %lt3A_714 = arith.cmpf olt, %sub3A_713, %select_n3A_704 : vector<8x1024xf32>
    %select_n3A_715 = arith.select %lt3A_714, %sub3A_713, %select_n3A_704 : vector<8x1024xi1>, vector<8x1024xf32>
    %jit3A_716 = arith.constant 63 : i32
    %broadcast_in_dim3A_717 = vector.broadcast %jit3A_716 : i32 to vector<8x1024xi32>
    %select_n3A_718 = arith.select %lt3A_714, %broadcast_in_dim3A_717, %select_n3A_707 : vector<8x1024xi1>, vector<8x1024xi32>
    %slice3A_719 = vector.extract_strided_slice %dot_general3A_22 {offsets = [512, 0], sizes = [8, 1024], strides = [1, 1]} : vector<1024x1024xf32> to vector<8x1024xf32>
    %slice3A_720 = vector.extract_strided_slice %broadcast_in_dim3A {offsets = [512, 0], sizes = [8, 1], strides = [1, 1]} : vector<1024x1xf32> to vector<8x1xf32>
    %add3A_721 = vector.broadcast %broadcast_in_dim3A_19 : vector<1x1024xf32> to vector<8x1024xf32>
    %add3A_722 = vector.broadcast %slice3A_720 : vector<8x1xf32> to vector<8x1024xf32>
    %add3A_723 = arith.addf %add3A_721, %add3A_722 : vector<8x1024xf32>
    %sub3A_724 = arith.subf %add3A_723, %slice3A_719 : vector<8x1024xf32>
    %lt3A_725 = arith.cmpf olt, %sub3A_724, %select_n3A_715 : vector<8x1024xf32>
    %select_n3A_726 = arith.select %lt3A_725, %sub3A_724, %select_n3A_715 : vector<8x1024xi1>, vector<8x1024xf32>
    %jit3A_727 = arith.constant 64 : i32
    %broadcast_in_dim3A_728 = vector.broadcast %jit3A_727 : i32 to vector<8x1024xi32>
    %select_n3A_729 = arith.select %lt3A_725, %broadcast_in_dim3A_728, %select_n3A_718 : vector<8x1024xi1>, vector<8x1024xi32>
    %slice3A_730 = vector.extract_strided_slice %dot_general3A_22 {offsets = [520, 0], sizes = [8, 1024], strides = [1, 1]} : vector<1024x1024xf32> to vector<8x1024xf32>
    %slice3A_731 = vector.extract_strided_slice %broadcast_in_dim3A {offsets = [520, 0], sizes = [8, 1], strides = [1, 1]} : vector<1024x1xf32> to vector<8x1xf32>
    %add3A_732 = vector.broadcast %broadcast_in_dim3A_19 : vector<1x1024xf32> to vector<8x1024xf32>
    %add3A_733 = vector.broadcast %slice3A_731 : vector<8x1xf32> to vector<8x1024xf32>
    %add3A_734 = arith.addf %add3A_732, %add3A_733 : vector<8x1024xf32>
    %sub3A_735 = arith.subf %add3A_734, %slice3A_730 : vector<8x1024xf32>
    %lt3A_736 = arith.cmpf olt, %sub3A_735, %select_n3A_726 : vector<8x1024xf32>
    %select_n3A_737 = arith.select %lt3A_736, %sub3A_735, %select_n3A_726 : vector<8x1024xi1>, vector<8x1024xf32>
    %jit3A_738 = arith.constant 65 : i32
    %broadcast_in_dim3A_739 = vector.broadcast %jit3A_738 : i32 to vector<8x1024xi32>
    %select_n3A_740 = arith.select %lt3A_736, %broadcast_in_dim3A_739, %select_n3A_729 : vector<8x1024xi1>, vector<8x1024xi32>
    %slice3A_741 = vector.extract_strided_slice %dot_general3A_22 {offsets = [528, 0], sizes = [8, 1024], strides = [1, 1]} : vector<1024x1024xf32> to vector<8x1024xf32>
    %slice3A_742 = vector.extract_strided_slice %broadcast_in_dim3A {offsets = [528, 0], sizes = [8, 1], strides = [1, 1]} : vector<1024x1xf32> to vector<8x1xf32>
    %add3A_743 = vector.broadcast %broadcast_in_dim3A_19 : vector<1x1024xf32> to vector<8x1024xf32>
    %add3A_744 = vector.broadcast %slice3A_742 : vector<8x1xf32> to vector<8x1024xf32>
    %add3A_745 = arith.addf %add3A_743, %add3A_744 : vector<8x1024xf32>
    %sub3A_746 = arith.subf %add3A_745, %slice3A_741 : vector<8x1024xf32>
    %lt3A_747 = arith.cmpf olt, %sub3A_746, %select_n3A_737 : vector<8x1024xf32>
    %select_n3A_748 = arith.select %lt3A_747, %sub3A_746, %select_n3A_737 : vector<8x1024xi1>, vector<8x1024xf32>
    %jit3A_749 = arith.constant 66 : i32
    %broadcast_in_dim3A_750 = vector.broadcast %jit3A_749 : i32 to vector<8x1024xi32>
    %select_n3A_751 = arith.select %lt3A_747, %broadcast_in_dim3A_750, %select_n3A_740 : vector<8x1024xi1>, vector<8x1024xi32>
    %slice3A_752 = vector.extract_strided_slice %dot_general3A_22 {offsets = [536, 0], sizes = [8, 1024], strides = [1, 1]} : vector<1024x1024xf32> to vector<8x1024xf32>
    %slice3A_753 = vector.extract_strided_slice %broadcast_in_dim3A {offsets = [536, 0], sizes = [8, 1], strides = [1, 1]} : vector<1024x1xf32> to vector<8x1xf32>
    %add3A_754 = vector.broadcast %broadcast_in_dim3A_19 : vector<1x1024xf32> to vector<8x1024xf32>
    %add3A_755 = vector.broadcast %slice3A_753 : vector<8x1xf32> to vector<8x1024xf32>
    %add3A_756 = arith.addf %add3A_754, %add3A_755 : vector<8x1024xf32>
    %sub3A_757 = arith.subf %add3A_756, %slice3A_752 : vector<8x1024xf32>
    %lt3A_758 = arith.cmpf olt, %sub3A_757, %select_n3A_748 : vector<8x1024xf32>
    %select_n3A_759 = arith.select %lt3A_758, %sub3A_757, %select_n3A_748 : vector<8x1024xi1>, vector<8x1024xf32>
    %jit3A_760 = arith.constant 67 : i32
    %broadcast_in_dim3A_761 = vector.broadcast %jit3A_760 : i32 to vector<8x1024xi32>
    %select_n3A_762 = arith.select %lt3A_758, %broadcast_in_dim3A_761, %select_n3A_751 : vector<8x1024xi1>, vector<8x1024xi32>
    %slice3A_763 = vector.extract_strided_slice %dot_general3A_22 {offsets = [544, 0], sizes = [8, 1024], strides = [1, 1]} : vector<1024x1024xf32> to vector<8x1024xf32>
    %slice3A_764 = vector.extract_strided_slice %broadcast_in_dim3A {offsets = [544, 0], sizes = [8, 1], strides = [1, 1]} : vector<1024x1xf32> to vector<8x1xf32>
    %add3A_765 = vector.broadcast %broadcast_in_dim3A_19 : vector<1x1024xf32> to vector<8x1024xf32>
    %add3A_766 = vector.broadcast %slice3A_764 : vector<8x1xf32> to vector<8x1024xf32>
    %add3A_767 = arith.addf %add3A_765, %add3A_766 : vector<8x1024xf32>
    %sub3A_768 = arith.subf %add3A_767, %slice3A_763 : vector<8x1024xf32>
    %lt3A_769 = arith.cmpf olt, %sub3A_768, %select_n3A_759 : vector<8x1024xf32>
    %select_n3A_770 = arith.select %lt3A_769, %sub3A_768, %select_n3A_759 : vector<8x1024xi1>, vector<8x1024xf32>
    %jit3A_771 = arith.constant 68 : i32
    %broadcast_in_dim3A_772 = vector.broadcast %jit3A_771 : i32 to vector<8x1024xi32>
    %select_n3A_773 = arith.select %lt3A_769, %broadcast_in_dim3A_772, %select_n3A_762 : vector<8x1024xi1>, vector<8x1024xi32>
    %slice3A_774 = vector.extract_strided_slice %dot_general3A_22 {offsets = [552, 0], sizes = [8, 1024], strides = [1, 1]} : vector<1024x1024xf32> to vector<8x1024xf32>
    %slice3A_775 = vector.extract_strided_slice %broadcast_in_dim3A {offsets = [552, 0], sizes = [8, 1], strides = [1, 1]} : vector<1024x1xf32> to vector<8x1xf32>
    %add3A_776 = vector.broadcast %broadcast_in_dim3A_19 : vector<1x1024xf32> to vector<8x1024xf32>
    %add3A_777 = vector.broadcast %slice3A_775 : vector<8x1xf32> to vector<8x1024xf32>
    %add3A_778 = arith.addf %add3A_776, %add3A_777 : vector<8x1024xf32>
    %sub3A_779 = arith.subf %add3A_778, %slice3A_774 : vector<8x1024xf32>
    %lt3A_780 = arith.cmpf olt, %sub3A_779, %select_n3A_770 : vector<8x1024xf32>
    %select_n3A_781 = arith.select %lt3A_780, %sub3A_779, %select_n3A_770 : vector<8x1024xi1>, vector<8x1024xf32>
    %jit3A_782 = arith.constant 69 : i32
    %broadcast_in_dim3A_783 = vector.broadcast %jit3A_782 : i32 to vector<8x1024xi32>
    %select_n3A_784 = arith.select %lt3A_780, %broadcast_in_dim3A_783, %select_n3A_773 : vector<8x1024xi1>, vector<8x1024xi32>
    %slice3A_785 = vector.extract_strided_slice %dot_general3A_22 {offsets = [560, 0], sizes = [8, 1024], strides = [1, 1]} : vector<1024x1024xf32> to vector<8x1024xf32>
    %slice3A_786 = vector.extract_strided_slice %broadcast_in_dim3A {offsets = [560, 0], sizes = [8, 1], strides = [1, 1]} : vector<1024x1xf32> to vector<8x1xf32>
    %add3A_787 = vector.broadcast %broadcast_in_dim3A_19 : vector<1x1024xf32> to vector<8x1024xf32>
    %add3A_788 = vector.broadcast %slice3A_786 : vector<8x1xf32> to vector<8x1024xf32>
    %add3A_789 = arith.addf %add3A_787, %add3A_788 : vector<8x1024xf32>
    %sub3A_790 = arith.subf %add3A_789, %slice3A_785 : vector<8x1024xf32>
    %lt3A_791 = arith.cmpf olt, %sub3A_790, %select_n3A_781 : vector<8x1024xf32>
    %select_n3A_792 = arith.select %lt3A_791, %sub3A_790, %select_n3A_781 : vector<8x1024xi1>, vector<8x1024xf32>
    %jit3A_793 = arith.constant 70 : i32
    %broadcast_in_dim3A_794 = vector.broadcast %jit3A_793 : i32 to vector<8x1024xi32>
    %select_n3A_795 = arith.select %lt3A_791, %broadcast_in_dim3A_794, %select_n3A_784 : vector<8x1024xi1>, vector<8x1024xi32>
    %slice3A_796 = vector.extract_strided_slice %dot_general3A_22 {offsets = [568, 0], sizes = [8, 1024], strides = [1, 1]} : vector<1024x1024xf32> to vector<8x1024xf32>
    %slice3A_797 = vector.extract_strided_slice %broadcast_in_dim3A {offsets = [568, 0], sizes = [8, 1], strides = [1, 1]} : vector<1024x1xf32> to vector<8x1xf32>
    %add3A_798 = vector.broadcast %broadcast_in_dim3A_19 : vector<1x1024xf32> to vector<8x1024xf32>
    %add3A_799 = vector.broadcast %slice3A_797 : vector<8x1xf32> to vector<8x1024xf32>
    %add3A_800 = arith.addf %add3A_798, %add3A_799 : vector<8x1024xf32>
    %sub3A_801 = arith.subf %add3A_800, %slice3A_796 : vector<8x1024xf32>
    %lt3A_802 = arith.cmpf olt, %sub3A_801, %select_n3A_792 : vector<8x1024xf32>
    %select_n3A_803 = arith.select %lt3A_802, %sub3A_801, %select_n3A_792 : vector<8x1024xi1>, vector<8x1024xf32>
    %jit3A_804 = arith.constant 71 : i32
    %broadcast_in_dim3A_805 = vector.broadcast %jit3A_804 : i32 to vector<8x1024xi32>
    %select_n3A_806 = arith.select %lt3A_802, %broadcast_in_dim3A_805, %select_n3A_795 : vector<8x1024xi1>, vector<8x1024xi32>
    %slice3A_807 = vector.extract_strided_slice %dot_general3A_22 {offsets = [576, 0], sizes = [8, 1024], strides = [1, 1]} : vector<1024x1024xf32> to vector<8x1024xf32>
    %slice3A_808 = vector.extract_strided_slice %broadcast_in_dim3A {offsets = [576, 0], sizes = [8, 1], strides = [1, 1]} : vector<1024x1xf32> to vector<8x1xf32>
    %add3A_809 = vector.broadcast %broadcast_in_dim3A_19 : vector<1x1024xf32> to vector<8x1024xf32>
    %add3A_810 = vector.broadcast %slice3A_808 : vector<8x1xf32> to vector<8x1024xf32>
    %add3A_811 = arith.addf %add3A_809, %add3A_810 : vector<8x1024xf32>
    %sub3A_812 = arith.subf %add3A_811, %slice3A_807 : vector<8x1024xf32>
    %lt3A_813 = arith.cmpf olt, %sub3A_812, %select_n3A_803 : vector<8x1024xf32>
    %select_n3A_814 = arith.select %lt3A_813, %sub3A_812, %select_n3A_803 : vector<8x1024xi1>, vector<8x1024xf32>
    %jit3A_815 = arith.constant 72 : i32
    %broadcast_in_dim3A_816 = vector.broadcast %jit3A_815 : i32 to vector<8x1024xi32>
    %select_n3A_817 = arith.select %lt3A_813, %broadcast_in_dim3A_816, %select_n3A_806 : vector<8x1024xi1>, vector<8x1024xi32>
    %slice3A_818 = vector.extract_strided_slice %dot_general3A_22 {offsets = [584, 0], sizes = [8, 1024], strides = [1, 1]} : vector<1024x1024xf32> to vector<8x1024xf32>
    %slice3A_819 = vector.extract_strided_slice %broadcast_in_dim3A {offsets = [584, 0], sizes = [8, 1], strides = [1, 1]} : vector<1024x1xf32> to vector<8x1xf32>
    %add3A_820 = vector.broadcast %broadcast_in_dim3A_19 : vector<1x1024xf32> to vector<8x1024xf32>
    %add3A_821 = vector.broadcast %slice3A_819 : vector<8x1xf32> to vector<8x1024xf32>
    %add3A_822 = arith.addf %add3A_820, %add3A_821 : vector<8x1024xf32>
    %sub3A_823 = arith.subf %add3A_822, %slice3A_818 : vector<8x1024xf32>
    %lt3A_824 = arith.cmpf olt, %sub3A_823, %select_n3A_814 : vector<8x1024xf32>
    %select_n3A_825 = arith.select %lt3A_824, %sub3A_823, %select_n3A_814 : vector<8x1024xi1>, vector<8x1024xf32>
    %jit3A_826 = arith.constant 73 : i32
    %broadcast_in_dim3A_827 = vector.broadcast %jit3A_826 : i32 to vector<8x1024xi32>
    %select_n3A_828 = arith.select %lt3A_824, %broadcast_in_dim3A_827, %select_n3A_817 : vector<8x1024xi1>, vector<8x1024xi32>
    %slice3A_829 = vector.extract_strided_slice %dot_general3A_22 {offsets = [592, 0], sizes = [8, 1024], strides = [1, 1]} : vector<1024x1024xf32> to vector<8x1024xf32>
    %slice3A_830 = vector.extract_strided_slice %broadcast_in_dim3A {offsets = [592, 0], sizes = [8, 1], strides = [1, 1]} : vector<1024x1xf32> to vector<8x1xf32>
    %add3A_831 = vector.broadcast %broadcast_in_dim3A_19 : vector<1x1024xf32> to vector<8x1024xf32>
    %add3A_832 = vector.broadcast %slice3A_830 : vector<8x1xf32> to vector<8x1024xf32>
    %add3A_833 = arith.addf %add3A_831, %add3A_832 : vector<8x1024xf32>
    %sub3A_834 = arith.subf %add3A_833, %slice3A_829 : vector<8x1024xf32>
    %lt3A_835 = arith.cmpf olt, %sub3A_834, %select_n3A_825 : vector<8x1024xf32>
    %select_n3A_836 = arith.select %lt3A_835, %sub3A_834, %select_n3A_825 : vector<8x1024xi1>, vector<8x1024xf32>
    %jit3A_837 = arith.constant 74 : i32
    %broadcast_in_dim3A_838 = vector.broadcast %jit3A_837 : i32 to vector<8x1024xi32>
    %select_n3A_839 = arith.select %lt3A_835, %broadcast_in_dim3A_838, %select_n3A_828 : vector<8x1024xi1>, vector<8x1024xi32>
    %slice3A_840 = vector.extract_strided_slice %dot_general3A_22 {offsets = [600, 0], sizes = [8, 1024], strides = [1, 1]} : vector<1024x1024xf32> to vector<8x1024xf32>
    %slice3A_841 = vector.extract_strided_slice %broadcast_in_dim3A {offsets = [600, 0], sizes = [8, 1], strides = [1, 1]} : vector<1024x1xf32> to vector<8x1xf32>
    %add3A_842 = vector.broadcast %broadcast_in_dim3A_19 : vector<1x1024xf32> to vector<8x1024xf32>
    %add3A_843 = vector.broadcast %slice3A_841 : vector<8x1xf32> to vector<8x1024xf32>
    %add3A_844 = arith.addf %add3A_842, %add3A_843 : vector<8x1024xf32>
    %sub3A_845 = arith.subf %add3A_844, %slice3A_840 : vector<8x1024xf32>
    %lt3A_846 = arith.cmpf olt, %sub3A_845, %select_n3A_836 : vector<8x1024xf32>
    %select_n3A_847 = arith.select %lt3A_846, %sub3A_845, %select_n3A_836 : vector<8x1024xi1>, vector<8x1024xf32>
    %jit3A_848 = arith.constant 75 : i32
    %broadcast_in_dim3A_849 = vector.broadcast %jit3A_848 : i32 to vector<8x1024xi32>
    %select_n3A_850 = arith.select %lt3A_846, %broadcast_in_dim3A_849, %select_n3A_839 : vector<8x1024xi1>, vector<8x1024xi32>
    %slice3A_851 = vector.extract_strided_slice %dot_general3A_22 {offsets = [608, 0], sizes = [8, 1024], strides = [1, 1]} : vector<1024x1024xf32> to vector<8x1024xf32>
    %slice3A_852 = vector.extract_strided_slice %broadcast_in_dim3A {offsets = [608, 0], sizes = [8, 1], strides = [1, 1]} : vector<1024x1xf32> to vector<8x1xf32>
    %add3A_853 = vector.broadcast %broadcast_in_dim3A_19 : vector<1x1024xf32> to vector<8x1024xf32>
    %add3A_854 = vector.broadcast %slice3A_852 : vector<8x1xf32> to vector<8x1024xf32>
    %add3A_855 = arith.addf %add3A_853, %add3A_854 : vector<8x1024xf32>
    %sub3A_856 = arith.subf %add3A_855, %slice3A_851 : vector<8x1024xf32>
    %lt3A_857 = arith.cmpf olt, %sub3A_856, %select_n3A_847 : vector<8x1024xf32>
    %select_n3A_858 = arith.select %lt3A_857, %sub3A_856, %select_n3A_847 : vector<8x1024xi1>, vector<8x1024xf32>
    %jit3A_859 = arith.constant 76 : i32
    %broadcast_in_dim3A_860 = vector.broadcast %jit3A_859 : i32 to vector<8x1024xi32>
    %select_n3A_861 = arith.select %lt3A_857, %broadcast_in_dim3A_860, %select_n3A_850 : vector<8x1024xi1>, vector<8x1024xi32>
    %slice3A_862 = vector.extract_strided_slice %dot_general3A_22 {offsets = [616, 0], sizes = [8, 1024], strides = [1, 1]} : vector<1024x1024xf32> to vector<8x1024xf32>
    %slice3A_863 = vector.extract_strided_slice %broadcast_in_dim3A {offsets = [616, 0], sizes = [8, 1], strides = [1, 1]} : vector<1024x1xf32> to vector<8x1xf32>
    %add3A_864 = vector.broadcast %broadcast_in_dim3A_19 : vector<1x1024xf32> to vector<8x1024xf32>
    %add3A_865 = vector.broadcast %slice3A_863 : vector<8x1xf32> to vector<8x1024xf32>
    %add3A_866 = arith.addf %add3A_864, %add3A_865 : vector<8x1024xf32>
    %sub3A_867 = arith.subf %add3A_866, %slice3A_862 : vector<8x1024xf32>
    %lt3A_868 = arith.cmpf olt, %sub3A_867, %select_n3A_858 : vector<8x1024xf32>
    %select_n3A_869 = arith.select %lt3A_868, %sub3A_867, %select_n3A_858 : vector<8x1024xi1>, vector<8x1024xf32>
    %jit3A_870 = arith.constant 77 : i32
    %broadcast_in_dim3A_871 = vector.broadcast %jit3A_870 : i32 to vector<8x1024xi32>
    %select_n3A_872 = arith.select %lt3A_868, %broadcast_in_dim3A_871, %select_n3A_861 : vector<8x1024xi1>, vector<8x1024xi32>
    %slice3A_873 = vector.extract_strided_slice %dot_general3A_22 {offsets = [624, 0], sizes = [8, 1024], strides = [1, 1]} : vector<1024x1024xf32> to vector<8x1024xf32>
    %slice3A_874 = vector.extract_strided_slice %broadcast_in_dim3A {offsets = [624, 0], sizes = [8, 1], strides = [1, 1]} : vector<1024x1xf32> to vector<8x1xf32>
    %add3A_875 = vector.broadcast %broadcast_in_dim3A_19 : vector<1x1024xf32> to vector<8x1024xf32>
    %add3A_876 = vector.broadcast %slice3A_874 : vector<8x1xf32> to vector<8x1024xf32>
    %add3A_877 = arith.addf %add3A_875, %add3A_876 : vector<8x1024xf32>
    %sub3A_878 = arith.subf %add3A_877, %slice3A_873 : vector<8x1024xf32>
    %lt3A_879 = arith.cmpf olt, %sub3A_878, %select_n3A_869 : vector<8x1024xf32>
    %select_n3A_880 = arith.select %lt3A_879, %sub3A_878, %select_n3A_869 : vector<8x1024xi1>, vector<8x1024xf32>
    %jit3A_881 = arith.constant 78 : i32
    %broadcast_in_dim3A_882 = vector.broadcast %jit3A_881 : i32 to vector<8x1024xi32>
    %select_n3A_883 = arith.select %lt3A_879, %broadcast_in_dim3A_882, %select_n3A_872 : vector<8x1024xi1>, vector<8x1024xi32>
    %slice3A_884 = vector.extract_strided_slice %dot_general3A_22 {offsets = [632, 0], sizes = [8, 1024], strides = [1, 1]} : vector<1024x1024xf32> to vector<8x1024xf32>
    %slice3A_885 = vector.extract_strided_slice %broadcast_in_dim3A {offsets = [632, 0], sizes = [8, 1], strides = [1, 1]} : vector<1024x1xf32> to vector<8x1xf32>
    %add3A_886 = vector.broadcast %broadcast_in_dim3A_19 : vector<1x1024xf32> to vector<8x1024xf32>
    %add3A_887 = vector.broadcast %slice3A_885 : vector<8x1xf32> to vector<8x1024xf32>
    %add3A_888 = arith.addf %add3A_886, %add3A_887 : vector<8x1024xf32>
    %sub3A_889 = arith.subf %add3A_888, %slice3A_884 : vector<8x1024xf32>
    %lt3A_890 = arith.cmpf olt, %sub3A_889, %select_n3A_880 : vector<8x1024xf32>
    %select_n3A_891 = arith.select %lt3A_890, %sub3A_889, %select_n3A_880 : vector<8x1024xi1>, vector<8x1024xf32>
    %jit3A_892 = arith.constant 79 : i32
    %broadcast_in_dim3A_893 = vector.broadcast %jit3A_892 : i32 to vector<8x1024xi32>
    %select_n3A_894 = arith.select %lt3A_890, %broadcast_in_dim3A_893, %select_n3A_883 : vector<8x1024xi1>, vector<8x1024xi32>
    %slice3A_895 = vector.extract_strided_slice %dot_general3A_22 {offsets = [640, 0], sizes = [8, 1024], strides = [1, 1]} : vector<1024x1024xf32> to vector<8x1024xf32>
    %slice3A_896 = vector.extract_strided_slice %broadcast_in_dim3A {offsets = [640, 0], sizes = [8, 1], strides = [1, 1]} : vector<1024x1xf32> to vector<8x1xf32>
    %add3A_897 = vector.broadcast %broadcast_in_dim3A_19 : vector<1x1024xf32> to vector<8x1024xf32>
    %add3A_898 = vector.broadcast %slice3A_896 : vector<8x1xf32> to vector<8x1024xf32>
    %add3A_899 = arith.addf %add3A_897, %add3A_898 : vector<8x1024xf32>
    %sub3A_900 = arith.subf %add3A_899, %slice3A_895 : vector<8x1024xf32>
    %lt3A_901 = arith.cmpf olt, %sub3A_900, %select_n3A_891 : vector<8x1024xf32>
    %select_n3A_902 = arith.select %lt3A_901, %sub3A_900, %select_n3A_891 : vector<8x1024xi1>, vector<8x1024xf32>
    %jit3A_903 = arith.constant 80 : i32
    %broadcast_in_dim3A_904 = vector.broadcast %jit3A_903 : i32 to vector<8x1024xi32>
    %select_n3A_905 = arith.select %lt3A_901, %broadcast_in_dim3A_904, %select_n3A_894 : vector<8x1024xi1>, vector<8x1024xi32>
    %slice3A_906 = vector.extract_strided_slice %dot_general3A_22 {offsets = [648, 0], sizes = [8, 1024], strides = [1, 1]} : vector<1024x1024xf32> to vector<8x1024xf32>
    %slice3A_907 = vector.extract_strided_slice %broadcast_in_dim3A {offsets = [648, 0], sizes = [8, 1], strides = [1, 1]} : vector<1024x1xf32> to vector<8x1xf32>
    %add3A_908 = vector.broadcast %broadcast_in_dim3A_19 : vector<1x1024xf32> to vector<8x1024xf32>
    %add3A_909 = vector.broadcast %slice3A_907 : vector<8x1xf32> to vector<8x1024xf32>
    %add3A_910 = arith.addf %add3A_908, %add3A_909 : vector<8x1024xf32>
    %sub3A_911 = arith.subf %add3A_910, %slice3A_906 : vector<8x1024xf32>
    %lt3A_912 = arith.cmpf olt, %sub3A_911, %select_n3A_902 : vector<8x1024xf32>
    %select_n3A_913 = arith.select %lt3A_912, %sub3A_911, %select_n3A_902 : vector<8x1024xi1>, vector<8x1024xf32>
    %jit3A_914 = arith.constant 81 : i32
    %broadcast_in_dim3A_915 = vector.broadcast %jit3A_914 : i32 to vector<8x1024xi32>
    %select_n3A_916 = arith.select %lt3A_912, %broadcast_in_dim3A_915, %select_n3A_905 : vector<8x1024xi1>, vector<8x1024xi32>
    %slice3A_917 = vector.extract_strided_slice %dot_general3A_22 {offsets = [656, 0], sizes = [8, 1024], strides = [1, 1]} : vector<1024x1024xf32> to vector<8x1024xf32>
    %slice3A_918 = vector.extract_strided_slice %broadcast_in_dim3A {offsets = [656, 0], sizes = [8, 1], strides = [1, 1]} : vector<1024x1xf32> to vector<8x1xf32>
    %add3A_919 = vector.broadcast %broadcast_in_dim3A_19 : vector<1x1024xf32> to vector<8x1024xf32>
    %add3A_920 = vector.broadcast %slice3A_918 : vector<8x1xf32> to vector<8x1024xf32>
    %add3A_921 = arith.addf %add3A_919, %add3A_920 : vector<8x1024xf32>
    %sub3A_922 = arith.subf %add3A_921, %slice3A_917 : vector<8x1024xf32>
    %lt3A_923 = arith.cmpf olt, %sub3A_922, %select_n3A_913 : vector<8x1024xf32>
    %select_n3A_924 = arith.select %lt3A_923, %sub3A_922, %select_n3A_913 : vector<8x1024xi1>, vector<8x1024xf32>
    %jit3A_925 = arith.constant 82 : i32
    %broadcast_in_dim3A_926 = vector.broadcast %jit3A_925 : i32 to vector<8x1024xi32>
    %select_n3A_927 = arith.select %lt3A_923, %broadcast_in_dim3A_926, %select_n3A_916 : vector<8x1024xi1>, vector<8x1024xi32>
    %slice3A_928 = vector.extract_strided_slice %dot_general3A_22 {offsets = [664, 0], sizes = [8, 1024], strides = [1, 1]} : vector<1024x1024xf32> to vector<8x1024xf32>
    %slice3A_929 = vector.extract_strided_slice %broadcast_in_dim3A {offsets = [664, 0], sizes = [8, 1], strides = [1, 1]} : vector<1024x1xf32> to vector<8x1xf32>
    %add3A_930 = vector.broadcast %broadcast_in_dim3A_19 : vector<1x1024xf32> to vector<8x1024xf32>
    %add3A_931 = vector.broadcast %slice3A_929 : vector<8x1xf32> to vector<8x1024xf32>
    %add3A_932 = arith.addf %add3A_930, %add3A_931 : vector<8x1024xf32>
    %sub3A_933 = arith.subf %add3A_932, %slice3A_928 : vector<8x1024xf32>
    %lt3A_934 = arith.cmpf olt, %sub3A_933, %select_n3A_924 : vector<8x1024xf32>
    %select_n3A_935 = arith.select %lt3A_934, %sub3A_933, %select_n3A_924 : vector<8x1024xi1>, vector<8x1024xf32>
    %jit3A_936 = arith.constant 83 : i32
    %broadcast_in_dim3A_937 = vector.broadcast %jit3A_936 : i32 to vector<8x1024xi32>
    %select_n3A_938 = arith.select %lt3A_934, %broadcast_in_dim3A_937, %select_n3A_927 : vector<8x1024xi1>, vector<8x1024xi32>
    %slice3A_939 = vector.extract_strided_slice %dot_general3A_22 {offsets = [672, 0], sizes = [8, 1024], strides = [1, 1]} : vector<1024x1024xf32> to vector<8x1024xf32>
    %slice3A_940 = vector.extract_strided_slice %broadcast_in_dim3A {offsets = [672, 0], sizes = [8, 1], strides = [1, 1]} : vector<1024x1xf32> to vector<8x1xf32>
    %add3A_941 = vector.broadcast %broadcast_in_dim3A_19 : vector<1x1024xf32> to vector<8x1024xf32>
    %add3A_942 = vector.broadcast %slice3A_940 : vector<8x1xf32> to vector<8x1024xf32>
    %add3A_943 = arith.addf %add3A_941, %add3A_942 : vector<8x1024xf32>
    %sub3A_944 = arith.subf %add3A_943, %slice3A_939 : vector<8x1024xf32>
    %lt3A_945 = arith.cmpf olt, %sub3A_944, %select_n3A_935 : vector<8x1024xf32>
    %select_n3A_946 = arith.select %lt3A_945, %sub3A_944, %select_n3A_935 : vector<8x1024xi1>, vector<8x1024xf32>
    %jit3A_947 = arith.constant 84 : i32
    %broadcast_in_dim3A_948 = vector.broadcast %jit3A_947 : i32 to vector<8x1024xi32>
    %select_n3A_949 = arith.select %lt3A_945, %broadcast_in_dim3A_948, %select_n3A_938 : vector<8x1024xi1>, vector<8x1024xi32>
    %slice3A_950 = vector.extract_strided_slice %dot_general3A_22 {offsets = [680, 0], sizes = [8, 1024], strides = [1, 1]} : vector<1024x1024xf32> to vector<8x1024xf32>
    %slice3A_951 = vector.extract_strided_slice %broadcast_in_dim3A {offsets = [680, 0], sizes = [8, 1], strides = [1, 1]} : vector<1024x1xf32> to vector<8x1xf32>
    %add3A_952 = vector.broadcast %broadcast_in_dim3A_19 : vector<1x1024xf32> to vector<8x1024xf32>
    %add3A_953 = vector.broadcast %slice3A_951 : vector<8x1xf32> to vector<8x1024xf32>
    %add3A_954 = arith.addf %add3A_952, %add3A_953 : vector<8x1024xf32>
    %sub3A_955 = arith.subf %add3A_954, %slice3A_950 : vector<8x1024xf32>
    %lt3A_956 = arith.cmpf olt, %sub3A_955, %select_n3A_946 : vector<8x1024xf32>
    %select_n3A_957 = arith.select %lt3A_956, %sub3A_955, %select_n3A_946 : vector<8x1024xi1>, vector<8x1024xf32>
    %jit3A_958 = arith.constant 85 : i32
    %broadcast_in_dim3A_959 = vector.broadcast %jit3A_958 : i32 to vector<8x1024xi32>
    %select_n3A_960 = arith.select %lt3A_956, %broadcast_in_dim3A_959, %select_n3A_949 : vector<8x1024xi1>, vector<8x1024xi32>
    %slice3A_961 = vector.extract_strided_slice %dot_general3A_22 {offsets = [688, 0], sizes = [8, 1024], strides = [1, 1]} : vector<1024x1024xf32> to vector<8x1024xf32>
    %slice3A_962 = vector.extract_strided_slice %broadcast_in_dim3A {offsets = [688, 0], sizes = [8, 1], strides = [1, 1]} : vector<1024x1xf32> to vector<8x1xf32>
    %add3A_963 = vector.broadcast %broadcast_in_dim3A_19 : vector<1x1024xf32> to vector<8x1024xf32>
    %add3A_964 = vector.broadcast %slice3A_962 : vector<8x1xf32> to vector<8x1024xf32>
    %add3A_965 = arith.addf %add3A_963, %add3A_964 : vector<8x1024xf32>
    %sub3A_966 = arith.subf %add3A_965, %slice3A_961 : vector<8x1024xf32>
    %lt3A_967 = arith.cmpf olt, %sub3A_966, %select_n3A_957 : vector<8x1024xf32>
    %select_n3A_968 = arith.select %lt3A_967, %sub3A_966, %select_n3A_957 : vector<8x1024xi1>, vector<8x1024xf32>
    %jit3A_969 = arith.constant 86 : i32
    %broadcast_in_dim3A_970 = vector.broadcast %jit3A_969 : i32 to vector<8x1024xi32>
    %select_n3A_971 = arith.select %lt3A_967, %broadcast_in_dim3A_970, %select_n3A_960 : vector<8x1024xi1>, vector<8x1024xi32>
    %slice3A_972 = vector.extract_strided_slice %dot_general3A_22 {offsets = [696, 0], sizes = [8, 1024], strides = [1, 1]} : vector<1024x1024xf32> to vector<8x1024xf32>
    %slice3A_973 = vector.extract_strided_slice %broadcast_in_dim3A {offsets = [696, 0], sizes = [8, 1], strides = [1, 1]} : vector<1024x1xf32> to vector<8x1xf32>
    %add3A_974 = vector.broadcast %broadcast_in_dim3A_19 : vector<1x1024xf32> to vector<8x1024xf32>
    %add3A_975 = vector.broadcast %slice3A_973 : vector<8x1xf32> to vector<8x1024xf32>
    %add3A_976 = arith.addf %add3A_974, %add3A_975 : vector<8x1024xf32>
    %sub3A_977 = arith.subf %add3A_976, %slice3A_972 : vector<8x1024xf32>
    %lt3A_978 = arith.cmpf olt, %sub3A_977, %select_n3A_968 : vector<8x1024xf32>
    %select_n3A_979 = arith.select %lt3A_978, %sub3A_977, %select_n3A_968 : vector<8x1024xi1>, vector<8x1024xf32>
    %jit3A_980 = arith.constant 87 : i32
    %broadcast_in_dim3A_981 = vector.broadcast %jit3A_980 : i32 to vector<8x1024xi32>
    %select_n3A_982 = arith.select %lt3A_978, %broadcast_in_dim3A_981, %select_n3A_971 : vector<8x1024xi1>, vector<8x1024xi32>
    %slice3A_983 = vector.extract_strided_slice %dot_general3A_22 {offsets = [704, 0], sizes = [8, 1024], strides = [1, 1]} : vector<1024x1024xf32> to vector<8x1024xf32>
    %slice3A_984 = vector.extract_strided_slice %broadcast_in_dim3A {offsets = [704, 0], sizes = [8, 1], strides = [1, 1]} : vector<1024x1xf32> to vector<8x1xf32>
    %add3A_985 = vector.broadcast %broadcast_in_dim3A_19 : vector<1x1024xf32> to vector<8x1024xf32>
    %add3A_986 = vector.broadcast %slice3A_984 : vector<8x1xf32> to vector<8x1024xf32>
    %add3A_987 = arith.addf %add3A_985, %add3A_986 : vector<8x1024xf32>
    %sub3A_988 = arith.subf %add3A_987, %slice3A_983 : vector<8x1024xf32>
    %lt3A_989 = arith.cmpf olt, %sub3A_988, %select_n3A_979 : vector<8x1024xf32>
    %select_n3A_990 = arith.select %lt3A_989, %sub3A_988, %select_n3A_979 : vector<8x1024xi1>, vector<8x1024xf32>
    %jit3A_991 = arith.constant 88 : i32
    %broadcast_in_dim3A_992 = vector.broadcast %jit3A_991 : i32 to vector<8x1024xi32>
    %select_n3A_993 = arith.select %lt3A_989, %broadcast_in_dim3A_992, %select_n3A_982 : vector<8x1024xi1>, vector<8x1024xi32>
    %slice3A_994 = vector.extract_strided_slice %dot_general3A_22 {offsets = [712, 0], sizes = [8, 1024], strides = [1, 1]} : vector<1024x1024xf32> to vector<8x1024xf32>
    %slice3A_995 = vector.extract_strided_slice %broadcast_in_dim3A {offsets = [712, 0], sizes = [8, 1], strides = [1, 1]} : vector<1024x1xf32> to vector<8x1xf32>
    %add3A_996 = vector.broadcast %broadcast_in_dim3A_19 : vector<1x1024xf32> to vector<8x1024xf32>
    %add3A_997 = vector.broadcast %slice3A_995 : vector<8x1xf32> to vector<8x1024xf32>
    %add3A_998 = arith.addf %add3A_996, %add3A_997 : vector<8x1024xf32>
    %sub3A_999 = arith.subf %add3A_998, %slice3A_994 : vector<8x1024xf32>
    %lt3A_1000 = arith.cmpf olt, %sub3A_999, %select_n3A_990 : vector<8x1024xf32>
    %select_n3A_1001 = arith.select %lt3A_1000, %sub3A_999, %select_n3A_990 : vector<8x1024xi1>, vector<8x1024xf32>
    %jit3A_1002 = arith.constant 89 : i32
    %broadcast_in_dim3A_1003 = vector.broadcast %jit3A_1002 : i32 to vector<8x1024xi32>
    %select_n3A_1004 = arith.select %lt3A_1000, %broadcast_in_dim3A_1003, %select_n3A_993 : vector<8x1024xi1>, vector<8x1024xi32>
    %slice3A_1005 = vector.extract_strided_slice %dot_general3A_22 {offsets = [720, 0], sizes = [8, 1024], strides = [1, 1]} : vector<1024x1024xf32> to vector<8x1024xf32>
    %slice3A_1006 = vector.extract_strided_slice %broadcast_in_dim3A {offsets = [720, 0], sizes = [8, 1], strides = [1, 1]} : vector<1024x1xf32> to vector<8x1xf32>
    %add3A_1007 = vector.broadcast %broadcast_in_dim3A_19 : vector<1x1024xf32> to vector<8x1024xf32>
    %add3A_1008 = vector.broadcast %slice3A_1006 : vector<8x1xf32> to vector<8x1024xf32>
    %add3A_1009 = arith.addf %add3A_1007, %add3A_1008 : vector<8x1024xf32>
    %sub3A_1010 = arith.subf %add3A_1009, %slice3A_1005 : vector<8x1024xf32>
    %lt3A_1011 = arith.cmpf olt, %sub3A_1010, %select_n3A_1001 : vector<8x1024xf32>
    %select_n3A_1012 = arith.select %lt3A_1011, %sub3A_1010, %select_n3A_1001 : vector<8x1024xi1>, vector<8x1024xf32>
    %jit3A_1013 = arith.constant 90 : i32
    %broadcast_in_dim3A_1014 = vector.broadcast %jit3A_1013 : i32 to vector<8x1024xi32>
    %select_n3A_1015 = arith.select %lt3A_1011, %broadcast_in_dim3A_1014, %select_n3A_1004 : vector<8x1024xi1>, vector<8x1024xi32>
    %slice3A_1016 = vector.extract_strided_slice %dot_general3A_22 {offsets = [728, 0], sizes = [8, 1024], strides = [1, 1]} : vector<1024x1024xf32> to vector<8x1024xf32>
    %slice3A_1017 = vector.extract_strided_slice %broadcast_in_dim3A {offsets = [728, 0], sizes = [8, 1], strides = [1, 1]} : vector<1024x1xf32> to vector<8x1xf32>
    %add3A_1018 = vector.broadcast %broadcast_in_dim3A_19 : vector<1x1024xf32> to vector<8x1024xf32>
    %add3A_1019 = vector.broadcast %slice3A_1017 : vector<8x1xf32> to vector<8x1024xf32>
    %add3A_1020 = arith.addf %add3A_1018, %add3A_1019 : vector<8x1024xf32>
    %sub3A_1021 = arith.subf %add3A_1020, %slice3A_1016 : vector<8x1024xf32>
    %lt3A_1022 = arith.cmpf olt, %sub3A_1021, %select_n3A_1012 : vector<8x1024xf32>
    %select_n3A_1023 = arith.select %lt3A_1022, %sub3A_1021, %select_n3A_1012 : vector<8x1024xi1>, vector<8x1024xf32>
    %jit3A_1024 = arith.constant 91 : i32
    %broadcast_in_dim3A_1025 = vector.broadcast %jit3A_1024 : i32 to vector<8x1024xi32>
    %select_n3A_1026 = arith.select %lt3A_1022, %broadcast_in_dim3A_1025, %select_n3A_1015 : vector<8x1024xi1>, vector<8x1024xi32>
    %slice3A_1027 = vector.extract_strided_slice %dot_general3A_22 {offsets = [736, 0], sizes = [8, 1024], strides = [1, 1]} : vector<1024x1024xf32> to vector<8x1024xf32>
    %slice3A_1028 = vector.extract_strided_slice %broadcast_in_dim3A {offsets = [736, 0], sizes = [8, 1], strides = [1, 1]} : vector<1024x1xf32> to vector<8x1xf32>
    %add3A_1029 = vector.broadcast %broadcast_in_dim3A_19 : vector<1x1024xf32> to vector<8x1024xf32>
    %add3A_1030 = vector.broadcast %slice3A_1028 : vector<8x1xf32> to vector<8x1024xf32>
    %add3A_1031 = arith.addf %add3A_1029, %add3A_1030 : vector<8x1024xf32>
    %sub3A_1032 = arith.subf %add3A_1031, %slice3A_1027 : vector<8x1024xf32>
    %lt3A_1033 = arith.cmpf olt, %sub3A_1032, %select_n3A_1023 : vector<8x1024xf32>
    %select_n3A_1034 = arith.select %lt3A_1033, %sub3A_1032, %select_n3A_1023 : vector<8x1024xi1>, vector<8x1024xf32>
    %jit3A_1035 = arith.constant 92 : i32
    %broadcast_in_dim3A_1036 = vector.broadcast %jit3A_1035 : i32 to vector<8x1024xi32>
    %select_n3A_1037 = arith.select %lt3A_1033, %broadcast_in_dim3A_1036, %select_n3A_1026 : vector<8x1024xi1>, vector<8x1024xi32>
    %slice3A_1038 = vector.extract_strided_slice %dot_general3A_22 {offsets = [744, 0], sizes = [8, 1024], strides = [1, 1]} : vector<1024x1024xf32> to vector<8x1024xf32>
    %slice3A_1039 = vector.extract_strided_slice %broadcast_in_dim3A {offsets = [744, 0], sizes = [8, 1], strides = [1, 1]} : vector<1024x1xf32> to vector<8x1xf32>
    %add3A_1040 = vector.broadcast %broadcast_in_dim3A_19 : vector<1x1024xf32> to vector<8x1024xf32>
    %add3A_1041 = vector.broadcast %slice3A_1039 : vector<8x1xf32> to vector<8x1024xf32>
    %add3A_1042 = arith.addf %add3A_1040, %add3A_1041 : vector<8x1024xf32>
    %sub3A_1043 = arith.subf %add3A_1042, %slice3A_1038 : vector<8x1024xf32>
    %lt3A_1044 = arith.cmpf olt, %sub3A_1043, %select_n3A_1034 : vector<8x1024xf32>
    %select_n3A_1045 = arith.select %lt3A_1044, %sub3A_1043, %select_n3A_1034 : vector<8x1024xi1>, vector<8x1024xf32>
    %jit3A_1046 = arith.constant 93 : i32
    %broadcast_in_dim3A_1047 = vector.broadcast %jit3A_1046 : i32 to vector<8x1024xi32>
    %select_n3A_1048 = arith.select %lt3A_1044, %broadcast_in_dim3A_1047, %select_n3A_1037 : vector<8x1024xi1>, vector<8x1024xi32>
    %slice3A_1049 = vector.extract_strided_slice %dot_general3A_22 {offsets = [752, 0], sizes = [8, 1024], strides = [1, 1]} : vector<1024x1024xf32> to vector<8x1024xf32>
    %slice3A_1050 = vector.extract_strided_slice %broadcast_in_dim3A {offsets = [752, 0], sizes = [8, 1], strides = [1, 1]} : vector<1024x1xf32> to vector<8x1xf32>
    %add3A_1051 = vector.broadcast %broadcast_in_dim3A_19 : vector<1x1024xf32> to vector<8x1024xf32>
    %add3A_1052 = vector.broadcast %slice3A_1050 : vector<8x1xf32> to vector<8x1024xf32>
    %add3A_1053 = arith.addf %add3A_1051, %add3A_1052 : vector<8x1024xf32>
    %sub3A_1054 = arith.subf %add3A_1053, %slice3A_1049 : vector<8x1024xf32>
    %lt3A_1055 = arith.cmpf olt, %sub3A_1054, %select_n3A_1045 : vector<8x1024xf32>
    %select_n3A_1056 = arith.select %lt3A_1055, %sub3A_1054, %select_n3A_1045 : vector<8x1024xi1>, vector<8x1024xf32>
    %jit3A_1057 = arith.constant 94 : i32
    %broadcast_in_dim3A_1058 = vector.broadcast %jit3A_1057 : i32 to vector<8x1024xi32>
    %select_n3A_1059 = arith.select %lt3A_1055, %broadcast_in_dim3A_1058, %select_n3A_1048 : vector<8x1024xi1>, vector<8x1024xi32>
    %slice3A_1060 = vector.extract_strided_slice %dot_general3A_22 {offsets = [760, 0], sizes = [8, 1024], strides = [1, 1]} : vector<1024x1024xf32> to vector<8x1024xf32>
    %slice3A_1061 = vector.extract_strided_slice %broadcast_in_dim3A {offsets = [760, 0], sizes = [8, 1], strides = [1, 1]} : vector<1024x1xf32> to vector<8x1xf32>
    %add3A_1062 = vector.broadcast %broadcast_in_dim3A_19 : vector<1x1024xf32> to vector<8x1024xf32>
    %add3A_1063 = vector.broadcast %slice3A_1061 : vector<8x1xf32> to vector<8x1024xf32>
    %add3A_1064 = arith.addf %add3A_1062, %add3A_1063 : vector<8x1024xf32>
    %sub3A_1065 = arith.subf %add3A_1064, %slice3A_1060 : vector<8x1024xf32>
    %lt3A_1066 = arith.cmpf olt, %sub3A_1065, %select_n3A_1056 : vector<8x1024xf32>
    %select_n3A_1067 = arith.select %lt3A_1066, %sub3A_1065, %select_n3A_1056 : vector<8x1024xi1>, vector<8x1024xf32>
    %jit3A_1068 = arith.constant 95 : i32
    %broadcast_in_dim3A_1069 = vector.broadcast %jit3A_1068 : i32 to vector<8x1024xi32>
    %select_n3A_1070 = arith.select %lt3A_1066, %broadcast_in_dim3A_1069, %select_n3A_1059 : vector<8x1024xi1>, vector<8x1024xi32>
    %slice3A_1071 = vector.extract_strided_slice %dot_general3A_22 {offsets = [768, 0], sizes = [8, 1024], strides = [1, 1]} : vector<1024x1024xf32> to vector<8x1024xf32>
    %slice3A_1072 = vector.extract_strided_slice %broadcast_in_dim3A {offsets = [768, 0], sizes = [8, 1], strides = [1, 1]} : vector<1024x1xf32> to vector<8x1xf32>
    %add3A_1073 = vector.broadcast %broadcast_in_dim3A_19 : vector<1x1024xf32> to vector<8x1024xf32>
    %add3A_1074 = vector.broadcast %slice3A_1072 : vector<8x1xf32> to vector<8x1024xf32>
    %add3A_1075 = arith.addf %add3A_1073, %add3A_1074 : vector<8x1024xf32>
    %sub3A_1076 = arith.subf %add3A_1075, %slice3A_1071 : vector<8x1024xf32>
    %lt3A_1077 = arith.cmpf olt, %sub3A_1076, %select_n3A_1067 : vector<8x1024xf32>
    %select_n3A_1078 = arith.select %lt3A_1077, %sub3A_1076, %select_n3A_1067 : vector<8x1024xi1>, vector<8x1024xf32>
    %jit3A_1079 = arith.constant 96 : i32
    %broadcast_in_dim3A_1080 = vector.broadcast %jit3A_1079 : i32 to vector<8x1024xi32>
    %select_n3A_1081 = arith.select %lt3A_1077, %broadcast_in_dim3A_1080, %select_n3A_1070 : vector<8x1024xi1>, vector<8x1024xi32>
    %slice3A_1082 = vector.extract_strided_slice %dot_general3A_22 {offsets = [776, 0], sizes = [8, 1024], strides = [1, 1]} : vector<1024x1024xf32> to vector<8x1024xf32>
    %slice3A_1083 = vector.extract_strided_slice %broadcast_in_dim3A {offsets = [776, 0], sizes = [8, 1], strides = [1, 1]} : vector<1024x1xf32> to vector<8x1xf32>
    %add3A_1084 = vector.broadcast %broadcast_in_dim3A_19 : vector<1x1024xf32> to vector<8x1024xf32>
    %add3A_1085 = vector.broadcast %slice3A_1083 : vector<8x1xf32> to vector<8x1024xf32>
    %add3A_1086 = arith.addf %add3A_1084, %add3A_1085 : vector<8x1024xf32>
    %sub3A_1087 = arith.subf %add3A_1086, %slice3A_1082 : vector<8x1024xf32>
    %lt3A_1088 = arith.cmpf olt, %sub3A_1087, %select_n3A_1078 : vector<8x1024xf32>
    %select_n3A_1089 = arith.select %lt3A_1088, %sub3A_1087, %select_n3A_1078 : vector<8x1024xi1>, vector<8x1024xf32>
    %jit3A_1090 = arith.constant 97 : i32
    %broadcast_in_dim3A_1091 = vector.broadcast %jit3A_1090 : i32 to vector<8x1024xi32>
    %select_n3A_1092 = arith.select %lt3A_1088, %broadcast_in_dim3A_1091, %select_n3A_1081 : vector<8x1024xi1>, vector<8x1024xi32>
    %slice3A_1093 = vector.extract_strided_slice %dot_general3A_22 {offsets = [784, 0], sizes = [8, 1024], strides = [1, 1]} : vector<1024x1024xf32> to vector<8x1024xf32>
    %slice3A_1094 = vector.extract_strided_slice %broadcast_in_dim3A {offsets = [784, 0], sizes = [8, 1], strides = [1, 1]} : vector<1024x1xf32> to vector<8x1xf32>
    %add3A_1095 = vector.broadcast %broadcast_in_dim3A_19 : vector<1x1024xf32> to vector<8x1024xf32>
    %add3A_1096 = vector.broadcast %slice3A_1094 : vector<8x1xf32> to vector<8x1024xf32>
    %add3A_1097 = arith.addf %add3A_1095, %add3A_1096 : vector<8x1024xf32>
    %sub3A_1098 = arith.subf %add3A_1097, %slice3A_1093 : vector<8x1024xf32>
    %lt3A_1099 = arith.cmpf olt, %sub3A_1098, %select_n3A_1089 : vector<8x1024xf32>
    %select_n3A_1100 = arith.select %lt3A_1099, %sub3A_1098, %select_n3A_1089 : vector<8x1024xi1>, vector<8x1024xf32>
    %jit3A_1101 = arith.constant 98 : i32
    %broadcast_in_dim3A_1102 = vector.broadcast %jit3A_1101 : i32 to vector<8x1024xi32>
    %select_n3A_1103 = arith.select %lt3A_1099, %broadcast_in_dim3A_1102, %select_n3A_1092 : vector<8x1024xi1>, vector<8x1024xi32>
    %slice3A_1104 = vector.extract_strided_slice %dot_general3A_22 {offsets = [792, 0], sizes = [8, 1024], strides = [1, 1]} : vector<1024x1024xf32> to vector<8x1024xf32>
    %slice3A_1105 = vector.extract_strided_slice %broadcast_in_dim3A {offsets = [792, 0], sizes = [8, 1], strides = [1, 1]} : vector<1024x1xf32> to vector<8x1xf32>
    %add3A_1106 = vector.broadcast %broadcast_in_dim3A_19 : vector<1x1024xf32> to vector<8x1024xf32>
    %add3A_1107 = vector.broadcast %slice3A_1105 : vector<8x1xf32> to vector<8x1024xf32>
    %add3A_1108 = arith.addf %add3A_1106, %add3A_1107 : vector<8x1024xf32>
    %sub3A_1109 = arith.subf %add3A_1108, %slice3A_1104 : vector<8x1024xf32>
    %lt3A_1110 = arith.cmpf olt, %sub3A_1109, %select_n3A_1100 : vector<8x1024xf32>
    %select_n3A_1111 = arith.select %lt3A_1110, %sub3A_1109, %select_n3A_1100 : vector<8x1024xi1>, vector<8x1024xf32>
    %jit3A_1112 = arith.constant 99 : i32
    %broadcast_in_dim3A_1113 = vector.broadcast %jit3A_1112 : i32 to vector<8x1024xi32>
    %select_n3A_1114 = arith.select %lt3A_1110, %broadcast_in_dim3A_1113, %select_n3A_1103 : vector<8x1024xi1>, vector<8x1024xi32>
    %slice3A_1115 = vector.extract_strided_slice %dot_general3A_22 {offsets = [800, 0], sizes = [8, 1024], strides = [1, 1]} : vector<1024x1024xf32> to vector<8x1024xf32>
    %slice3A_1116 = vector.extract_strided_slice %broadcast_in_dim3A {offsets = [800, 0], sizes = [8, 1], strides = [1, 1]} : vector<1024x1xf32> to vector<8x1xf32>
    %add3A_1117 = vector.broadcast %broadcast_in_dim3A_19 : vector<1x1024xf32> to vector<8x1024xf32>
    %add3A_1118 = vector.broadcast %slice3A_1116 : vector<8x1xf32> to vector<8x1024xf32>
    %add3A_1119 = arith.addf %add3A_1117, %add3A_1118 : vector<8x1024xf32>
    %sub3A_1120 = arith.subf %add3A_1119, %slice3A_1115 : vector<8x1024xf32>
    %lt3A_1121 = arith.cmpf olt, %sub3A_1120, %select_n3A_1111 : vector<8x1024xf32>
    %select_n3A_1122 = arith.select %lt3A_1121, %sub3A_1120, %select_n3A_1111 : vector<8x1024xi1>, vector<8x1024xf32>
    %jit3A_1123 = arith.constant 100 : i32
    %broadcast_in_dim3A_1124 = vector.broadcast %jit3A_1123 : i32 to vector<8x1024xi32>
    %select_n3A_1125 = arith.select %lt3A_1121, %broadcast_in_dim3A_1124, %select_n3A_1114 : vector<8x1024xi1>, vector<8x1024xi32>
    %slice3A_1126 = vector.extract_strided_slice %dot_general3A_22 {offsets = [808, 0], sizes = [8, 1024], strides = [1, 1]} : vector<1024x1024xf32> to vector<8x1024xf32>
    %slice3A_1127 = vector.extract_strided_slice %broadcast_in_dim3A {offsets = [808, 0], sizes = [8, 1], strides = [1, 1]} : vector<1024x1xf32> to vector<8x1xf32>
    %add3A_1128 = vector.broadcast %broadcast_in_dim3A_19 : vector<1x1024xf32> to vector<8x1024xf32>
    %add3A_1129 = vector.broadcast %slice3A_1127 : vector<8x1xf32> to vector<8x1024xf32>
    %add3A_1130 = arith.addf %add3A_1128, %add3A_1129 : vector<8x1024xf32>
    %sub3A_1131 = arith.subf %add3A_1130, %slice3A_1126 : vector<8x1024xf32>
    %lt3A_1132 = arith.cmpf olt, %sub3A_1131, %select_n3A_1122 : vector<8x1024xf32>
    %select_n3A_1133 = arith.select %lt3A_1132, %sub3A_1131, %select_n3A_1122 : vector<8x1024xi1>, vector<8x1024xf32>
    %jit3A_1134 = arith.constant 101 : i32
    %broadcast_in_dim3A_1135 = vector.broadcast %jit3A_1134 : i32 to vector<8x1024xi32>
    %select_n3A_1136 = arith.select %lt3A_1132, %broadcast_in_dim3A_1135, %select_n3A_1125 : vector<8x1024xi1>, vector<8x1024xi32>
    %slice3A_1137 = vector.extract_strided_slice %dot_general3A_22 {offsets = [816, 0], sizes = [8, 1024], strides = [1, 1]} : vector<1024x1024xf32> to vector<8x1024xf32>
    %slice3A_1138 = vector.extract_strided_slice %broadcast_in_dim3A {offsets = [816, 0], sizes = [8, 1], strides = [1, 1]} : vector<1024x1xf32> to vector<8x1xf32>
    %add3A_1139 = vector.broadcast %broadcast_in_dim3A_19 : vector<1x1024xf32> to vector<8x1024xf32>
    %add3A_1140 = vector.broadcast %slice3A_1138 : vector<8x1xf32> to vector<8x1024xf32>
    %add3A_1141 = arith.addf %add3A_1139, %add3A_1140 : vector<8x1024xf32>
    %sub3A_1142 = arith.subf %add3A_1141, %slice3A_1137 : vector<8x1024xf32>
    %lt3A_1143 = arith.cmpf olt, %sub3A_1142, %select_n3A_1133 : vector<8x1024xf32>
    %select_n3A_1144 = arith.select %lt3A_1143, %sub3A_1142, %select_n3A_1133 : vector<8x1024xi1>, vector<8x1024xf32>
    %jit3A_1145 = arith.constant 102 : i32
    %broadcast_in_dim3A_1146 = vector.broadcast %jit3A_1145 : i32 to vector<8x1024xi32>
    %select_n3A_1147 = arith.select %lt3A_1143, %broadcast_in_dim3A_1146, %select_n3A_1136 : vector<8x1024xi1>, vector<8x1024xi32>
    %slice3A_1148 = vector.extract_strided_slice %dot_general3A_22 {offsets = [824, 0], sizes = [8, 1024], strides = [1, 1]} : vector<1024x1024xf32> to vector<8x1024xf32>
    %slice3A_1149 = vector.extract_strided_slice %broadcast_in_dim3A {offsets = [824, 0], sizes = [8, 1], strides = [1, 1]} : vector<1024x1xf32> to vector<8x1xf32>
    %add3A_1150 = vector.broadcast %broadcast_in_dim3A_19 : vector<1x1024xf32> to vector<8x1024xf32>
    %add3A_1151 = vector.broadcast %slice3A_1149 : vector<8x1xf32> to vector<8x1024xf32>
    %add3A_1152 = arith.addf %add3A_1150, %add3A_1151 : vector<8x1024xf32>
    %sub3A_1153 = arith.subf %add3A_1152, %slice3A_1148 : vector<8x1024xf32>
    %lt3A_1154 = arith.cmpf olt, %sub3A_1153, %select_n3A_1144 : vector<8x1024xf32>
    %select_n3A_1155 = arith.select %lt3A_1154, %sub3A_1153, %select_n3A_1144 : vector<8x1024xi1>, vector<8x1024xf32>
    %jit3A_1156 = arith.constant 103 : i32
    %broadcast_in_dim3A_1157 = vector.broadcast %jit3A_1156 : i32 to vector<8x1024xi32>
    %select_n3A_1158 = arith.select %lt3A_1154, %broadcast_in_dim3A_1157, %select_n3A_1147 : vector<8x1024xi1>, vector<8x1024xi32>
    %slice3A_1159 = vector.extract_strided_slice %dot_general3A_22 {offsets = [832, 0], sizes = [8, 1024], strides = [1, 1]} : vector<1024x1024xf32> to vector<8x1024xf32>
    %slice3A_1160 = vector.extract_strided_slice %broadcast_in_dim3A {offsets = [832, 0], sizes = [8, 1], strides = [1, 1]} : vector<1024x1xf32> to vector<8x1xf32>
    %add3A_1161 = vector.broadcast %broadcast_in_dim3A_19 : vector<1x1024xf32> to vector<8x1024xf32>
    %add3A_1162 = vector.broadcast %slice3A_1160 : vector<8x1xf32> to vector<8x1024xf32>
    %add3A_1163 = arith.addf %add3A_1161, %add3A_1162 : vector<8x1024xf32>
    %sub3A_1164 = arith.subf %add3A_1163, %slice3A_1159 : vector<8x1024xf32>
    %lt3A_1165 = arith.cmpf olt, %sub3A_1164, %select_n3A_1155 : vector<8x1024xf32>
    %select_n3A_1166 = arith.select %lt3A_1165, %sub3A_1164, %select_n3A_1155 : vector<8x1024xi1>, vector<8x1024xf32>
    %jit3A_1167 = arith.constant 104 : i32
    %broadcast_in_dim3A_1168 = vector.broadcast %jit3A_1167 : i32 to vector<8x1024xi32>
    %select_n3A_1169 = arith.select %lt3A_1165, %broadcast_in_dim3A_1168, %select_n3A_1158 : vector<8x1024xi1>, vector<8x1024xi32>
    %slice3A_1170 = vector.extract_strided_slice %dot_general3A_22 {offsets = [840, 0], sizes = [8, 1024], strides = [1, 1]} : vector<1024x1024xf32> to vector<8x1024xf32>
    %slice3A_1171 = vector.extract_strided_slice %broadcast_in_dim3A {offsets = [840, 0], sizes = [8, 1], strides = [1, 1]} : vector<1024x1xf32> to vector<8x1xf32>
    %add3A_1172 = vector.broadcast %broadcast_in_dim3A_19 : vector<1x1024xf32> to vector<8x1024xf32>
    %add3A_1173 = vector.broadcast %slice3A_1171 : vector<8x1xf32> to vector<8x1024xf32>
    %add3A_1174 = arith.addf %add3A_1172, %add3A_1173 : vector<8x1024xf32>
    %sub3A_1175 = arith.subf %add3A_1174, %slice3A_1170 : vector<8x1024xf32>
    %lt3A_1176 = arith.cmpf olt, %sub3A_1175, %select_n3A_1166 : vector<8x1024xf32>
    %select_n3A_1177 = arith.select %lt3A_1176, %sub3A_1175, %select_n3A_1166 : vector<8x1024xi1>, vector<8x1024xf32>
    %jit3A_1178 = arith.constant 105 : i32
    %broadcast_in_dim3A_1179 = vector.broadcast %jit3A_1178 : i32 to vector<8x1024xi32>
    %select_n3A_1180 = arith.select %lt3A_1176, %broadcast_in_dim3A_1179, %select_n3A_1169 : vector<8x1024xi1>, vector<8x1024xi32>
    %slice3A_1181 = vector.extract_strided_slice %dot_general3A_22 {offsets = [848, 0], sizes = [8, 1024], strides = [1, 1]} : vector<1024x1024xf32> to vector<8x1024xf32>
    %slice3A_1182 = vector.extract_strided_slice %broadcast_in_dim3A {offsets = [848, 0], sizes = [8, 1], strides = [1, 1]} : vector<1024x1xf32> to vector<8x1xf32>
    %add3A_1183 = vector.broadcast %broadcast_in_dim3A_19 : vector<1x1024xf32> to vector<8x1024xf32>
    %add3A_1184 = vector.broadcast %slice3A_1182 : vector<8x1xf32> to vector<8x1024xf32>
    %add3A_1185 = arith.addf %add3A_1183, %add3A_1184 : vector<8x1024xf32>
    %sub3A_1186 = arith.subf %add3A_1185, %slice3A_1181 : vector<8x1024xf32>
    %lt3A_1187 = arith.cmpf olt, %sub3A_1186, %select_n3A_1177 : vector<8x1024xf32>
    %select_n3A_1188 = arith.select %lt3A_1187, %sub3A_1186, %select_n3A_1177 : vector<8x1024xi1>, vector<8x1024xf32>
    %jit3A_1189 = arith.constant 106 : i32
    %broadcast_in_dim3A_1190 = vector.broadcast %jit3A_1189 : i32 to vector<8x1024xi32>
    %select_n3A_1191 = arith.select %lt3A_1187, %broadcast_in_dim3A_1190, %select_n3A_1180 : vector<8x1024xi1>, vector<8x1024xi32>
    %slice3A_1192 = vector.extract_strided_slice %dot_general3A_22 {offsets = [856, 0], sizes = [8, 1024], strides = [1, 1]} : vector<1024x1024xf32> to vector<8x1024xf32>
    %slice3A_1193 = vector.extract_strided_slice %broadcast_in_dim3A {offsets = [856, 0], sizes = [8, 1], strides = [1, 1]} : vector<1024x1xf32> to vector<8x1xf32>
    %add3A_1194 = vector.broadcast %broadcast_in_dim3A_19 : vector<1x1024xf32> to vector<8x1024xf32>
    %add3A_1195 = vector.broadcast %slice3A_1193 : vector<8x1xf32> to vector<8x1024xf32>
    %add3A_1196 = arith.addf %add3A_1194, %add3A_1195 : vector<8x1024xf32>
    %sub3A_1197 = arith.subf %add3A_1196, %slice3A_1192 : vector<8x1024xf32>
    %lt3A_1198 = arith.cmpf olt, %sub3A_1197, %select_n3A_1188 : vector<8x1024xf32>
    %select_n3A_1199 = arith.select %lt3A_1198, %sub3A_1197, %select_n3A_1188 : vector<8x1024xi1>, vector<8x1024xf32>
    %jit3A_1200 = arith.constant 107 : i32
    %broadcast_in_dim3A_1201 = vector.broadcast %jit3A_1200 : i32 to vector<8x1024xi32>
    %select_n3A_1202 = arith.select %lt3A_1198, %broadcast_in_dim3A_1201, %select_n3A_1191 : vector<8x1024xi1>, vector<8x1024xi32>
    %slice3A_1203 = vector.extract_strided_slice %dot_general3A_22 {offsets = [864, 0], sizes = [8, 1024], strides = [1, 1]} : vector<1024x1024xf32> to vector<8x1024xf32>
    %slice3A_1204 = vector.extract_strided_slice %broadcast_in_dim3A {offsets = [864, 0], sizes = [8, 1], strides = [1, 1]} : vector<1024x1xf32> to vector<8x1xf32>
    %add3A_1205 = vector.broadcast %broadcast_in_dim3A_19 : vector<1x1024xf32> to vector<8x1024xf32>
    %add3A_1206 = vector.broadcast %slice3A_1204 : vector<8x1xf32> to vector<8x1024xf32>
    %add3A_1207 = arith.addf %add3A_1205, %add3A_1206 : vector<8x1024xf32>
    %sub3A_1208 = arith.subf %add3A_1207, %slice3A_1203 : vector<8x1024xf32>
    %lt3A_1209 = arith.cmpf olt, %sub3A_1208, %select_n3A_1199 : vector<8x1024xf32>
    %select_n3A_1210 = arith.select %lt3A_1209, %sub3A_1208, %select_n3A_1199 : vector<8x1024xi1>, vector<8x1024xf32>
    %jit3A_1211 = arith.constant 108 : i32
    %broadcast_in_dim3A_1212 = vector.broadcast %jit3A_1211 : i32 to vector<8x1024xi32>
    %select_n3A_1213 = arith.select %lt3A_1209, %broadcast_in_dim3A_1212, %select_n3A_1202 : vector<8x1024xi1>, vector<8x1024xi32>
    %slice3A_1214 = vector.extract_strided_slice %dot_general3A_22 {offsets = [872, 0], sizes = [8, 1024], strides = [1, 1]} : vector<1024x1024xf32> to vector<8x1024xf32>
    %slice3A_1215 = vector.extract_strided_slice %broadcast_in_dim3A {offsets = [872, 0], sizes = [8, 1], strides = [1, 1]} : vector<1024x1xf32> to vector<8x1xf32>
    %add3A_1216 = vector.broadcast %broadcast_in_dim3A_19 : vector<1x1024xf32> to vector<8x1024xf32>
    %add3A_1217 = vector.broadcast %slice3A_1215 : vector<8x1xf32> to vector<8x1024xf32>
    %add3A_1218 = arith.addf %add3A_1216, %add3A_1217 : vector<8x1024xf32>
    %sub3A_1219 = arith.subf %add3A_1218, %slice3A_1214 : vector<8x1024xf32>
    %lt3A_1220 = arith.cmpf olt, %sub3A_1219, %select_n3A_1210 : vector<8x1024xf32>
    %select_n3A_1221 = arith.select %lt3A_1220, %sub3A_1219, %select_n3A_1210 : vector<8x1024xi1>, vector<8x1024xf32>
    %jit3A_1222 = arith.constant 109 : i32
    %broadcast_in_dim3A_1223 = vector.broadcast %jit3A_1222 : i32 to vector<8x1024xi32>
    %select_n3A_1224 = arith.select %lt3A_1220, %broadcast_in_dim3A_1223, %select_n3A_1213 : vector<8x1024xi1>, vector<8x1024xi32>
    %slice3A_1225 = vector.extract_strided_slice %dot_general3A_22 {offsets = [880, 0], sizes = [8, 1024], strides = [1, 1]} : vector<1024x1024xf32> to vector<8x1024xf32>
    %slice3A_1226 = vector.extract_strided_slice %broadcast_in_dim3A {offsets = [880, 0], sizes = [8, 1], strides = [1, 1]} : vector<1024x1xf32> to vector<8x1xf32>
    %add3A_1227 = vector.broadcast %broadcast_in_dim3A_19 : vector<1x1024xf32> to vector<8x1024xf32>
    %add3A_1228 = vector.broadcast %slice3A_1226 : vector<8x1xf32> to vector<8x1024xf32>
    %add3A_1229 = arith.addf %add3A_1227, %add3A_1228 : vector<8x1024xf32>
    %sub3A_1230 = arith.subf %add3A_1229, %slice3A_1225 : vector<8x1024xf32>
    %lt3A_1231 = arith.cmpf olt, %sub3A_1230, %select_n3A_1221 : vector<8x1024xf32>
    %select_n3A_1232 = arith.select %lt3A_1231, %sub3A_1230, %select_n3A_1221 : vector<8x1024xi1>, vector<8x1024xf32>
    %jit3A_1233 = arith.constant 110 : i32
    %broadcast_in_dim3A_1234 = vector.broadcast %jit3A_1233 : i32 to vector<8x1024xi32>
    %select_n3A_1235 = arith.select %lt3A_1231, %broadcast_in_dim3A_1234, %select_n3A_1224 : vector<8x1024xi1>, vector<8x1024xi32>
    %slice3A_1236 = vector.extract_strided_slice %dot_general3A_22 {offsets = [888, 0], sizes = [8, 1024], strides = [1, 1]} : vector<1024x1024xf32> to vector<8x1024xf32>
    %slice3A_1237 = vector.extract_strided_slice %broadcast_in_dim3A {offsets = [888, 0], sizes = [8, 1], strides = [1, 1]} : vector<1024x1xf32> to vector<8x1xf32>
    %add3A_1238 = vector.broadcast %broadcast_in_dim3A_19 : vector<1x1024xf32> to vector<8x1024xf32>
    %add3A_1239 = vector.broadcast %slice3A_1237 : vector<8x1xf32> to vector<8x1024xf32>
    %add3A_1240 = arith.addf %add3A_1238, %add3A_1239 : vector<8x1024xf32>
    %sub3A_1241 = arith.subf %add3A_1240, %slice3A_1236 : vector<8x1024xf32>
    %lt3A_1242 = arith.cmpf olt, %sub3A_1241, %select_n3A_1232 : vector<8x1024xf32>
    %select_n3A_1243 = arith.select %lt3A_1242, %sub3A_1241, %select_n3A_1232 : vector<8x1024xi1>, vector<8x1024xf32>
    %jit3A_1244 = arith.constant 111 : i32
    %broadcast_in_dim3A_1245 = vector.broadcast %jit3A_1244 : i32 to vector<8x1024xi32>
    %select_n3A_1246 = arith.select %lt3A_1242, %broadcast_in_dim3A_1245, %select_n3A_1235 : vector<8x1024xi1>, vector<8x1024xi32>
    %slice3A_1247 = vector.extract_strided_slice %dot_general3A_22 {offsets = [896, 0], sizes = [8, 1024], strides = [1, 1]} : vector<1024x1024xf32> to vector<8x1024xf32>
    %slice3A_1248 = vector.extract_strided_slice %broadcast_in_dim3A {offsets = [896, 0], sizes = [8, 1], strides = [1, 1]} : vector<1024x1xf32> to vector<8x1xf32>
    %add3A_1249 = vector.broadcast %broadcast_in_dim3A_19 : vector<1x1024xf32> to vector<8x1024xf32>
    %add3A_1250 = vector.broadcast %slice3A_1248 : vector<8x1xf32> to vector<8x1024xf32>
    %add3A_1251 = arith.addf %add3A_1249, %add3A_1250 : vector<8x1024xf32>
    %sub3A_1252 = arith.subf %add3A_1251, %slice3A_1247 : vector<8x1024xf32>
    %lt3A_1253 = arith.cmpf olt, %sub3A_1252, %select_n3A_1243 : vector<8x1024xf32>
    %select_n3A_1254 = arith.select %lt3A_1253, %sub3A_1252, %select_n3A_1243 : vector<8x1024xi1>, vector<8x1024xf32>
    %jit3A_1255 = arith.constant 112 : i32
    %broadcast_in_dim3A_1256 = vector.broadcast %jit3A_1255 : i32 to vector<8x1024xi32>
    %select_n3A_1257 = arith.select %lt3A_1253, %broadcast_in_dim3A_1256, %select_n3A_1246 : vector<8x1024xi1>, vector<8x1024xi32>
    %slice3A_1258 = vector.extract_strided_slice %dot_general3A_22 {offsets = [904, 0], sizes = [8, 1024], strides = [1, 1]} : vector<1024x1024xf32> to vector<8x1024xf32>
    %slice3A_1259 = vector.extract_strided_slice %broadcast_in_dim3A {offsets = [904, 0], sizes = [8, 1], strides = [1, 1]} : vector<1024x1xf32> to vector<8x1xf32>
    %add3A_1260 = vector.broadcast %broadcast_in_dim3A_19 : vector<1x1024xf32> to vector<8x1024xf32>
    %add3A_1261 = vector.broadcast %slice3A_1259 : vector<8x1xf32> to vector<8x1024xf32>
    %add3A_1262 = arith.addf %add3A_1260, %add3A_1261 : vector<8x1024xf32>
    %sub3A_1263 = arith.subf %add3A_1262, %slice3A_1258 : vector<8x1024xf32>
    %lt3A_1264 = arith.cmpf olt, %sub3A_1263, %select_n3A_1254 : vector<8x1024xf32>
    %select_n3A_1265 = arith.select %lt3A_1264, %sub3A_1263, %select_n3A_1254 : vector<8x1024xi1>, vector<8x1024xf32>
    %jit3A_1266 = arith.constant 113 : i32
    %broadcast_in_dim3A_1267 = vector.broadcast %jit3A_1266 : i32 to vector<8x1024xi32>
    %select_n3A_1268 = arith.select %lt3A_1264, %broadcast_in_dim3A_1267, %select_n3A_1257 : vector<8x1024xi1>, vector<8x1024xi32>
    %slice3A_1269 = vector.extract_strided_slice %dot_general3A_22 {offsets = [912, 0], sizes = [8, 1024], strides = [1, 1]} : vector<1024x1024xf32> to vector<8x1024xf32>
    %slice3A_1270 = vector.extract_strided_slice %broadcast_in_dim3A {offsets = [912, 0], sizes = [8, 1], strides = [1, 1]} : vector<1024x1xf32> to vector<8x1xf32>
    %add3A_1271 = vector.broadcast %broadcast_in_dim3A_19 : vector<1x1024xf32> to vector<8x1024xf32>
    %add3A_1272 = vector.broadcast %slice3A_1270 : vector<8x1xf32> to vector<8x1024xf32>
    %add3A_1273 = arith.addf %add3A_1271, %add3A_1272 : vector<8x1024xf32>
    %sub3A_1274 = arith.subf %add3A_1273, %slice3A_1269 : vector<8x1024xf32>
    %lt3A_1275 = arith.cmpf olt, %sub3A_1274, %select_n3A_1265 : vector<8x1024xf32>
    %select_n3A_1276 = arith.select %lt3A_1275, %sub3A_1274, %select_n3A_1265 : vector<8x1024xi1>, vector<8x1024xf32>
    %jit3A_1277 = arith.constant 114 : i32
    %broadcast_in_dim3A_1278 = vector.broadcast %jit3A_1277 : i32 to vector<8x1024xi32>
    %select_n3A_1279 = arith.select %lt3A_1275, %broadcast_in_dim3A_1278, %select_n3A_1268 : vector<8x1024xi1>, vector<8x1024xi32>
    %slice3A_1280 = vector.extract_strided_slice %dot_general3A_22 {offsets = [920, 0], sizes = [8, 1024], strides = [1, 1]} : vector<1024x1024xf32> to vector<8x1024xf32>
    %slice3A_1281 = vector.extract_strided_slice %broadcast_in_dim3A {offsets = [920, 0], sizes = [8, 1], strides = [1, 1]} : vector<1024x1xf32> to vector<8x1xf32>
    %add3A_1282 = vector.broadcast %broadcast_in_dim3A_19 : vector<1x1024xf32> to vector<8x1024xf32>
    %add3A_1283 = vector.broadcast %slice3A_1281 : vector<8x1xf32> to vector<8x1024xf32>
    %add3A_1284 = arith.addf %add3A_1282, %add3A_1283 : vector<8x1024xf32>
    %sub3A_1285 = arith.subf %add3A_1284, %slice3A_1280 : vector<8x1024xf32>
    %lt3A_1286 = arith.cmpf olt, %sub3A_1285, %select_n3A_1276 : vector<8x1024xf32>
    %select_n3A_1287 = arith.select %lt3A_1286, %sub3A_1285, %select_n3A_1276 : vector<8x1024xi1>, vector<8x1024xf32>
    %jit3A_1288 = arith.constant 115 : i32
    %broadcast_in_dim3A_1289 = vector.broadcast %jit3A_1288 : i32 to vector<8x1024xi32>
    %select_n3A_1290 = arith.select %lt3A_1286, %broadcast_in_dim3A_1289, %select_n3A_1279 : vector<8x1024xi1>, vector<8x1024xi32>
    %slice3A_1291 = vector.extract_strided_slice %dot_general3A_22 {offsets = [928, 0], sizes = [8, 1024], strides = [1, 1]} : vector<1024x1024xf32> to vector<8x1024xf32>
    %slice3A_1292 = vector.extract_strided_slice %broadcast_in_dim3A {offsets = [928, 0], sizes = [8, 1], strides = [1, 1]} : vector<1024x1xf32> to vector<8x1xf32>
    %add3A_1293 = vector.broadcast %broadcast_in_dim3A_19 : vector<1x1024xf32> to vector<8x1024xf32>
    %add3A_1294 = vector.broadcast %slice3A_1292 : vector<8x1xf32> to vector<8x1024xf32>
    %add3A_1295 = arith.addf %add3A_1293, %add3A_1294 : vector<8x1024xf32>
    %sub3A_1296 = arith.subf %add3A_1295, %slice3A_1291 : vector<8x1024xf32>
    %lt3A_1297 = arith.cmpf olt, %sub3A_1296, %select_n3A_1287 : vector<8x1024xf32>
    %select_n3A_1298 = arith.select %lt3A_1297, %sub3A_1296, %select_n3A_1287 : vector<8x1024xi1>, vector<8x1024xf32>
    %jit3A_1299 = arith.constant 116 : i32
    %broadcast_in_dim3A_1300 = vector.broadcast %jit3A_1299 : i32 to vector<8x1024xi32>
    %select_n3A_1301 = arith.select %lt3A_1297, %broadcast_in_dim3A_1300, %select_n3A_1290 : vector<8x1024xi1>, vector<8x1024xi32>
    %slice3A_1302 = vector.extract_strided_slice %dot_general3A_22 {offsets = [936, 0], sizes = [8, 1024], strides = [1, 1]} : vector<1024x1024xf32> to vector<8x1024xf32>
    %slice3A_1303 = vector.extract_strided_slice %broadcast_in_dim3A {offsets = [936, 0], sizes = [8, 1], strides = [1, 1]} : vector<1024x1xf32> to vector<8x1xf32>
    %add3A_1304 = vector.broadcast %broadcast_in_dim3A_19 : vector<1x1024xf32> to vector<8x1024xf32>
    %add3A_1305 = vector.broadcast %slice3A_1303 : vector<8x1xf32> to vector<8x1024xf32>
    %add3A_1306 = arith.addf %add3A_1304, %add3A_1305 : vector<8x1024xf32>
    %sub3A_1307 = arith.subf %add3A_1306, %slice3A_1302 : vector<8x1024xf32>
    %lt3A_1308 = arith.cmpf olt, %sub3A_1307, %select_n3A_1298 : vector<8x1024xf32>
    %select_n3A_1309 = arith.select %lt3A_1308, %sub3A_1307, %select_n3A_1298 : vector<8x1024xi1>, vector<8x1024xf32>
    %jit3A_1310 = arith.constant 117 : i32
    %broadcast_in_dim3A_1311 = vector.broadcast %jit3A_1310 : i32 to vector<8x1024xi32>
    %select_n3A_1312 = arith.select %lt3A_1308, %broadcast_in_dim3A_1311, %select_n3A_1301 : vector<8x1024xi1>, vector<8x1024xi32>
    %slice3A_1313 = vector.extract_strided_slice %dot_general3A_22 {offsets = [944, 0], sizes = [8, 1024], strides = [1, 1]} : vector<1024x1024xf32> to vector<8x1024xf32>
    %slice3A_1314 = vector.extract_strided_slice %broadcast_in_dim3A {offsets = [944, 0], sizes = [8, 1], strides = [1, 1]} : vector<1024x1xf32> to vector<8x1xf32>
    %add3A_1315 = vector.broadcast %broadcast_in_dim3A_19 : vector<1x1024xf32> to vector<8x1024xf32>
    %add3A_1316 = vector.broadcast %slice3A_1314 : vector<8x1xf32> to vector<8x1024xf32>
    %add3A_1317 = arith.addf %add3A_1315, %add3A_1316 : vector<8x1024xf32>
    %sub3A_1318 = arith.subf %add3A_1317, %slice3A_1313 : vector<8x1024xf32>
    %lt3A_1319 = arith.cmpf olt, %sub3A_1318, %select_n3A_1309 : vector<8x1024xf32>
    %select_n3A_1320 = arith.select %lt3A_1319, %sub3A_1318, %select_n3A_1309 : vector<8x1024xi1>, vector<8x1024xf32>
    %jit3A_1321 = arith.constant 118 : i32
    %broadcast_in_dim3A_1322 = vector.broadcast %jit3A_1321 : i32 to vector<8x1024xi32>
    %select_n3A_1323 = arith.select %lt3A_1319, %broadcast_in_dim3A_1322, %select_n3A_1312 : vector<8x1024xi1>, vector<8x1024xi32>
    %slice3A_1324 = vector.extract_strided_slice %dot_general3A_22 {offsets = [952, 0], sizes = [8, 1024], strides = [1, 1]} : vector<1024x1024xf32> to vector<8x1024xf32>
    %slice3A_1325 = vector.extract_strided_slice %broadcast_in_dim3A {offsets = [952, 0], sizes = [8, 1], strides = [1, 1]} : vector<1024x1xf32> to vector<8x1xf32>
    %add3A_1326 = vector.broadcast %broadcast_in_dim3A_19 : vector<1x1024xf32> to vector<8x1024xf32>
    %add3A_1327 = vector.broadcast %slice3A_1325 : vector<8x1xf32> to vector<8x1024xf32>
    %add3A_1328 = arith.addf %add3A_1326, %add3A_1327 : vector<8x1024xf32>
    %sub3A_1329 = arith.subf %add3A_1328, %slice3A_1324 : vector<8x1024xf32>
    %lt3A_1330 = arith.cmpf olt, %sub3A_1329, %select_n3A_1320 : vector<8x1024xf32>
    %select_n3A_1331 = arith.select %lt3A_1330, %sub3A_1329, %select_n3A_1320 : vector<8x1024xi1>, vector<8x1024xf32>
    %jit3A_1332 = arith.constant 119 : i32
    %broadcast_in_dim3A_1333 = vector.broadcast %jit3A_1332 : i32 to vector<8x1024xi32>
    %select_n3A_1334 = arith.select %lt3A_1330, %broadcast_in_dim3A_1333, %select_n3A_1323 : vector<8x1024xi1>, vector<8x1024xi32>
    %slice3A_1335 = vector.extract_strided_slice %dot_general3A_22 {offsets = [960, 0], sizes = [8, 1024], strides = [1, 1]} : vector<1024x1024xf32> to vector<8x1024xf32>
    %slice3A_1336 = vector.extract_strided_slice %broadcast_in_dim3A {offsets = [960, 0], sizes = [8, 1], strides = [1, 1]} : vector<1024x1xf32> to vector<8x1xf32>
    %add3A_1337 = vector.broadcast %broadcast_in_dim3A_19 : vector<1x1024xf32> to vector<8x1024xf32>
    %add3A_1338 = vector.broadcast %slice3A_1336 : vector<8x1xf32> to vector<8x1024xf32>
    %add3A_1339 = arith.addf %add3A_1337, %add3A_1338 : vector<8x1024xf32>
    %sub3A_1340 = arith.subf %add3A_1339, %slice3A_1335 : vector<8x1024xf32>
    %lt3A_1341 = arith.cmpf olt, %sub3A_1340, %select_n3A_1331 : vector<8x1024xf32>
    %select_n3A_1342 = arith.select %lt3A_1341, %sub3A_1340, %select_n3A_1331 : vector<8x1024xi1>, vector<8x1024xf32>
    %jit3A_1343 = arith.constant 120 : i32
    %broadcast_in_dim3A_1344 = vector.broadcast %jit3A_1343 : i32 to vector<8x1024xi32>
    %select_n3A_1345 = arith.select %lt3A_1341, %broadcast_in_dim3A_1344, %select_n3A_1334 : vector<8x1024xi1>, vector<8x1024xi32>
    %slice3A_1346 = vector.extract_strided_slice %dot_general3A_22 {offsets = [968, 0], sizes = [8, 1024], strides = [1, 1]} : vector<1024x1024xf32> to vector<8x1024xf32>
    %slice3A_1347 = vector.extract_strided_slice %broadcast_in_dim3A {offsets = [968, 0], sizes = [8, 1], strides = [1, 1]} : vector<1024x1xf32> to vector<8x1xf32>
    %add3A_1348 = vector.broadcast %broadcast_in_dim3A_19 : vector<1x1024xf32> to vector<8x1024xf32>
    %add3A_1349 = vector.broadcast %slice3A_1347 : vector<8x1xf32> to vector<8x1024xf32>
    %add3A_1350 = arith.addf %add3A_1348, %add3A_1349 : vector<8x1024xf32>
    %sub3A_1351 = arith.subf %add3A_1350, %slice3A_1346 : vector<8x1024xf32>
    %lt3A_1352 = arith.cmpf olt, %sub3A_1351, %select_n3A_1342 : vector<8x1024xf32>
    %select_n3A_1353 = arith.select %lt3A_1352, %sub3A_1351, %select_n3A_1342 : vector<8x1024xi1>, vector<8x1024xf32>
    %jit3A_1354 = arith.constant 121 : i32
    %broadcast_in_dim3A_1355 = vector.broadcast %jit3A_1354 : i32 to vector<8x1024xi32>
    %select_n3A_1356 = arith.select %lt3A_1352, %broadcast_in_dim3A_1355, %select_n3A_1345 : vector<8x1024xi1>, vector<8x1024xi32>
    %slice3A_1357 = vector.extract_strided_slice %dot_general3A_22 {offsets = [976, 0], sizes = [8, 1024], strides = [1, 1]} : vector<1024x1024xf32> to vector<8x1024xf32>
    %slice3A_1358 = vector.extract_strided_slice %broadcast_in_dim3A {offsets = [976, 0], sizes = [8, 1], strides = [1, 1]} : vector<1024x1xf32> to vector<8x1xf32>
    %add3A_1359 = vector.broadcast %broadcast_in_dim3A_19 : vector<1x1024xf32> to vector<8x1024xf32>
    %add3A_1360 = vector.broadcast %slice3A_1358 : vector<8x1xf32> to vector<8x1024xf32>
    %add3A_1361 = arith.addf %add3A_1359, %add3A_1360 : vector<8x1024xf32>
    %sub3A_1362 = arith.subf %add3A_1361, %slice3A_1357 : vector<8x1024xf32>
    %lt3A_1363 = arith.cmpf olt, %sub3A_1362, %select_n3A_1353 : vector<8x1024xf32>
    %select_n3A_1364 = arith.select %lt3A_1363, %sub3A_1362, %select_n3A_1353 : vector<8x1024xi1>, vector<8x1024xf32>
    %jit3A_1365 = arith.constant 122 : i32
    %broadcast_in_dim3A_1366 = vector.broadcast %jit3A_1365 : i32 to vector<8x1024xi32>
    %select_n3A_1367 = arith.select %lt3A_1363, %broadcast_in_dim3A_1366, %select_n3A_1356 : vector<8x1024xi1>, vector<8x1024xi32>
    %slice3A_1368 = vector.extract_strided_slice %dot_general3A_22 {offsets = [984, 0], sizes = [8, 1024], strides = [1, 1]} : vector<1024x1024xf32> to vector<8x1024xf32>
    %slice3A_1369 = vector.extract_strided_slice %broadcast_in_dim3A {offsets = [984, 0], sizes = [8, 1], strides = [1, 1]} : vector<1024x1xf32> to vector<8x1xf32>
    %add3A_1370 = vector.broadcast %broadcast_in_dim3A_19 : vector<1x1024xf32> to vector<8x1024xf32>
    %add3A_1371 = vector.broadcast %slice3A_1369 : vector<8x1xf32> to vector<8x1024xf32>
    %add3A_1372 = arith.addf %add3A_1370, %add3A_1371 : vector<8x1024xf32>
    %sub3A_1373 = arith.subf %add3A_1372, %slice3A_1368 : vector<8x1024xf32>
    %lt3A_1374 = arith.cmpf olt, %sub3A_1373, %select_n3A_1364 : vector<8x1024xf32>
    %select_n3A_1375 = arith.select %lt3A_1374, %sub3A_1373, %select_n3A_1364 : vector<8x1024xi1>, vector<8x1024xf32>
    %jit3A_1376 = arith.constant 123 : i32
    %broadcast_in_dim3A_1377 = vector.broadcast %jit3A_1376 : i32 to vector<8x1024xi32>
    %select_n3A_1378 = arith.select %lt3A_1374, %broadcast_in_dim3A_1377, %select_n3A_1367 : vector<8x1024xi1>, vector<8x1024xi32>
    %slice3A_1379 = vector.extract_strided_slice %dot_general3A_22 {offsets = [992, 0], sizes = [8, 1024], strides = [1, 1]} : vector<1024x1024xf32> to vector<8x1024xf32>
    %slice3A_1380 = vector.extract_strided_slice %broadcast_in_dim3A {offsets = [992, 0], sizes = [8, 1], strides = [1, 1]} : vector<1024x1xf32> to vector<8x1xf32>
    %add3A_1381 = vector.broadcast %broadcast_in_dim3A_19 : vector<1x1024xf32> to vector<8x1024xf32>
    %add3A_1382 = vector.broadcast %slice3A_1380 : vector<8x1xf32> to vector<8x1024xf32>
    %add3A_1383 = arith.addf %add3A_1381, %add3A_1382 : vector<8x1024xf32>
    %sub3A_1384 = arith.subf %add3A_1383, %slice3A_1379 : vector<8x1024xf32>
    %lt3A_1385 = arith.cmpf olt, %sub3A_1384, %select_n3A_1375 : vector<8x1024xf32>
    %select_n3A_1386 = arith.select %lt3A_1385, %sub3A_1384, %select_n3A_1375 : vector<8x1024xi1>, vector<8x1024xf32>
    %jit3A_1387 = arith.constant 124 : i32
    %broadcast_in_dim3A_1388 = vector.broadcast %jit3A_1387 : i32 to vector<8x1024xi32>
    %select_n3A_1389 = arith.select %lt3A_1385, %broadcast_in_dim3A_1388, %select_n3A_1378 : vector<8x1024xi1>, vector<8x1024xi32>
    %slice3A_1390 = vector.extract_strided_slice %dot_general3A_22 {offsets = [1000, 0], sizes = [8, 1024], strides = [1, 1]} : vector<1024x1024xf32> to vector<8x1024xf32>
    %slice3A_1391 = vector.extract_strided_slice %broadcast_in_dim3A {offsets = [1000, 0], sizes = [8, 1], strides = [1, 1]} : vector<1024x1xf32> to vector<8x1xf32>
    %add3A_1392 = vector.broadcast %broadcast_in_dim3A_19 : vector<1x1024xf32> to vector<8x1024xf32>
    %add3A_1393 = vector.broadcast %slice3A_1391 : vector<8x1xf32> to vector<8x1024xf32>
    %add3A_1394 = arith.addf %add3A_1392, %add3A_1393 : vector<8x1024xf32>
    %sub3A_1395 = arith.subf %add3A_1394, %slice3A_1390 : vector<8x1024xf32>
    %lt3A_1396 = arith.cmpf olt, %sub3A_1395, %select_n3A_1386 : vector<8x1024xf32>
    %select_n3A_1397 = arith.select %lt3A_1396, %sub3A_1395, %select_n3A_1386 : vector<8x1024xi1>, vector<8x1024xf32>
    %jit3A_1398 = arith.constant 125 : i32
    %broadcast_in_dim3A_1399 = vector.broadcast %jit3A_1398 : i32 to vector<8x1024xi32>
    %select_n3A_1400 = arith.select %lt3A_1396, %broadcast_in_dim3A_1399, %select_n3A_1389 : vector<8x1024xi1>, vector<8x1024xi32>
    %slice3A_1401 = vector.extract_strided_slice %dot_general3A_22 {offsets = [1008, 0], sizes = [8, 1024], strides = [1, 1]} : vector<1024x1024xf32> to vector<8x1024xf32>
    %slice3A_1402 = vector.extract_strided_slice %broadcast_in_dim3A {offsets = [1008, 0], sizes = [8, 1], strides = [1, 1]} : vector<1024x1xf32> to vector<8x1xf32>
    %add3A_1403 = vector.broadcast %broadcast_in_dim3A_19 : vector<1x1024xf32> to vector<8x1024xf32>
    %add3A_1404 = vector.broadcast %slice3A_1402 : vector<8x1xf32> to vector<8x1024xf32>
    %add3A_1405 = arith.addf %add3A_1403, %add3A_1404 : vector<8x1024xf32>
    %sub3A_1406 = arith.subf %add3A_1405, %slice3A_1401 : vector<8x1024xf32>
    %lt3A_1407 = arith.cmpf olt, %sub3A_1406, %select_n3A_1397 : vector<8x1024xf32>
    %select_n3A_1408 = arith.select %lt3A_1407, %sub3A_1406, %select_n3A_1397 : vector<8x1024xi1>, vector<8x1024xf32>
    %jit3A_1409 = arith.constant 126 : i32
    %broadcast_in_dim3A_1410 = vector.broadcast %jit3A_1409 : i32 to vector<8x1024xi32>
    %select_n3A_1411 = arith.select %lt3A_1407, %broadcast_in_dim3A_1410, %select_n3A_1400 : vector<8x1024xi1>, vector<8x1024xi32>
    %slice3A_1412 = vector.extract_strided_slice %dot_general3A_22 {offsets = [1016, 0], sizes = [8, 1024], strides = [1, 1]} : vector<1024x1024xf32> to vector<8x1024xf32>
    %slice3A_1413 = vector.extract_strided_slice %broadcast_in_dim3A {offsets = [1016, 0], sizes = [8, 1], strides = [1, 1]} : vector<1024x1xf32> to vector<8x1xf32>
    %add3A_1414 = vector.broadcast %broadcast_in_dim3A_19 : vector<1x1024xf32> to vector<8x1024xf32>
    %add3A_1415 = vector.broadcast %slice3A_1413 : vector<8x1xf32> to vector<8x1024xf32>
    %add3A_1416 = arith.addf %add3A_1414, %add3A_1415 : vector<8x1024xf32>
    %sub3A_1417 = arith.subf %add3A_1416, %slice3A_1412 : vector<8x1024xf32>
    %lt3A_1418 = arith.cmpf olt, %sub3A_1417, %select_n3A_1408 : vector<8x1024xf32>
    %select_n3A_1419 = arith.select %lt3A_1418, %sub3A_1417, %select_n3A_1408 : vector<8x1024xi1>, vector<8x1024xf32>
    %jit3A_1420 = arith.constant 127 : i32
    %broadcast_in_dim3A_1421 = vector.broadcast %jit3A_1420 : i32 to vector<8x1024xi32>
    %select_n3A_1422 = arith.select %lt3A_1418, %broadcast_in_dim3A_1421, %select_n3A_1411 : vector<8x1024xi1>, vector<8x1024xi32>
    %reduce_min3A = arith.constant dense<0x7F800000> : vector<1024xf32>
    %reduce_min3A_1423 = vector.multi_reduction <minimumf>, %select_n3A_1419, %reduce_min3A [0] : vector<8x1024xf32> to vector<1024xf32>
    %broadcast_in_dim3A_1424 = vector.shape_cast %reduce_min3A_1423 : vector<1024xf32> to vector<1x1024xf32>
    %iota3A = tpu.iota {dimensions = array<i32: 0>} : vector<8x1024xi32>
    %mul3A_1425 = arith.constant 8 : i32
    %mul3A_1426 = vector.broadcast %mul3A_1425 : i32 to vector<8x1024xi32>
    %mul3A_1427 = arith.muli %select_n3A_1422, %mul3A_1426 : vector<8x1024xi32>
    %add3A_1428 = arith.addi %mul3A_1427, %iota3A : vector<8x1024xi32>
    %eq3A = vector.broadcast %broadcast_in_dim3A_1424 : vector<1x1024xf32> to vector<8x1024xf32>
    %eq3A_1429 = arith.cmpf oeq, %select_n3A_1419, %eq3A : vector<8x1024xf32>
    %jit3A_1430 = arith.constant 1024 : i32
    %broadcast_in_dim3A_1431 = vector.broadcast %jit3A_1430 : i32 to vector<8x1024xi32>
    %select_n3A_1432 = arith.select %eq3A_1429, %add3A_1428, %broadcast_in_dim3A_1431 : vector<8x1024xi1>, vector<8x1024xi32>
    %reduce_min3A_1433 = arith.constant dense<2147483647> : vector<1024xi32>
    %reduce_min3A_1434 = vector.multi_reduction <minsi>, %select_n3A_1432, %reduce_min3A_1433 [0] : vector<8x1024xi32> to vector<1024xi32>
    %broadcast_in_dim3A_1435 = vector.shape_cast %reduce_min3A_1434 : vector<1024xi32> to vector<1x1024xi32>
    %swap3A = arith.constant 0 : index
    %swap3A_1436 = arith.constant 0 : index
    %swap3A_1437 = arith.constant 0 : index
    %swap3A_1438 = vector.load %arg5[%swap3A, %swap3A_1436, %swap3A_1437] : memref<1x1x1024xi32, #tpu.memory_space<vmem>>, vector<1x1x1024xi32>
    %swap3A_1439 = vector.shape_cast %swap3A_1438 : vector<1x1x1024xi32> to vector<1x1024xi32>
    %swap3A_1440 = vector.shape_cast %broadcast_in_dim3A_1435 : vector<1x1024xi32> to vector<1x1x1024xi32>
    tpu.vector_store %arg5[%swap3A, %swap3A_1436, %swap3A_1437], %swap3A_1440 {strides = array<i32>} : memref<1x1x1024xi32, #tpu.memory_space<vmem>>, vector<1x1x1024xi32>,
    %reduce_sum3A_1441 = arith.constant dense<0.000000e+00> : vector<1xf32>
    %reduce_sum3A_1442 = vector.multi_reduction <add>, %broadcast_in_dim3A_1424, %reduce_sum3A_1441 [1] : vector<1x1024xf32> to vector<1xf32>
    %broadcast_in_dim3A_1443 = vector.shape_cast %reduce_sum3A_1442 : vector<1xf32> to vector<1x1xf32>
    %broadcast_in_dim3A_1444 = vector.shape_cast %broadcast_in_dim3A_1443 : vector<1x1xf32> to vector<1x1x1xf32>
    %swap3A_1445 = arith.constant 0 : index
    %swap3A_1446 = arith.constant 0 : index
    %swap3A_1447 = arith.constant 0 : index
    %swap3A_1448 = vector.load %arg6[%swap3A_1445, %swap3A_1446, %swap3A_1447] : memref<1x1x1xf32, #tpu.memory_space<vmem>>, vector<1x1x1xf32>
    tpu.vector_store %arg6[%swap3A_1445, %swap3A_1446, %swap3A_1447], %broadcast_in_dim3A_1444 {strides = array<i32>} : memref<1x1x1xf32, #tpu.memory_space<vmem>>, vector<1x1x1xf32>,
    return
  }
  func.func @transform_0(%arg0: i32) -> (i32, i32, i32) {
    %c0_i32 = arith.constant 0 : i32
    %c0_i32_0 = arith.constant 0 : i32
    %c0_i32_1 = arith.constant 0 : i32
    return %arg0, %c0_i32, %c0_i32_0 : i32, i32, i32
  }
  func.func @transform_1(%arg0: i32) -> (i32, i32) {
    %c0_i32 = arith.constant 0 : i32
    %c0_i32_0 = arith.constant 0 : i32
    %c0_i32_1 = arith.constant 0 : i32
    return %c0_i32, %c0_i32_0 : i32, i32
  }
  func.func @transform_2(%arg0: i32) -> (i32, i32) {
    %c0_i32 = arith.constant 0 : i32
    %c0_i32_0 = arith.constant 0 : i32
    %c0_i32_1 = arith.constant 0 : i32
    return %c0_i32, %c0_i32_0 : i32, i32
  }
  func.func @transform_3(%arg0: i32) -> (i32, i32) {
    %c0_i32 = arith.constant 0 : i32
    %c0_i32_0 = arith.constant 0 : i32
    %c0_i32_1 = arith.constant 0 : i32
    return %c0_i32, %c0_i32_0 : i32, i32
  }
  func.func @transform_4(%arg0: i32) -> (i32, i32, i32) {
    %c0_i32 = arith.constant 0 : i32
    %c0_i32_0 = arith.constant 0 : i32
    %c0_i32_1 = arith.constant 0 : i32
    return %arg0, %c0_i32, %c0_i32_0 : i32, i32, i32
  }
  func.func @transform_5(%arg0: i32) -> (i32, i32, i32) {
    %c0_i32 = arith.constant 0 : i32
    %c0_i32_0 = arith.constant 0 : i32
    %c0_i32_1 = arith.constant 0 : i32
    return %arg0, %c0_i32, %c0_i32_0 : i32, i32, i32
  }
}

module attributes {stable_mosaic.version = 14 : i64} {
  func.func @_branch_a_kernel(%arg0: i32, %arg1: memref<1x256x1024xf32, #tpu.memory_space<vmem>>, %arg2: memref<256x256xf32, #tpu.memory_space<vmem>>, %arg3: memref<256x1xf32, #tpu.memory_space<vmem>>, %arg4: memref<1024x256xf32, #tpu.memory_space<vmem>>, %arg5: memref<256x256xf32, #tpu.memory_space<vmem>>, %arg6: memref<1x256xf32, #tpu.memory_space<vmem>>, %arg7: memref<1024x128xf32, #tpu.memory_space<vmem>>, %arg8: memref<128x128xf32, #tpu.memory_space<vmem>>, %arg9: memref<1x128xf32, #tpu.memory_space<vmem>>, %arg10: memref<1x1x1024xi32, #tpu.memory_space<vmem>>, %arg11: memref<1x1x1xf32, #tpu.memory_space<vmem>>, %arg12: memref<1024x256xf32, #tpu.memory_space<vmem>>, %arg13: memref<1024x128xf32, #tpu.memory_space<vmem>>) attributes {dimension_semantics = [#tpu.dimension_semantics<arbitrary>], iteration_bounds = array<i64: 8>, scalar_prefetch = 0 : i64, scratch_operands = 0 : i64, tpu.core_type = #tpu.core_type<tc>, window_params = [{transform_indices = @transform_0, window_bounds = array<i64: 1, 256, 1024>}, {pipeline_mode = #tpu.pipeline_mode<synchronous>, transform_indices = @transform_1, window_bounds = array<i64: 256, 256>}, {pipeline_mode = #tpu.pipeline_mode<synchronous>, transform_indices = @transform_2, window_bounds = array<i64: 256, 1>}, {pipeline_mode = #tpu.pipeline_mode<synchronous>, transform_indices = @transform_3, window_bounds = array<i64: 1024, 256>}, {pipeline_mode = #tpu.pipeline_mode<synchronous>, transform_indices = @transform_4, window_bounds = array<i64: 256, 256>}, {pipeline_mode = #tpu.pipeline_mode<synchronous>, transform_indices = @transform_5, window_bounds = array<i64: 1, 256>}, {pipeline_mode = #tpu.pipeline_mode<synchronous>, transform_indices = @transform_6, window_bounds = array<i64: 1024, 128>}, {pipeline_mode = #tpu.pipeline_mode<synchronous>, transform_indices = @transform_7, window_bounds = array<i64: 128, 128>}, {pipeline_mode = #tpu.pipeline_mode<synchronous>, transform_indices = @transform_8, window_bounds = array<i64: 1, 128>}, {transform_indices = @transform_9, window_bounds = array<i64: 1, 1, 1024>}, {transform_indices = @transform_10, window_bounds = array<i64: 1, 1, 1>}, {pipeline_mode = #tpu.pipeline_mode<synchronous>, transform_indices = @transform_11, window_bounds = array<i64: 1024, 256>}, {pipeline_mode = #tpu.pipeline_mode<synchronous>, transform_indices = @transform_12, window_bounds = array<i64: 1024, 128>}]} {
    %eq3A = arith.constant 0 : i32
    %eq3A_0 = arith.cmpi eq, %arg0, %eq3A : i32
    %convert_element_type3A = arith.extui %eq3A_0 : i1 to i32
    %cond3A = arith.constant 0 : i32
    %cond3A_1 = arith.cmpi ne, %convert_element_type3A, %cond3A : i32
    scf.if %cond3A_1 {
      %get3A_1452 = arith.constant 0 : index
      %get3A_1453 = arith.constant 0 : index
      %get3A_1454 = vector.load %arg4[%get3A_1452, %get3A_1453] : memref<1024x256xf32, #tpu.memory_space<vmem>>, vector<1024x256xf32>
      %get3A_1455 = arith.constant 0 : index
      %get3A_1456 = arith.constant 0 : index
      %get3A_1457 = vector.load %arg5[%get3A_1455, %get3A_1456] : memref<256x256xf32, #tpu.memory_space<vmem>>, vector<256x256xf32>
      %dot_general3A_1458 = arith.constant dense<0.000000e+00> : vector<1024x256xf32>
      %dot_general3A_1459 = tpu.matmul %get3A_1454, %get3A_1457, %dot_general3A_1458 {dimension_numbers = #tpu.dot_dimension_numbers<[1], [1], [0], [0], [0, 0, 1, 0], [], []>, transpose_lhs_hint = false} : vector<1024x256xf32>, vector<256x256xf32>, vector<1024x256xf32> -> vector<1024x256xf32>
      %get3A_1460 = arith.constant 0 : index
      %get3A_1461 = arith.constant 0 : index
      %get3A_1462 = vector.load %arg6[%get3A_1460, %get3A_1461] : memref<1x256xf32, #tpu.memory_space<vmem>>, vector<1x256xf32>
      %add3A_1463 = vector.broadcast %get3A_1462 : vector<1x256xf32> to vector<1024x256xf32>
      %add3A_1464 = arith.addf %dot_general3A_1459, %add3A_1463 : vector<1024x256xf32>
      %swap3A_1465 = arith.constant 0 : index
      %swap3A_1466 = arith.constant 0 : index
      %swap3A_1467 = vector.load %arg12[%swap3A_1465, %swap3A_1466] : memref<1024x256xf32, #tpu.memory_space<vmem>>, vector<1024x256xf32>
      tpu.vector_store %arg12[%swap3A_1465, %swap3A_1466], %add3A_1464 {strides = array<i32>} : memref<1024x256xf32, #tpu.memory_space<vmem>>, vector<1024x256xf32>,
      %get3A_1468 = arith.constant 0 : index
      %get3A_1469 = arith.constant 0 : index
      %get3A_1470 = vector.load %arg7[%get3A_1468, %get3A_1469] : memref<1024x128xf32, #tpu.memory_space<vmem>>, vector<1024x128xf32>
      %get3A_1471 = arith.constant 0 : index
      %get3A_1472 = arith.constant 0 : index
      %get3A_1473 = vector.load %arg8[%get3A_1471, %get3A_1472] : memref<128x128xf32, #tpu.memory_space<vmem>>, vector<128x128xf32>
      %dot_general3A_1474 = arith.constant dense<0.000000e+00> : vector<1024x128xf32>
      %dot_general3A_1475 = tpu.matmul %get3A_1470, %get3A_1473, %dot_general3A_1474 {dimension_numbers = #tpu.dot_dimension_numbers<[1], [1], [0], [0], [0, 0, 1, 0], [], []>, transpose_lhs_hint = false} : vector<1024x128xf32>, vector<128x128xf32>, vector<1024x128xf32> -> vector<1024x128xf32>
      %get3A_1476 = arith.constant 0 : index
      %get3A_1477 = arith.constant 0 : index
      %get3A_1478 = vector.load %arg9[%get3A_1476, %get3A_1477] : memref<1x128xf32, #tpu.memory_space<vmem>>, vector<1x128xf32>
      %add3A_1479 = vector.broadcast %get3A_1478 : vector<1x128xf32> to vector<1024x128xf32>
      %add3A_1480 = arith.addf %dot_general3A_1475, %add3A_1479 : vector<1024x128xf32>
      %swap3A_1481 = arith.constant 0 : index
      %swap3A_1482 = arith.constant 0 : index
      %swap3A_1483 = vector.load %arg13[%swap3A_1481, %swap3A_1482] : memref<1024x128xf32, #tpu.memory_space<vmem>>, vector<1024x128xf32>
      tpu.vector_store %arg13[%swap3A_1481, %swap3A_1482], %add3A_1480 {strides = array<i32>} : memref<1024x128xf32, #tpu.memory_space<vmem>>, vector<1024x128xf32>,
    } else {
    }
    %get3A = arith.constant 0 : index
    %get3A_2 = arith.constant 0 : index
    %get3A_3 = arith.constant 0 : index
    %get3A_4 = vector.load %arg1[%get3A, %get3A_2, %get3A_3] : memref<1x256x1024xf32, #tpu.memory_space<vmem>>, vector<1x256x1024xf32>
    %get3A_5 = vector.shape_cast %get3A_4 : vector<1x256x1024xf32> to vector<256x1024xf32>
    %get3A_6 = arith.constant 0 : index
    %get3A_7 = arith.constant 0 : index
    %get3A_8 = vector.load %arg2[%get3A_6, %get3A_7] : memref<256x256xf32, #tpu.memory_space<vmem>>, vector<256x256xf32>
    %dot_general3A = arith.constant dense<0.000000e+00> : vector<256x1024xf32>
    %dot_general3A_9 = tpu.matmul %get3A_8, %get3A_5, %dot_general3A {dimension_numbers = #tpu.dot_dimension_numbers<[1], [0], [0], [1], [0, 0, 1, 1], [], []>, transpose_lhs_hint = false} : vector<256x256xf32>, vector<256x1024xf32>, vector<256x1024xf32> -> vector<256x1024xf32>
    %get3A_10 = arith.constant 0 : index
    %get3A_11 = arith.constant 0 : index
    %get3A_12 = vector.load %arg3[%get3A_10, %get3A_11] : memref<256x1xf32, #tpu.memory_space<vmem>>, vector<256x1xf32>
    %add3A = vector.broadcast %get3A_12 : vector<256x1xf32> to vector<256x1024xf32>
    %add3A_13 = arith.addf %dot_general3A_9, %add3A : vector<256x1024xf32>
    %get3A_14 = arith.constant 0 : index
    %get3A_15 = arith.constant 0 : index
    %get3A_16 = vector.load %arg4[%get3A_14, %get3A_15] : memref<1024x256xf32, #tpu.memory_space<vmem>>, vector<1024x256xf32>
    %mul3A = arith.mulf %get3A_16, %get3A_16 : vector<1024x256xf32>
    %reduce_sum3A = arith.constant dense<0.000000e+00> : vector<1024xf32>
    %reduce_sum3A_17 = vector.multi_reduction <add>, %mul3A, %reduce_sum3A [1] : vector<1024x256xf32> to vector<1024xf32>
    %broadcast_in_dim3A = vector.shape_cast %reduce_sum3A_17 : vector<1024xf32> to vector<1024x1xf32>
    %mul3A_18 = arith.mulf %add3A_13, %add3A_13 : vector<256x1024xf32>
    %reduce_sum3A_19 = arith.constant dense<0.000000e+00> : vector<1024xf32>
    %reduce_sum3A_20 = vector.multi_reduction <add>, %mul3A_18, %reduce_sum3A_19 [0] : vector<256x1024xf32> to vector<1024xf32>
    %broadcast_in_dim3A_21 = vector.shape_cast %reduce_sum3A_20 : vector<1024xf32> to vector<1x1024xf32>
    %add3A_22 = arith.addf %get3A_16, %get3A_16 : vector<1024x256xf32>
    %dot_general3A_23 = arith.constant dense<0.000000e+00> : vector<1024x1024xf32>
    %dot_general3A_24 = tpu.matmul %add3A_22, %add3A_13, %dot_general3A_23 {dimension_numbers = #tpu.dot_dimension_numbers<[1], [0], [0], [1], [0, 0, 1, 1], [], []>, transpose_lhs_hint = false} : vector<1024x256xf32>, vector<256x1024xf32>, vector<1024x1024xf32> -> vector<1024x1024xf32>
    %slice3A = vector.extract_strided_slice %dot_general3A_24 {offsets = [0, 0], sizes = [8, 1024], strides = [1, 1]} : vector<1024x1024xf32> to vector<8x1024xf32>
    %slice3A_25 = vector.extract_strided_slice %broadcast_in_dim3A {offsets = [0, 0], sizes = [8, 1], strides = [1, 1]} : vector<1024x1xf32> to vector<8x1xf32>
    %add3A_26 = vector.broadcast %broadcast_in_dim3A_21 : vector<1x1024xf32> to vector<8x1024xf32>
    %add3A_27 = vector.broadcast %slice3A_25 : vector<8x1xf32> to vector<8x1024xf32>
    %add3A_28 = arith.addf %add3A_26, %add3A_27 : vector<8x1024xf32>
    %sub3A = arith.subf %add3A_28, %slice3A : vector<8x1024xf32>
    %broadcast_in_dim3A_29 = arith.constant 0 : i32
    %broadcast_in_dim3A_30 = vector.broadcast %broadcast_in_dim3A_29 : i32 to vector<8x1024xi32>
    %slice3A_31 = vector.extract_strided_slice %dot_general3A_24 {offsets = [8, 0], sizes = [8, 1024], strides = [1, 1]} : vector<1024x1024xf32> to vector<8x1024xf32>
    %slice3A_32 = vector.extract_strided_slice %broadcast_in_dim3A {offsets = [8, 0], sizes = [8, 1], strides = [1, 1]} : vector<1024x1xf32> to vector<8x1xf32>
    %add3A_33 = vector.broadcast %broadcast_in_dim3A_21 : vector<1x1024xf32> to vector<8x1024xf32>
    %add3A_34 = vector.broadcast %slice3A_32 : vector<8x1xf32> to vector<8x1024xf32>
    %add3A_35 = arith.addf %add3A_33, %add3A_34 : vector<8x1024xf32>
    %sub3A_36 = arith.subf %add3A_35, %slice3A_31 : vector<8x1024xf32>
    %lt3A = arith.cmpf olt, %sub3A_36, %sub3A : vector<8x1024xf32>
    %select_n3A = arith.select %lt3A, %sub3A_36, %sub3A : vector<8x1024xi1>, vector<8x1024xf32>
    %jit3A = arith.constant 1 : i32
    %broadcast_in_dim3A_37 = vector.broadcast %jit3A : i32 to vector<8x1024xi32>
    %select_n3A_38 = arith.select %lt3A, %broadcast_in_dim3A_37, %broadcast_in_dim3A_30 : vector<8x1024xi1>, vector<8x1024xi32>
    %slice3A_39 = vector.extract_strided_slice %dot_general3A_24 {offsets = [16, 0], sizes = [8, 1024], strides = [1, 1]} : vector<1024x1024xf32> to vector<8x1024xf32>
    %slice3A_40 = vector.extract_strided_slice %broadcast_in_dim3A {offsets = [16, 0], sizes = [8, 1], strides = [1, 1]} : vector<1024x1xf32> to vector<8x1xf32>
    %add3A_41 = vector.broadcast %broadcast_in_dim3A_21 : vector<1x1024xf32> to vector<8x1024xf32>
    %add3A_42 = vector.broadcast %slice3A_40 : vector<8x1xf32> to vector<8x1024xf32>
    %add3A_43 = arith.addf %add3A_41, %add3A_42 : vector<8x1024xf32>
    %sub3A_44 = arith.subf %add3A_43, %slice3A_39 : vector<8x1024xf32>
    %lt3A_45 = arith.cmpf olt, %sub3A_44, %select_n3A : vector<8x1024xf32>
    %select_n3A_46 = arith.select %lt3A_45, %sub3A_44, %select_n3A : vector<8x1024xi1>, vector<8x1024xf32>
    %jit3A_47 = arith.constant 2 : i32
    %broadcast_in_dim3A_48 = vector.broadcast %jit3A_47 : i32 to vector<8x1024xi32>
    %select_n3A_49 = arith.select %lt3A_45, %broadcast_in_dim3A_48, %select_n3A_38 : vector<8x1024xi1>, vector<8x1024xi32>
    %slice3A_50 = vector.extract_strided_slice %dot_general3A_24 {offsets = [24, 0], sizes = [8, 1024], strides = [1, 1]} : vector<1024x1024xf32> to vector<8x1024xf32>
    %slice3A_51 = vector.extract_strided_slice %broadcast_in_dim3A {offsets = [24, 0], sizes = [8, 1], strides = [1, 1]} : vector<1024x1xf32> to vector<8x1xf32>
    %add3A_52 = vector.broadcast %broadcast_in_dim3A_21 : vector<1x1024xf32> to vector<8x1024xf32>
    %add3A_53 = vector.broadcast %slice3A_51 : vector<8x1xf32> to vector<8x1024xf32>
    %add3A_54 = arith.addf %add3A_52, %add3A_53 : vector<8x1024xf32>
    %sub3A_55 = arith.subf %add3A_54, %slice3A_50 : vector<8x1024xf32>
    %lt3A_56 = arith.cmpf olt, %sub3A_55, %select_n3A_46 : vector<8x1024xf32>
    %select_n3A_57 = arith.select %lt3A_56, %sub3A_55, %select_n3A_46 : vector<8x1024xi1>, vector<8x1024xf32>
    %jit3A_58 = arith.constant 3 : i32
    %broadcast_in_dim3A_59 = vector.broadcast %jit3A_58 : i32 to vector<8x1024xi32>
    %select_n3A_60 = arith.select %lt3A_56, %broadcast_in_dim3A_59, %select_n3A_49 : vector<8x1024xi1>, vector<8x1024xi32>
    %slice3A_61 = vector.extract_strided_slice %dot_general3A_24 {offsets = [32, 0], sizes = [8, 1024], strides = [1, 1]} : vector<1024x1024xf32> to vector<8x1024xf32>
    %slice3A_62 = vector.extract_strided_slice %broadcast_in_dim3A {offsets = [32, 0], sizes = [8, 1], strides = [1, 1]} : vector<1024x1xf32> to vector<8x1xf32>
    %add3A_63 = vector.broadcast %broadcast_in_dim3A_21 : vector<1x1024xf32> to vector<8x1024xf32>
    %add3A_64 = vector.broadcast %slice3A_62 : vector<8x1xf32> to vector<8x1024xf32>
    %add3A_65 = arith.addf %add3A_63, %add3A_64 : vector<8x1024xf32>
    %sub3A_66 = arith.subf %add3A_65, %slice3A_61 : vector<8x1024xf32>
    %lt3A_67 = arith.cmpf olt, %sub3A_66, %select_n3A_57 : vector<8x1024xf32>
    %select_n3A_68 = arith.select %lt3A_67, %sub3A_66, %select_n3A_57 : vector<8x1024xi1>, vector<8x1024xf32>
    %jit3A_69 = arith.constant 4 : i32
    %broadcast_in_dim3A_70 = vector.broadcast %jit3A_69 : i32 to vector<8x1024xi32>
    %select_n3A_71 = arith.select %lt3A_67, %broadcast_in_dim3A_70, %select_n3A_60 : vector<8x1024xi1>, vector<8x1024xi32>
    %slice3A_72 = vector.extract_strided_slice %dot_general3A_24 {offsets = [40, 0], sizes = [8, 1024], strides = [1, 1]} : vector<1024x1024xf32> to vector<8x1024xf32>
    %slice3A_73 = vector.extract_strided_slice %broadcast_in_dim3A {offsets = [40, 0], sizes = [8, 1], strides = [1, 1]} : vector<1024x1xf32> to vector<8x1xf32>
    %add3A_74 = vector.broadcast %broadcast_in_dim3A_21 : vector<1x1024xf32> to vector<8x1024xf32>
    %add3A_75 = vector.broadcast %slice3A_73 : vector<8x1xf32> to vector<8x1024xf32>
    %add3A_76 = arith.addf %add3A_74, %add3A_75 : vector<8x1024xf32>
    %sub3A_77 = arith.subf %add3A_76, %slice3A_72 : vector<8x1024xf32>
    %lt3A_78 = arith.cmpf olt, %sub3A_77, %select_n3A_68 : vector<8x1024xf32>
    %select_n3A_79 = arith.select %lt3A_78, %sub3A_77, %select_n3A_68 : vector<8x1024xi1>, vector<8x1024xf32>
    %jit3A_80 = arith.constant 5 : i32
    %broadcast_in_dim3A_81 = vector.broadcast %jit3A_80 : i32 to vector<8x1024xi32>
    %select_n3A_82 = arith.select %lt3A_78, %broadcast_in_dim3A_81, %select_n3A_71 : vector<8x1024xi1>, vector<8x1024xi32>
    %slice3A_83 = vector.extract_strided_slice %dot_general3A_24 {offsets = [48, 0], sizes = [8, 1024], strides = [1, 1]} : vector<1024x1024xf32> to vector<8x1024xf32>
    %slice3A_84 = vector.extract_strided_slice %broadcast_in_dim3A {offsets = [48, 0], sizes = [8, 1], strides = [1, 1]} : vector<1024x1xf32> to vector<8x1xf32>
    %add3A_85 = vector.broadcast %broadcast_in_dim3A_21 : vector<1x1024xf32> to vector<8x1024xf32>
    %add3A_86 = vector.broadcast %slice3A_84 : vector<8x1xf32> to vector<8x1024xf32>
    %add3A_87 = arith.addf %add3A_85, %add3A_86 : vector<8x1024xf32>
    %sub3A_88 = arith.subf %add3A_87, %slice3A_83 : vector<8x1024xf32>
    %lt3A_89 = arith.cmpf olt, %sub3A_88, %select_n3A_79 : vector<8x1024xf32>
    %select_n3A_90 = arith.select %lt3A_89, %sub3A_88, %select_n3A_79 : vector<8x1024xi1>, vector<8x1024xf32>
    %jit3A_91 = arith.constant 6 : i32
    %broadcast_in_dim3A_92 = vector.broadcast %jit3A_91 : i32 to vector<8x1024xi32>
    %select_n3A_93 = arith.select %lt3A_89, %broadcast_in_dim3A_92, %select_n3A_82 : vector<8x1024xi1>, vector<8x1024xi32>
    %slice3A_94 = vector.extract_strided_slice %dot_general3A_24 {offsets = [56, 0], sizes = [8, 1024], strides = [1, 1]} : vector<1024x1024xf32> to vector<8x1024xf32>
    %slice3A_95 = vector.extract_strided_slice %broadcast_in_dim3A {offsets = [56, 0], sizes = [8, 1], strides = [1, 1]} : vector<1024x1xf32> to vector<8x1xf32>
    %add3A_96 = vector.broadcast %broadcast_in_dim3A_21 : vector<1x1024xf32> to vector<8x1024xf32>
    %add3A_97 = vector.broadcast %slice3A_95 : vector<8x1xf32> to vector<8x1024xf32>
    %add3A_98 = arith.addf %add3A_96, %add3A_97 : vector<8x1024xf32>
    %sub3A_99 = arith.subf %add3A_98, %slice3A_94 : vector<8x1024xf32>
    %lt3A_100 = arith.cmpf olt, %sub3A_99, %select_n3A_90 : vector<8x1024xf32>
    %select_n3A_101 = arith.select %lt3A_100, %sub3A_99, %select_n3A_90 : vector<8x1024xi1>, vector<8x1024xf32>
    %jit3A_102 = arith.constant 7 : i32
    %broadcast_in_dim3A_103 = vector.broadcast %jit3A_102 : i32 to vector<8x1024xi32>
    %select_n3A_104 = arith.select %lt3A_100, %broadcast_in_dim3A_103, %select_n3A_93 : vector<8x1024xi1>, vector<8x1024xi32>
    %slice3A_105 = vector.extract_strided_slice %dot_general3A_24 {offsets = [64, 0], sizes = [8, 1024], strides = [1, 1]} : vector<1024x1024xf32> to vector<8x1024xf32>
    %slice3A_106 = vector.extract_strided_slice %broadcast_in_dim3A {offsets = [64, 0], sizes = [8, 1], strides = [1, 1]} : vector<1024x1xf32> to vector<8x1xf32>
    %add3A_107 = vector.broadcast %broadcast_in_dim3A_21 : vector<1x1024xf32> to vector<8x1024xf32>
    %add3A_108 = vector.broadcast %slice3A_106 : vector<8x1xf32> to vector<8x1024xf32>
    %add3A_109 = arith.addf %add3A_107, %add3A_108 : vector<8x1024xf32>
    %sub3A_110 = arith.subf %add3A_109, %slice3A_105 : vector<8x1024xf32>
    %lt3A_111 = arith.cmpf olt, %sub3A_110, %select_n3A_101 : vector<8x1024xf32>
    %select_n3A_112 = arith.select %lt3A_111, %sub3A_110, %select_n3A_101 : vector<8x1024xi1>, vector<8x1024xf32>
    %jit3A_113 = arith.constant 8 : i32
    %broadcast_in_dim3A_114 = vector.broadcast %jit3A_113 : i32 to vector<8x1024xi32>
    %select_n3A_115 = arith.select %lt3A_111, %broadcast_in_dim3A_114, %select_n3A_104 : vector<8x1024xi1>, vector<8x1024xi32>
    %slice3A_116 = vector.extract_strided_slice %dot_general3A_24 {offsets = [72, 0], sizes = [8, 1024], strides = [1, 1]} : vector<1024x1024xf32> to vector<8x1024xf32>
    %slice3A_117 = vector.extract_strided_slice %broadcast_in_dim3A {offsets = [72, 0], sizes = [8, 1], strides = [1, 1]} : vector<1024x1xf32> to vector<8x1xf32>
    %add3A_118 = vector.broadcast %broadcast_in_dim3A_21 : vector<1x1024xf32> to vector<8x1024xf32>
    %add3A_119 = vector.broadcast %slice3A_117 : vector<8x1xf32> to vector<8x1024xf32>
    %add3A_120 = arith.addf %add3A_118, %add3A_119 : vector<8x1024xf32>
    %sub3A_121 = arith.subf %add3A_120, %slice3A_116 : vector<8x1024xf32>
    %lt3A_122 = arith.cmpf olt, %sub3A_121, %select_n3A_112 : vector<8x1024xf32>
    %select_n3A_123 = arith.select %lt3A_122, %sub3A_121, %select_n3A_112 : vector<8x1024xi1>, vector<8x1024xf32>
    %jit3A_124 = arith.constant 9 : i32
    %broadcast_in_dim3A_125 = vector.broadcast %jit3A_124 : i32 to vector<8x1024xi32>
    %select_n3A_126 = arith.select %lt3A_122, %broadcast_in_dim3A_125, %select_n3A_115 : vector<8x1024xi1>, vector<8x1024xi32>
    %slice3A_127 = vector.extract_strided_slice %dot_general3A_24 {offsets = [80, 0], sizes = [8, 1024], strides = [1, 1]} : vector<1024x1024xf32> to vector<8x1024xf32>
    %slice3A_128 = vector.extract_strided_slice %broadcast_in_dim3A {offsets = [80, 0], sizes = [8, 1], strides = [1, 1]} : vector<1024x1xf32> to vector<8x1xf32>
    %add3A_129 = vector.broadcast %broadcast_in_dim3A_21 : vector<1x1024xf32> to vector<8x1024xf32>
    %add3A_130 = vector.broadcast %slice3A_128 : vector<8x1xf32> to vector<8x1024xf32>
    %add3A_131 = arith.addf %add3A_129, %add3A_130 : vector<8x1024xf32>
    %sub3A_132 = arith.subf %add3A_131, %slice3A_127 : vector<8x1024xf32>
    %lt3A_133 = arith.cmpf olt, %sub3A_132, %select_n3A_123 : vector<8x1024xf32>
    %select_n3A_134 = arith.select %lt3A_133, %sub3A_132, %select_n3A_123 : vector<8x1024xi1>, vector<8x1024xf32>
    %jit3A_135 = arith.constant 10 : i32
    %broadcast_in_dim3A_136 = vector.broadcast %jit3A_135 : i32 to vector<8x1024xi32>
    %select_n3A_137 = arith.select %lt3A_133, %broadcast_in_dim3A_136, %select_n3A_126 : vector<8x1024xi1>, vector<8x1024xi32>
    %slice3A_138 = vector.extract_strided_slice %dot_general3A_24 {offsets = [88, 0], sizes = [8, 1024], strides = [1, 1]} : vector<1024x1024xf32> to vector<8x1024xf32>
    %slice3A_139 = vector.extract_strided_slice %broadcast_in_dim3A {offsets = [88, 0], sizes = [8, 1], strides = [1, 1]} : vector<1024x1xf32> to vector<8x1xf32>
    %add3A_140 = vector.broadcast %broadcast_in_dim3A_21 : vector<1x1024xf32> to vector<8x1024xf32>
    %add3A_141 = vector.broadcast %slice3A_139 : vector<8x1xf32> to vector<8x1024xf32>
    %add3A_142 = arith.addf %add3A_140, %add3A_141 : vector<8x1024xf32>
    %sub3A_143 = arith.subf %add3A_142, %slice3A_138 : vector<8x1024xf32>
    %lt3A_144 = arith.cmpf olt, %sub3A_143, %select_n3A_134 : vector<8x1024xf32>
    %select_n3A_145 = arith.select %lt3A_144, %sub3A_143, %select_n3A_134 : vector<8x1024xi1>, vector<8x1024xf32>
    %jit3A_146 = arith.constant 11 : i32
    %broadcast_in_dim3A_147 = vector.broadcast %jit3A_146 : i32 to vector<8x1024xi32>
    %select_n3A_148 = arith.select %lt3A_144, %broadcast_in_dim3A_147, %select_n3A_137 : vector<8x1024xi1>, vector<8x1024xi32>
    %slice3A_149 = vector.extract_strided_slice %dot_general3A_24 {offsets = [96, 0], sizes = [8, 1024], strides = [1, 1]} : vector<1024x1024xf32> to vector<8x1024xf32>
    %slice3A_150 = vector.extract_strided_slice %broadcast_in_dim3A {offsets = [96, 0], sizes = [8, 1], strides = [1, 1]} : vector<1024x1xf32> to vector<8x1xf32>
    %add3A_151 = vector.broadcast %broadcast_in_dim3A_21 : vector<1x1024xf32> to vector<8x1024xf32>
    %add3A_152 = vector.broadcast %slice3A_150 : vector<8x1xf32> to vector<8x1024xf32>
    %add3A_153 = arith.addf %add3A_151, %add3A_152 : vector<8x1024xf32>
    %sub3A_154 = arith.subf %add3A_153, %slice3A_149 : vector<8x1024xf32>
    %lt3A_155 = arith.cmpf olt, %sub3A_154, %select_n3A_145 : vector<8x1024xf32>
    %select_n3A_156 = arith.select %lt3A_155, %sub3A_154, %select_n3A_145 : vector<8x1024xi1>, vector<8x1024xf32>
    %jit3A_157 = arith.constant 12 : i32
    %broadcast_in_dim3A_158 = vector.broadcast %jit3A_157 : i32 to vector<8x1024xi32>
    %select_n3A_159 = arith.select %lt3A_155, %broadcast_in_dim3A_158, %select_n3A_148 : vector<8x1024xi1>, vector<8x1024xi32>
    %slice3A_160 = vector.extract_strided_slice %dot_general3A_24 {offsets = [104, 0], sizes = [8, 1024], strides = [1, 1]} : vector<1024x1024xf32> to vector<8x1024xf32>
    %slice3A_161 = vector.extract_strided_slice %broadcast_in_dim3A {offsets = [104, 0], sizes = [8, 1], strides = [1, 1]} : vector<1024x1xf32> to vector<8x1xf32>
    %add3A_162 = vector.broadcast %broadcast_in_dim3A_21 : vector<1x1024xf32> to vector<8x1024xf32>
    %add3A_163 = vector.broadcast %slice3A_161 : vector<8x1xf32> to vector<8x1024xf32>
    %add3A_164 = arith.addf %add3A_162, %add3A_163 : vector<8x1024xf32>
    %sub3A_165 = arith.subf %add3A_164, %slice3A_160 : vector<8x1024xf32>
    %lt3A_166 = arith.cmpf olt, %sub3A_165, %select_n3A_156 : vector<8x1024xf32>
    %select_n3A_167 = arith.select %lt3A_166, %sub3A_165, %select_n3A_156 : vector<8x1024xi1>, vector<8x1024xf32>
    %jit3A_168 = arith.constant 13 : i32
    %broadcast_in_dim3A_169 = vector.broadcast %jit3A_168 : i32 to vector<8x1024xi32>
    %select_n3A_170 = arith.select %lt3A_166, %broadcast_in_dim3A_169, %select_n3A_159 : vector<8x1024xi1>, vector<8x1024xi32>
    %slice3A_171 = vector.extract_strided_slice %dot_general3A_24 {offsets = [112, 0], sizes = [8, 1024], strides = [1, 1]} : vector<1024x1024xf32> to vector<8x1024xf32>
    %slice3A_172 = vector.extract_strided_slice %broadcast_in_dim3A {offsets = [112, 0], sizes = [8, 1], strides = [1, 1]} : vector<1024x1xf32> to vector<8x1xf32>
    %add3A_173 = vector.broadcast %broadcast_in_dim3A_21 : vector<1x1024xf32> to vector<8x1024xf32>
    %add3A_174 = vector.broadcast %slice3A_172 : vector<8x1xf32> to vector<8x1024xf32>
    %add3A_175 = arith.addf %add3A_173, %add3A_174 : vector<8x1024xf32>
    %sub3A_176 = arith.subf %add3A_175, %slice3A_171 : vector<8x1024xf32>
    %lt3A_177 = arith.cmpf olt, %sub3A_176, %select_n3A_167 : vector<8x1024xf32>
    %select_n3A_178 = arith.select %lt3A_177, %sub3A_176, %select_n3A_167 : vector<8x1024xi1>, vector<8x1024xf32>
    %jit3A_179 = arith.constant 14 : i32
    %broadcast_in_dim3A_180 = vector.broadcast %jit3A_179 : i32 to vector<8x1024xi32>
    %select_n3A_181 = arith.select %lt3A_177, %broadcast_in_dim3A_180, %select_n3A_170 : vector<8x1024xi1>, vector<8x1024xi32>
    %slice3A_182 = vector.extract_strided_slice %dot_general3A_24 {offsets = [120, 0], sizes = [8, 1024], strides = [1, 1]} : vector<1024x1024xf32> to vector<8x1024xf32>
    %slice3A_183 = vector.extract_strided_slice %broadcast_in_dim3A {offsets = [120, 0], sizes = [8, 1], strides = [1, 1]} : vector<1024x1xf32> to vector<8x1xf32>
    %add3A_184 = vector.broadcast %broadcast_in_dim3A_21 : vector<1x1024xf32> to vector<8x1024xf32>
    %add3A_185 = vector.broadcast %slice3A_183 : vector<8x1xf32> to vector<8x1024xf32>
    %add3A_186 = arith.addf %add3A_184, %add3A_185 : vector<8x1024xf32>
    %sub3A_187 = arith.subf %add3A_186, %slice3A_182 : vector<8x1024xf32>
    %lt3A_188 = arith.cmpf olt, %sub3A_187, %select_n3A_178 : vector<8x1024xf32>
    %select_n3A_189 = arith.select %lt3A_188, %sub3A_187, %select_n3A_178 : vector<8x1024xi1>, vector<8x1024xf32>
    %jit3A_190 = arith.constant 15 : i32
    %broadcast_in_dim3A_191 = vector.broadcast %jit3A_190 : i32 to vector<8x1024xi32>
    %select_n3A_192 = arith.select %lt3A_188, %broadcast_in_dim3A_191, %select_n3A_181 : vector<8x1024xi1>, vector<8x1024xi32>
    %slice3A_193 = vector.extract_strided_slice %dot_general3A_24 {offsets = [128, 0], sizes = [8, 1024], strides = [1, 1]} : vector<1024x1024xf32> to vector<8x1024xf32>
    %slice3A_194 = vector.extract_strided_slice %broadcast_in_dim3A {offsets = [128, 0], sizes = [8, 1], strides = [1, 1]} : vector<1024x1xf32> to vector<8x1xf32>
    %add3A_195 = vector.broadcast %broadcast_in_dim3A_21 : vector<1x1024xf32> to vector<8x1024xf32>
    %add3A_196 = vector.broadcast %slice3A_194 : vector<8x1xf32> to vector<8x1024xf32>
    %add3A_197 = arith.addf %add3A_195, %add3A_196 : vector<8x1024xf32>
    %sub3A_198 = arith.subf %add3A_197, %slice3A_193 : vector<8x1024xf32>
    %lt3A_199 = arith.cmpf olt, %sub3A_198, %select_n3A_189 : vector<8x1024xf32>
    %select_n3A_200 = arith.select %lt3A_199, %sub3A_198, %select_n3A_189 : vector<8x1024xi1>, vector<8x1024xf32>
    %jit3A_201 = arith.constant 16 : i32
    %broadcast_in_dim3A_202 = vector.broadcast %jit3A_201 : i32 to vector<8x1024xi32>
    %select_n3A_203 = arith.select %lt3A_199, %broadcast_in_dim3A_202, %select_n3A_192 : vector<8x1024xi1>, vector<8x1024xi32>
    %slice3A_204 = vector.extract_strided_slice %dot_general3A_24 {offsets = [136, 0], sizes = [8, 1024], strides = [1, 1]} : vector<1024x1024xf32> to vector<8x1024xf32>
    %slice3A_205 = vector.extract_strided_slice %broadcast_in_dim3A {offsets = [136, 0], sizes = [8, 1], strides = [1, 1]} : vector<1024x1xf32> to vector<8x1xf32>
    %add3A_206 = vector.broadcast %broadcast_in_dim3A_21 : vector<1x1024xf32> to vector<8x1024xf32>
    %add3A_207 = vector.broadcast %slice3A_205 : vector<8x1xf32> to vector<8x1024xf32>
    %add3A_208 = arith.addf %add3A_206, %add3A_207 : vector<8x1024xf32>
    %sub3A_209 = arith.subf %add3A_208, %slice3A_204 : vector<8x1024xf32>
    %lt3A_210 = arith.cmpf olt, %sub3A_209, %select_n3A_200 : vector<8x1024xf32>
    %select_n3A_211 = arith.select %lt3A_210, %sub3A_209, %select_n3A_200 : vector<8x1024xi1>, vector<8x1024xf32>
    %jit3A_212 = arith.constant 17 : i32
    %broadcast_in_dim3A_213 = vector.broadcast %jit3A_212 : i32 to vector<8x1024xi32>
    %select_n3A_214 = arith.select %lt3A_210, %broadcast_in_dim3A_213, %select_n3A_203 : vector<8x1024xi1>, vector<8x1024xi32>
    %slice3A_215 = vector.extract_strided_slice %dot_general3A_24 {offsets = [144, 0], sizes = [8, 1024], strides = [1, 1]} : vector<1024x1024xf32> to vector<8x1024xf32>
    %slice3A_216 = vector.extract_strided_slice %broadcast_in_dim3A {offsets = [144, 0], sizes = [8, 1], strides = [1, 1]} : vector<1024x1xf32> to vector<8x1xf32>
    %add3A_217 = vector.broadcast %broadcast_in_dim3A_21 : vector<1x1024xf32> to vector<8x1024xf32>
    %add3A_218 = vector.broadcast %slice3A_216 : vector<8x1xf32> to vector<8x1024xf32>
    %add3A_219 = arith.addf %add3A_217, %add3A_218 : vector<8x1024xf32>
    %sub3A_220 = arith.subf %add3A_219, %slice3A_215 : vector<8x1024xf32>
    %lt3A_221 = arith.cmpf olt, %sub3A_220, %select_n3A_211 : vector<8x1024xf32>
    %select_n3A_222 = arith.select %lt3A_221, %sub3A_220, %select_n3A_211 : vector<8x1024xi1>, vector<8x1024xf32>
    %jit3A_223 = arith.constant 18 : i32
    %broadcast_in_dim3A_224 = vector.broadcast %jit3A_223 : i32 to vector<8x1024xi32>
    %select_n3A_225 = arith.select %lt3A_221, %broadcast_in_dim3A_224, %select_n3A_214 : vector<8x1024xi1>, vector<8x1024xi32>
    %slice3A_226 = vector.extract_strided_slice %dot_general3A_24 {offsets = [152, 0], sizes = [8, 1024], strides = [1, 1]} : vector<1024x1024xf32> to vector<8x1024xf32>
    %slice3A_227 = vector.extract_strided_slice %broadcast_in_dim3A {offsets = [152, 0], sizes = [8, 1], strides = [1, 1]} : vector<1024x1xf32> to vector<8x1xf32>
    %add3A_228 = vector.broadcast %broadcast_in_dim3A_21 : vector<1x1024xf32> to vector<8x1024xf32>
    %add3A_229 = vector.broadcast %slice3A_227 : vector<8x1xf32> to vector<8x1024xf32>
    %add3A_230 = arith.addf %add3A_228, %add3A_229 : vector<8x1024xf32>
    %sub3A_231 = arith.subf %add3A_230, %slice3A_226 : vector<8x1024xf32>
    %lt3A_232 = arith.cmpf olt, %sub3A_231, %select_n3A_222 : vector<8x1024xf32>
    %select_n3A_233 = arith.select %lt3A_232, %sub3A_231, %select_n3A_222 : vector<8x1024xi1>, vector<8x1024xf32>
    %jit3A_234 = arith.constant 19 : i32
    %broadcast_in_dim3A_235 = vector.broadcast %jit3A_234 : i32 to vector<8x1024xi32>
    %select_n3A_236 = arith.select %lt3A_232, %broadcast_in_dim3A_235, %select_n3A_225 : vector<8x1024xi1>, vector<8x1024xi32>
    %slice3A_237 = vector.extract_strided_slice %dot_general3A_24 {offsets = [160, 0], sizes = [8, 1024], strides = [1, 1]} : vector<1024x1024xf32> to vector<8x1024xf32>
    %slice3A_238 = vector.extract_strided_slice %broadcast_in_dim3A {offsets = [160, 0], sizes = [8, 1], strides = [1, 1]} : vector<1024x1xf32> to vector<8x1xf32>
    %add3A_239 = vector.broadcast %broadcast_in_dim3A_21 : vector<1x1024xf32> to vector<8x1024xf32>
    %add3A_240 = vector.broadcast %slice3A_238 : vector<8x1xf32> to vector<8x1024xf32>
    %add3A_241 = arith.addf %add3A_239, %add3A_240 : vector<8x1024xf32>
    %sub3A_242 = arith.subf %add3A_241, %slice3A_237 : vector<8x1024xf32>
    %lt3A_243 = arith.cmpf olt, %sub3A_242, %select_n3A_233 : vector<8x1024xf32>
    %select_n3A_244 = arith.select %lt3A_243, %sub3A_242, %select_n3A_233 : vector<8x1024xi1>, vector<8x1024xf32>
    %jit3A_245 = arith.constant 20 : i32
    %broadcast_in_dim3A_246 = vector.broadcast %jit3A_245 : i32 to vector<8x1024xi32>
    %select_n3A_247 = arith.select %lt3A_243, %broadcast_in_dim3A_246, %select_n3A_236 : vector<8x1024xi1>, vector<8x1024xi32>
    %slice3A_248 = vector.extract_strided_slice %dot_general3A_24 {offsets = [168, 0], sizes = [8, 1024], strides = [1, 1]} : vector<1024x1024xf32> to vector<8x1024xf32>
    %slice3A_249 = vector.extract_strided_slice %broadcast_in_dim3A {offsets = [168, 0], sizes = [8, 1], strides = [1, 1]} : vector<1024x1xf32> to vector<8x1xf32>
    %add3A_250 = vector.broadcast %broadcast_in_dim3A_21 : vector<1x1024xf32> to vector<8x1024xf32>
    %add3A_251 = vector.broadcast %slice3A_249 : vector<8x1xf32> to vector<8x1024xf32>
    %add3A_252 = arith.addf %add3A_250, %add3A_251 : vector<8x1024xf32>
    %sub3A_253 = arith.subf %add3A_252, %slice3A_248 : vector<8x1024xf32>
    %lt3A_254 = arith.cmpf olt, %sub3A_253, %select_n3A_244 : vector<8x1024xf32>
    %select_n3A_255 = arith.select %lt3A_254, %sub3A_253, %select_n3A_244 : vector<8x1024xi1>, vector<8x1024xf32>
    %jit3A_256 = arith.constant 21 : i32
    %broadcast_in_dim3A_257 = vector.broadcast %jit3A_256 : i32 to vector<8x1024xi32>
    %select_n3A_258 = arith.select %lt3A_254, %broadcast_in_dim3A_257, %select_n3A_247 : vector<8x1024xi1>, vector<8x1024xi32>
    %slice3A_259 = vector.extract_strided_slice %dot_general3A_24 {offsets = [176, 0], sizes = [8, 1024], strides = [1, 1]} : vector<1024x1024xf32> to vector<8x1024xf32>
    %slice3A_260 = vector.extract_strided_slice %broadcast_in_dim3A {offsets = [176, 0], sizes = [8, 1], strides = [1, 1]} : vector<1024x1xf32> to vector<8x1xf32>
    %add3A_261 = vector.broadcast %broadcast_in_dim3A_21 : vector<1x1024xf32> to vector<8x1024xf32>
    %add3A_262 = vector.broadcast %slice3A_260 : vector<8x1xf32> to vector<8x1024xf32>
    %add3A_263 = arith.addf %add3A_261, %add3A_262 : vector<8x1024xf32>
    %sub3A_264 = arith.subf %add3A_263, %slice3A_259 : vector<8x1024xf32>
    %lt3A_265 = arith.cmpf olt, %sub3A_264, %select_n3A_255 : vector<8x1024xf32>
    %select_n3A_266 = arith.select %lt3A_265, %sub3A_264, %select_n3A_255 : vector<8x1024xi1>, vector<8x1024xf32>
    %jit3A_267 = arith.constant 22 : i32
    %broadcast_in_dim3A_268 = vector.broadcast %jit3A_267 : i32 to vector<8x1024xi32>
    %select_n3A_269 = arith.select %lt3A_265, %broadcast_in_dim3A_268, %select_n3A_258 : vector<8x1024xi1>, vector<8x1024xi32>
    %slice3A_270 = vector.extract_strided_slice %dot_general3A_24 {offsets = [184, 0], sizes = [8, 1024], strides = [1, 1]} : vector<1024x1024xf32> to vector<8x1024xf32>
    %slice3A_271 = vector.extract_strided_slice %broadcast_in_dim3A {offsets = [184, 0], sizes = [8, 1], strides = [1, 1]} : vector<1024x1xf32> to vector<8x1xf32>
    %add3A_272 = vector.broadcast %broadcast_in_dim3A_21 : vector<1x1024xf32> to vector<8x1024xf32>
    %add3A_273 = vector.broadcast %slice3A_271 : vector<8x1xf32> to vector<8x1024xf32>
    %add3A_274 = arith.addf %add3A_272, %add3A_273 : vector<8x1024xf32>
    %sub3A_275 = arith.subf %add3A_274, %slice3A_270 : vector<8x1024xf32>
    %lt3A_276 = arith.cmpf olt, %sub3A_275, %select_n3A_266 : vector<8x1024xf32>
    %select_n3A_277 = arith.select %lt3A_276, %sub3A_275, %select_n3A_266 : vector<8x1024xi1>, vector<8x1024xf32>
    %jit3A_278 = arith.constant 23 : i32
    %broadcast_in_dim3A_279 = vector.broadcast %jit3A_278 : i32 to vector<8x1024xi32>
    %select_n3A_280 = arith.select %lt3A_276, %broadcast_in_dim3A_279, %select_n3A_269 : vector<8x1024xi1>, vector<8x1024xi32>
    %slice3A_281 = vector.extract_strided_slice %dot_general3A_24 {offsets = [192, 0], sizes = [8, 1024], strides = [1, 1]} : vector<1024x1024xf32> to vector<8x1024xf32>
    %slice3A_282 = vector.extract_strided_slice %broadcast_in_dim3A {offsets = [192, 0], sizes = [8, 1], strides = [1, 1]} : vector<1024x1xf32> to vector<8x1xf32>
    %add3A_283 = vector.broadcast %broadcast_in_dim3A_21 : vector<1x1024xf32> to vector<8x1024xf32>
    %add3A_284 = vector.broadcast %slice3A_282 : vector<8x1xf32> to vector<8x1024xf32>
    %add3A_285 = arith.addf %add3A_283, %add3A_284 : vector<8x1024xf32>
    %sub3A_286 = arith.subf %add3A_285, %slice3A_281 : vector<8x1024xf32>
    %lt3A_287 = arith.cmpf olt, %sub3A_286, %select_n3A_277 : vector<8x1024xf32>
    %select_n3A_288 = arith.select %lt3A_287, %sub3A_286, %select_n3A_277 : vector<8x1024xi1>, vector<8x1024xf32>
    %jit3A_289 = arith.constant 24 : i32
    %broadcast_in_dim3A_290 = vector.broadcast %jit3A_289 : i32 to vector<8x1024xi32>
    %select_n3A_291 = arith.select %lt3A_287, %broadcast_in_dim3A_290, %select_n3A_280 : vector<8x1024xi1>, vector<8x1024xi32>
    %slice3A_292 = vector.extract_strided_slice %dot_general3A_24 {offsets = [200, 0], sizes = [8, 1024], strides = [1, 1]} : vector<1024x1024xf32> to vector<8x1024xf32>
    %slice3A_293 = vector.extract_strided_slice %broadcast_in_dim3A {offsets = [200, 0], sizes = [8, 1], strides = [1, 1]} : vector<1024x1xf32> to vector<8x1xf32>
    %add3A_294 = vector.broadcast %broadcast_in_dim3A_21 : vector<1x1024xf32> to vector<8x1024xf32>
    %add3A_295 = vector.broadcast %slice3A_293 : vector<8x1xf32> to vector<8x1024xf32>
    %add3A_296 = arith.addf %add3A_294, %add3A_295 : vector<8x1024xf32>
    %sub3A_297 = arith.subf %add3A_296, %slice3A_292 : vector<8x1024xf32>
    %lt3A_298 = arith.cmpf olt, %sub3A_297, %select_n3A_288 : vector<8x1024xf32>
    %select_n3A_299 = arith.select %lt3A_298, %sub3A_297, %select_n3A_288 : vector<8x1024xi1>, vector<8x1024xf32>
    %jit3A_300 = arith.constant 25 : i32
    %broadcast_in_dim3A_301 = vector.broadcast %jit3A_300 : i32 to vector<8x1024xi32>
    %select_n3A_302 = arith.select %lt3A_298, %broadcast_in_dim3A_301, %select_n3A_291 : vector<8x1024xi1>, vector<8x1024xi32>
    %slice3A_303 = vector.extract_strided_slice %dot_general3A_24 {offsets = [208, 0], sizes = [8, 1024], strides = [1, 1]} : vector<1024x1024xf32> to vector<8x1024xf32>
    %slice3A_304 = vector.extract_strided_slice %broadcast_in_dim3A {offsets = [208, 0], sizes = [8, 1], strides = [1, 1]} : vector<1024x1xf32> to vector<8x1xf32>
    %add3A_305 = vector.broadcast %broadcast_in_dim3A_21 : vector<1x1024xf32> to vector<8x1024xf32>
    %add3A_306 = vector.broadcast %slice3A_304 : vector<8x1xf32> to vector<8x1024xf32>
    %add3A_307 = arith.addf %add3A_305, %add3A_306 : vector<8x1024xf32>
    %sub3A_308 = arith.subf %add3A_307, %slice3A_303 : vector<8x1024xf32>
    %lt3A_309 = arith.cmpf olt, %sub3A_308, %select_n3A_299 : vector<8x1024xf32>
    %select_n3A_310 = arith.select %lt3A_309, %sub3A_308, %select_n3A_299 : vector<8x1024xi1>, vector<8x1024xf32>
    %jit3A_311 = arith.constant 26 : i32
    %broadcast_in_dim3A_312 = vector.broadcast %jit3A_311 : i32 to vector<8x1024xi32>
    %select_n3A_313 = arith.select %lt3A_309, %broadcast_in_dim3A_312, %select_n3A_302 : vector<8x1024xi1>, vector<8x1024xi32>
    %slice3A_314 = vector.extract_strided_slice %dot_general3A_24 {offsets = [216, 0], sizes = [8, 1024], strides = [1, 1]} : vector<1024x1024xf32> to vector<8x1024xf32>
    %slice3A_315 = vector.extract_strided_slice %broadcast_in_dim3A {offsets = [216, 0], sizes = [8, 1], strides = [1, 1]} : vector<1024x1xf32> to vector<8x1xf32>
    %add3A_316 = vector.broadcast %broadcast_in_dim3A_21 : vector<1x1024xf32> to vector<8x1024xf32>
    %add3A_317 = vector.broadcast %slice3A_315 : vector<8x1xf32> to vector<8x1024xf32>
    %add3A_318 = arith.addf %add3A_316, %add3A_317 : vector<8x1024xf32>
    %sub3A_319 = arith.subf %add3A_318, %slice3A_314 : vector<8x1024xf32>
    %lt3A_320 = arith.cmpf olt, %sub3A_319, %select_n3A_310 : vector<8x1024xf32>
    %select_n3A_321 = arith.select %lt3A_320, %sub3A_319, %select_n3A_310 : vector<8x1024xi1>, vector<8x1024xf32>
    %jit3A_322 = arith.constant 27 : i32
    %broadcast_in_dim3A_323 = vector.broadcast %jit3A_322 : i32 to vector<8x1024xi32>
    %select_n3A_324 = arith.select %lt3A_320, %broadcast_in_dim3A_323, %select_n3A_313 : vector<8x1024xi1>, vector<8x1024xi32>
    %slice3A_325 = vector.extract_strided_slice %dot_general3A_24 {offsets = [224, 0], sizes = [8, 1024], strides = [1, 1]} : vector<1024x1024xf32> to vector<8x1024xf32>
    %slice3A_326 = vector.extract_strided_slice %broadcast_in_dim3A {offsets = [224, 0], sizes = [8, 1], strides = [1, 1]} : vector<1024x1xf32> to vector<8x1xf32>
    %add3A_327 = vector.broadcast %broadcast_in_dim3A_21 : vector<1x1024xf32> to vector<8x1024xf32>
    %add3A_328 = vector.broadcast %slice3A_326 : vector<8x1xf32> to vector<8x1024xf32>
    %add3A_329 = arith.addf %add3A_327, %add3A_328 : vector<8x1024xf32>
    %sub3A_330 = arith.subf %add3A_329, %slice3A_325 : vector<8x1024xf32>
    %lt3A_331 = arith.cmpf olt, %sub3A_330, %select_n3A_321 : vector<8x1024xf32>
    %select_n3A_332 = arith.select %lt3A_331, %sub3A_330, %select_n3A_321 : vector<8x1024xi1>, vector<8x1024xf32>
    %jit3A_333 = arith.constant 28 : i32
    %broadcast_in_dim3A_334 = vector.broadcast %jit3A_333 : i32 to vector<8x1024xi32>
    %select_n3A_335 = arith.select %lt3A_331, %broadcast_in_dim3A_334, %select_n3A_324 : vector<8x1024xi1>, vector<8x1024xi32>
    %slice3A_336 = vector.extract_strided_slice %dot_general3A_24 {offsets = [232, 0], sizes = [8, 1024], strides = [1, 1]} : vector<1024x1024xf32> to vector<8x1024xf32>
    %slice3A_337 = vector.extract_strided_slice %broadcast_in_dim3A {offsets = [232, 0], sizes = [8, 1], strides = [1, 1]} : vector<1024x1xf32> to vector<8x1xf32>
    %add3A_338 = vector.broadcast %broadcast_in_dim3A_21 : vector<1x1024xf32> to vector<8x1024xf32>
    %add3A_339 = vector.broadcast %slice3A_337 : vector<8x1xf32> to vector<8x1024xf32>
    %add3A_340 = arith.addf %add3A_338, %add3A_339 : vector<8x1024xf32>
    %sub3A_341 = arith.subf %add3A_340, %slice3A_336 : vector<8x1024xf32>
    %lt3A_342 = arith.cmpf olt, %sub3A_341, %select_n3A_332 : vector<8x1024xf32>
    %select_n3A_343 = arith.select %lt3A_342, %sub3A_341, %select_n3A_332 : vector<8x1024xi1>, vector<8x1024xf32>
    %jit3A_344 = arith.constant 29 : i32
    %broadcast_in_dim3A_345 = vector.broadcast %jit3A_344 : i32 to vector<8x1024xi32>
    %select_n3A_346 = arith.select %lt3A_342, %broadcast_in_dim3A_345, %select_n3A_335 : vector<8x1024xi1>, vector<8x1024xi32>
    %slice3A_347 = vector.extract_strided_slice %dot_general3A_24 {offsets = [240, 0], sizes = [8, 1024], strides = [1, 1]} : vector<1024x1024xf32> to vector<8x1024xf32>
    %slice3A_348 = vector.extract_strided_slice %broadcast_in_dim3A {offsets = [240, 0], sizes = [8, 1], strides = [1, 1]} : vector<1024x1xf32> to vector<8x1xf32>
    %add3A_349 = vector.broadcast %broadcast_in_dim3A_21 : vector<1x1024xf32> to vector<8x1024xf32>
    %add3A_350 = vector.broadcast %slice3A_348 : vector<8x1xf32> to vector<8x1024xf32>
    %add3A_351 = arith.addf %add3A_349, %add3A_350 : vector<8x1024xf32>
    %sub3A_352 = arith.subf %add3A_351, %slice3A_347 : vector<8x1024xf32>
    %lt3A_353 = arith.cmpf olt, %sub3A_352, %select_n3A_343 : vector<8x1024xf32>
    %select_n3A_354 = arith.select %lt3A_353, %sub3A_352, %select_n3A_343 : vector<8x1024xi1>, vector<8x1024xf32>
    %jit3A_355 = arith.constant 30 : i32
    %broadcast_in_dim3A_356 = vector.broadcast %jit3A_355 : i32 to vector<8x1024xi32>
    %select_n3A_357 = arith.select %lt3A_353, %broadcast_in_dim3A_356, %select_n3A_346 : vector<8x1024xi1>, vector<8x1024xi32>
    %slice3A_358 = vector.extract_strided_slice %dot_general3A_24 {offsets = [248, 0], sizes = [8, 1024], strides = [1, 1]} : vector<1024x1024xf32> to vector<8x1024xf32>
    %slice3A_359 = vector.extract_strided_slice %broadcast_in_dim3A {offsets = [248, 0], sizes = [8, 1], strides = [1, 1]} : vector<1024x1xf32> to vector<8x1xf32>
    %add3A_360 = vector.broadcast %broadcast_in_dim3A_21 : vector<1x1024xf32> to vector<8x1024xf32>
    %add3A_361 = vector.broadcast %slice3A_359 : vector<8x1xf32> to vector<8x1024xf32>
    %add3A_362 = arith.addf %add3A_360, %add3A_361 : vector<8x1024xf32>
    %sub3A_363 = arith.subf %add3A_362, %slice3A_358 : vector<8x1024xf32>
    %lt3A_364 = arith.cmpf olt, %sub3A_363, %select_n3A_354 : vector<8x1024xf32>
    %select_n3A_365 = arith.select %lt3A_364, %sub3A_363, %select_n3A_354 : vector<8x1024xi1>, vector<8x1024xf32>
    %jit3A_366 = arith.constant 31 : i32
    %broadcast_in_dim3A_367 = vector.broadcast %jit3A_366 : i32 to vector<8x1024xi32>
    %select_n3A_368 = arith.select %lt3A_364, %broadcast_in_dim3A_367, %select_n3A_357 : vector<8x1024xi1>, vector<8x1024xi32>
    %slice3A_369 = vector.extract_strided_slice %dot_general3A_24 {offsets = [256, 0], sizes = [8, 1024], strides = [1, 1]} : vector<1024x1024xf32> to vector<8x1024xf32>
    %slice3A_370 = vector.extract_strided_slice %broadcast_in_dim3A {offsets = [256, 0], sizes = [8, 1], strides = [1, 1]} : vector<1024x1xf32> to vector<8x1xf32>
    %add3A_371 = vector.broadcast %broadcast_in_dim3A_21 : vector<1x1024xf32> to vector<8x1024xf32>
    %add3A_372 = vector.broadcast %slice3A_370 : vector<8x1xf32> to vector<8x1024xf32>
    %add3A_373 = arith.addf %add3A_371, %add3A_372 : vector<8x1024xf32>
    %sub3A_374 = arith.subf %add3A_373, %slice3A_369 : vector<8x1024xf32>
    %lt3A_375 = arith.cmpf olt, %sub3A_374, %select_n3A_365 : vector<8x1024xf32>
    %select_n3A_376 = arith.select %lt3A_375, %sub3A_374, %select_n3A_365 : vector<8x1024xi1>, vector<8x1024xf32>
    %jit3A_377 = arith.constant 32 : i32
    %broadcast_in_dim3A_378 = vector.broadcast %jit3A_377 : i32 to vector<8x1024xi32>
    %select_n3A_379 = arith.select %lt3A_375, %broadcast_in_dim3A_378, %select_n3A_368 : vector<8x1024xi1>, vector<8x1024xi32>
    %slice3A_380 = vector.extract_strided_slice %dot_general3A_24 {offsets = [264, 0], sizes = [8, 1024], strides = [1, 1]} : vector<1024x1024xf32> to vector<8x1024xf32>
    %slice3A_381 = vector.extract_strided_slice %broadcast_in_dim3A {offsets = [264, 0], sizes = [8, 1], strides = [1, 1]} : vector<1024x1xf32> to vector<8x1xf32>
    %add3A_382 = vector.broadcast %broadcast_in_dim3A_21 : vector<1x1024xf32> to vector<8x1024xf32>
    %add3A_383 = vector.broadcast %slice3A_381 : vector<8x1xf32> to vector<8x1024xf32>
    %add3A_384 = arith.addf %add3A_382, %add3A_383 : vector<8x1024xf32>
    %sub3A_385 = arith.subf %add3A_384, %slice3A_380 : vector<8x1024xf32>
    %lt3A_386 = arith.cmpf olt, %sub3A_385, %select_n3A_376 : vector<8x1024xf32>
    %select_n3A_387 = arith.select %lt3A_386, %sub3A_385, %select_n3A_376 : vector<8x1024xi1>, vector<8x1024xf32>
    %jit3A_388 = arith.constant 33 : i32
    %broadcast_in_dim3A_389 = vector.broadcast %jit3A_388 : i32 to vector<8x1024xi32>
    %select_n3A_390 = arith.select %lt3A_386, %broadcast_in_dim3A_389, %select_n3A_379 : vector<8x1024xi1>, vector<8x1024xi32>
    %slice3A_391 = vector.extract_strided_slice %dot_general3A_24 {offsets = [272, 0], sizes = [8, 1024], strides = [1, 1]} : vector<1024x1024xf32> to vector<8x1024xf32>
    %slice3A_392 = vector.extract_strided_slice %broadcast_in_dim3A {offsets = [272, 0], sizes = [8, 1], strides = [1, 1]} : vector<1024x1xf32> to vector<8x1xf32>
    %add3A_393 = vector.broadcast %broadcast_in_dim3A_21 : vector<1x1024xf32> to vector<8x1024xf32>
    %add3A_394 = vector.broadcast %slice3A_392 : vector<8x1xf32> to vector<8x1024xf32>
    %add3A_395 = arith.addf %add3A_393, %add3A_394 : vector<8x1024xf32>
    %sub3A_396 = arith.subf %add3A_395, %slice3A_391 : vector<8x1024xf32>
    %lt3A_397 = arith.cmpf olt, %sub3A_396, %select_n3A_387 : vector<8x1024xf32>
    %select_n3A_398 = arith.select %lt3A_397, %sub3A_396, %select_n3A_387 : vector<8x1024xi1>, vector<8x1024xf32>
    %jit3A_399 = arith.constant 34 : i32
    %broadcast_in_dim3A_400 = vector.broadcast %jit3A_399 : i32 to vector<8x1024xi32>
    %select_n3A_401 = arith.select %lt3A_397, %broadcast_in_dim3A_400, %select_n3A_390 : vector<8x1024xi1>, vector<8x1024xi32>
    %slice3A_402 = vector.extract_strided_slice %dot_general3A_24 {offsets = [280, 0], sizes = [8, 1024], strides = [1, 1]} : vector<1024x1024xf32> to vector<8x1024xf32>
    %slice3A_403 = vector.extract_strided_slice %broadcast_in_dim3A {offsets = [280, 0], sizes = [8, 1], strides = [1, 1]} : vector<1024x1xf32> to vector<8x1xf32>
    %add3A_404 = vector.broadcast %broadcast_in_dim3A_21 : vector<1x1024xf32> to vector<8x1024xf32>
    %add3A_405 = vector.broadcast %slice3A_403 : vector<8x1xf32> to vector<8x1024xf32>
    %add3A_406 = arith.addf %add3A_404, %add3A_405 : vector<8x1024xf32>
    %sub3A_407 = arith.subf %add3A_406, %slice3A_402 : vector<8x1024xf32>
    %lt3A_408 = arith.cmpf olt, %sub3A_407, %select_n3A_398 : vector<8x1024xf32>
    %select_n3A_409 = arith.select %lt3A_408, %sub3A_407, %select_n3A_398 : vector<8x1024xi1>, vector<8x1024xf32>
    %jit3A_410 = arith.constant 35 : i32
    %broadcast_in_dim3A_411 = vector.broadcast %jit3A_410 : i32 to vector<8x1024xi32>
    %select_n3A_412 = arith.select %lt3A_408, %broadcast_in_dim3A_411, %select_n3A_401 : vector<8x1024xi1>, vector<8x1024xi32>
    %slice3A_413 = vector.extract_strided_slice %dot_general3A_24 {offsets = [288, 0], sizes = [8, 1024], strides = [1, 1]} : vector<1024x1024xf32> to vector<8x1024xf32>
    %slice3A_414 = vector.extract_strided_slice %broadcast_in_dim3A {offsets = [288, 0], sizes = [8, 1], strides = [1, 1]} : vector<1024x1xf32> to vector<8x1xf32>
    %add3A_415 = vector.broadcast %broadcast_in_dim3A_21 : vector<1x1024xf32> to vector<8x1024xf32>
    %add3A_416 = vector.broadcast %slice3A_414 : vector<8x1xf32> to vector<8x1024xf32>
    %add3A_417 = arith.addf %add3A_415, %add3A_416 : vector<8x1024xf32>
    %sub3A_418 = arith.subf %add3A_417, %slice3A_413 : vector<8x1024xf32>
    %lt3A_419 = arith.cmpf olt, %sub3A_418, %select_n3A_409 : vector<8x1024xf32>
    %select_n3A_420 = arith.select %lt3A_419, %sub3A_418, %select_n3A_409 : vector<8x1024xi1>, vector<8x1024xf32>
    %jit3A_421 = arith.constant 36 : i32
    %broadcast_in_dim3A_422 = vector.broadcast %jit3A_421 : i32 to vector<8x1024xi32>
    %select_n3A_423 = arith.select %lt3A_419, %broadcast_in_dim3A_422, %select_n3A_412 : vector<8x1024xi1>, vector<8x1024xi32>
    %slice3A_424 = vector.extract_strided_slice %dot_general3A_24 {offsets = [296, 0], sizes = [8, 1024], strides = [1, 1]} : vector<1024x1024xf32> to vector<8x1024xf32>
    %slice3A_425 = vector.extract_strided_slice %broadcast_in_dim3A {offsets = [296, 0], sizes = [8, 1], strides = [1, 1]} : vector<1024x1xf32> to vector<8x1xf32>
    %add3A_426 = vector.broadcast %broadcast_in_dim3A_21 : vector<1x1024xf32> to vector<8x1024xf32>
    %add3A_427 = vector.broadcast %slice3A_425 : vector<8x1xf32> to vector<8x1024xf32>
    %add3A_428 = arith.addf %add3A_426, %add3A_427 : vector<8x1024xf32>
    %sub3A_429 = arith.subf %add3A_428, %slice3A_424 : vector<8x1024xf32>
    %lt3A_430 = arith.cmpf olt, %sub3A_429, %select_n3A_420 : vector<8x1024xf32>
    %select_n3A_431 = arith.select %lt3A_430, %sub3A_429, %select_n3A_420 : vector<8x1024xi1>, vector<8x1024xf32>
    %jit3A_432 = arith.constant 37 : i32
    %broadcast_in_dim3A_433 = vector.broadcast %jit3A_432 : i32 to vector<8x1024xi32>
    %select_n3A_434 = arith.select %lt3A_430, %broadcast_in_dim3A_433, %select_n3A_423 : vector<8x1024xi1>, vector<8x1024xi32>
    %slice3A_435 = vector.extract_strided_slice %dot_general3A_24 {offsets = [304, 0], sizes = [8, 1024], strides = [1, 1]} : vector<1024x1024xf32> to vector<8x1024xf32>
    %slice3A_436 = vector.extract_strided_slice %broadcast_in_dim3A {offsets = [304, 0], sizes = [8, 1], strides = [1, 1]} : vector<1024x1xf32> to vector<8x1xf32>
    %add3A_437 = vector.broadcast %broadcast_in_dim3A_21 : vector<1x1024xf32> to vector<8x1024xf32>
    %add3A_438 = vector.broadcast %slice3A_436 : vector<8x1xf32> to vector<8x1024xf32>
    %add3A_439 = arith.addf %add3A_437, %add3A_438 : vector<8x1024xf32>
    %sub3A_440 = arith.subf %add3A_439, %slice3A_435 : vector<8x1024xf32>
    %lt3A_441 = arith.cmpf olt, %sub3A_440, %select_n3A_431 : vector<8x1024xf32>
    %select_n3A_442 = arith.select %lt3A_441, %sub3A_440, %select_n3A_431 : vector<8x1024xi1>, vector<8x1024xf32>
    %jit3A_443 = arith.constant 38 : i32
    %broadcast_in_dim3A_444 = vector.broadcast %jit3A_443 : i32 to vector<8x1024xi32>
    %select_n3A_445 = arith.select %lt3A_441, %broadcast_in_dim3A_444, %select_n3A_434 : vector<8x1024xi1>, vector<8x1024xi32>
    %slice3A_446 = vector.extract_strided_slice %dot_general3A_24 {offsets = [312, 0], sizes = [8, 1024], strides = [1, 1]} : vector<1024x1024xf32> to vector<8x1024xf32>
    %slice3A_447 = vector.extract_strided_slice %broadcast_in_dim3A {offsets = [312, 0], sizes = [8, 1], strides = [1, 1]} : vector<1024x1xf32> to vector<8x1xf32>
    %add3A_448 = vector.broadcast %broadcast_in_dim3A_21 : vector<1x1024xf32> to vector<8x1024xf32>
    %add3A_449 = vector.broadcast %slice3A_447 : vector<8x1xf32> to vector<8x1024xf32>
    %add3A_450 = arith.addf %add3A_448, %add3A_449 : vector<8x1024xf32>
    %sub3A_451 = arith.subf %add3A_450, %slice3A_446 : vector<8x1024xf32>
    %lt3A_452 = arith.cmpf olt, %sub3A_451, %select_n3A_442 : vector<8x1024xf32>
    %select_n3A_453 = arith.select %lt3A_452, %sub3A_451, %select_n3A_442 : vector<8x1024xi1>, vector<8x1024xf32>
    %jit3A_454 = arith.constant 39 : i32
    %broadcast_in_dim3A_455 = vector.broadcast %jit3A_454 : i32 to vector<8x1024xi32>
    %select_n3A_456 = arith.select %lt3A_452, %broadcast_in_dim3A_455, %select_n3A_445 : vector<8x1024xi1>, vector<8x1024xi32>
    %slice3A_457 = vector.extract_strided_slice %dot_general3A_24 {offsets = [320, 0], sizes = [8, 1024], strides = [1, 1]} : vector<1024x1024xf32> to vector<8x1024xf32>
    %slice3A_458 = vector.extract_strided_slice %broadcast_in_dim3A {offsets = [320, 0], sizes = [8, 1], strides = [1, 1]} : vector<1024x1xf32> to vector<8x1xf32>
    %add3A_459 = vector.broadcast %broadcast_in_dim3A_21 : vector<1x1024xf32> to vector<8x1024xf32>
    %add3A_460 = vector.broadcast %slice3A_458 : vector<8x1xf32> to vector<8x1024xf32>
    %add3A_461 = arith.addf %add3A_459, %add3A_460 : vector<8x1024xf32>
    %sub3A_462 = arith.subf %add3A_461, %slice3A_457 : vector<8x1024xf32>
    %lt3A_463 = arith.cmpf olt, %sub3A_462, %select_n3A_453 : vector<8x1024xf32>
    %select_n3A_464 = arith.select %lt3A_463, %sub3A_462, %select_n3A_453 : vector<8x1024xi1>, vector<8x1024xf32>
    %jit3A_465 = arith.constant 40 : i32
    %broadcast_in_dim3A_466 = vector.broadcast %jit3A_465 : i32 to vector<8x1024xi32>
    %select_n3A_467 = arith.select %lt3A_463, %broadcast_in_dim3A_466, %select_n3A_456 : vector<8x1024xi1>, vector<8x1024xi32>
    %slice3A_468 = vector.extract_strided_slice %dot_general3A_24 {offsets = [328, 0], sizes = [8, 1024], strides = [1, 1]} : vector<1024x1024xf32> to vector<8x1024xf32>
    %slice3A_469 = vector.extract_strided_slice %broadcast_in_dim3A {offsets = [328, 0], sizes = [8, 1], strides = [1, 1]} : vector<1024x1xf32> to vector<8x1xf32>
    %add3A_470 = vector.broadcast %broadcast_in_dim3A_21 : vector<1x1024xf32> to vector<8x1024xf32>
    %add3A_471 = vector.broadcast %slice3A_469 : vector<8x1xf32> to vector<8x1024xf32>
    %add3A_472 = arith.addf %add3A_470, %add3A_471 : vector<8x1024xf32>
    %sub3A_473 = arith.subf %add3A_472, %slice3A_468 : vector<8x1024xf32>
    %lt3A_474 = arith.cmpf olt, %sub3A_473, %select_n3A_464 : vector<8x1024xf32>
    %select_n3A_475 = arith.select %lt3A_474, %sub3A_473, %select_n3A_464 : vector<8x1024xi1>, vector<8x1024xf32>
    %jit3A_476 = arith.constant 41 : i32
    %broadcast_in_dim3A_477 = vector.broadcast %jit3A_476 : i32 to vector<8x1024xi32>
    %select_n3A_478 = arith.select %lt3A_474, %broadcast_in_dim3A_477, %select_n3A_467 : vector<8x1024xi1>, vector<8x1024xi32>
    %slice3A_479 = vector.extract_strided_slice %dot_general3A_24 {offsets = [336, 0], sizes = [8, 1024], strides = [1, 1]} : vector<1024x1024xf32> to vector<8x1024xf32>
    %slice3A_480 = vector.extract_strided_slice %broadcast_in_dim3A {offsets = [336, 0], sizes = [8, 1], strides = [1, 1]} : vector<1024x1xf32> to vector<8x1xf32>
    %add3A_481 = vector.broadcast %broadcast_in_dim3A_21 : vector<1x1024xf32> to vector<8x1024xf32>
    %add3A_482 = vector.broadcast %slice3A_480 : vector<8x1xf32> to vector<8x1024xf32>
    %add3A_483 = arith.addf %add3A_481, %add3A_482 : vector<8x1024xf32>
    %sub3A_484 = arith.subf %add3A_483, %slice3A_479 : vector<8x1024xf32>
    %lt3A_485 = arith.cmpf olt, %sub3A_484, %select_n3A_475 : vector<8x1024xf32>
    %select_n3A_486 = arith.select %lt3A_485, %sub3A_484, %select_n3A_475 : vector<8x1024xi1>, vector<8x1024xf32>
    %jit3A_487 = arith.constant 42 : i32
    %broadcast_in_dim3A_488 = vector.broadcast %jit3A_487 : i32 to vector<8x1024xi32>
    %select_n3A_489 = arith.select %lt3A_485, %broadcast_in_dim3A_488, %select_n3A_478 : vector<8x1024xi1>, vector<8x1024xi32>
    %slice3A_490 = vector.extract_strided_slice %dot_general3A_24 {offsets = [344, 0], sizes = [8, 1024], strides = [1, 1]} : vector<1024x1024xf32> to vector<8x1024xf32>
    %slice3A_491 = vector.extract_strided_slice %broadcast_in_dim3A {offsets = [344, 0], sizes = [8, 1], strides = [1, 1]} : vector<1024x1xf32> to vector<8x1xf32>
    %add3A_492 = vector.broadcast %broadcast_in_dim3A_21 : vector<1x1024xf32> to vector<8x1024xf32>
    %add3A_493 = vector.broadcast %slice3A_491 : vector<8x1xf32> to vector<8x1024xf32>
    %add3A_494 = arith.addf %add3A_492, %add3A_493 : vector<8x1024xf32>
    %sub3A_495 = arith.subf %add3A_494, %slice3A_490 : vector<8x1024xf32>
    %lt3A_496 = arith.cmpf olt, %sub3A_495, %select_n3A_486 : vector<8x1024xf32>
    %select_n3A_497 = arith.select %lt3A_496, %sub3A_495, %select_n3A_486 : vector<8x1024xi1>, vector<8x1024xf32>
    %jit3A_498 = arith.constant 43 : i32
    %broadcast_in_dim3A_499 = vector.broadcast %jit3A_498 : i32 to vector<8x1024xi32>
    %select_n3A_500 = arith.select %lt3A_496, %broadcast_in_dim3A_499, %select_n3A_489 : vector<8x1024xi1>, vector<8x1024xi32>
    %slice3A_501 = vector.extract_strided_slice %dot_general3A_24 {offsets = [352, 0], sizes = [8, 1024], strides = [1, 1]} : vector<1024x1024xf32> to vector<8x1024xf32>
    %slice3A_502 = vector.extract_strided_slice %broadcast_in_dim3A {offsets = [352, 0], sizes = [8, 1], strides = [1, 1]} : vector<1024x1xf32> to vector<8x1xf32>
    %add3A_503 = vector.broadcast %broadcast_in_dim3A_21 : vector<1x1024xf32> to vector<8x1024xf32>
    %add3A_504 = vector.broadcast %slice3A_502 : vector<8x1xf32> to vector<8x1024xf32>
    %add3A_505 = arith.addf %add3A_503, %add3A_504 : vector<8x1024xf32>
    %sub3A_506 = arith.subf %add3A_505, %slice3A_501 : vector<8x1024xf32>
    %lt3A_507 = arith.cmpf olt, %sub3A_506, %select_n3A_497 : vector<8x1024xf32>
    %select_n3A_508 = arith.select %lt3A_507, %sub3A_506, %select_n3A_497 : vector<8x1024xi1>, vector<8x1024xf32>
    %jit3A_509 = arith.constant 44 : i32
    %broadcast_in_dim3A_510 = vector.broadcast %jit3A_509 : i32 to vector<8x1024xi32>
    %select_n3A_511 = arith.select %lt3A_507, %broadcast_in_dim3A_510, %select_n3A_500 : vector<8x1024xi1>, vector<8x1024xi32>
    %slice3A_512 = vector.extract_strided_slice %dot_general3A_24 {offsets = [360, 0], sizes = [8, 1024], strides = [1, 1]} : vector<1024x1024xf32> to vector<8x1024xf32>
    %slice3A_513 = vector.extract_strided_slice %broadcast_in_dim3A {offsets = [360, 0], sizes = [8, 1], strides = [1, 1]} : vector<1024x1xf32> to vector<8x1xf32>
    %add3A_514 = vector.broadcast %broadcast_in_dim3A_21 : vector<1x1024xf32> to vector<8x1024xf32>
    %add3A_515 = vector.broadcast %slice3A_513 : vector<8x1xf32> to vector<8x1024xf32>
    %add3A_516 = arith.addf %add3A_514, %add3A_515 : vector<8x1024xf32>
    %sub3A_517 = arith.subf %add3A_516, %slice3A_512 : vector<8x1024xf32>
    %lt3A_518 = arith.cmpf olt, %sub3A_517, %select_n3A_508 : vector<8x1024xf32>
    %select_n3A_519 = arith.select %lt3A_518, %sub3A_517, %select_n3A_508 : vector<8x1024xi1>, vector<8x1024xf32>
    %jit3A_520 = arith.constant 45 : i32
    %broadcast_in_dim3A_521 = vector.broadcast %jit3A_520 : i32 to vector<8x1024xi32>
    %select_n3A_522 = arith.select %lt3A_518, %broadcast_in_dim3A_521, %select_n3A_511 : vector<8x1024xi1>, vector<8x1024xi32>
    %slice3A_523 = vector.extract_strided_slice %dot_general3A_24 {offsets = [368, 0], sizes = [8, 1024], strides = [1, 1]} : vector<1024x1024xf32> to vector<8x1024xf32>
    %slice3A_524 = vector.extract_strided_slice %broadcast_in_dim3A {offsets = [368, 0], sizes = [8, 1], strides = [1, 1]} : vector<1024x1xf32> to vector<8x1xf32>
    %add3A_525 = vector.broadcast %broadcast_in_dim3A_21 : vector<1x1024xf32> to vector<8x1024xf32>
    %add3A_526 = vector.broadcast %slice3A_524 : vector<8x1xf32> to vector<8x1024xf32>
    %add3A_527 = arith.addf %add3A_525, %add3A_526 : vector<8x1024xf32>
    %sub3A_528 = arith.subf %add3A_527, %slice3A_523 : vector<8x1024xf32>
    %lt3A_529 = arith.cmpf olt, %sub3A_528, %select_n3A_519 : vector<8x1024xf32>
    %select_n3A_530 = arith.select %lt3A_529, %sub3A_528, %select_n3A_519 : vector<8x1024xi1>, vector<8x1024xf32>
    %jit3A_531 = arith.constant 46 : i32
    %broadcast_in_dim3A_532 = vector.broadcast %jit3A_531 : i32 to vector<8x1024xi32>
    %select_n3A_533 = arith.select %lt3A_529, %broadcast_in_dim3A_532, %select_n3A_522 : vector<8x1024xi1>, vector<8x1024xi32>
    %slice3A_534 = vector.extract_strided_slice %dot_general3A_24 {offsets = [376, 0], sizes = [8, 1024], strides = [1, 1]} : vector<1024x1024xf32> to vector<8x1024xf32>
    %slice3A_535 = vector.extract_strided_slice %broadcast_in_dim3A {offsets = [376, 0], sizes = [8, 1], strides = [1, 1]} : vector<1024x1xf32> to vector<8x1xf32>
    %add3A_536 = vector.broadcast %broadcast_in_dim3A_21 : vector<1x1024xf32> to vector<8x1024xf32>
    %add3A_537 = vector.broadcast %slice3A_535 : vector<8x1xf32> to vector<8x1024xf32>
    %add3A_538 = arith.addf %add3A_536, %add3A_537 : vector<8x1024xf32>
    %sub3A_539 = arith.subf %add3A_538, %slice3A_534 : vector<8x1024xf32>
    %lt3A_540 = arith.cmpf olt, %sub3A_539, %select_n3A_530 : vector<8x1024xf32>
    %select_n3A_541 = arith.select %lt3A_540, %sub3A_539, %select_n3A_530 : vector<8x1024xi1>, vector<8x1024xf32>
    %jit3A_542 = arith.constant 47 : i32
    %broadcast_in_dim3A_543 = vector.broadcast %jit3A_542 : i32 to vector<8x1024xi32>
    %select_n3A_544 = arith.select %lt3A_540, %broadcast_in_dim3A_543, %select_n3A_533 : vector<8x1024xi1>, vector<8x1024xi32>
    %slice3A_545 = vector.extract_strided_slice %dot_general3A_24 {offsets = [384, 0], sizes = [8, 1024], strides = [1, 1]} : vector<1024x1024xf32> to vector<8x1024xf32>
    %slice3A_546 = vector.extract_strided_slice %broadcast_in_dim3A {offsets = [384, 0], sizes = [8, 1], strides = [1, 1]} : vector<1024x1xf32> to vector<8x1xf32>
    %add3A_547 = vector.broadcast %broadcast_in_dim3A_21 : vector<1x1024xf32> to vector<8x1024xf32>
    %add3A_548 = vector.broadcast %slice3A_546 : vector<8x1xf32> to vector<8x1024xf32>
    %add3A_549 = arith.addf %add3A_547, %add3A_548 : vector<8x1024xf32>
    %sub3A_550 = arith.subf %add3A_549, %slice3A_545 : vector<8x1024xf32>
    %lt3A_551 = arith.cmpf olt, %sub3A_550, %select_n3A_541 : vector<8x1024xf32>
    %select_n3A_552 = arith.select %lt3A_551, %sub3A_550, %select_n3A_541 : vector<8x1024xi1>, vector<8x1024xf32>
    %jit3A_553 = arith.constant 48 : i32
    %broadcast_in_dim3A_554 = vector.broadcast %jit3A_553 : i32 to vector<8x1024xi32>
    %select_n3A_555 = arith.select %lt3A_551, %broadcast_in_dim3A_554, %select_n3A_544 : vector<8x1024xi1>, vector<8x1024xi32>
    %slice3A_556 = vector.extract_strided_slice %dot_general3A_24 {offsets = [392, 0], sizes = [8, 1024], strides = [1, 1]} : vector<1024x1024xf32> to vector<8x1024xf32>
    %slice3A_557 = vector.extract_strided_slice %broadcast_in_dim3A {offsets = [392, 0], sizes = [8, 1], strides = [1, 1]} : vector<1024x1xf32> to vector<8x1xf32>
    %add3A_558 = vector.broadcast %broadcast_in_dim3A_21 : vector<1x1024xf32> to vector<8x1024xf32>
    %add3A_559 = vector.broadcast %slice3A_557 : vector<8x1xf32> to vector<8x1024xf32>
    %add3A_560 = arith.addf %add3A_558, %add3A_559 : vector<8x1024xf32>
    %sub3A_561 = arith.subf %add3A_560, %slice3A_556 : vector<8x1024xf32>
    %lt3A_562 = arith.cmpf olt, %sub3A_561, %select_n3A_552 : vector<8x1024xf32>
    %select_n3A_563 = arith.select %lt3A_562, %sub3A_561, %select_n3A_552 : vector<8x1024xi1>, vector<8x1024xf32>
    %jit3A_564 = arith.constant 49 : i32
    %broadcast_in_dim3A_565 = vector.broadcast %jit3A_564 : i32 to vector<8x1024xi32>
    %select_n3A_566 = arith.select %lt3A_562, %broadcast_in_dim3A_565, %select_n3A_555 : vector<8x1024xi1>, vector<8x1024xi32>
    %slice3A_567 = vector.extract_strided_slice %dot_general3A_24 {offsets = [400, 0], sizes = [8, 1024], strides = [1, 1]} : vector<1024x1024xf32> to vector<8x1024xf32>
    %slice3A_568 = vector.extract_strided_slice %broadcast_in_dim3A {offsets = [400, 0], sizes = [8, 1], strides = [1, 1]} : vector<1024x1xf32> to vector<8x1xf32>
    %add3A_569 = vector.broadcast %broadcast_in_dim3A_21 : vector<1x1024xf32> to vector<8x1024xf32>
    %add3A_570 = vector.broadcast %slice3A_568 : vector<8x1xf32> to vector<8x1024xf32>
    %add3A_571 = arith.addf %add3A_569, %add3A_570 : vector<8x1024xf32>
    %sub3A_572 = arith.subf %add3A_571, %slice3A_567 : vector<8x1024xf32>
    %lt3A_573 = arith.cmpf olt, %sub3A_572, %select_n3A_563 : vector<8x1024xf32>
    %select_n3A_574 = arith.select %lt3A_573, %sub3A_572, %select_n3A_563 : vector<8x1024xi1>, vector<8x1024xf32>
    %jit3A_575 = arith.constant 50 : i32
    %broadcast_in_dim3A_576 = vector.broadcast %jit3A_575 : i32 to vector<8x1024xi32>
    %select_n3A_577 = arith.select %lt3A_573, %broadcast_in_dim3A_576, %select_n3A_566 : vector<8x1024xi1>, vector<8x1024xi32>
    %slice3A_578 = vector.extract_strided_slice %dot_general3A_24 {offsets = [408, 0], sizes = [8, 1024], strides = [1, 1]} : vector<1024x1024xf32> to vector<8x1024xf32>
    %slice3A_579 = vector.extract_strided_slice %broadcast_in_dim3A {offsets = [408, 0], sizes = [8, 1], strides = [1, 1]} : vector<1024x1xf32> to vector<8x1xf32>
    %add3A_580 = vector.broadcast %broadcast_in_dim3A_21 : vector<1x1024xf32> to vector<8x1024xf32>
    %add3A_581 = vector.broadcast %slice3A_579 : vector<8x1xf32> to vector<8x1024xf32>
    %add3A_582 = arith.addf %add3A_580, %add3A_581 : vector<8x1024xf32>
    %sub3A_583 = arith.subf %add3A_582, %slice3A_578 : vector<8x1024xf32>
    %lt3A_584 = arith.cmpf olt, %sub3A_583, %select_n3A_574 : vector<8x1024xf32>
    %select_n3A_585 = arith.select %lt3A_584, %sub3A_583, %select_n3A_574 : vector<8x1024xi1>, vector<8x1024xf32>
    %jit3A_586 = arith.constant 51 : i32
    %broadcast_in_dim3A_587 = vector.broadcast %jit3A_586 : i32 to vector<8x1024xi32>
    %select_n3A_588 = arith.select %lt3A_584, %broadcast_in_dim3A_587, %select_n3A_577 : vector<8x1024xi1>, vector<8x1024xi32>
    %slice3A_589 = vector.extract_strided_slice %dot_general3A_24 {offsets = [416, 0], sizes = [8, 1024], strides = [1, 1]} : vector<1024x1024xf32> to vector<8x1024xf32>
    %slice3A_590 = vector.extract_strided_slice %broadcast_in_dim3A {offsets = [416, 0], sizes = [8, 1], strides = [1, 1]} : vector<1024x1xf32> to vector<8x1xf32>
    %add3A_591 = vector.broadcast %broadcast_in_dim3A_21 : vector<1x1024xf32> to vector<8x1024xf32>
    %add3A_592 = vector.broadcast %slice3A_590 : vector<8x1xf32> to vector<8x1024xf32>
    %add3A_593 = arith.addf %add3A_591, %add3A_592 : vector<8x1024xf32>
    %sub3A_594 = arith.subf %add3A_593, %slice3A_589 : vector<8x1024xf32>
    %lt3A_595 = arith.cmpf olt, %sub3A_594, %select_n3A_585 : vector<8x1024xf32>
    %select_n3A_596 = arith.select %lt3A_595, %sub3A_594, %select_n3A_585 : vector<8x1024xi1>, vector<8x1024xf32>
    %jit3A_597 = arith.constant 52 : i32
    %broadcast_in_dim3A_598 = vector.broadcast %jit3A_597 : i32 to vector<8x1024xi32>
    %select_n3A_599 = arith.select %lt3A_595, %broadcast_in_dim3A_598, %select_n3A_588 : vector<8x1024xi1>, vector<8x1024xi32>
    %slice3A_600 = vector.extract_strided_slice %dot_general3A_24 {offsets = [424, 0], sizes = [8, 1024], strides = [1, 1]} : vector<1024x1024xf32> to vector<8x1024xf32>
    %slice3A_601 = vector.extract_strided_slice %broadcast_in_dim3A {offsets = [424, 0], sizes = [8, 1], strides = [1, 1]} : vector<1024x1xf32> to vector<8x1xf32>
    %add3A_602 = vector.broadcast %broadcast_in_dim3A_21 : vector<1x1024xf32> to vector<8x1024xf32>
    %add3A_603 = vector.broadcast %slice3A_601 : vector<8x1xf32> to vector<8x1024xf32>
    %add3A_604 = arith.addf %add3A_602, %add3A_603 : vector<8x1024xf32>
    %sub3A_605 = arith.subf %add3A_604, %slice3A_600 : vector<8x1024xf32>
    %lt3A_606 = arith.cmpf olt, %sub3A_605, %select_n3A_596 : vector<8x1024xf32>
    %select_n3A_607 = arith.select %lt3A_606, %sub3A_605, %select_n3A_596 : vector<8x1024xi1>, vector<8x1024xf32>
    %jit3A_608 = arith.constant 53 : i32
    %broadcast_in_dim3A_609 = vector.broadcast %jit3A_608 : i32 to vector<8x1024xi32>
    %select_n3A_610 = arith.select %lt3A_606, %broadcast_in_dim3A_609, %select_n3A_599 : vector<8x1024xi1>, vector<8x1024xi32>
    %slice3A_611 = vector.extract_strided_slice %dot_general3A_24 {offsets = [432, 0], sizes = [8, 1024], strides = [1, 1]} : vector<1024x1024xf32> to vector<8x1024xf32>
    %slice3A_612 = vector.extract_strided_slice %broadcast_in_dim3A {offsets = [432, 0], sizes = [8, 1], strides = [1, 1]} : vector<1024x1xf32> to vector<8x1xf32>
    %add3A_613 = vector.broadcast %broadcast_in_dim3A_21 : vector<1x1024xf32> to vector<8x1024xf32>
    %add3A_614 = vector.broadcast %slice3A_612 : vector<8x1xf32> to vector<8x1024xf32>
    %add3A_615 = arith.addf %add3A_613, %add3A_614 : vector<8x1024xf32>
    %sub3A_616 = arith.subf %add3A_615, %slice3A_611 : vector<8x1024xf32>
    %lt3A_617 = arith.cmpf olt, %sub3A_616, %select_n3A_607 : vector<8x1024xf32>
    %select_n3A_618 = arith.select %lt3A_617, %sub3A_616, %select_n3A_607 : vector<8x1024xi1>, vector<8x1024xf32>
    %jit3A_619 = arith.constant 54 : i32
    %broadcast_in_dim3A_620 = vector.broadcast %jit3A_619 : i32 to vector<8x1024xi32>
    %select_n3A_621 = arith.select %lt3A_617, %broadcast_in_dim3A_620, %select_n3A_610 : vector<8x1024xi1>, vector<8x1024xi32>
    %slice3A_622 = vector.extract_strided_slice %dot_general3A_24 {offsets = [440, 0], sizes = [8, 1024], strides = [1, 1]} : vector<1024x1024xf32> to vector<8x1024xf32>
    %slice3A_623 = vector.extract_strided_slice %broadcast_in_dim3A {offsets = [440, 0], sizes = [8, 1], strides = [1, 1]} : vector<1024x1xf32> to vector<8x1xf32>
    %add3A_624 = vector.broadcast %broadcast_in_dim3A_21 : vector<1x1024xf32> to vector<8x1024xf32>
    %add3A_625 = vector.broadcast %slice3A_623 : vector<8x1xf32> to vector<8x1024xf32>
    %add3A_626 = arith.addf %add3A_624, %add3A_625 : vector<8x1024xf32>
    %sub3A_627 = arith.subf %add3A_626, %slice3A_622 : vector<8x1024xf32>
    %lt3A_628 = arith.cmpf olt, %sub3A_627, %select_n3A_618 : vector<8x1024xf32>
    %select_n3A_629 = arith.select %lt3A_628, %sub3A_627, %select_n3A_618 : vector<8x1024xi1>, vector<8x1024xf32>
    %jit3A_630 = arith.constant 55 : i32
    %broadcast_in_dim3A_631 = vector.broadcast %jit3A_630 : i32 to vector<8x1024xi32>
    %select_n3A_632 = arith.select %lt3A_628, %broadcast_in_dim3A_631, %select_n3A_621 : vector<8x1024xi1>, vector<8x1024xi32>
    %slice3A_633 = vector.extract_strided_slice %dot_general3A_24 {offsets = [448, 0], sizes = [8, 1024], strides = [1, 1]} : vector<1024x1024xf32> to vector<8x1024xf32>
    %slice3A_634 = vector.extract_strided_slice %broadcast_in_dim3A {offsets = [448, 0], sizes = [8, 1], strides = [1, 1]} : vector<1024x1xf32> to vector<8x1xf32>
    %add3A_635 = vector.broadcast %broadcast_in_dim3A_21 : vector<1x1024xf32> to vector<8x1024xf32>
    %add3A_636 = vector.broadcast %slice3A_634 : vector<8x1xf32> to vector<8x1024xf32>
    %add3A_637 = arith.addf %add3A_635, %add3A_636 : vector<8x1024xf32>
    %sub3A_638 = arith.subf %add3A_637, %slice3A_633 : vector<8x1024xf32>
    %lt3A_639 = arith.cmpf olt, %sub3A_638, %select_n3A_629 : vector<8x1024xf32>
    %select_n3A_640 = arith.select %lt3A_639, %sub3A_638, %select_n3A_629 : vector<8x1024xi1>, vector<8x1024xf32>
    %jit3A_641 = arith.constant 56 : i32
    %broadcast_in_dim3A_642 = vector.broadcast %jit3A_641 : i32 to vector<8x1024xi32>
    %select_n3A_643 = arith.select %lt3A_639, %broadcast_in_dim3A_642, %select_n3A_632 : vector<8x1024xi1>, vector<8x1024xi32>
    %slice3A_644 = vector.extract_strided_slice %dot_general3A_24 {offsets = [456, 0], sizes = [8, 1024], strides = [1, 1]} : vector<1024x1024xf32> to vector<8x1024xf32>
    %slice3A_645 = vector.extract_strided_slice %broadcast_in_dim3A {offsets = [456, 0], sizes = [8, 1], strides = [1, 1]} : vector<1024x1xf32> to vector<8x1xf32>
    %add3A_646 = vector.broadcast %broadcast_in_dim3A_21 : vector<1x1024xf32> to vector<8x1024xf32>
    %add3A_647 = vector.broadcast %slice3A_645 : vector<8x1xf32> to vector<8x1024xf32>
    %add3A_648 = arith.addf %add3A_646, %add3A_647 : vector<8x1024xf32>
    %sub3A_649 = arith.subf %add3A_648, %slice3A_644 : vector<8x1024xf32>
    %lt3A_650 = arith.cmpf olt, %sub3A_649, %select_n3A_640 : vector<8x1024xf32>
    %select_n3A_651 = arith.select %lt3A_650, %sub3A_649, %select_n3A_640 : vector<8x1024xi1>, vector<8x1024xf32>
    %jit3A_652 = arith.constant 57 : i32
    %broadcast_in_dim3A_653 = vector.broadcast %jit3A_652 : i32 to vector<8x1024xi32>
    %select_n3A_654 = arith.select %lt3A_650, %broadcast_in_dim3A_653, %select_n3A_643 : vector<8x1024xi1>, vector<8x1024xi32>
    %slice3A_655 = vector.extract_strided_slice %dot_general3A_24 {offsets = [464, 0], sizes = [8, 1024], strides = [1, 1]} : vector<1024x1024xf32> to vector<8x1024xf32>
    %slice3A_656 = vector.extract_strided_slice %broadcast_in_dim3A {offsets = [464, 0], sizes = [8, 1], strides = [1, 1]} : vector<1024x1xf32> to vector<8x1xf32>
    %add3A_657 = vector.broadcast %broadcast_in_dim3A_21 : vector<1x1024xf32> to vector<8x1024xf32>
    %add3A_658 = vector.broadcast %slice3A_656 : vector<8x1xf32> to vector<8x1024xf32>
    %add3A_659 = arith.addf %add3A_657, %add3A_658 : vector<8x1024xf32>
    %sub3A_660 = arith.subf %add3A_659, %slice3A_655 : vector<8x1024xf32>
    %lt3A_661 = arith.cmpf olt, %sub3A_660, %select_n3A_651 : vector<8x1024xf32>
    %select_n3A_662 = arith.select %lt3A_661, %sub3A_660, %select_n3A_651 : vector<8x1024xi1>, vector<8x1024xf32>
    %jit3A_663 = arith.constant 58 : i32
    %broadcast_in_dim3A_664 = vector.broadcast %jit3A_663 : i32 to vector<8x1024xi32>
    %select_n3A_665 = arith.select %lt3A_661, %broadcast_in_dim3A_664, %select_n3A_654 : vector<8x1024xi1>, vector<8x1024xi32>
    %slice3A_666 = vector.extract_strided_slice %dot_general3A_24 {offsets = [472, 0], sizes = [8, 1024], strides = [1, 1]} : vector<1024x1024xf32> to vector<8x1024xf32>
    %slice3A_667 = vector.extract_strided_slice %broadcast_in_dim3A {offsets = [472, 0], sizes = [8, 1], strides = [1, 1]} : vector<1024x1xf32> to vector<8x1xf32>
    %add3A_668 = vector.broadcast %broadcast_in_dim3A_21 : vector<1x1024xf32> to vector<8x1024xf32>
    %add3A_669 = vector.broadcast %slice3A_667 : vector<8x1xf32> to vector<8x1024xf32>
    %add3A_670 = arith.addf %add3A_668, %add3A_669 : vector<8x1024xf32>
    %sub3A_671 = arith.subf %add3A_670, %slice3A_666 : vector<8x1024xf32>
    %lt3A_672 = arith.cmpf olt, %sub3A_671, %select_n3A_662 : vector<8x1024xf32>
    %select_n3A_673 = arith.select %lt3A_672, %sub3A_671, %select_n3A_662 : vector<8x1024xi1>, vector<8x1024xf32>
    %jit3A_674 = arith.constant 59 : i32
    %broadcast_in_dim3A_675 = vector.broadcast %jit3A_674 : i32 to vector<8x1024xi32>
    %select_n3A_676 = arith.select %lt3A_672, %broadcast_in_dim3A_675, %select_n3A_665 : vector<8x1024xi1>, vector<8x1024xi32>
    %slice3A_677 = vector.extract_strided_slice %dot_general3A_24 {offsets = [480, 0], sizes = [8, 1024], strides = [1, 1]} : vector<1024x1024xf32> to vector<8x1024xf32>
    %slice3A_678 = vector.extract_strided_slice %broadcast_in_dim3A {offsets = [480, 0], sizes = [8, 1], strides = [1, 1]} : vector<1024x1xf32> to vector<8x1xf32>
    %add3A_679 = vector.broadcast %broadcast_in_dim3A_21 : vector<1x1024xf32> to vector<8x1024xf32>
    %add3A_680 = vector.broadcast %slice3A_678 : vector<8x1xf32> to vector<8x1024xf32>
    %add3A_681 = arith.addf %add3A_679, %add3A_680 : vector<8x1024xf32>
    %sub3A_682 = arith.subf %add3A_681, %slice3A_677 : vector<8x1024xf32>
    %lt3A_683 = arith.cmpf olt, %sub3A_682, %select_n3A_673 : vector<8x1024xf32>
    %select_n3A_684 = arith.select %lt3A_683, %sub3A_682, %select_n3A_673 : vector<8x1024xi1>, vector<8x1024xf32>
    %jit3A_685 = arith.constant 60 : i32
    %broadcast_in_dim3A_686 = vector.broadcast %jit3A_685 : i32 to vector<8x1024xi32>
    %select_n3A_687 = arith.select %lt3A_683, %broadcast_in_dim3A_686, %select_n3A_676 : vector<8x1024xi1>, vector<8x1024xi32>
    %slice3A_688 = vector.extract_strided_slice %dot_general3A_24 {offsets = [488, 0], sizes = [8, 1024], strides = [1, 1]} : vector<1024x1024xf32> to vector<8x1024xf32>
    %slice3A_689 = vector.extract_strided_slice %broadcast_in_dim3A {offsets = [488, 0], sizes = [8, 1], strides = [1, 1]} : vector<1024x1xf32> to vector<8x1xf32>
    %add3A_690 = vector.broadcast %broadcast_in_dim3A_21 : vector<1x1024xf32> to vector<8x1024xf32>
    %add3A_691 = vector.broadcast %slice3A_689 : vector<8x1xf32> to vector<8x1024xf32>
    %add3A_692 = arith.addf %add3A_690, %add3A_691 : vector<8x1024xf32>
    %sub3A_693 = arith.subf %add3A_692, %slice3A_688 : vector<8x1024xf32>
    %lt3A_694 = arith.cmpf olt, %sub3A_693, %select_n3A_684 : vector<8x1024xf32>
    %select_n3A_695 = arith.select %lt3A_694, %sub3A_693, %select_n3A_684 : vector<8x1024xi1>, vector<8x1024xf32>
    %jit3A_696 = arith.constant 61 : i32
    %broadcast_in_dim3A_697 = vector.broadcast %jit3A_696 : i32 to vector<8x1024xi32>
    %select_n3A_698 = arith.select %lt3A_694, %broadcast_in_dim3A_697, %select_n3A_687 : vector<8x1024xi1>, vector<8x1024xi32>
    %slice3A_699 = vector.extract_strided_slice %dot_general3A_24 {offsets = [496, 0], sizes = [8, 1024], strides = [1, 1]} : vector<1024x1024xf32> to vector<8x1024xf32>
    %slice3A_700 = vector.extract_strided_slice %broadcast_in_dim3A {offsets = [496, 0], sizes = [8, 1], strides = [1, 1]} : vector<1024x1xf32> to vector<8x1xf32>
    %add3A_701 = vector.broadcast %broadcast_in_dim3A_21 : vector<1x1024xf32> to vector<8x1024xf32>
    %add3A_702 = vector.broadcast %slice3A_700 : vector<8x1xf32> to vector<8x1024xf32>
    %add3A_703 = arith.addf %add3A_701, %add3A_702 : vector<8x1024xf32>
    %sub3A_704 = arith.subf %add3A_703, %slice3A_699 : vector<8x1024xf32>
    %lt3A_705 = arith.cmpf olt, %sub3A_704, %select_n3A_695 : vector<8x1024xf32>
    %select_n3A_706 = arith.select %lt3A_705, %sub3A_704, %select_n3A_695 : vector<8x1024xi1>, vector<8x1024xf32>
    %jit3A_707 = arith.constant 62 : i32
    %broadcast_in_dim3A_708 = vector.broadcast %jit3A_707 : i32 to vector<8x1024xi32>
    %select_n3A_709 = arith.select %lt3A_705, %broadcast_in_dim3A_708, %select_n3A_698 : vector<8x1024xi1>, vector<8x1024xi32>
    %slice3A_710 = vector.extract_strided_slice %dot_general3A_24 {offsets = [504, 0], sizes = [8, 1024], strides = [1, 1]} : vector<1024x1024xf32> to vector<8x1024xf32>
    %slice3A_711 = vector.extract_strided_slice %broadcast_in_dim3A {offsets = [504, 0], sizes = [8, 1], strides = [1, 1]} : vector<1024x1xf32> to vector<8x1xf32>
    %add3A_712 = vector.broadcast %broadcast_in_dim3A_21 : vector<1x1024xf32> to vector<8x1024xf32>
    %add3A_713 = vector.broadcast %slice3A_711 : vector<8x1xf32> to vector<8x1024xf32>
    %add3A_714 = arith.addf %add3A_712, %add3A_713 : vector<8x1024xf32>
    %sub3A_715 = arith.subf %add3A_714, %slice3A_710 : vector<8x1024xf32>
    %lt3A_716 = arith.cmpf olt, %sub3A_715, %select_n3A_706 : vector<8x1024xf32>
    %select_n3A_717 = arith.select %lt3A_716, %sub3A_715, %select_n3A_706 : vector<8x1024xi1>, vector<8x1024xf32>
    %jit3A_718 = arith.constant 63 : i32
    %broadcast_in_dim3A_719 = vector.broadcast %jit3A_718 : i32 to vector<8x1024xi32>
    %select_n3A_720 = arith.select %lt3A_716, %broadcast_in_dim3A_719, %select_n3A_709 : vector<8x1024xi1>, vector<8x1024xi32>
    %slice3A_721 = vector.extract_strided_slice %dot_general3A_24 {offsets = [512, 0], sizes = [8, 1024], strides = [1, 1]} : vector<1024x1024xf32> to vector<8x1024xf32>
    %slice3A_722 = vector.extract_strided_slice %broadcast_in_dim3A {offsets = [512, 0], sizes = [8, 1], strides = [1, 1]} : vector<1024x1xf32> to vector<8x1xf32>
    %add3A_723 = vector.broadcast %broadcast_in_dim3A_21 : vector<1x1024xf32> to vector<8x1024xf32>
    %add3A_724 = vector.broadcast %slice3A_722 : vector<8x1xf32> to vector<8x1024xf32>
    %add3A_725 = arith.addf %add3A_723, %add3A_724 : vector<8x1024xf32>
    %sub3A_726 = arith.subf %add3A_725, %slice3A_721 : vector<8x1024xf32>
    %lt3A_727 = arith.cmpf olt, %sub3A_726, %select_n3A_717 : vector<8x1024xf32>
    %select_n3A_728 = arith.select %lt3A_727, %sub3A_726, %select_n3A_717 : vector<8x1024xi1>, vector<8x1024xf32>
    %jit3A_729 = arith.constant 64 : i32
    %broadcast_in_dim3A_730 = vector.broadcast %jit3A_729 : i32 to vector<8x1024xi32>
    %select_n3A_731 = arith.select %lt3A_727, %broadcast_in_dim3A_730, %select_n3A_720 : vector<8x1024xi1>, vector<8x1024xi32>
    %slice3A_732 = vector.extract_strided_slice %dot_general3A_24 {offsets = [520, 0], sizes = [8, 1024], strides = [1, 1]} : vector<1024x1024xf32> to vector<8x1024xf32>
    %slice3A_733 = vector.extract_strided_slice %broadcast_in_dim3A {offsets = [520, 0], sizes = [8, 1], strides = [1, 1]} : vector<1024x1xf32> to vector<8x1xf32>
    %add3A_734 = vector.broadcast %broadcast_in_dim3A_21 : vector<1x1024xf32> to vector<8x1024xf32>
    %add3A_735 = vector.broadcast %slice3A_733 : vector<8x1xf32> to vector<8x1024xf32>
    %add3A_736 = arith.addf %add3A_734, %add3A_735 : vector<8x1024xf32>
    %sub3A_737 = arith.subf %add3A_736, %slice3A_732 : vector<8x1024xf32>
    %lt3A_738 = arith.cmpf olt, %sub3A_737, %select_n3A_728 : vector<8x1024xf32>
    %select_n3A_739 = arith.select %lt3A_738, %sub3A_737, %select_n3A_728 : vector<8x1024xi1>, vector<8x1024xf32>
    %jit3A_740 = arith.constant 65 : i32
    %broadcast_in_dim3A_741 = vector.broadcast %jit3A_740 : i32 to vector<8x1024xi32>
    %select_n3A_742 = arith.select %lt3A_738, %broadcast_in_dim3A_741, %select_n3A_731 : vector<8x1024xi1>, vector<8x1024xi32>
    %slice3A_743 = vector.extract_strided_slice %dot_general3A_24 {offsets = [528, 0], sizes = [8, 1024], strides = [1, 1]} : vector<1024x1024xf32> to vector<8x1024xf32>
    %slice3A_744 = vector.extract_strided_slice %broadcast_in_dim3A {offsets = [528, 0], sizes = [8, 1], strides = [1, 1]} : vector<1024x1xf32> to vector<8x1xf32>
    %add3A_745 = vector.broadcast %broadcast_in_dim3A_21 : vector<1x1024xf32> to vector<8x1024xf32>
    %add3A_746 = vector.broadcast %slice3A_744 : vector<8x1xf32> to vector<8x1024xf32>
    %add3A_747 = arith.addf %add3A_745, %add3A_746 : vector<8x1024xf32>
    %sub3A_748 = arith.subf %add3A_747, %slice3A_743 : vector<8x1024xf32>
    %lt3A_749 = arith.cmpf olt, %sub3A_748, %select_n3A_739 : vector<8x1024xf32>
    %select_n3A_750 = arith.select %lt3A_749, %sub3A_748, %select_n3A_739 : vector<8x1024xi1>, vector<8x1024xf32>
    %jit3A_751 = arith.constant 66 : i32
    %broadcast_in_dim3A_752 = vector.broadcast %jit3A_751 : i32 to vector<8x1024xi32>
    %select_n3A_753 = arith.select %lt3A_749, %broadcast_in_dim3A_752, %select_n3A_742 : vector<8x1024xi1>, vector<8x1024xi32>
    %slice3A_754 = vector.extract_strided_slice %dot_general3A_24 {offsets = [536, 0], sizes = [8, 1024], strides = [1, 1]} : vector<1024x1024xf32> to vector<8x1024xf32>
    %slice3A_755 = vector.extract_strided_slice %broadcast_in_dim3A {offsets = [536, 0], sizes = [8, 1], strides = [1, 1]} : vector<1024x1xf32> to vector<8x1xf32>
    %add3A_756 = vector.broadcast %broadcast_in_dim3A_21 : vector<1x1024xf32> to vector<8x1024xf32>
    %add3A_757 = vector.broadcast %slice3A_755 : vector<8x1xf32> to vector<8x1024xf32>
    %add3A_758 = arith.addf %add3A_756, %add3A_757 : vector<8x1024xf32>
    %sub3A_759 = arith.subf %add3A_758, %slice3A_754 : vector<8x1024xf32>
    %lt3A_760 = arith.cmpf olt, %sub3A_759, %select_n3A_750 : vector<8x1024xf32>
    %select_n3A_761 = arith.select %lt3A_760, %sub3A_759, %select_n3A_750 : vector<8x1024xi1>, vector<8x1024xf32>
    %jit3A_762 = arith.constant 67 : i32
    %broadcast_in_dim3A_763 = vector.broadcast %jit3A_762 : i32 to vector<8x1024xi32>
    %select_n3A_764 = arith.select %lt3A_760, %broadcast_in_dim3A_763, %select_n3A_753 : vector<8x1024xi1>, vector<8x1024xi32>
    %slice3A_765 = vector.extract_strided_slice %dot_general3A_24 {offsets = [544, 0], sizes = [8, 1024], strides = [1, 1]} : vector<1024x1024xf32> to vector<8x1024xf32>
    %slice3A_766 = vector.extract_strided_slice %broadcast_in_dim3A {offsets = [544, 0], sizes = [8, 1], strides = [1, 1]} : vector<1024x1xf32> to vector<8x1xf32>
    %add3A_767 = vector.broadcast %broadcast_in_dim3A_21 : vector<1x1024xf32> to vector<8x1024xf32>
    %add3A_768 = vector.broadcast %slice3A_766 : vector<8x1xf32> to vector<8x1024xf32>
    %add3A_769 = arith.addf %add3A_767, %add3A_768 : vector<8x1024xf32>
    %sub3A_770 = arith.subf %add3A_769, %slice3A_765 : vector<8x1024xf32>
    %lt3A_771 = arith.cmpf olt, %sub3A_770, %select_n3A_761 : vector<8x1024xf32>
    %select_n3A_772 = arith.select %lt3A_771, %sub3A_770, %select_n3A_761 : vector<8x1024xi1>, vector<8x1024xf32>
    %jit3A_773 = arith.constant 68 : i32
    %broadcast_in_dim3A_774 = vector.broadcast %jit3A_773 : i32 to vector<8x1024xi32>
    %select_n3A_775 = arith.select %lt3A_771, %broadcast_in_dim3A_774, %select_n3A_764 : vector<8x1024xi1>, vector<8x1024xi32>
    %slice3A_776 = vector.extract_strided_slice %dot_general3A_24 {offsets = [552, 0], sizes = [8, 1024], strides = [1, 1]} : vector<1024x1024xf32> to vector<8x1024xf32>
    %slice3A_777 = vector.extract_strided_slice %broadcast_in_dim3A {offsets = [552, 0], sizes = [8, 1], strides = [1, 1]} : vector<1024x1xf32> to vector<8x1xf32>
    %add3A_778 = vector.broadcast %broadcast_in_dim3A_21 : vector<1x1024xf32> to vector<8x1024xf32>
    %add3A_779 = vector.broadcast %slice3A_777 : vector<8x1xf32> to vector<8x1024xf32>
    %add3A_780 = arith.addf %add3A_778, %add3A_779 : vector<8x1024xf32>
    %sub3A_781 = arith.subf %add3A_780, %slice3A_776 : vector<8x1024xf32>
    %lt3A_782 = arith.cmpf olt, %sub3A_781, %select_n3A_772 : vector<8x1024xf32>
    %select_n3A_783 = arith.select %lt3A_782, %sub3A_781, %select_n3A_772 : vector<8x1024xi1>, vector<8x1024xf32>
    %jit3A_784 = arith.constant 69 : i32
    %broadcast_in_dim3A_785 = vector.broadcast %jit3A_784 : i32 to vector<8x1024xi32>
    %select_n3A_786 = arith.select %lt3A_782, %broadcast_in_dim3A_785, %select_n3A_775 : vector<8x1024xi1>, vector<8x1024xi32>
    %slice3A_787 = vector.extract_strided_slice %dot_general3A_24 {offsets = [560, 0], sizes = [8, 1024], strides = [1, 1]} : vector<1024x1024xf32> to vector<8x1024xf32>
    %slice3A_788 = vector.extract_strided_slice %broadcast_in_dim3A {offsets = [560, 0], sizes = [8, 1], strides = [1, 1]} : vector<1024x1xf32> to vector<8x1xf32>
    %add3A_789 = vector.broadcast %broadcast_in_dim3A_21 : vector<1x1024xf32> to vector<8x1024xf32>
    %add3A_790 = vector.broadcast %slice3A_788 : vector<8x1xf32> to vector<8x1024xf32>
    %add3A_791 = arith.addf %add3A_789, %add3A_790 : vector<8x1024xf32>
    %sub3A_792 = arith.subf %add3A_791, %slice3A_787 : vector<8x1024xf32>
    %lt3A_793 = arith.cmpf olt, %sub3A_792, %select_n3A_783 : vector<8x1024xf32>
    %select_n3A_794 = arith.select %lt3A_793, %sub3A_792, %select_n3A_783 : vector<8x1024xi1>, vector<8x1024xf32>
    %jit3A_795 = arith.constant 70 : i32
    %broadcast_in_dim3A_796 = vector.broadcast %jit3A_795 : i32 to vector<8x1024xi32>
    %select_n3A_797 = arith.select %lt3A_793, %broadcast_in_dim3A_796, %select_n3A_786 : vector<8x1024xi1>, vector<8x1024xi32>
    %slice3A_798 = vector.extract_strided_slice %dot_general3A_24 {offsets = [568, 0], sizes = [8, 1024], strides = [1, 1]} : vector<1024x1024xf32> to vector<8x1024xf32>
    %slice3A_799 = vector.extract_strided_slice %broadcast_in_dim3A {offsets = [568, 0], sizes = [8, 1], strides = [1, 1]} : vector<1024x1xf32> to vector<8x1xf32>
    %add3A_800 = vector.broadcast %broadcast_in_dim3A_21 : vector<1x1024xf32> to vector<8x1024xf32>
    %add3A_801 = vector.broadcast %slice3A_799 : vector<8x1xf32> to vector<8x1024xf32>
    %add3A_802 = arith.addf %add3A_800, %add3A_801 : vector<8x1024xf32>
    %sub3A_803 = arith.subf %add3A_802, %slice3A_798 : vector<8x1024xf32>
    %lt3A_804 = arith.cmpf olt, %sub3A_803, %select_n3A_794 : vector<8x1024xf32>
    %select_n3A_805 = arith.select %lt3A_804, %sub3A_803, %select_n3A_794 : vector<8x1024xi1>, vector<8x1024xf32>
    %jit3A_806 = arith.constant 71 : i32
    %broadcast_in_dim3A_807 = vector.broadcast %jit3A_806 : i32 to vector<8x1024xi32>
    %select_n3A_808 = arith.select %lt3A_804, %broadcast_in_dim3A_807, %select_n3A_797 : vector<8x1024xi1>, vector<8x1024xi32>
    %slice3A_809 = vector.extract_strided_slice %dot_general3A_24 {offsets = [576, 0], sizes = [8, 1024], strides = [1, 1]} : vector<1024x1024xf32> to vector<8x1024xf32>
    %slice3A_810 = vector.extract_strided_slice %broadcast_in_dim3A {offsets = [576, 0], sizes = [8, 1], strides = [1, 1]} : vector<1024x1xf32> to vector<8x1xf32>
    %add3A_811 = vector.broadcast %broadcast_in_dim3A_21 : vector<1x1024xf32> to vector<8x1024xf32>
    %add3A_812 = vector.broadcast %slice3A_810 : vector<8x1xf32> to vector<8x1024xf32>
    %add3A_813 = arith.addf %add3A_811, %add3A_812 : vector<8x1024xf32>
    %sub3A_814 = arith.subf %add3A_813, %slice3A_809 : vector<8x1024xf32>
    %lt3A_815 = arith.cmpf olt, %sub3A_814, %select_n3A_805 : vector<8x1024xf32>
    %select_n3A_816 = arith.select %lt3A_815, %sub3A_814, %select_n3A_805 : vector<8x1024xi1>, vector<8x1024xf32>
    %jit3A_817 = arith.constant 72 : i32
    %broadcast_in_dim3A_818 = vector.broadcast %jit3A_817 : i32 to vector<8x1024xi32>
    %select_n3A_819 = arith.select %lt3A_815, %broadcast_in_dim3A_818, %select_n3A_808 : vector<8x1024xi1>, vector<8x1024xi32>
    %slice3A_820 = vector.extract_strided_slice %dot_general3A_24 {offsets = [584, 0], sizes = [8, 1024], strides = [1, 1]} : vector<1024x1024xf32> to vector<8x1024xf32>
    %slice3A_821 = vector.extract_strided_slice %broadcast_in_dim3A {offsets = [584, 0], sizes = [8, 1], strides = [1, 1]} : vector<1024x1xf32> to vector<8x1xf32>
    %add3A_822 = vector.broadcast %broadcast_in_dim3A_21 : vector<1x1024xf32> to vector<8x1024xf32>
    %add3A_823 = vector.broadcast %slice3A_821 : vector<8x1xf32> to vector<8x1024xf32>
    %add3A_824 = arith.addf %add3A_822, %add3A_823 : vector<8x1024xf32>
    %sub3A_825 = arith.subf %add3A_824, %slice3A_820 : vector<8x1024xf32>
    %lt3A_826 = arith.cmpf olt, %sub3A_825, %select_n3A_816 : vector<8x1024xf32>
    %select_n3A_827 = arith.select %lt3A_826, %sub3A_825, %select_n3A_816 : vector<8x1024xi1>, vector<8x1024xf32>
    %jit3A_828 = arith.constant 73 : i32
    %broadcast_in_dim3A_829 = vector.broadcast %jit3A_828 : i32 to vector<8x1024xi32>
    %select_n3A_830 = arith.select %lt3A_826, %broadcast_in_dim3A_829, %select_n3A_819 : vector<8x1024xi1>, vector<8x1024xi32>
    %slice3A_831 = vector.extract_strided_slice %dot_general3A_24 {offsets = [592, 0], sizes = [8, 1024], strides = [1, 1]} : vector<1024x1024xf32> to vector<8x1024xf32>
    %slice3A_832 = vector.extract_strided_slice %broadcast_in_dim3A {offsets = [592, 0], sizes = [8, 1], strides = [1, 1]} : vector<1024x1xf32> to vector<8x1xf32>
    %add3A_833 = vector.broadcast %broadcast_in_dim3A_21 : vector<1x1024xf32> to vector<8x1024xf32>
    %add3A_834 = vector.broadcast %slice3A_832 : vector<8x1xf32> to vector<8x1024xf32>
    %add3A_835 = arith.addf %add3A_833, %add3A_834 : vector<8x1024xf32>
    %sub3A_836 = arith.subf %add3A_835, %slice3A_831 : vector<8x1024xf32>
    %lt3A_837 = arith.cmpf olt, %sub3A_836, %select_n3A_827 : vector<8x1024xf32>
    %select_n3A_838 = arith.select %lt3A_837, %sub3A_836, %select_n3A_827 : vector<8x1024xi1>, vector<8x1024xf32>
    %jit3A_839 = arith.constant 74 : i32
    %broadcast_in_dim3A_840 = vector.broadcast %jit3A_839 : i32 to vector<8x1024xi32>
    %select_n3A_841 = arith.select %lt3A_837, %broadcast_in_dim3A_840, %select_n3A_830 : vector<8x1024xi1>, vector<8x1024xi32>
    %slice3A_842 = vector.extract_strided_slice %dot_general3A_24 {offsets = [600, 0], sizes = [8, 1024], strides = [1, 1]} : vector<1024x1024xf32> to vector<8x1024xf32>
    %slice3A_843 = vector.extract_strided_slice %broadcast_in_dim3A {offsets = [600, 0], sizes = [8, 1], strides = [1, 1]} : vector<1024x1xf32> to vector<8x1xf32>
    %add3A_844 = vector.broadcast %broadcast_in_dim3A_21 : vector<1x1024xf32> to vector<8x1024xf32>
    %add3A_845 = vector.broadcast %slice3A_843 : vector<8x1xf32> to vector<8x1024xf32>
    %add3A_846 = arith.addf %add3A_844, %add3A_845 : vector<8x1024xf32>
    %sub3A_847 = arith.subf %add3A_846, %slice3A_842 : vector<8x1024xf32>
    %lt3A_848 = arith.cmpf olt, %sub3A_847, %select_n3A_838 : vector<8x1024xf32>
    %select_n3A_849 = arith.select %lt3A_848, %sub3A_847, %select_n3A_838 : vector<8x1024xi1>, vector<8x1024xf32>
    %jit3A_850 = arith.constant 75 : i32
    %broadcast_in_dim3A_851 = vector.broadcast %jit3A_850 : i32 to vector<8x1024xi32>
    %select_n3A_852 = arith.select %lt3A_848, %broadcast_in_dim3A_851, %select_n3A_841 : vector<8x1024xi1>, vector<8x1024xi32>
    %slice3A_853 = vector.extract_strided_slice %dot_general3A_24 {offsets = [608, 0], sizes = [8, 1024], strides = [1, 1]} : vector<1024x1024xf32> to vector<8x1024xf32>
    %slice3A_854 = vector.extract_strided_slice %broadcast_in_dim3A {offsets = [608, 0], sizes = [8, 1], strides = [1, 1]} : vector<1024x1xf32> to vector<8x1xf32>
    %add3A_855 = vector.broadcast %broadcast_in_dim3A_21 : vector<1x1024xf32> to vector<8x1024xf32>
    %add3A_856 = vector.broadcast %slice3A_854 : vector<8x1xf32> to vector<8x1024xf32>
    %add3A_857 = arith.addf %add3A_855, %add3A_856 : vector<8x1024xf32>
    %sub3A_858 = arith.subf %add3A_857, %slice3A_853 : vector<8x1024xf32>
    %lt3A_859 = arith.cmpf olt, %sub3A_858, %select_n3A_849 : vector<8x1024xf32>
    %select_n3A_860 = arith.select %lt3A_859, %sub3A_858, %select_n3A_849 : vector<8x1024xi1>, vector<8x1024xf32>
    %jit3A_861 = arith.constant 76 : i32
    %broadcast_in_dim3A_862 = vector.broadcast %jit3A_861 : i32 to vector<8x1024xi32>
    %select_n3A_863 = arith.select %lt3A_859, %broadcast_in_dim3A_862, %select_n3A_852 : vector<8x1024xi1>, vector<8x1024xi32>
    %slice3A_864 = vector.extract_strided_slice %dot_general3A_24 {offsets = [616, 0], sizes = [8, 1024], strides = [1, 1]} : vector<1024x1024xf32> to vector<8x1024xf32>
    %slice3A_865 = vector.extract_strided_slice %broadcast_in_dim3A {offsets = [616, 0], sizes = [8, 1], strides = [1, 1]} : vector<1024x1xf32> to vector<8x1xf32>
    %add3A_866 = vector.broadcast %broadcast_in_dim3A_21 : vector<1x1024xf32> to vector<8x1024xf32>
    %add3A_867 = vector.broadcast %slice3A_865 : vector<8x1xf32> to vector<8x1024xf32>
    %add3A_868 = arith.addf %add3A_866, %add3A_867 : vector<8x1024xf32>
    %sub3A_869 = arith.subf %add3A_868, %slice3A_864 : vector<8x1024xf32>
    %lt3A_870 = arith.cmpf olt, %sub3A_869, %select_n3A_860 : vector<8x1024xf32>
    %select_n3A_871 = arith.select %lt3A_870, %sub3A_869, %select_n3A_860 : vector<8x1024xi1>, vector<8x1024xf32>
    %jit3A_872 = arith.constant 77 : i32
    %broadcast_in_dim3A_873 = vector.broadcast %jit3A_872 : i32 to vector<8x1024xi32>
    %select_n3A_874 = arith.select %lt3A_870, %broadcast_in_dim3A_873, %select_n3A_863 : vector<8x1024xi1>, vector<8x1024xi32>
    %slice3A_875 = vector.extract_strided_slice %dot_general3A_24 {offsets = [624, 0], sizes = [8, 1024], strides = [1, 1]} : vector<1024x1024xf32> to vector<8x1024xf32>
    %slice3A_876 = vector.extract_strided_slice %broadcast_in_dim3A {offsets = [624, 0], sizes = [8, 1], strides = [1, 1]} : vector<1024x1xf32> to vector<8x1xf32>
    %add3A_877 = vector.broadcast %broadcast_in_dim3A_21 : vector<1x1024xf32> to vector<8x1024xf32>
    %add3A_878 = vector.broadcast %slice3A_876 : vector<8x1xf32> to vector<8x1024xf32>
    %add3A_879 = arith.addf %add3A_877, %add3A_878 : vector<8x1024xf32>
    %sub3A_880 = arith.subf %add3A_879, %slice3A_875 : vector<8x1024xf32>
    %lt3A_881 = arith.cmpf olt, %sub3A_880, %select_n3A_871 : vector<8x1024xf32>
    %select_n3A_882 = arith.select %lt3A_881, %sub3A_880, %select_n3A_871 : vector<8x1024xi1>, vector<8x1024xf32>
    %jit3A_883 = arith.constant 78 : i32
    %broadcast_in_dim3A_884 = vector.broadcast %jit3A_883 : i32 to vector<8x1024xi32>
    %select_n3A_885 = arith.select %lt3A_881, %broadcast_in_dim3A_884, %select_n3A_874 : vector<8x1024xi1>, vector<8x1024xi32>
    %slice3A_886 = vector.extract_strided_slice %dot_general3A_24 {offsets = [632, 0], sizes = [8, 1024], strides = [1, 1]} : vector<1024x1024xf32> to vector<8x1024xf32>
    %slice3A_887 = vector.extract_strided_slice %broadcast_in_dim3A {offsets = [632, 0], sizes = [8, 1], strides = [1, 1]} : vector<1024x1xf32> to vector<8x1xf32>
    %add3A_888 = vector.broadcast %broadcast_in_dim3A_21 : vector<1x1024xf32> to vector<8x1024xf32>
    %add3A_889 = vector.broadcast %slice3A_887 : vector<8x1xf32> to vector<8x1024xf32>
    %add3A_890 = arith.addf %add3A_888, %add3A_889 : vector<8x1024xf32>
    %sub3A_891 = arith.subf %add3A_890, %slice3A_886 : vector<8x1024xf32>
    %lt3A_892 = arith.cmpf olt, %sub3A_891, %select_n3A_882 : vector<8x1024xf32>
    %select_n3A_893 = arith.select %lt3A_892, %sub3A_891, %select_n3A_882 : vector<8x1024xi1>, vector<8x1024xf32>
    %jit3A_894 = arith.constant 79 : i32
    %broadcast_in_dim3A_895 = vector.broadcast %jit3A_894 : i32 to vector<8x1024xi32>
    %select_n3A_896 = arith.select %lt3A_892, %broadcast_in_dim3A_895, %select_n3A_885 : vector<8x1024xi1>, vector<8x1024xi32>
    %slice3A_897 = vector.extract_strided_slice %dot_general3A_24 {offsets = [640, 0], sizes = [8, 1024], strides = [1, 1]} : vector<1024x1024xf32> to vector<8x1024xf32>
    %slice3A_898 = vector.extract_strided_slice %broadcast_in_dim3A {offsets = [640, 0], sizes = [8, 1], strides = [1, 1]} : vector<1024x1xf32> to vector<8x1xf32>
    %add3A_899 = vector.broadcast %broadcast_in_dim3A_21 : vector<1x1024xf32> to vector<8x1024xf32>
    %add3A_900 = vector.broadcast %slice3A_898 : vector<8x1xf32> to vector<8x1024xf32>
    %add3A_901 = arith.addf %add3A_899, %add3A_900 : vector<8x1024xf32>
    %sub3A_902 = arith.subf %add3A_901, %slice3A_897 : vector<8x1024xf32>
    %lt3A_903 = arith.cmpf olt, %sub3A_902, %select_n3A_893 : vector<8x1024xf32>
    %select_n3A_904 = arith.select %lt3A_903, %sub3A_902, %select_n3A_893 : vector<8x1024xi1>, vector<8x1024xf32>
    %jit3A_905 = arith.constant 80 : i32
    %broadcast_in_dim3A_906 = vector.broadcast %jit3A_905 : i32 to vector<8x1024xi32>
    %select_n3A_907 = arith.select %lt3A_903, %broadcast_in_dim3A_906, %select_n3A_896 : vector<8x1024xi1>, vector<8x1024xi32>
    %slice3A_908 = vector.extract_strided_slice %dot_general3A_24 {offsets = [648, 0], sizes = [8, 1024], strides = [1, 1]} : vector<1024x1024xf32> to vector<8x1024xf32>
    %slice3A_909 = vector.extract_strided_slice %broadcast_in_dim3A {offsets = [648, 0], sizes = [8, 1], strides = [1, 1]} : vector<1024x1xf32> to vector<8x1xf32>
    %add3A_910 = vector.broadcast %broadcast_in_dim3A_21 : vector<1x1024xf32> to vector<8x1024xf32>
    %add3A_911 = vector.broadcast %slice3A_909 : vector<8x1xf32> to vector<8x1024xf32>
    %add3A_912 = arith.addf %add3A_910, %add3A_911 : vector<8x1024xf32>
    %sub3A_913 = arith.subf %add3A_912, %slice3A_908 : vector<8x1024xf32>
    %lt3A_914 = arith.cmpf olt, %sub3A_913, %select_n3A_904 : vector<8x1024xf32>
    %select_n3A_915 = arith.select %lt3A_914, %sub3A_913, %select_n3A_904 : vector<8x1024xi1>, vector<8x1024xf32>
    %jit3A_916 = arith.constant 81 : i32
    %broadcast_in_dim3A_917 = vector.broadcast %jit3A_916 : i32 to vector<8x1024xi32>
    %select_n3A_918 = arith.select %lt3A_914, %broadcast_in_dim3A_917, %select_n3A_907 : vector<8x1024xi1>, vector<8x1024xi32>
    %slice3A_919 = vector.extract_strided_slice %dot_general3A_24 {offsets = [656, 0], sizes = [8, 1024], strides = [1, 1]} : vector<1024x1024xf32> to vector<8x1024xf32>
    %slice3A_920 = vector.extract_strided_slice %broadcast_in_dim3A {offsets = [656, 0], sizes = [8, 1], strides = [1, 1]} : vector<1024x1xf32> to vector<8x1xf32>
    %add3A_921 = vector.broadcast %broadcast_in_dim3A_21 : vector<1x1024xf32> to vector<8x1024xf32>
    %add3A_922 = vector.broadcast %slice3A_920 : vector<8x1xf32> to vector<8x1024xf32>
    %add3A_923 = arith.addf %add3A_921, %add3A_922 : vector<8x1024xf32>
    %sub3A_924 = arith.subf %add3A_923, %slice3A_919 : vector<8x1024xf32>
    %lt3A_925 = arith.cmpf olt, %sub3A_924, %select_n3A_915 : vector<8x1024xf32>
    %select_n3A_926 = arith.select %lt3A_925, %sub3A_924, %select_n3A_915 : vector<8x1024xi1>, vector<8x1024xf32>
    %jit3A_927 = arith.constant 82 : i32
    %broadcast_in_dim3A_928 = vector.broadcast %jit3A_927 : i32 to vector<8x1024xi32>
    %select_n3A_929 = arith.select %lt3A_925, %broadcast_in_dim3A_928, %select_n3A_918 : vector<8x1024xi1>, vector<8x1024xi32>
    %slice3A_930 = vector.extract_strided_slice %dot_general3A_24 {offsets = [664, 0], sizes = [8, 1024], strides = [1, 1]} : vector<1024x1024xf32> to vector<8x1024xf32>
    %slice3A_931 = vector.extract_strided_slice %broadcast_in_dim3A {offsets = [664, 0], sizes = [8, 1], strides = [1, 1]} : vector<1024x1xf32> to vector<8x1xf32>
    %add3A_932 = vector.broadcast %broadcast_in_dim3A_21 : vector<1x1024xf32> to vector<8x1024xf32>
    %add3A_933 = vector.broadcast %slice3A_931 : vector<8x1xf32> to vector<8x1024xf32>
    %add3A_934 = arith.addf %add3A_932, %add3A_933 : vector<8x1024xf32>
    %sub3A_935 = arith.subf %add3A_934, %slice3A_930 : vector<8x1024xf32>
    %lt3A_936 = arith.cmpf olt, %sub3A_935, %select_n3A_926 : vector<8x1024xf32>
    %select_n3A_937 = arith.select %lt3A_936, %sub3A_935, %select_n3A_926 : vector<8x1024xi1>, vector<8x1024xf32>
    %jit3A_938 = arith.constant 83 : i32
    %broadcast_in_dim3A_939 = vector.broadcast %jit3A_938 : i32 to vector<8x1024xi32>
    %select_n3A_940 = arith.select %lt3A_936, %broadcast_in_dim3A_939, %select_n3A_929 : vector<8x1024xi1>, vector<8x1024xi32>
    %slice3A_941 = vector.extract_strided_slice %dot_general3A_24 {offsets = [672, 0], sizes = [8, 1024], strides = [1, 1]} : vector<1024x1024xf32> to vector<8x1024xf32>
    %slice3A_942 = vector.extract_strided_slice %broadcast_in_dim3A {offsets = [672, 0], sizes = [8, 1], strides = [1, 1]} : vector<1024x1xf32> to vector<8x1xf32>
    %add3A_943 = vector.broadcast %broadcast_in_dim3A_21 : vector<1x1024xf32> to vector<8x1024xf32>
    %add3A_944 = vector.broadcast %slice3A_942 : vector<8x1xf32> to vector<8x1024xf32>
    %add3A_945 = arith.addf %add3A_943, %add3A_944 : vector<8x1024xf32>
    %sub3A_946 = arith.subf %add3A_945, %slice3A_941 : vector<8x1024xf32>
    %lt3A_947 = arith.cmpf olt, %sub3A_946, %select_n3A_937 : vector<8x1024xf32>
    %select_n3A_948 = arith.select %lt3A_947, %sub3A_946, %select_n3A_937 : vector<8x1024xi1>, vector<8x1024xf32>
    %jit3A_949 = arith.constant 84 : i32
    %broadcast_in_dim3A_950 = vector.broadcast %jit3A_949 : i32 to vector<8x1024xi32>
    %select_n3A_951 = arith.select %lt3A_947, %broadcast_in_dim3A_950, %select_n3A_940 : vector<8x1024xi1>, vector<8x1024xi32>
    %slice3A_952 = vector.extract_strided_slice %dot_general3A_24 {offsets = [680, 0], sizes = [8, 1024], strides = [1, 1]} : vector<1024x1024xf32> to vector<8x1024xf32>
    %slice3A_953 = vector.extract_strided_slice %broadcast_in_dim3A {offsets = [680, 0], sizes = [8, 1], strides = [1, 1]} : vector<1024x1xf32> to vector<8x1xf32>
    %add3A_954 = vector.broadcast %broadcast_in_dim3A_21 : vector<1x1024xf32> to vector<8x1024xf32>
    %add3A_955 = vector.broadcast %slice3A_953 : vector<8x1xf32> to vector<8x1024xf32>
    %add3A_956 = arith.addf %add3A_954, %add3A_955 : vector<8x1024xf32>
    %sub3A_957 = arith.subf %add3A_956, %slice3A_952 : vector<8x1024xf32>
    %lt3A_958 = arith.cmpf olt, %sub3A_957, %select_n3A_948 : vector<8x1024xf32>
    %select_n3A_959 = arith.select %lt3A_958, %sub3A_957, %select_n3A_948 : vector<8x1024xi1>, vector<8x1024xf32>
    %jit3A_960 = arith.constant 85 : i32
    %broadcast_in_dim3A_961 = vector.broadcast %jit3A_960 : i32 to vector<8x1024xi32>
    %select_n3A_962 = arith.select %lt3A_958, %broadcast_in_dim3A_961, %select_n3A_951 : vector<8x1024xi1>, vector<8x1024xi32>
    %slice3A_963 = vector.extract_strided_slice %dot_general3A_24 {offsets = [688, 0], sizes = [8, 1024], strides = [1, 1]} : vector<1024x1024xf32> to vector<8x1024xf32>
    %slice3A_964 = vector.extract_strided_slice %broadcast_in_dim3A {offsets = [688, 0], sizes = [8, 1], strides = [1, 1]} : vector<1024x1xf32> to vector<8x1xf32>
    %add3A_965 = vector.broadcast %broadcast_in_dim3A_21 : vector<1x1024xf32> to vector<8x1024xf32>
    %add3A_966 = vector.broadcast %slice3A_964 : vector<8x1xf32> to vector<8x1024xf32>
    %add3A_967 = arith.addf %add3A_965, %add3A_966 : vector<8x1024xf32>
    %sub3A_968 = arith.subf %add3A_967, %slice3A_963 : vector<8x1024xf32>
    %lt3A_969 = arith.cmpf olt, %sub3A_968, %select_n3A_959 : vector<8x1024xf32>
    %select_n3A_970 = arith.select %lt3A_969, %sub3A_968, %select_n3A_959 : vector<8x1024xi1>, vector<8x1024xf32>
    %jit3A_971 = arith.constant 86 : i32
    %broadcast_in_dim3A_972 = vector.broadcast %jit3A_971 : i32 to vector<8x1024xi32>
    %select_n3A_973 = arith.select %lt3A_969, %broadcast_in_dim3A_972, %select_n3A_962 : vector<8x1024xi1>, vector<8x1024xi32>
    %slice3A_974 = vector.extract_strided_slice %dot_general3A_24 {offsets = [696, 0], sizes = [8, 1024], strides = [1, 1]} : vector<1024x1024xf32> to vector<8x1024xf32>
    %slice3A_975 = vector.extract_strided_slice %broadcast_in_dim3A {offsets = [696, 0], sizes = [8, 1], strides = [1, 1]} : vector<1024x1xf32> to vector<8x1xf32>
    %add3A_976 = vector.broadcast %broadcast_in_dim3A_21 : vector<1x1024xf32> to vector<8x1024xf32>
    %add3A_977 = vector.broadcast %slice3A_975 : vector<8x1xf32> to vector<8x1024xf32>
    %add3A_978 = arith.addf %add3A_976, %add3A_977 : vector<8x1024xf32>
    %sub3A_979 = arith.subf %add3A_978, %slice3A_974 : vector<8x1024xf32>
    %lt3A_980 = arith.cmpf olt, %sub3A_979, %select_n3A_970 : vector<8x1024xf32>
    %select_n3A_981 = arith.select %lt3A_980, %sub3A_979, %select_n3A_970 : vector<8x1024xi1>, vector<8x1024xf32>
    %jit3A_982 = arith.constant 87 : i32
    %broadcast_in_dim3A_983 = vector.broadcast %jit3A_982 : i32 to vector<8x1024xi32>
    %select_n3A_984 = arith.select %lt3A_980, %broadcast_in_dim3A_983, %select_n3A_973 : vector<8x1024xi1>, vector<8x1024xi32>
    %slice3A_985 = vector.extract_strided_slice %dot_general3A_24 {offsets = [704, 0], sizes = [8, 1024], strides = [1, 1]} : vector<1024x1024xf32> to vector<8x1024xf32>
    %slice3A_986 = vector.extract_strided_slice %broadcast_in_dim3A {offsets = [704, 0], sizes = [8, 1], strides = [1, 1]} : vector<1024x1xf32> to vector<8x1xf32>
    %add3A_987 = vector.broadcast %broadcast_in_dim3A_21 : vector<1x1024xf32> to vector<8x1024xf32>
    %add3A_988 = vector.broadcast %slice3A_986 : vector<8x1xf32> to vector<8x1024xf32>
    %add3A_989 = arith.addf %add3A_987, %add3A_988 : vector<8x1024xf32>
    %sub3A_990 = arith.subf %add3A_989, %slice3A_985 : vector<8x1024xf32>
    %lt3A_991 = arith.cmpf olt, %sub3A_990, %select_n3A_981 : vector<8x1024xf32>
    %select_n3A_992 = arith.select %lt3A_991, %sub3A_990, %select_n3A_981 : vector<8x1024xi1>, vector<8x1024xf32>
    %jit3A_993 = arith.constant 88 : i32
    %broadcast_in_dim3A_994 = vector.broadcast %jit3A_993 : i32 to vector<8x1024xi32>
    %select_n3A_995 = arith.select %lt3A_991, %broadcast_in_dim3A_994, %select_n3A_984 : vector<8x1024xi1>, vector<8x1024xi32>
    %slice3A_996 = vector.extract_strided_slice %dot_general3A_24 {offsets = [712, 0], sizes = [8, 1024], strides = [1, 1]} : vector<1024x1024xf32> to vector<8x1024xf32>
    %slice3A_997 = vector.extract_strided_slice %broadcast_in_dim3A {offsets = [712, 0], sizes = [8, 1], strides = [1, 1]} : vector<1024x1xf32> to vector<8x1xf32>
    %add3A_998 = vector.broadcast %broadcast_in_dim3A_21 : vector<1x1024xf32> to vector<8x1024xf32>
    %add3A_999 = vector.broadcast %slice3A_997 : vector<8x1xf32> to vector<8x1024xf32>
    %add3A_1000 = arith.addf %add3A_998, %add3A_999 : vector<8x1024xf32>
    %sub3A_1001 = arith.subf %add3A_1000, %slice3A_996 : vector<8x1024xf32>
    %lt3A_1002 = arith.cmpf olt, %sub3A_1001, %select_n3A_992 : vector<8x1024xf32>
    %select_n3A_1003 = arith.select %lt3A_1002, %sub3A_1001, %select_n3A_992 : vector<8x1024xi1>, vector<8x1024xf32>
    %jit3A_1004 = arith.constant 89 : i32
    %broadcast_in_dim3A_1005 = vector.broadcast %jit3A_1004 : i32 to vector<8x1024xi32>
    %select_n3A_1006 = arith.select %lt3A_1002, %broadcast_in_dim3A_1005, %select_n3A_995 : vector<8x1024xi1>, vector<8x1024xi32>
    %slice3A_1007 = vector.extract_strided_slice %dot_general3A_24 {offsets = [720, 0], sizes = [8, 1024], strides = [1, 1]} : vector<1024x1024xf32> to vector<8x1024xf32>
    %slice3A_1008 = vector.extract_strided_slice %broadcast_in_dim3A {offsets = [720, 0], sizes = [8, 1], strides = [1, 1]} : vector<1024x1xf32> to vector<8x1xf32>
    %add3A_1009 = vector.broadcast %broadcast_in_dim3A_21 : vector<1x1024xf32> to vector<8x1024xf32>
    %add3A_1010 = vector.broadcast %slice3A_1008 : vector<8x1xf32> to vector<8x1024xf32>
    %add3A_1011 = arith.addf %add3A_1009, %add3A_1010 : vector<8x1024xf32>
    %sub3A_1012 = arith.subf %add3A_1011, %slice3A_1007 : vector<8x1024xf32>
    %lt3A_1013 = arith.cmpf olt, %sub3A_1012, %select_n3A_1003 : vector<8x1024xf32>
    %select_n3A_1014 = arith.select %lt3A_1013, %sub3A_1012, %select_n3A_1003 : vector<8x1024xi1>, vector<8x1024xf32>
    %jit3A_1015 = arith.constant 90 : i32
    %broadcast_in_dim3A_1016 = vector.broadcast %jit3A_1015 : i32 to vector<8x1024xi32>
    %select_n3A_1017 = arith.select %lt3A_1013, %broadcast_in_dim3A_1016, %select_n3A_1006 : vector<8x1024xi1>, vector<8x1024xi32>
    %slice3A_1018 = vector.extract_strided_slice %dot_general3A_24 {offsets = [728, 0], sizes = [8, 1024], strides = [1, 1]} : vector<1024x1024xf32> to vector<8x1024xf32>
    %slice3A_1019 = vector.extract_strided_slice %broadcast_in_dim3A {offsets = [728, 0], sizes = [8, 1], strides = [1, 1]} : vector<1024x1xf32> to vector<8x1xf32>
    %add3A_1020 = vector.broadcast %broadcast_in_dim3A_21 : vector<1x1024xf32> to vector<8x1024xf32>
    %add3A_1021 = vector.broadcast %slice3A_1019 : vector<8x1xf32> to vector<8x1024xf32>
    %add3A_1022 = arith.addf %add3A_1020, %add3A_1021 : vector<8x1024xf32>
    %sub3A_1023 = arith.subf %add3A_1022, %slice3A_1018 : vector<8x1024xf32>
    %lt3A_1024 = arith.cmpf olt, %sub3A_1023, %select_n3A_1014 : vector<8x1024xf32>
    %select_n3A_1025 = arith.select %lt3A_1024, %sub3A_1023, %select_n3A_1014 : vector<8x1024xi1>, vector<8x1024xf32>
    %jit3A_1026 = arith.constant 91 : i32
    %broadcast_in_dim3A_1027 = vector.broadcast %jit3A_1026 : i32 to vector<8x1024xi32>
    %select_n3A_1028 = arith.select %lt3A_1024, %broadcast_in_dim3A_1027, %select_n3A_1017 : vector<8x1024xi1>, vector<8x1024xi32>
    %slice3A_1029 = vector.extract_strided_slice %dot_general3A_24 {offsets = [736, 0], sizes = [8, 1024], strides = [1, 1]} : vector<1024x1024xf32> to vector<8x1024xf32>
    %slice3A_1030 = vector.extract_strided_slice %broadcast_in_dim3A {offsets = [736, 0], sizes = [8, 1], strides = [1, 1]} : vector<1024x1xf32> to vector<8x1xf32>
    %add3A_1031 = vector.broadcast %broadcast_in_dim3A_21 : vector<1x1024xf32> to vector<8x1024xf32>
    %add3A_1032 = vector.broadcast %slice3A_1030 : vector<8x1xf32> to vector<8x1024xf32>
    %add3A_1033 = arith.addf %add3A_1031, %add3A_1032 : vector<8x1024xf32>
    %sub3A_1034 = arith.subf %add3A_1033, %slice3A_1029 : vector<8x1024xf32>
    %lt3A_1035 = arith.cmpf olt, %sub3A_1034, %select_n3A_1025 : vector<8x1024xf32>
    %select_n3A_1036 = arith.select %lt3A_1035, %sub3A_1034, %select_n3A_1025 : vector<8x1024xi1>, vector<8x1024xf32>
    %jit3A_1037 = arith.constant 92 : i32
    %broadcast_in_dim3A_1038 = vector.broadcast %jit3A_1037 : i32 to vector<8x1024xi32>
    %select_n3A_1039 = arith.select %lt3A_1035, %broadcast_in_dim3A_1038, %select_n3A_1028 : vector<8x1024xi1>, vector<8x1024xi32>
    %slice3A_1040 = vector.extract_strided_slice %dot_general3A_24 {offsets = [744, 0], sizes = [8, 1024], strides = [1, 1]} : vector<1024x1024xf32> to vector<8x1024xf32>
    %slice3A_1041 = vector.extract_strided_slice %broadcast_in_dim3A {offsets = [744, 0], sizes = [8, 1], strides = [1, 1]} : vector<1024x1xf32> to vector<8x1xf32>
    %add3A_1042 = vector.broadcast %broadcast_in_dim3A_21 : vector<1x1024xf32> to vector<8x1024xf32>
    %add3A_1043 = vector.broadcast %slice3A_1041 : vector<8x1xf32> to vector<8x1024xf32>
    %add3A_1044 = arith.addf %add3A_1042, %add3A_1043 : vector<8x1024xf32>
    %sub3A_1045 = arith.subf %add3A_1044, %slice3A_1040 : vector<8x1024xf32>
    %lt3A_1046 = arith.cmpf olt, %sub3A_1045, %select_n3A_1036 : vector<8x1024xf32>
    %select_n3A_1047 = arith.select %lt3A_1046, %sub3A_1045, %select_n3A_1036 : vector<8x1024xi1>, vector<8x1024xf32>
    %jit3A_1048 = arith.constant 93 : i32
    %broadcast_in_dim3A_1049 = vector.broadcast %jit3A_1048 : i32 to vector<8x1024xi32>
    %select_n3A_1050 = arith.select %lt3A_1046, %broadcast_in_dim3A_1049, %select_n3A_1039 : vector<8x1024xi1>, vector<8x1024xi32>
    %slice3A_1051 = vector.extract_strided_slice %dot_general3A_24 {offsets = [752, 0], sizes = [8, 1024], strides = [1, 1]} : vector<1024x1024xf32> to vector<8x1024xf32>
    %slice3A_1052 = vector.extract_strided_slice %broadcast_in_dim3A {offsets = [752, 0], sizes = [8, 1], strides = [1, 1]} : vector<1024x1xf32> to vector<8x1xf32>
    %add3A_1053 = vector.broadcast %broadcast_in_dim3A_21 : vector<1x1024xf32> to vector<8x1024xf32>
    %add3A_1054 = vector.broadcast %slice3A_1052 : vector<8x1xf32> to vector<8x1024xf32>
    %add3A_1055 = arith.addf %add3A_1053, %add3A_1054 : vector<8x1024xf32>
    %sub3A_1056 = arith.subf %add3A_1055, %slice3A_1051 : vector<8x1024xf32>
    %lt3A_1057 = arith.cmpf olt, %sub3A_1056, %select_n3A_1047 : vector<8x1024xf32>
    %select_n3A_1058 = arith.select %lt3A_1057, %sub3A_1056, %select_n3A_1047 : vector<8x1024xi1>, vector<8x1024xf32>
    %jit3A_1059 = arith.constant 94 : i32
    %broadcast_in_dim3A_1060 = vector.broadcast %jit3A_1059 : i32 to vector<8x1024xi32>
    %select_n3A_1061 = arith.select %lt3A_1057, %broadcast_in_dim3A_1060, %select_n3A_1050 : vector<8x1024xi1>, vector<8x1024xi32>
    %slice3A_1062 = vector.extract_strided_slice %dot_general3A_24 {offsets = [760, 0], sizes = [8, 1024], strides = [1, 1]} : vector<1024x1024xf32> to vector<8x1024xf32>
    %slice3A_1063 = vector.extract_strided_slice %broadcast_in_dim3A {offsets = [760, 0], sizes = [8, 1], strides = [1, 1]} : vector<1024x1xf32> to vector<8x1xf32>
    %add3A_1064 = vector.broadcast %broadcast_in_dim3A_21 : vector<1x1024xf32> to vector<8x1024xf32>
    %add3A_1065 = vector.broadcast %slice3A_1063 : vector<8x1xf32> to vector<8x1024xf32>
    %add3A_1066 = arith.addf %add3A_1064, %add3A_1065 : vector<8x1024xf32>
    %sub3A_1067 = arith.subf %add3A_1066, %slice3A_1062 : vector<8x1024xf32>
    %lt3A_1068 = arith.cmpf olt, %sub3A_1067, %select_n3A_1058 : vector<8x1024xf32>
    %select_n3A_1069 = arith.select %lt3A_1068, %sub3A_1067, %select_n3A_1058 : vector<8x1024xi1>, vector<8x1024xf32>
    %jit3A_1070 = arith.constant 95 : i32
    %broadcast_in_dim3A_1071 = vector.broadcast %jit3A_1070 : i32 to vector<8x1024xi32>
    %select_n3A_1072 = arith.select %lt3A_1068, %broadcast_in_dim3A_1071, %select_n3A_1061 : vector<8x1024xi1>, vector<8x1024xi32>
    %slice3A_1073 = vector.extract_strided_slice %dot_general3A_24 {offsets = [768, 0], sizes = [8, 1024], strides = [1, 1]} : vector<1024x1024xf32> to vector<8x1024xf32>
    %slice3A_1074 = vector.extract_strided_slice %broadcast_in_dim3A {offsets = [768, 0], sizes = [8, 1], strides = [1, 1]} : vector<1024x1xf32> to vector<8x1xf32>
    %add3A_1075 = vector.broadcast %broadcast_in_dim3A_21 : vector<1x1024xf32> to vector<8x1024xf32>
    %add3A_1076 = vector.broadcast %slice3A_1074 : vector<8x1xf32> to vector<8x1024xf32>
    %add3A_1077 = arith.addf %add3A_1075, %add3A_1076 : vector<8x1024xf32>
    %sub3A_1078 = arith.subf %add3A_1077, %slice3A_1073 : vector<8x1024xf32>
    %lt3A_1079 = arith.cmpf olt, %sub3A_1078, %select_n3A_1069 : vector<8x1024xf32>
    %select_n3A_1080 = arith.select %lt3A_1079, %sub3A_1078, %select_n3A_1069 : vector<8x1024xi1>, vector<8x1024xf32>
    %jit3A_1081 = arith.constant 96 : i32
    %broadcast_in_dim3A_1082 = vector.broadcast %jit3A_1081 : i32 to vector<8x1024xi32>
    %select_n3A_1083 = arith.select %lt3A_1079, %broadcast_in_dim3A_1082, %select_n3A_1072 : vector<8x1024xi1>, vector<8x1024xi32>
    %slice3A_1084 = vector.extract_strided_slice %dot_general3A_24 {offsets = [776, 0], sizes = [8, 1024], strides = [1, 1]} : vector<1024x1024xf32> to vector<8x1024xf32>
    %slice3A_1085 = vector.extract_strided_slice %broadcast_in_dim3A {offsets = [776, 0], sizes = [8, 1], strides = [1, 1]} : vector<1024x1xf32> to vector<8x1xf32>
    %add3A_1086 = vector.broadcast %broadcast_in_dim3A_21 : vector<1x1024xf32> to vector<8x1024xf32>
    %add3A_1087 = vector.broadcast %slice3A_1085 : vector<8x1xf32> to vector<8x1024xf32>
    %add3A_1088 = arith.addf %add3A_1086, %add3A_1087 : vector<8x1024xf32>
    %sub3A_1089 = arith.subf %add3A_1088, %slice3A_1084 : vector<8x1024xf32>
    %lt3A_1090 = arith.cmpf olt, %sub3A_1089, %select_n3A_1080 : vector<8x1024xf32>
    %select_n3A_1091 = arith.select %lt3A_1090, %sub3A_1089, %select_n3A_1080 : vector<8x1024xi1>, vector<8x1024xf32>
    %jit3A_1092 = arith.constant 97 : i32
    %broadcast_in_dim3A_1093 = vector.broadcast %jit3A_1092 : i32 to vector<8x1024xi32>
    %select_n3A_1094 = arith.select %lt3A_1090, %broadcast_in_dim3A_1093, %select_n3A_1083 : vector<8x1024xi1>, vector<8x1024xi32>
    %slice3A_1095 = vector.extract_strided_slice %dot_general3A_24 {offsets = [784, 0], sizes = [8, 1024], strides = [1, 1]} : vector<1024x1024xf32> to vector<8x1024xf32>
    %slice3A_1096 = vector.extract_strided_slice %broadcast_in_dim3A {offsets = [784, 0], sizes = [8, 1], strides = [1, 1]} : vector<1024x1xf32> to vector<8x1xf32>
    %add3A_1097 = vector.broadcast %broadcast_in_dim3A_21 : vector<1x1024xf32> to vector<8x1024xf32>
    %add3A_1098 = vector.broadcast %slice3A_1096 : vector<8x1xf32> to vector<8x1024xf32>
    %add3A_1099 = arith.addf %add3A_1097, %add3A_1098 : vector<8x1024xf32>
    %sub3A_1100 = arith.subf %add3A_1099, %slice3A_1095 : vector<8x1024xf32>
    %lt3A_1101 = arith.cmpf olt, %sub3A_1100, %select_n3A_1091 : vector<8x1024xf32>
    %select_n3A_1102 = arith.select %lt3A_1101, %sub3A_1100, %select_n3A_1091 : vector<8x1024xi1>, vector<8x1024xf32>
    %jit3A_1103 = arith.constant 98 : i32
    %broadcast_in_dim3A_1104 = vector.broadcast %jit3A_1103 : i32 to vector<8x1024xi32>
    %select_n3A_1105 = arith.select %lt3A_1101, %broadcast_in_dim3A_1104, %select_n3A_1094 : vector<8x1024xi1>, vector<8x1024xi32>
    %slice3A_1106 = vector.extract_strided_slice %dot_general3A_24 {offsets = [792, 0], sizes = [8, 1024], strides = [1, 1]} : vector<1024x1024xf32> to vector<8x1024xf32>
    %slice3A_1107 = vector.extract_strided_slice %broadcast_in_dim3A {offsets = [792, 0], sizes = [8, 1], strides = [1, 1]} : vector<1024x1xf32> to vector<8x1xf32>
    %add3A_1108 = vector.broadcast %broadcast_in_dim3A_21 : vector<1x1024xf32> to vector<8x1024xf32>
    %add3A_1109 = vector.broadcast %slice3A_1107 : vector<8x1xf32> to vector<8x1024xf32>
    %add3A_1110 = arith.addf %add3A_1108, %add3A_1109 : vector<8x1024xf32>
    %sub3A_1111 = arith.subf %add3A_1110, %slice3A_1106 : vector<8x1024xf32>
    %lt3A_1112 = arith.cmpf olt, %sub3A_1111, %select_n3A_1102 : vector<8x1024xf32>
    %select_n3A_1113 = arith.select %lt3A_1112, %sub3A_1111, %select_n3A_1102 : vector<8x1024xi1>, vector<8x1024xf32>
    %jit3A_1114 = arith.constant 99 : i32
    %broadcast_in_dim3A_1115 = vector.broadcast %jit3A_1114 : i32 to vector<8x1024xi32>
    %select_n3A_1116 = arith.select %lt3A_1112, %broadcast_in_dim3A_1115, %select_n3A_1105 : vector<8x1024xi1>, vector<8x1024xi32>
    %slice3A_1117 = vector.extract_strided_slice %dot_general3A_24 {offsets = [800, 0], sizes = [8, 1024], strides = [1, 1]} : vector<1024x1024xf32> to vector<8x1024xf32>
    %slice3A_1118 = vector.extract_strided_slice %broadcast_in_dim3A {offsets = [800, 0], sizes = [8, 1], strides = [1, 1]} : vector<1024x1xf32> to vector<8x1xf32>
    %add3A_1119 = vector.broadcast %broadcast_in_dim3A_21 : vector<1x1024xf32> to vector<8x1024xf32>
    %add3A_1120 = vector.broadcast %slice3A_1118 : vector<8x1xf32> to vector<8x1024xf32>
    %add3A_1121 = arith.addf %add3A_1119, %add3A_1120 : vector<8x1024xf32>
    %sub3A_1122 = arith.subf %add3A_1121, %slice3A_1117 : vector<8x1024xf32>
    %lt3A_1123 = arith.cmpf olt, %sub3A_1122, %select_n3A_1113 : vector<8x1024xf32>
    %select_n3A_1124 = arith.select %lt3A_1123, %sub3A_1122, %select_n3A_1113 : vector<8x1024xi1>, vector<8x1024xf32>
    %jit3A_1125 = arith.constant 100 : i32
    %broadcast_in_dim3A_1126 = vector.broadcast %jit3A_1125 : i32 to vector<8x1024xi32>
    %select_n3A_1127 = arith.select %lt3A_1123, %broadcast_in_dim3A_1126, %select_n3A_1116 : vector<8x1024xi1>, vector<8x1024xi32>
    %slice3A_1128 = vector.extract_strided_slice %dot_general3A_24 {offsets = [808, 0], sizes = [8, 1024], strides = [1, 1]} : vector<1024x1024xf32> to vector<8x1024xf32>
    %slice3A_1129 = vector.extract_strided_slice %broadcast_in_dim3A {offsets = [808, 0], sizes = [8, 1], strides = [1, 1]} : vector<1024x1xf32> to vector<8x1xf32>
    %add3A_1130 = vector.broadcast %broadcast_in_dim3A_21 : vector<1x1024xf32> to vector<8x1024xf32>
    %add3A_1131 = vector.broadcast %slice3A_1129 : vector<8x1xf32> to vector<8x1024xf32>
    %add3A_1132 = arith.addf %add3A_1130, %add3A_1131 : vector<8x1024xf32>
    %sub3A_1133 = arith.subf %add3A_1132, %slice3A_1128 : vector<8x1024xf32>
    %lt3A_1134 = arith.cmpf olt, %sub3A_1133, %select_n3A_1124 : vector<8x1024xf32>
    %select_n3A_1135 = arith.select %lt3A_1134, %sub3A_1133, %select_n3A_1124 : vector<8x1024xi1>, vector<8x1024xf32>
    %jit3A_1136 = arith.constant 101 : i32
    %broadcast_in_dim3A_1137 = vector.broadcast %jit3A_1136 : i32 to vector<8x1024xi32>
    %select_n3A_1138 = arith.select %lt3A_1134, %broadcast_in_dim3A_1137, %select_n3A_1127 : vector<8x1024xi1>, vector<8x1024xi32>
    %slice3A_1139 = vector.extract_strided_slice %dot_general3A_24 {offsets = [816, 0], sizes = [8, 1024], strides = [1, 1]} : vector<1024x1024xf32> to vector<8x1024xf32>
    %slice3A_1140 = vector.extract_strided_slice %broadcast_in_dim3A {offsets = [816, 0], sizes = [8, 1], strides = [1, 1]} : vector<1024x1xf32> to vector<8x1xf32>
    %add3A_1141 = vector.broadcast %broadcast_in_dim3A_21 : vector<1x1024xf32> to vector<8x1024xf32>
    %add3A_1142 = vector.broadcast %slice3A_1140 : vector<8x1xf32> to vector<8x1024xf32>
    %add3A_1143 = arith.addf %add3A_1141, %add3A_1142 : vector<8x1024xf32>
    %sub3A_1144 = arith.subf %add3A_1143, %slice3A_1139 : vector<8x1024xf32>
    %lt3A_1145 = arith.cmpf olt, %sub3A_1144, %select_n3A_1135 : vector<8x1024xf32>
    %select_n3A_1146 = arith.select %lt3A_1145, %sub3A_1144, %select_n3A_1135 : vector<8x1024xi1>, vector<8x1024xf32>
    %jit3A_1147 = arith.constant 102 : i32
    %broadcast_in_dim3A_1148 = vector.broadcast %jit3A_1147 : i32 to vector<8x1024xi32>
    %select_n3A_1149 = arith.select %lt3A_1145, %broadcast_in_dim3A_1148, %select_n3A_1138 : vector<8x1024xi1>, vector<8x1024xi32>
    %slice3A_1150 = vector.extract_strided_slice %dot_general3A_24 {offsets = [824, 0], sizes = [8, 1024], strides = [1, 1]} : vector<1024x1024xf32> to vector<8x1024xf32>
    %slice3A_1151 = vector.extract_strided_slice %broadcast_in_dim3A {offsets = [824, 0], sizes = [8, 1], strides = [1, 1]} : vector<1024x1xf32> to vector<8x1xf32>
    %add3A_1152 = vector.broadcast %broadcast_in_dim3A_21 : vector<1x1024xf32> to vector<8x1024xf32>
    %add3A_1153 = vector.broadcast %slice3A_1151 : vector<8x1xf32> to vector<8x1024xf32>
    %add3A_1154 = arith.addf %add3A_1152, %add3A_1153 : vector<8x1024xf32>
    %sub3A_1155 = arith.subf %add3A_1154, %slice3A_1150 : vector<8x1024xf32>
    %lt3A_1156 = arith.cmpf olt, %sub3A_1155, %select_n3A_1146 : vector<8x1024xf32>
    %select_n3A_1157 = arith.select %lt3A_1156, %sub3A_1155, %select_n3A_1146 : vector<8x1024xi1>, vector<8x1024xf32>
    %jit3A_1158 = arith.constant 103 : i32
    %broadcast_in_dim3A_1159 = vector.broadcast %jit3A_1158 : i32 to vector<8x1024xi32>
    %select_n3A_1160 = arith.select %lt3A_1156, %broadcast_in_dim3A_1159, %select_n3A_1149 : vector<8x1024xi1>, vector<8x1024xi32>
    %slice3A_1161 = vector.extract_strided_slice %dot_general3A_24 {offsets = [832, 0], sizes = [8, 1024], strides = [1, 1]} : vector<1024x1024xf32> to vector<8x1024xf32>
    %slice3A_1162 = vector.extract_strided_slice %broadcast_in_dim3A {offsets = [832, 0], sizes = [8, 1], strides = [1, 1]} : vector<1024x1xf32> to vector<8x1xf32>
    %add3A_1163 = vector.broadcast %broadcast_in_dim3A_21 : vector<1x1024xf32> to vector<8x1024xf32>
    %add3A_1164 = vector.broadcast %slice3A_1162 : vector<8x1xf32> to vector<8x1024xf32>
    %add3A_1165 = arith.addf %add3A_1163, %add3A_1164 : vector<8x1024xf32>
    %sub3A_1166 = arith.subf %add3A_1165, %slice3A_1161 : vector<8x1024xf32>
    %lt3A_1167 = arith.cmpf olt, %sub3A_1166, %select_n3A_1157 : vector<8x1024xf32>
    %select_n3A_1168 = arith.select %lt3A_1167, %sub3A_1166, %select_n3A_1157 : vector<8x1024xi1>, vector<8x1024xf32>
    %jit3A_1169 = arith.constant 104 : i32
    %broadcast_in_dim3A_1170 = vector.broadcast %jit3A_1169 : i32 to vector<8x1024xi32>
    %select_n3A_1171 = arith.select %lt3A_1167, %broadcast_in_dim3A_1170, %select_n3A_1160 : vector<8x1024xi1>, vector<8x1024xi32>
    %slice3A_1172 = vector.extract_strided_slice %dot_general3A_24 {offsets = [840, 0], sizes = [8, 1024], strides = [1, 1]} : vector<1024x1024xf32> to vector<8x1024xf32>
    %slice3A_1173 = vector.extract_strided_slice %broadcast_in_dim3A {offsets = [840, 0], sizes = [8, 1], strides = [1, 1]} : vector<1024x1xf32> to vector<8x1xf32>
    %add3A_1174 = vector.broadcast %broadcast_in_dim3A_21 : vector<1x1024xf32> to vector<8x1024xf32>
    %add3A_1175 = vector.broadcast %slice3A_1173 : vector<8x1xf32> to vector<8x1024xf32>
    %add3A_1176 = arith.addf %add3A_1174, %add3A_1175 : vector<8x1024xf32>
    %sub3A_1177 = arith.subf %add3A_1176, %slice3A_1172 : vector<8x1024xf32>
    %lt3A_1178 = arith.cmpf olt, %sub3A_1177, %select_n3A_1168 : vector<8x1024xf32>
    %select_n3A_1179 = arith.select %lt3A_1178, %sub3A_1177, %select_n3A_1168 : vector<8x1024xi1>, vector<8x1024xf32>
    %jit3A_1180 = arith.constant 105 : i32
    %broadcast_in_dim3A_1181 = vector.broadcast %jit3A_1180 : i32 to vector<8x1024xi32>
    %select_n3A_1182 = arith.select %lt3A_1178, %broadcast_in_dim3A_1181, %select_n3A_1171 : vector<8x1024xi1>, vector<8x1024xi32>
    %slice3A_1183 = vector.extract_strided_slice %dot_general3A_24 {offsets = [848, 0], sizes = [8, 1024], strides = [1, 1]} : vector<1024x1024xf32> to vector<8x1024xf32>
    %slice3A_1184 = vector.extract_strided_slice %broadcast_in_dim3A {offsets = [848, 0], sizes = [8, 1], strides = [1, 1]} : vector<1024x1xf32> to vector<8x1xf32>
    %add3A_1185 = vector.broadcast %broadcast_in_dim3A_21 : vector<1x1024xf32> to vector<8x1024xf32>
    %add3A_1186 = vector.broadcast %slice3A_1184 : vector<8x1xf32> to vector<8x1024xf32>
    %add3A_1187 = arith.addf %add3A_1185, %add3A_1186 : vector<8x1024xf32>
    %sub3A_1188 = arith.subf %add3A_1187, %slice3A_1183 : vector<8x1024xf32>
    %lt3A_1189 = arith.cmpf olt, %sub3A_1188, %select_n3A_1179 : vector<8x1024xf32>
    %select_n3A_1190 = arith.select %lt3A_1189, %sub3A_1188, %select_n3A_1179 : vector<8x1024xi1>, vector<8x1024xf32>
    %jit3A_1191 = arith.constant 106 : i32
    %broadcast_in_dim3A_1192 = vector.broadcast %jit3A_1191 : i32 to vector<8x1024xi32>
    %select_n3A_1193 = arith.select %lt3A_1189, %broadcast_in_dim3A_1192, %select_n3A_1182 : vector<8x1024xi1>, vector<8x1024xi32>
    %slice3A_1194 = vector.extract_strided_slice %dot_general3A_24 {offsets = [856, 0], sizes = [8, 1024], strides = [1, 1]} : vector<1024x1024xf32> to vector<8x1024xf32>
    %slice3A_1195 = vector.extract_strided_slice %broadcast_in_dim3A {offsets = [856, 0], sizes = [8, 1], strides = [1, 1]} : vector<1024x1xf32> to vector<8x1xf32>
    %add3A_1196 = vector.broadcast %broadcast_in_dim3A_21 : vector<1x1024xf32> to vector<8x1024xf32>
    %add3A_1197 = vector.broadcast %slice3A_1195 : vector<8x1xf32> to vector<8x1024xf32>
    %add3A_1198 = arith.addf %add3A_1196, %add3A_1197 : vector<8x1024xf32>
    %sub3A_1199 = arith.subf %add3A_1198, %slice3A_1194 : vector<8x1024xf32>
    %lt3A_1200 = arith.cmpf olt, %sub3A_1199, %select_n3A_1190 : vector<8x1024xf32>
    %select_n3A_1201 = arith.select %lt3A_1200, %sub3A_1199, %select_n3A_1190 : vector<8x1024xi1>, vector<8x1024xf32>
    %jit3A_1202 = arith.constant 107 : i32
    %broadcast_in_dim3A_1203 = vector.broadcast %jit3A_1202 : i32 to vector<8x1024xi32>
    %select_n3A_1204 = arith.select %lt3A_1200, %broadcast_in_dim3A_1203, %select_n3A_1193 : vector<8x1024xi1>, vector<8x1024xi32>
    %slice3A_1205 = vector.extract_strided_slice %dot_general3A_24 {offsets = [864, 0], sizes = [8, 1024], strides = [1, 1]} : vector<1024x1024xf32> to vector<8x1024xf32>
    %slice3A_1206 = vector.extract_strided_slice %broadcast_in_dim3A {offsets = [864, 0], sizes = [8, 1], strides = [1, 1]} : vector<1024x1xf32> to vector<8x1xf32>
    %add3A_1207 = vector.broadcast %broadcast_in_dim3A_21 : vector<1x1024xf32> to vector<8x1024xf32>
    %add3A_1208 = vector.broadcast %slice3A_1206 : vector<8x1xf32> to vector<8x1024xf32>
    %add3A_1209 = arith.addf %add3A_1207, %add3A_1208 : vector<8x1024xf32>
    %sub3A_1210 = arith.subf %add3A_1209, %slice3A_1205 : vector<8x1024xf32>
    %lt3A_1211 = arith.cmpf olt, %sub3A_1210, %select_n3A_1201 : vector<8x1024xf32>
    %select_n3A_1212 = arith.select %lt3A_1211, %sub3A_1210, %select_n3A_1201 : vector<8x1024xi1>, vector<8x1024xf32>
    %jit3A_1213 = arith.constant 108 : i32
    %broadcast_in_dim3A_1214 = vector.broadcast %jit3A_1213 : i32 to vector<8x1024xi32>
    %select_n3A_1215 = arith.select %lt3A_1211, %broadcast_in_dim3A_1214, %select_n3A_1204 : vector<8x1024xi1>, vector<8x1024xi32>
    %slice3A_1216 = vector.extract_strided_slice %dot_general3A_24 {offsets = [872, 0], sizes = [8, 1024], strides = [1, 1]} : vector<1024x1024xf32> to vector<8x1024xf32>
    %slice3A_1217 = vector.extract_strided_slice %broadcast_in_dim3A {offsets = [872, 0], sizes = [8, 1], strides = [1, 1]} : vector<1024x1xf32> to vector<8x1xf32>
    %add3A_1218 = vector.broadcast %broadcast_in_dim3A_21 : vector<1x1024xf32> to vector<8x1024xf32>
    %add3A_1219 = vector.broadcast %slice3A_1217 : vector<8x1xf32> to vector<8x1024xf32>
    %add3A_1220 = arith.addf %add3A_1218, %add3A_1219 : vector<8x1024xf32>
    %sub3A_1221 = arith.subf %add3A_1220, %slice3A_1216 : vector<8x1024xf32>
    %lt3A_1222 = arith.cmpf olt, %sub3A_1221, %select_n3A_1212 : vector<8x1024xf32>
    %select_n3A_1223 = arith.select %lt3A_1222, %sub3A_1221, %select_n3A_1212 : vector<8x1024xi1>, vector<8x1024xf32>
    %jit3A_1224 = arith.constant 109 : i32
    %broadcast_in_dim3A_1225 = vector.broadcast %jit3A_1224 : i32 to vector<8x1024xi32>
    %select_n3A_1226 = arith.select %lt3A_1222, %broadcast_in_dim3A_1225, %select_n3A_1215 : vector<8x1024xi1>, vector<8x1024xi32>
    %slice3A_1227 = vector.extract_strided_slice %dot_general3A_24 {offsets = [880, 0], sizes = [8, 1024], strides = [1, 1]} : vector<1024x1024xf32> to vector<8x1024xf32>
    %slice3A_1228 = vector.extract_strided_slice %broadcast_in_dim3A {offsets = [880, 0], sizes = [8, 1], strides = [1, 1]} : vector<1024x1xf32> to vector<8x1xf32>
    %add3A_1229 = vector.broadcast %broadcast_in_dim3A_21 : vector<1x1024xf32> to vector<8x1024xf32>
    %add3A_1230 = vector.broadcast %slice3A_1228 : vector<8x1xf32> to vector<8x1024xf32>
    %add3A_1231 = arith.addf %add3A_1229, %add3A_1230 : vector<8x1024xf32>
    %sub3A_1232 = arith.subf %add3A_1231, %slice3A_1227 : vector<8x1024xf32>
    %lt3A_1233 = arith.cmpf olt, %sub3A_1232, %select_n3A_1223 : vector<8x1024xf32>
    %select_n3A_1234 = arith.select %lt3A_1233, %sub3A_1232, %select_n3A_1223 : vector<8x1024xi1>, vector<8x1024xf32>
    %jit3A_1235 = arith.constant 110 : i32
    %broadcast_in_dim3A_1236 = vector.broadcast %jit3A_1235 : i32 to vector<8x1024xi32>
    %select_n3A_1237 = arith.select %lt3A_1233, %broadcast_in_dim3A_1236, %select_n3A_1226 : vector<8x1024xi1>, vector<8x1024xi32>
    %slice3A_1238 = vector.extract_strided_slice %dot_general3A_24 {offsets = [888, 0], sizes = [8, 1024], strides = [1, 1]} : vector<1024x1024xf32> to vector<8x1024xf32>
    %slice3A_1239 = vector.extract_strided_slice %broadcast_in_dim3A {offsets = [888, 0], sizes = [8, 1], strides = [1, 1]} : vector<1024x1xf32> to vector<8x1xf32>
    %add3A_1240 = vector.broadcast %broadcast_in_dim3A_21 : vector<1x1024xf32> to vector<8x1024xf32>
    %add3A_1241 = vector.broadcast %slice3A_1239 : vector<8x1xf32> to vector<8x1024xf32>
    %add3A_1242 = arith.addf %add3A_1240, %add3A_1241 : vector<8x1024xf32>
    %sub3A_1243 = arith.subf %add3A_1242, %slice3A_1238 : vector<8x1024xf32>
    %lt3A_1244 = arith.cmpf olt, %sub3A_1243, %select_n3A_1234 : vector<8x1024xf32>
    %select_n3A_1245 = arith.select %lt3A_1244, %sub3A_1243, %select_n3A_1234 : vector<8x1024xi1>, vector<8x1024xf32>
    %jit3A_1246 = arith.constant 111 : i32
    %broadcast_in_dim3A_1247 = vector.broadcast %jit3A_1246 : i32 to vector<8x1024xi32>
    %select_n3A_1248 = arith.select %lt3A_1244, %broadcast_in_dim3A_1247, %select_n3A_1237 : vector<8x1024xi1>, vector<8x1024xi32>
    %slice3A_1249 = vector.extract_strided_slice %dot_general3A_24 {offsets = [896, 0], sizes = [8, 1024], strides = [1, 1]} : vector<1024x1024xf32> to vector<8x1024xf32>
    %slice3A_1250 = vector.extract_strided_slice %broadcast_in_dim3A {offsets = [896, 0], sizes = [8, 1], strides = [1, 1]} : vector<1024x1xf32> to vector<8x1xf32>
    %add3A_1251 = vector.broadcast %broadcast_in_dim3A_21 : vector<1x1024xf32> to vector<8x1024xf32>
    %add3A_1252 = vector.broadcast %slice3A_1250 : vector<8x1xf32> to vector<8x1024xf32>
    %add3A_1253 = arith.addf %add3A_1251, %add3A_1252 : vector<8x1024xf32>
    %sub3A_1254 = arith.subf %add3A_1253, %slice3A_1249 : vector<8x1024xf32>
    %lt3A_1255 = arith.cmpf olt, %sub3A_1254, %select_n3A_1245 : vector<8x1024xf32>
    %select_n3A_1256 = arith.select %lt3A_1255, %sub3A_1254, %select_n3A_1245 : vector<8x1024xi1>, vector<8x1024xf32>
    %jit3A_1257 = arith.constant 112 : i32
    %broadcast_in_dim3A_1258 = vector.broadcast %jit3A_1257 : i32 to vector<8x1024xi32>
    %select_n3A_1259 = arith.select %lt3A_1255, %broadcast_in_dim3A_1258, %select_n3A_1248 : vector<8x1024xi1>, vector<8x1024xi32>
    %slice3A_1260 = vector.extract_strided_slice %dot_general3A_24 {offsets = [904, 0], sizes = [8, 1024], strides = [1, 1]} : vector<1024x1024xf32> to vector<8x1024xf32>
    %slice3A_1261 = vector.extract_strided_slice %broadcast_in_dim3A {offsets = [904, 0], sizes = [8, 1], strides = [1, 1]} : vector<1024x1xf32> to vector<8x1xf32>
    %add3A_1262 = vector.broadcast %broadcast_in_dim3A_21 : vector<1x1024xf32> to vector<8x1024xf32>
    %add3A_1263 = vector.broadcast %slice3A_1261 : vector<8x1xf32> to vector<8x1024xf32>
    %add3A_1264 = arith.addf %add3A_1262, %add3A_1263 : vector<8x1024xf32>
    %sub3A_1265 = arith.subf %add3A_1264, %slice3A_1260 : vector<8x1024xf32>
    %lt3A_1266 = arith.cmpf olt, %sub3A_1265, %select_n3A_1256 : vector<8x1024xf32>
    %select_n3A_1267 = arith.select %lt3A_1266, %sub3A_1265, %select_n3A_1256 : vector<8x1024xi1>, vector<8x1024xf32>
    %jit3A_1268 = arith.constant 113 : i32
    %broadcast_in_dim3A_1269 = vector.broadcast %jit3A_1268 : i32 to vector<8x1024xi32>
    %select_n3A_1270 = arith.select %lt3A_1266, %broadcast_in_dim3A_1269, %select_n3A_1259 : vector<8x1024xi1>, vector<8x1024xi32>
    %slice3A_1271 = vector.extract_strided_slice %dot_general3A_24 {offsets = [912, 0], sizes = [8, 1024], strides = [1, 1]} : vector<1024x1024xf32> to vector<8x1024xf32>
    %slice3A_1272 = vector.extract_strided_slice %broadcast_in_dim3A {offsets = [912, 0], sizes = [8, 1], strides = [1, 1]} : vector<1024x1xf32> to vector<8x1xf32>
    %add3A_1273 = vector.broadcast %broadcast_in_dim3A_21 : vector<1x1024xf32> to vector<8x1024xf32>
    %add3A_1274 = vector.broadcast %slice3A_1272 : vector<8x1xf32> to vector<8x1024xf32>
    %add3A_1275 = arith.addf %add3A_1273, %add3A_1274 : vector<8x1024xf32>
    %sub3A_1276 = arith.subf %add3A_1275, %slice3A_1271 : vector<8x1024xf32>
    %lt3A_1277 = arith.cmpf olt, %sub3A_1276, %select_n3A_1267 : vector<8x1024xf32>
    %select_n3A_1278 = arith.select %lt3A_1277, %sub3A_1276, %select_n3A_1267 : vector<8x1024xi1>, vector<8x1024xf32>
    %jit3A_1279 = arith.constant 114 : i32
    %broadcast_in_dim3A_1280 = vector.broadcast %jit3A_1279 : i32 to vector<8x1024xi32>
    %select_n3A_1281 = arith.select %lt3A_1277, %broadcast_in_dim3A_1280, %select_n3A_1270 : vector<8x1024xi1>, vector<8x1024xi32>
    %slice3A_1282 = vector.extract_strided_slice %dot_general3A_24 {offsets = [920, 0], sizes = [8, 1024], strides = [1, 1]} : vector<1024x1024xf32> to vector<8x1024xf32>
    %slice3A_1283 = vector.extract_strided_slice %broadcast_in_dim3A {offsets = [920, 0], sizes = [8, 1], strides = [1, 1]} : vector<1024x1xf32> to vector<8x1xf32>
    %add3A_1284 = vector.broadcast %broadcast_in_dim3A_21 : vector<1x1024xf32> to vector<8x1024xf32>
    %add3A_1285 = vector.broadcast %slice3A_1283 : vector<8x1xf32> to vector<8x1024xf32>
    %add3A_1286 = arith.addf %add3A_1284, %add3A_1285 : vector<8x1024xf32>
    %sub3A_1287 = arith.subf %add3A_1286, %slice3A_1282 : vector<8x1024xf32>
    %lt3A_1288 = arith.cmpf olt, %sub3A_1287, %select_n3A_1278 : vector<8x1024xf32>
    %select_n3A_1289 = arith.select %lt3A_1288, %sub3A_1287, %select_n3A_1278 : vector<8x1024xi1>, vector<8x1024xf32>
    %jit3A_1290 = arith.constant 115 : i32
    %broadcast_in_dim3A_1291 = vector.broadcast %jit3A_1290 : i32 to vector<8x1024xi32>
    %select_n3A_1292 = arith.select %lt3A_1288, %broadcast_in_dim3A_1291, %select_n3A_1281 : vector<8x1024xi1>, vector<8x1024xi32>
    %slice3A_1293 = vector.extract_strided_slice %dot_general3A_24 {offsets = [928, 0], sizes = [8, 1024], strides = [1, 1]} : vector<1024x1024xf32> to vector<8x1024xf32>
    %slice3A_1294 = vector.extract_strided_slice %broadcast_in_dim3A {offsets = [928, 0], sizes = [8, 1], strides = [1, 1]} : vector<1024x1xf32> to vector<8x1xf32>
    %add3A_1295 = vector.broadcast %broadcast_in_dim3A_21 : vector<1x1024xf32> to vector<8x1024xf32>
    %add3A_1296 = vector.broadcast %slice3A_1294 : vector<8x1xf32> to vector<8x1024xf32>
    %add3A_1297 = arith.addf %add3A_1295, %add3A_1296 : vector<8x1024xf32>
    %sub3A_1298 = arith.subf %add3A_1297, %slice3A_1293 : vector<8x1024xf32>
    %lt3A_1299 = arith.cmpf olt, %sub3A_1298, %select_n3A_1289 : vector<8x1024xf32>
    %select_n3A_1300 = arith.select %lt3A_1299, %sub3A_1298, %select_n3A_1289 : vector<8x1024xi1>, vector<8x1024xf32>
    %jit3A_1301 = arith.constant 116 : i32
    %broadcast_in_dim3A_1302 = vector.broadcast %jit3A_1301 : i32 to vector<8x1024xi32>
    %select_n3A_1303 = arith.select %lt3A_1299, %broadcast_in_dim3A_1302, %select_n3A_1292 : vector<8x1024xi1>, vector<8x1024xi32>
    %slice3A_1304 = vector.extract_strided_slice %dot_general3A_24 {offsets = [936, 0], sizes = [8, 1024], strides = [1, 1]} : vector<1024x1024xf32> to vector<8x1024xf32>
    %slice3A_1305 = vector.extract_strided_slice %broadcast_in_dim3A {offsets = [936, 0], sizes = [8, 1], strides = [1, 1]} : vector<1024x1xf32> to vector<8x1xf32>
    %add3A_1306 = vector.broadcast %broadcast_in_dim3A_21 : vector<1x1024xf32> to vector<8x1024xf32>
    %add3A_1307 = vector.broadcast %slice3A_1305 : vector<8x1xf32> to vector<8x1024xf32>
    %add3A_1308 = arith.addf %add3A_1306, %add3A_1307 : vector<8x1024xf32>
    %sub3A_1309 = arith.subf %add3A_1308, %slice3A_1304 : vector<8x1024xf32>
    %lt3A_1310 = arith.cmpf olt, %sub3A_1309, %select_n3A_1300 : vector<8x1024xf32>
    %select_n3A_1311 = arith.select %lt3A_1310, %sub3A_1309, %select_n3A_1300 : vector<8x1024xi1>, vector<8x1024xf32>
    %jit3A_1312 = arith.constant 117 : i32
    %broadcast_in_dim3A_1313 = vector.broadcast %jit3A_1312 : i32 to vector<8x1024xi32>
    %select_n3A_1314 = arith.select %lt3A_1310, %broadcast_in_dim3A_1313, %select_n3A_1303 : vector<8x1024xi1>, vector<8x1024xi32>
    %slice3A_1315 = vector.extract_strided_slice %dot_general3A_24 {offsets = [944, 0], sizes = [8, 1024], strides = [1, 1]} : vector<1024x1024xf32> to vector<8x1024xf32>
    %slice3A_1316 = vector.extract_strided_slice %broadcast_in_dim3A {offsets = [944, 0], sizes = [8, 1], strides = [1, 1]} : vector<1024x1xf32> to vector<8x1xf32>
    %add3A_1317 = vector.broadcast %broadcast_in_dim3A_21 : vector<1x1024xf32> to vector<8x1024xf32>
    %add3A_1318 = vector.broadcast %slice3A_1316 : vector<8x1xf32> to vector<8x1024xf32>
    %add3A_1319 = arith.addf %add3A_1317, %add3A_1318 : vector<8x1024xf32>
    %sub3A_1320 = arith.subf %add3A_1319, %slice3A_1315 : vector<8x1024xf32>
    %lt3A_1321 = arith.cmpf olt, %sub3A_1320, %select_n3A_1311 : vector<8x1024xf32>
    %select_n3A_1322 = arith.select %lt3A_1321, %sub3A_1320, %select_n3A_1311 : vector<8x1024xi1>, vector<8x1024xf32>
    %jit3A_1323 = arith.constant 118 : i32
    %broadcast_in_dim3A_1324 = vector.broadcast %jit3A_1323 : i32 to vector<8x1024xi32>
    %select_n3A_1325 = arith.select %lt3A_1321, %broadcast_in_dim3A_1324, %select_n3A_1314 : vector<8x1024xi1>, vector<8x1024xi32>
    %slice3A_1326 = vector.extract_strided_slice %dot_general3A_24 {offsets = [952, 0], sizes = [8, 1024], strides = [1, 1]} : vector<1024x1024xf32> to vector<8x1024xf32>
    %slice3A_1327 = vector.extract_strided_slice %broadcast_in_dim3A {offsets = [952, 0], sizes = [8, 1], strides = [1, 1]} : vector<1024x1xf32> to vector<8x1xf32>
    %add3A_1328 = vector.broadcast %broadcast_in_dim3A_21 : vector<1x1024xf32> to vector<8x1024xf32>
    %add3A_1329 = vector.broadcast %slice3A_1327 : vector<8x1xf32> to vector<8x1024xf32>
    %add3A_1330 = arith.addf %add3A_1328, %add3A_1329 : vector<8x1024xf32>
    %sub3A_1331 = arith.subf %add3A_1330, %slice3A_1326 : vector<8x1024xf32>
    %lt3A_1332 = arith.cmpf olt, %sub3A_1331, %select_n3A_1322 : vector<8x1024xf32>
    %select_n3A_1333 = arith.select %lt3A_1332, %sub3A_1331, %select_n3A_1322 : vector<8x1024xi1>, vector<8x1024xf32>
    %jit3A_1334 = arith.constant 119 : i32
    %broadcast_in_dim3A_1335 = vector.broadcast %jit3A_1334 : i32 to vector<8x1024xi32>
    %select_n3A_1336 = arith.select %lt3A_1332, %broadcast_in_dim3A_1335, %select_n3A_1325 : vector<8x1024xi1>, vector<8x1024xi32>
    %slice3A_1337 = vector.extract_strided_slice %dot_general3A_24 {offsets = [960, 0], sizes = [8, 1024], strides = [1, 1]} : vector<1024x1024xf32> to vector<8x1024xf32>
    %slice3A_1338 = vector.extract_strided_slice %broadcast_in_dim3A {offsets = [960, 0], sizes = [8, 1], strides = [1, 1]} : vector<1024x1xf32> to vector<8x1xf32>
    %add3A_1339 = vector.broadcast %broadcast_in_dim3A_21 : vector<1x1024xf32> to vector<8x1024xf32>
    %add3A_1340 = vector.broadcast %slice3A_1338 : vector<8x1xf32> to vector<8x1024xf32>
    %add3A_1341 = arith.addf %add3A_1339, %add3A_1340 : vector<8x1024xf32>
    %sub3A_1342 = arith.subf %add3A_1341, %slice3A_1337 : vector<8x1024xf32>
    %lt3A_1343 = arith.cmpf olt, %sub3A_1342, %select_n3A_1333 : vector<8x1024xf32>
    %select_n3A_1344 = arith.select %lt3A_1343, %sub3A_1342, %select_n3A_1333 : vector<8x1024xi1>, vector<8x1024xf32>
    %jit3A_1345 = arith.constant 120 : i32
    %broadcast_in_dim3A_1346 = vector.broadcast %jit3A_1345 : i32 to vector<8x1024xi32>
    %select_n3A_1347 = arith.select %lt3A_1343, %broadcast_in_dim3A_1346, %select_n3A_1336 : vector<8x1024xi1>, vector<8x1024xi32>
    %slice3A_1348 = vector.extract_strided_slice %dot_general3A_24 {offsets = [968, 0], sizes = [8, 1024], strides = [1, 1]} : vector<1024x1024xf32> to vector<8x1024xf32>
    %slice3A_1349 = vector.extract_strided_slice %broadcast_in_dim3A {offsets = [968, 0], sizes = [8, 1], strides = [1, 1]} : vector<1024x1xf32> to vector<8x1xf32>
    %add3A_1350 = vector.broadcast %broadcast_in_dim3A_21 : vector<1x1024xf32> to vector<8x1024xf32>
    %add3A_1351 = vector.broadcast %slice3A_1349 : vector<8x1xf32> to vector<8x1024xf32>
    %add3A_1352 = arith.addf %add3A_1350, %add3A_1351 : vector<8x1024xf32>
    %sub3A_1353 = arith.subf %add3A_1352, %slice3A_1348 : vector<8x1024xf32>
    %lt3A_1354 = arith.cmpf olt, %sub3A_1353, %select_n3A_1344 : vector<8x1024xf32>
    %select_n3A_1355 = arith.select %lt3A_1354, %sub3A_1353, %select_n3A_1344 : vector<8x1024xi1>, vector<8x1024xf32>
    %jit3A_1356 = arith.constant 121 : i32
    %broadcast_in_dim3A_1357 = vector.broadcast %jit3A_1356 : i32 to vector<8x1024xi32>
    %select_n3A_1358 = arith.select %lt3A_1354, %broadcast_in_dim3A_1357, %select_n3A_1347 : vector<8x1024xi1>, vector<8x1024xi32>
    %slice3A_1359 = vector.extract_strided_slice %dot_general3A_24 {offsets = [976, 0], sizes = [8, 1024], strides = [1, 1]} : vector<1024x1024xf32> to vector<8x1024xf32>
    %slice3A_1360 = vector.extract_strided_slice %broadcast_in_dim3A {offsets = [976, 0], sizes = [8, 1], strides = [1, 1]} : vector<1024x1xf32> to vector<8x1xf32>
    %add3A_1361 = vector.broadcast %broadcast_in_dim3A_21 : vector<1x1024xf32> to vector<8x1024xf32>
    %add3A_1362 = vector.broadcast %slice3A_1360 : vector<8x1xf32> to vector<8x1024xf32>
    %add3A_1363 = arith.addf %add3A_1361, %add3A_1362 : vector<8x1024xf32>
    %sub3A_1364 = arith.subf %add3A_1363, %slice3A_1359 : vector<8x1024xf32>
    %lt3A_1365 = arith.cmpf olt, %sub3A_1364, %select_n3A_1355 : vector<8x1024xf32>
    %select_n3A_1366 = arith.select %lt3A_1365, %sub3A_1364, %select_n3A_1355 : vector<8x1024xi1>, vector<8x1024xf32>
    %jit3A_1367 = arith.constant 122 : i32
    %broadcast_in_dim3A_1368 = vector.broadcast %jit3A_1367 : i32 to vector<8x1024xi32>
    %select_n3A_1369 = arith.select %lt3A_1365, %broadcast_in_dim3A_1368, %select_n3A_1358 : vector<8x1024xi1>, vector<8x1024xi32>
    %slice3A_1370 = vector.extract_strided_slice %dot_general3A_24 {offsets = [984, 0], sizes = [8, 1024], strides = [1, 1]} : vector<1024x1024xf32> to vector<8x1024xf32>
    %slice3A_1371 = vector.extract_strided_slice %broadcast_in_dim3A {offsets = [984, 0], sizes = [8, 1], strides = [1, 1]} : vector<1024x1xf32> to vector<8x1xf32>
    %add3A_1372 = vector.broadcast %broadcast_in_dim3A_21 : vector<1x1024xf32> to vector<8x1024xf32>
    %add3A_1373 = vector.broadcast %slice3A_1371 : vector<8x1xf32> to vector<8x1024xf32>
    %add3A_1374 = arith.addf %add3A_1372, %add3A_1373 : vector<8x1024xf32>
    %sub3A_1375 = arith.subf %add3A_1374, %slice3A_1370 : vector<8x1024xf32>
    %lt3A_1376 = arith.cmpf olt, %sub3A_1375, %select_n3A_1366 : vector<8x1024xf32>
    %select_n3A_1377 = arith.select %lt3A_1376, %sub3A_1375, %select_n3A_1366 : vector<8x1024xi1>, vector<8x1024xf32>
    %jit3A_1378 = arith.constant 123 : i32
    %broadcast_in_dim3A_1379 = vector.broadcast %jit3A_1378 : i32 to vector<8x1024xi32>
    %select_n3A_1380 = arith.select %lt3A_1376, %broadcast_in_dim3A_1379, %select_n3A_1369 : vector<8x1024xi1>, vector<8x1024xi32>
    %slice3A_1381 = vector.extract_strided_slice %dot_general3A_24 {offsets = [992, 0], sizes = [8, 1024], strides = [1, 1]} : vector<1024x1024xf32> to vector<8x1024xf32>
    %slice3A_1382 = vector.extract_strided_slice %broadcast_in_dim3A {offsets = [992, 0], sizes = [8, 1], strides = [1, 1]} : vector<1024x1xf32> to vector<8x1xf32>
    %add3A_1383 = vector.broadcast %broadcast_in_dim3A_21 : vector<1x1024xf32> to vector<8x1024xf32>
    %add3A_1384 = vector.broadcast %slice3A_1382 : vector<8x1xf32> to vector<8x1024xf32>
    %add3A_1385 = arith.addf %add3A_1383, %add3A_1384 : vector<8x1024xf32>
    %sub3A_1386 = arith.subf %add3A_1385, %slice3A_1381 : vector<8x1024xf32>
    %lt3A_1387 = arith.cmpf olt, %sub3A_1386, %select_n3A_1377 : vector<8x1024xf32>
    %select_n3A_1388 = arith.select %lt3A_1387, %sub3A_1386, %select_n3A_1377 : vector<8x1024xi1>, vector<8x1024xf32>
    %jit3A_1389 = arith.constant 124 : i32
    %broadcast_in_dim3A_1390 = vector.broadcast %jit3A_1389 : i32 to vector<8x1024xi32>
    %select_n3A_1391 = arith.select %lt3A_1387, %broadcast_in_dim3A_1390, %select_n3A_1380 : vector<8x1024xi1>, vector<8x1024xi32>
    %slice3A_1392 = vector.extract_strided_slice %dot_general3A_24 {offsets = [1000, 0], sizes = [8, 1024], strides = [1, 1]} : vector<1024x1024xf32> to vector<8x1024xf32>
    %slice3A_1393 = vector.extract_strided_slice %broadcast_in_dim3A {offsets = [1000, 0], sizes = [8, 1], strides = [1, 1]} : vector<1024x1xf32> to vector<8x1xf32>
    %add3A_1394 = vector.broadcast %broadcast_in_dim3A_21 : vector<1x1024xf32> to vector<8x1024xf32>
    %add3A_1395 = vector.broadcast %slice3A_1393 : vector<8x1xf32> to vector<8x1024xf32>
    %add3A_1396 = arith.addf %add3A_1394, %add3A_1395 : vector<8x1024xf32>
    %sub3A_1397 = arith.subf %add3A_1396, %slice3A_1392 : vector<8x1024xf32>
    %lt3A_1398 = arith.cmpf olt, %sub3A_1397, %select_n3A_1388 : vector<8x1024xf32>
    %select_n3A_1399 = arith.select %lt3A_1398, %sub3A_1397, %select_n3A_1388 : vector<8x1024xi1>, vector<8x1024xf32>
    %jit3A_1400 = arith.constant 125 : i32
    %broadcast_in_dim3A_1401 = vector.broadcast %jit3A_1400 : i32 to vector<8x1024xi32>
    %select_n3A_1402 = arith.select %lt3A_1398, %broadcast_in_dim3A_1401, %select_n3A_1391 : vector<8x1024xi1>, vector<8x1024xi32>
    %slice3A_1403 = vector.extract_strided_slice %dot_general3A_24 {offsets = [1008, 0], sizes = [8, 1024], strides = [1, 1]} : vector<1024x1024xf32> to vector<8x1024xf32>
    %slice3A_1404 = vector.extract_strided_slice %broadcast_in_dim3A {offsets = [1008, 0], sizes = [8, 1], strides = [1, 1]} : vector<1024x1xf32> to vector<8x1xf32>
    %add3A_1405 = vector.broadcast %broadcast_in_dim3A_21 : vector<1x1024xf32> to vector<8x1024xf32>
    %add3A_1406 = vector.broadcast %slice3A_1404 : vector<8x1xf32> to vector<8x1024xf32>
    %add3A_1407 = arith.addf %add3A_1405, %add3A_1406 : vector<8x1024xf32>
    %sub3A_1408 = arith.subf %add3A_1407, %slice3A_1403 : vector<8x1024xf32>
    %lt3A_1409 = arith.cmpf olt, %sub3A_1408, %select_n3A_1399 : vector<8x1024xf32>
    %select_n3A_1410 = arith.select %lt3A_1409, %sub3A_1408, %select_n3A_1399 : vector<8x1024xi1>, vector<8x1024xf32>
    %jit3A_1411 = arith.constant 126 : i32
    %broadcast_in_dim3A_1412 = vector.broadcast %jit3A_1411 : i32 to vector<8x1024xi32>
    %select_n3A_1413 = arith.select %lt3A_1409, %broadcast_in_dim3A_1412, %select_n3A_1402 : vector<8x1024xi1>, vector<8x1024xi32>
    %slice3A_1414 = vector.extract_strided_slice %dot_general3A_24 {offsets = [1016, 0], sizes = [8, 1024], strides = [1, 1]} : vector<1024x1024xf32> to vector<8x1024xf32>
    %slice3A_1415 = vector.extract_strided_slice %broadcast_in_dim3A {offsets = [1016, 0], sizes = [8, 1], strides = [1, 1]} : vector<1024x1xf32> to vector<8x1xf32>
    %add3A_1416 = vector.broadcast %broadcast_in_dim3A_21 : vector<1x1024xf32> to vector<8x1024xf32>
    %add3A_1417 = vector.broadcast %slice3A_1415 : vector<8x1xf32> to vector<8x1024xf32>
    %add3A_1418 = arith.addf %add3A_1416, %add3A_1417 : vector<8x1024xf32>
    %sub3A_1419 = arith.subf %add3A_1418, %slice3A_1414 : vector<8x1024xf32>
    %lt3A_1420 = arith.cmpf olt, %sub3A_1419, %select_n3A_1410 : vector<8x1024xf32>
    %select_n3A_1421 = arith.select %lt3A_1420, %sub3A_1419, %select_n3A_1410 : vector<8x1024xi1>, vector<8x1024xf32>
    %jit3A_1422 = arith.constant 127 : i32
    %broadcast_in_dim3A_1423 = vector.broadcast %jit3A_1422 : i32 to vector<8x1024xi32>
    %select_n3A_1424 = arith.select %lt3A_1420, %broadcast_in_dim3A_1423, %select_n3A_1413 : vector<8x1024xi1>, vector<8x1024xi32>
    %reduce_min3A = arith.constant dense<0x7F800000> : vector<1024xf32>
    %reduce_min3A_1425 = vector.multi_reduction <minimumf>, %select_n3A_1421, %reduce_min3A [0] : vector<8x1024xf32> to vector<1024xf32>
    %broadcast_in_dim3A_1426 = vector.shape_cast %reduce_min3A_1425 : vector<1024xf32> to vector<1x1024xf32>
    %iota3A = tpu.iota {dimensions = array<i32: 0>} : vector<8x1024xi32>
    %mul3A_1427 = arith.constant 8 : i32
    %mul3A_1428 = vector.broadcast %mul3A_1427 : i32 to vector<8x1024xi32>
    %mul3A_1429 = arith.muli %select_n3A_1424, %mul3A_1428 : vector<8x1024xi32>
    %add3A_1430 = arith.addi %mul3A_1429, %iota3A : vector<8x1024xi32>
    %eq3A_1431 = vector.broadcast %broadcast_in_dim3A_1426 : vector<1x1024xf32> to vector<8x1024xf32>
    %eq3A_1432 = arith.cmpf oeq, %select_n3A_1421, %eq3A_1431 : vector<8x1024xf32>
    %jit3A_1433 = arith.constant 1024 : i32
    %broadcast_in_dim3A_1434 = vector.broadcast %jit3A_1433 : i32 to vector<8x1024xi32>
    %select_n3A_1435 = arith.select %eq3A_1432, %add3A_1430, %broadcast_in_dim3A_1434 : vector<8x1024xi1>, vector<8x1024xi32>
    %reduce_min3A_1436 = arith.constant dense<2147483647> : vector<1024xi32>
    %reduce_min3A_1437 = vector.multi_reduction <minsi>, %select_n3A_1435, %reduce_min3A_1436 [0] : vector<8x1024xi32> to vector<1024xi32>
    %broadcast_in_dim3A_1438 = vector.shape_cast %reduce_min3A_1437 : vector<1024xi32> to vector<1x1024xi32>
    %swap3A = arith.constant 0 : index
    %swap3A_1439 = arith.constant 0 : index
    %swap3A_1440 = arith.constant 0 : index
    %swap3A_1441 = vector.load %arg10[%swap3A, %swap3A_1439, %swap3A_1440] : memref<1x1x1024xi32, #tpu.memory_space<vmem>>, vector<1x1x1024xi32>
    %swap3A_1442 = vector.shape_cast %swap3A_1441 : vector<1x1x1024xi32> to vector<1x1024xi32>
    %swap3A_1443 = vector.shape_cast %broadcast_in_dim3A_1438 : vector<1x1024xi32> to vector<1x1x1024xi32>
    tpu.vector_store %arg10[%swap3A, %swap3A_1439, %swap3A_1440], %swap3A_1443 {strides = array<i32>} : memref<1x1x1024xi32, #tpu.memory_space<vmem>>, vector<1x1x1024xi32>,
    %reduce_sum3A_1444 = arith.constant dense<0.000000e+00> : vector<1xf32>
    %reduce_sum3A_1445 = vector.multi_reduction <add>, %broadcast_in_dim3A_1426, %reduce_sum3A_1444 [1] : vector<1x1024xf32> to vector<1xf32>
    %broadcast_in_dim3A_1446 = vector.shape_cast %reduce_sum3A_1445 : vector<1xf32> to vector<1x1xf32>
    %broadcast_in_dim3A_1447 = vector.shape_cast %broadcast_in_dim3A_1446 : vector<1x1xf32> to vector<1x1x1xf32>
    %swap3A_1448 = arith.constant 0 : index
    %swap3A_1449 = arith.constant 0 : index
    %swap3A_1450 = arith.constant 0 : index
    %swap3A_1451 = vector.load %arg11[%swap3A_1448, %swap3A_1449, %swap3A_1450] : memref<1x1x1xf32, #tpu.memory_space<vmem>>, vector<1x1x1xf32>
    tpu.vector_store %arg11[%swap3A_1448, %swap3A_1449, %swap3A_1450], %broadcast_in_dim3A_1447 {strides = array<i32>} : memref<1x1x1xf32, #tpu.memory_space<vmem>>, vector<1x1x1xf32>,
    return
  }
  func.func @transform_0(%arg0: i32) -> (i32, i32, i32) {
    %c0_i32 = arith.constant 0 : i32
    %c0_i32_0 = arith.constant 0 : i32
    %c0_i32_1 = arith.constant 0 : i32
    return %arg0, %c0_i32, %c0_i32_0 : i32, i32, i32
  }
  func.func @transform_1(%arg0: i32) -> (i32, i32) {
    %c0_i32 = arith.constant 0 : i32
    %c0_i32_0 = arith.constant 0 : i32
    %c0_i32_1 = arith.constant 0 : i32
    return %c0_i32, %c0_i32_0 : i32, i32
  }
  func.func @transform_2(%arg0: i32) -> (i32, i32) {
    %c0_i32 = arith.constant 0 : i32
    %c0_i32_0 = arith.constant 0 : i32
    %c0_i32_1 = arith.constant 0 : i32
    return %c0_i32, %c0_i32_0 : i32, i32
  }
  func.func @transform_3(%arg0: i32) -> (i32, i32) {
    %c0_i32 = arith.constant 0 : i32
    %c0_i32_0 = arith.constant 0 : i32
    %c0_i32_1 = arith.constant 0 : i32
    return %c0_i32, %c0_i32_0 : i32, i32
  }
  func.func @transform_4(%arg0: i32) -> (i32, i32) {
    %c0_i32 = arith.constant 0 : i32
    %c0_i32_0 = arith.constant 0 : i32
    %c0_i32_1 = arith.constant 0 : i32
    return %c0_i32, %c0_i32_0 : i32, i32
  }
  func.func @transform_5(%arg0: i32) -> (i32, i32) {
    %c0_i32 = arith.constant 0 : i32
    %c0_i32_0 = arith.constant 0 : i32
    %c0_i32_1 = arith.constant 0 : i32
    return %c0_i32, %c0_i32_0 : i32, i32
  }
  func.func @transform_6(%arg0: i32) -> (i32, i32) {
    %c0_i32 = arith.constant 0 : i32
    %c0_i32_0 = arith.constant 0 : i32
    %c0_i32_1 = arith.constant 0 : i32
    return %c0_i32, %c0_i32_0 : i32, i32
  }
  func.func @transform_7(%arg0: i32) -> (i32, i32) {
    %c0_i32 = arith.constant 0 : i32
    %c0_i32_0 = arith.constant 0 : i32
    %c0_i32_1 = arith.constant 0 : i32
    return %c0_i32, %c0_i32_0 : i32, i32
  }
  func.func @transform_8(%arg0: i32) -> (i32, i32) {
    %c0_i32 = arith.constant 0 : i32
    %c0_i32_0 = arith.constant 0 : i32
    %c0_i32_1 = arith.constant 0 : i32
    return %c0_i32, %c0_i32_0 : i32, i32
  }
  func.func @transform_9(%arg0: i32) -> (i32, i32, i32) {
    %c0_i32 = arith.constant 0 : i32
    %c0_i32_0 = arith.constant 0 : i32
    %c0_i32_1 = arith.constant 0 : i32
    return %arg0, %c0_i32, %c0_i32_0 : i32, i32, i32
  }
  func.func @transform_10(%arg0: i32) -> (i32, i32, i32) {
    %c0_i32 = arith.constant 0 : i32
    %c0_i32_0 = arith.constant 0 : i32
    %c0_i32_1 = arith.constant 0 : i32
    return %arg0, %c0_i32, %c0_i32_0 : i32, i32, i32
  }
  func.func @transform_11(%arg0: i32) -> (i32, i32) {
    %c0_i32 = arith.constant 0 : i32
    %c0_i32_0 = arith.constant 0 : i32
    %c0_i32_1 = arith.constant 0 : i32
    return %c0_i32, %c0_i32_0 : i32, i32
  }
  func.func @transform_12(%arg0: i32) -> (i32, i32) {
    %c0_i32 = arith.constant 0 : i32
    %c0_i32_0 = arith.constant 0 : i32
    %c0_i32_1 = arith.constant 0 : i32
    return %c0_i32, %c0_i32_0 : i32, i32
  }
}

</mosaic_0001>

<sc_bundles>
// kernel: kernel.6.cloned.1.call-start
scs
__scs_entry_jumppad:
0x0: {  	(pc) =	sbr.rel $0x88, $3  }
0x1: {  	(tag) =	ssettag $0x0;
	lr =	simm.s32 $0x1  }
0x2: {  	[smem:$0x3F95] =	sst lr;
	_ =	strace $0xD0000000  }
0x3: {  	_ = 	snop  }
0x4: {  	_ = 	snop  }
0x5: {  	_ = 	snop  }
0x6: {  	_ = 	snop  }
0x7: {  	_ = 	snop  }
__scs_overlays_trampoline_lowered:
0x8: {  	[smem:$0x3FA4] =	sst s0  }
0x9: {  	[smem:$0x3FA5] =	sst s1  }
0xa: {  	[smem:$0x3FA6] =	sst s2  }
0xb: {  	[smem:$0x3FA7] =	sst s3  }
0xc: {  	[smem:$0x3FA8] =	sst s4  }
0xd: {  	[smem:$0x3FA9] =	sst s5  }
0xe: {  	[smem:$0x3FAA] =	sst s6  }
0xf: {  	[smem:$0x3FAB] =	sst s7  }
0x10: {  	[smem:$0x3FAC] =	sst s8  }
0x11: {  	[smem:$0x3FAD] =	sst s9;
	s0 =	simm.s32 @!p0 $0x0  }
0x12: {  	s1 =	sld [smem:$0x3F93];
	s0 =	simm.s32 @p0 $0x1  }
0x13: {  	[smem:$0x3FAE] =	sst s0;
	s0 =	simm.s32 @!p1 $0x0  }
0x14: {  	s2 =	sld [smem:$0x3F92];
	s0 =	simm.s32 @p1 $0x1  }
0x15: {  	[smem:$0x3FAF] =	sst s0;
	s0 =	simm.s32 @!p2 $0x0  }
0x16: {  	s3 =	sld [smem:$0x3FDB];
	s0 =	simm.s32 @p2 $0x1  }
0x17: {  	s4 =	simm.s32 $0x1BF5;
	[smem:$0x3FB1] =	sst s0  }
0x18: {  	s0 =	sld [smem:$0x3F94];
	_ =	swait.ge [sflag:s4], $0x0  }
0x19: {  	s7 =	sld [smem:$0x3F95]  }
0x1a: {  	s8 =	sadd.s32 $0xFFFFE003, lr  }
0x1b: {  	s9 =	sadd.s32 $0xFFFFFEF7, lr;
	s5 =	simm.s32 $0xFFFFFFFF;
	p2 =	slt.u32 s8, $0xFFFFF086  }
0x1c: {  	p1 =	slt.u32 s9, $0xF7A;
	s5 =	simm.s32 @!p2 $0x0  }
0x1d: {  	s5 =	simm.s32 @p1 $0x1;
	p0 =	seq.s32 s7, s2  }
0x1e: {  	s7 =	smul.u32 @!p0 $0xF7A, s2;
	p2 =	seq.s32 @!p0 s5, $0x0  }
0x1f: {  	s9 =	smul.u32 $0xF7A, s1;
	s8 =	simm.s32 @!p0 $0x1BF5;
	p2 =	por !p2, p0  }
0x20: {  	[sflag:s8] =	ssyncset.s32 @!p0 $0xFFFFF086;
	s6 =	sadd.s32 @!p0 s3, s7;
	s7 =	simm.s32 @!p0 $0x108  }
0x21: {  	s3 =	sadd.s32 s3, s9;
	s6 =	sadd.s32 @!p0 $0x88, s6;
	s7 =	simm.s32 @p2 $0x1082  }
0x22: {  	[simem:s7], [sflag:s8] =	dma.local @!p0 [hbm:s6], $0xF7A  }
0x23: {  	s9 =	sor.u32 $0xD0000000, s2;
	s6 =	simm.s32 $0x108;
	_ =	swait.ge @!p0 [sflag:s8], $0x0  }
0x24: {  	s3 =	sadd.s32 $0x88, s3;
	s6 =	simm.s32 @!p1 $0x1082;
	[sflag:s4] =	ssyncset.s32 $0xFFFFF086  }
0x25: {  	[simem:s6], [sflag:s4] =	dma.local [hbm:s3], $0xF7A  }
0x26: {  	[smem:$0x3F95] =	sst s1;
	(tag) =	ssettag s2;
	_ =	strace s9  }
0x27: {  	s1 =	sld [smem:$0x3FA5]  }
0x28: {  	s2 =	sld [smem:$0x3FA6]  }
0x29: {  	s4 =	sld [smem:$0x3FA8]  }
0x2a: {  	p0 =	seq.s32 s5, $0x0;
	s5 =	sld [smem:$0x3FA9]  }
0x2b: {  	s6 =	sld [smem:$0x3FAA]  }
0x2c: {  	s7 =	sld [smem:$0x3FAB]  }
0x2d: {  	s3 =	simm.s32 $0x108;
	s8 =	sld [smem:$0x3FAC]  }
0x2e: {  	s3 =	simm.s32 @!p0 $0x1082;
	s9 =	sld [smem:$0x3FAD]  }
0x2f: {  	lr =	sadd.s32 s0, s3;
	s0 =	sld [smem:$0x3FA4]  }
0x30: {  	s3 =	sld [smem:$0x3FA7]  }
0x31: {  	[smem:$0x3FB0] =	sst s10  }
0x32: {  	s10 =	sld [smem:$0x3FAE];
	_ =	sdelay $0x3  }
0x33: {  	p0 =	seq.s32 s10, $0x1;
	s10 =	sld [smem:$0x3FB0];
	_ =	sdelay $0x3  }
0x34: {  	[smem:$0x3FB0] =	sst s10  }
0x35: {  	s10 =	sld [smem:$0x3FAF];
	_ =	sdelay $0x3  }
0x36: {  	p1 =	seq.s32 s10, $0x1;
	s10 =	sld [smem:$0x3FB0];
	_ =	sdelay $0x3  }
0x37: {  	[smem:$0x3FB0] =	sst s10  }
0x38: {  	s10 =	sld [smem:$0x3FB1]  }
0x39: {  	_ = 	snop;
	(pc) =	sbr.ind lr, $3  }
0x3a: {  	_ = 	snop  }
0x3b: {  	_ = 	snop  }
0x3c: {  	p2 =	seq.s32 s10, $0x1;
	s10 =	sld [smem:$0x3FB0]  }
0x3d: {  	_ =	shalt  }
0x3e: {  	_ =	shalt  }
0x3f: {  	_ =	shalt  }
0x40: {  	_ =	shalt  }
0x41: {  	_ =	shalt  }
0x42: {  	_ =	shalt  }
0x43: {  	_ =	shalt  }
0x44: {  	_ =	shalt  }
0x45: {  	_ =	shalt  }
0x46: {  	_ =	shalt  }
0x47: {  	_ =	shalt  }
0x48: {  	_ =	shalt  }
0x49: {  	_ =	shalt  }
0x4a: {  	_ =	shalt  }
0x4b: {  	_ =	shalt  }
0x4c: {  	_ =	shalt  }
0x4d: {  	_ =	shalt  }
0x4e: {  	_ =	shalt  }
0x4f: {  	_ =	shalt  }
0x50: {  	_ =	shalt  }
0x51: {  	_ =	shalt  }
0x52: {  	_ =	shalt  }
0x53: {  	_ =	shalt  }
0x54: {  	_ =	shalt  }
0x55: {  	_ =	shalt  }
0x56: {  	_ =	shalt  }
0x57: {  	_ =	shalt  }
0x58: {  	_ =	shalt  }
0x59: {  	_ =	shalt  }
0x5a: {  	_ =	shalt  }
0x5b: {  	_ =	shalt  }
0x5c: {  	_ =	shalt  }
0x5d: {  	_ =	shalt  }
0x5e: {  	_ =	shalt  }
0x5f: {  	_ =	shalt  }
0x60: {  	_ =	shalt  }
0x61: {  	_ =	shalt  }
0x62: {  	_ =	shalt  }
0x63: {  	_ =	shalt  }
0x64: {  	_ =	shalt  }
0x65: {  	_ =	shalt  }
0x66: {  	_ =	shalt  }
0x67: {  	_ =	shalt  }
0x68: {  	_ =	shalt  }
0x69: {  	_ =	shalt  }
0x6a: {  	_ =	shalt  }
0x6b: {  	_ =	shalt  }
0x6c: {  	_ =	shalt  }
0x6d: {  	_ =	shalt  }
0x6e: {  	_ =	shalt  }
0x6f: {  	_ =	shalt  }
0x70: {  	_ =	shalt  }
0x71: {  	_ =	shalt  }
0x72: {  	_ =	shalt  }
0x73: {  	_ =	shalt  }
0x74: {  	_ =	shalt  }
0x75: {  	_ =	shalt  }
0x76: {  	_ =	shalt  }
0x77: {  	_ =	shalt  }
0x78: {  	_ =	shalt  }
0x79: {  	_ =	shalt  }
0x7a: {  	_ =	shalt  }
0x7b: {  	_ =	shalt  }
0x7c: {  	_ =	shalt  }
0x7d: {  	_ =	shalt  }
0x7e: {  	_ =	shalt  }
0x7f: {  	_ =	shalt  }
0x80: {  	_ =	shalt  }
0x81: {  	_ =	shalt  }
0x82: {  	_ =	shalt  }
0x83: {  	_ =	shalt  }
0x84: {  	_ =	shalt  }
0x85: {  	_ =	shalt  }
0x86: {  	_ =	shalt  }
0x87: {  	_ =	shalt  }
.Lfunc_end0:
.L_simem_size_0:
called_computation_lowered:
.L_overlay_start_0:
0x88: {  	s2 =	sld [smem:$0x3FD9]  }
0x89: {  	s3 =	sld [smem:$0x3FFE];
	_ =	sdelay $0x1  }
0x8a: {  	s1 =	srdreg.scid  }
0x8b: {  	s0 =	sand.u32 $0x1, s1  }
0x8c: {  	s14 =	sshll.u32 s0, $0xA;
	s2 =	sadd.s32 s3, s2  }
0x8d: {  	s2 =	sadd.s32 s2, s14  }
0x8e: {  	[smem:$0x3FBC] =	sst s2  }
0x8f: {  	_ = 	snop  }
0x90: {  	s2 =	sld [smem:$0x3FD0];
	_ =	sdelay $0x2  }
0x91: {  	s15 =	simm.s32 $0xB;
	s4 =	simm.s32 $0x10  }
0x92: {  	[smem:s4], [sflag:s15] =	dma.local [hbm:s2], $0x1  }
0x93: {  	_ =	swait.eq [sflag:s15], $0x1  }
0x94: {  	[sflag:s15] =	ssyncset.done $0x0  }
0x95: {  	[sflag:s15] =	ssyncadd.s32 $0xFFFFFFFF  }
0x96: {  	s16 =	sld [smem:$0x10];
	(tm) =	ssettm $0x1  }
0x97: {  	s17 =	sld [smem:$0x3FFB];
	_ =	sdelay $0x3  }
0x98: {  	_ =	strace s17  }
0x99: {  	s3 =	sld [smem:$0x3FFC];
	_ =	sdelay $0x3  }
0x9a: {  	_ =	strace s3  }
0x9b: {  	s3 =	sld [smem:$0x3FFD];
	_ =	sdelay $0x3  }
0x9c: {  	_ =	strace s3  }
0x9d: {  	_ =	strace $0x8FFFFFFF  }
0x9e: {  	s18 =	sld [smem:$0x3FDB];
	_ =	sdelay $0x1  }
0x9f: {  	s19 =	simm.s32 $_scs_section_size  }
0xa0: {  	s5 =	simm.s32 $_size__tile_overlayer_lowered;
	s6 =	simm.s32 $_tile_overlayer_lowered  }
0xa1: {  	s22 =	simm.s32 $0x1BFF;
	s21 =	sshll.u32 s6, $0x1;
	s3 =	sadd.s32 s19, s18  }
0xa2: {  	s7 =	simm.s32 $0x0;
	s20 =	sshll.u32 s5, $0x1;
	s5 =	sadd.s32 s21, s3  }
0xa3: {  	[timem:s7], [sflag:s22] =	dma.local [hbm:s5], s20  }
0xa4: {  	_ =	swait.ge [sflag:s22], s20  }
0xa5: {  	s4 =	ssub.s32 $0x0, s20;
	[sflag:s22] =	ssyncset.done $0x0  }
0xa6: {  	[sflag:s22] =	ssyncadd.s32 s4;
	_ =	sdelay $0x1  }
0xa7: {  	s23 =	simm.s32 $0x1B8B  }
0xa8: {  	_ =	swait.ge [sflag:s23], $0x1  }
0xa9: {  	[sflag:s23] =	ssyncset.done $0x0  }
0xaa: {  	s25 =	simm.s32 $0x1B8E;
	s24 =	sld [smem:$0x3FFE];
	[sflag:s23] =	ssyncadd.s32 $0xFFFFFFFF  }
0xab: {  	s26 =	simm.s32 $execute0_lowered;
	[smem:$0x3FD2] =	sst s25  }
0xac: {  	s5 =	sshll.u32 s26, $0x1;
	_ =	strace $0x80000046;
	[dreg:$0x1] =	wrdreg $0xFFFFFFFF  }
0xad: {  	s28 =	simm.s32 $_size_execute0_lowered;
	s3 =	sadd.s32 s3, s5;
	[dreg:$0x0] =	wrdreg $0x0  }
0xae: {  	s5 =	sshll.u32 s28, $0x1;
	[dreg:$0x2] =	wrdreg s3  }
0xaf: {  	[dreg:$0x3] =	wrdreg s5  }
0xb0: {  	[dreg:$0x4] =	wrdreg $0xC0  }
0xb1: {  	_ =	task [dreg:s7], $0x5FFFF  }
0xb2: {  	[dreg:$0x1] =	wrdreg $0xFFFFFFFF  }
0xb3: {  	[dreg:$0x0] =	wrdreg $0x60  }
0xb4: {  	[dreg:$0x2] =	wrdreg s24  }
0xb5: {  	[dreg:$0x3] =	wrdreg s16  }
0xb6: {  	[dreg:$0x4] =	wrdreg $0x9  }
0xb7: {  	_ =	task.clear_ibuf [dreg:s7], $0x5FFFF;
	_ =	strace $0x90000046  }
0xb8: {  	s29 =	simm.s32 $0x9;
	_ =	strace $0x80000048  }
0xb9: {  	_ =	swait.ge [sflag:s29], $0x1  }
0xba: {  	[sflag:s29] =	ssyncadd.s32 $0xFFFFFFFF  }
0xbb: {  	_ =	strace $0x90000048  }
0xbc: {  	_ =	sfence  }
0xbd: {  	s30 =	sld [smem:$0x0];
	_ =	sdelay $0x2  }
0xbe: {  	s31 =	sshll.u32 s1, $0xD;
	s1 =	sshrl.u32 s1, $0x2  }
0xbf: {  	s3 =	sand.u32 $0x4000, s31;
	s1 =	sadd.s32 s1, s30  }
0xc0: {  	s0 =	sor.u32 s3, s0;
	s1 =	sshll.u32 s1, $0x11  }
0xc1: {  	s0 =	sor.u32 s1, s0  }
0xc2: {  	s0 =	sadd.s32 $0x8F2B, s0  }
0xc3: {  	[sflag:s0] =	ssyncadd.remote.s32 $0x1  }
0xc4: {  	_ =	sfence.sel $0xFFFF  }
0xc5: {  	[dreg:$0x0] =	wrdreg $0xFFFFFFFF;
	(pc) =	sbr.abs _section_cstart, $3  }
0xc6: {  	[dreg:$0x1] =	wrdreg $0xFFFFFFFF  }
0xc7: {  	_ =	task.clear_ibuf [dreg:s7], $0x2FFFF;
	_ =	strace $0x9FFFFFFF  }
0xc8: {  	(tm) =	ssettm $0x7FFFFFFF  }
0xc9: {  	_ =	shalt  }
tec
execute0_lowered:
.L_overlay_start_1:
0x0: {  	(tag) =	ssettag $0x1  }
0x1: {  	s1 =	srdreg.scid;
	s3 =	rddreg [dreg:$0x0]  }
0x2: {  	s0 =	stileid.u32;
	s4 =	rddreg [dreg:$0x1];
	s19 =	simm.s32 $0x900  }
0x3: {  	s20 =	simm.s32 $0x1100;
	s21 =	simm.s32 $0x1900;
	s23 =	simm.s32 $0x2100  }
0x4: {  	s24 =	simm.s32 $0x2900;
	s25 =	simm.s32 $0x3100;
	s26 =	simm.s32 $0x3900  }
0x5: {  	s8 =	simm.s32 $0x4900;
	s9 =	simm.s32 $0x5100;
	s10 =	simm.s32 $0x5900  }
0x6: {  	s11 =	simm.s32 $0x6100;
	s12 =	simm.s32 $0x6900;
	s13 =	simm.s32 $0x7100  }
0x7: {  	s14 =	simm.s32 $0x7900;
	s15 =	simm.s32 $0x8100;
	s16 =	simm.s32 $0x8900  }
0x8: {  	s17 =	simm.s32 $0x9100;
	s1 =	sand.u32 $0x1, s1;
	s2 =	sshll.u32 s0, $0x1  }
0x9: {  	s18 =	simm.s32 $0x9900;
	s5 =	sor.u32 s1, s2;
	s2 =	simm.s32 $0x0  }
0xa: {  	s28 =	simm.s32 $0xE100;
	s29 =	simm.s32 $0xE900;
	[smem:$0x7FF] =	sst s2  }
0xb: {  	s30 =	simm.s32 $0xF100;
	_ =	strace $0x80000047;
	[dreg:$0x5] =	wrdreg s19  }
0xc: {  	s31 =	simm.s32 $0xF900;
	s1 =	ssub.s32 $0x2, s1;
	[dreg:$0x6] =	wrdreg s20  }
0xd: {  	s6 =	sshll.u32 s5, $0x5;
	s5 =	sshll.u32 s5, $0xD;
	[dreg:$0x7] =	wrdreg s21  }
0xe: {  	s22 =	sshrl.u32 s1, $0x1;
	s6 =	sadd.s32 s6, s3;
	[dreg:$0x8] =	wrdreg s23  }
0xf: {  	s4 =	sadd.s32 s4, s5;
	s3 =	sadd.s32 $0x1800, s3;
	[dreg:$0x9] =	wrdreg s24  }
0x10: {  	s1 =	ssub.s32 s1, s22;
	s5 =	simm.s32 $0x2;
	[dreg:$0xa] =	wrdreg s25  }
0x11: {  	[dreg:$0xb] =	wrdreg s26;
	s19 =	simm.s32 $0xA100;
	s20 =	simm.s32 $0xA900  }
0x12: {  	s21 =	simm.s32 $0xB100;
	s22 =	simm.s32 $0xB900;
	s23 =	simm.s32 $0xC100  }
0x13: {  	v2 =	vlaneseq.u32;
	s24 =	simm.s32 $0xC900;
	s25 =	simm.s32 $0xD100;
	s26 =	simm.s32 $0xD900  }
0x14: {  	vm0 =	vmmov $0xffff;
	v1 =	vshrl.u32 v2, $0x3;
	s6 =	sadd.s32 $0x9800, s6;
	[dreg:$0x4] =	wrdreg s4;
	s4 =	smax.u32 s1, $0x1  }
0x15: {  	v0 =	vand.u32 $0x7, v2;
	v2 =	vor.u32 $0x8, v2;
	v1 =	vmul.u32 $0x8, v1;
	s1 =	simm.s32 $0x1;
	[dreg:$0x3] =	wrdreg s6;
	s6 =	simm.s32 $0x100  }
.LBB2_1:
0x16: {  	s0 =	rddreg [dreg:$0x3]  }
0x17: {  	[tilespmem:s2], [sflag:$0x2] =	stream.linear.gather [hbm4b:s0+s2], $0x100, $0x38;
	[tilespmem:$0x10100] =	vst v63  }
0x18: {  	_ =	swait.ge [sflag:s5], $0x100  }
0x19: {  	[sflag:s5] =	ssyncset.done $0x0  }
0x1a: {  	[sflag:s5] =	ssyncadd.s32 $0xFFFFFF00  }
0x1b: {  	v3 =	vld [tilespmem:$0x0];
	_ =	sdelay $0x4  }
0x1c: {  	v4 =	vshll.u32 v3, $0x1  }
0x1d: {  	v3 =	vand.u32 $0x7, v3;
	v4 =	vand.u32 $0xFFFFFFF0, v4  }
0x1e: {  	v3 =	vor.u32 v3, v4  }
0x1f: {  	v4 =	vperm.xlane v3, v0;
	_ =	sdelay $0x1  }
0x20: {  	v3 =	vperm.xlane v3, v2;
	v4 =	vadd.s32 v1, v4;
	_ =	sdelay $0x1  }
0x21: {  	v3 =	vadd.s32 v1, v3;
	_ =	sdelay $0x2  }
0x22: {  	[tilespmem:s6], [sflag:$0x1] =	stream.indirect_vreg.gather [hbm4b:s3+s2], $0x80, v4, vm0, $0xb8;
	[tilespmem:$0x10100] =	vst v63  }
0x23: {  	s7 =	rddreg [dreg:$0x5]  }
0x24: {  	[tilespmem:s7], [sflag:$0x1] =	stream.indirect_vreg.gather [hbm4b:s3+s2], $0x80, v3, vm0, $0xb8;
	[tilespmem:$0x10100] =	vst v63  }
0x25: {  	v3 =	vld [tilespmem:$0x10];
	_ =	sdelay $0x4  }
0x26: {  	v49 =	vshll.u32 v3, $0x1  }
0x27: {  	v3 =	vand.u32 $0x7, v3;
	v4 =	vand.u32 $0xFFFFFFF0, v49  }
0x28: {  	v3 =	vor.u32 v3, v4  }
0x29: {  	v4 =	vperm.xlane v3, v0;
	_ =	sdelay $0x1  }
0x2a: {  	v3 =	vperm.xlane v3, v2;
	v4 =	vadd.s32 v1, v4;
	_ =	sdelay $0x1  }
0x2b: {  	v3 =	vadd.s32 v1, v3;
	_ =	sdelay $0x1  }
0x2c: {  	s0 =	rddreg [dreg:$0x6]  }
0x2d: {  	[tilespmem:s0], [sflag:$0x1] =	stream.indirect_vreg.gather [hbm4b:s3+s2], $0x80, v4, vm0, $0xb8;
	[tilespmem:$0x10100] =	vst v63  }
0x2e: {  	s7 =	rddreg [dreg:$0x7]  }
0x2f: {  	[tilespmem:s7], [sflag:$0x1] =	stream.indirect_vreg.gather [hbm4b:s3+s2], $0x80, v3, vm0, $0xb8;
	[tilespmem:$0x10100] =	vst v63  }
0x30: {  	v3 =	vld [tilespmem:$0x20];
	_ =	sdelay $0x4  }
0x31: {  	v50 =	vshll.u32 v3, $0x1  }
0x32: {  	v3 =	vand.u32 $0x7, v3;
	v4 =	vand.u32 $0xFFFFFFF0, v50  }
0x33: {  	v3 =	vor.u32 v3, v4  }
0x34: {  	v4 =	vperm.xlane v3, v0;
	_ =	sdelay $0x1  }
0x35: {  	v3 =	vperm.xlane v3, v2;
	v4 =	vadd.s32 v1, v4;
	_ =	sdelay $0x1  }
0x36: {  	v3 =	vadd.s32 v1, v3;
	_ =	sdelay $0x1  }
0x37: {  	s0 =	rddreg [dreg:$0x8]  }
0x38: {  	[tilespmem:s0], [sflag:$0x1] =	stream.indirect_vreg.gather [hbm4b:s3+s2], $0x80, v4, vm0, $0xb8;
	[tilespmem:$0x10100] =	vst v63  }
0x39: {  	s7 =	rddreg [dreg:$0x9]  }
0x3a: {  	[tilespmem:s7], [sflag:$0x1] =	stream.indirect_vreg.gather [hbm4b:s3+s2], $0x80, v3, vm0, $0xb8;
	[tilespmem:$0x10100] =	vst v63  }
0x3b: {  	v3 =	vld [tilespmem:$0x30];
	_ =	sdelay $0x4  }
0x3c: {  	v51 =	vshll.u32 v3, $0x1  }
0x3d: {  	v3 =	vand.u32 $0x7, v3;
	v4 =	vand.u32 $0xFFFFFFF0, v51  }
0x3e: {  	v3 =	vor.u32 v3, v4  }
0x3f: {  	v4 =	vperm.xlane v3, v0;
	_ =	sdelay $0x1  }
0x40: {  	v3 =	vperm.xlane v3, v2;
	v4 =	vadd.s32 v1, v4;
	_ =	sdelay $0x1  }
0x41: {  	v3 =	vadd.s32 v1, v3;
	_ =	sdelay $0x1  }
0x42: {  	s0 =	rddreg [dreg:$0xa]  }
0x43: {  	[tilespmem:s0], [sflag:$0x1] =	stream.indirect_vreg.gather [hbm4b:s3+s2], $0x80, v4, vm0, $0xb8;
	[tilespmem:$0x10100] =	vst v63  }
0x44: {  	s7 =	rddreg [dreg:$0xb]  }
0x45: {  	[tilespmem:s7], [sflag:$0x1] =	stream.indirect_vreg.gather [hbm4b:s3+s2], $0x80, v3, vm0, $0xb8;
	[tilespmem:$0x10100] =	vst v63  }
0x46: {  	v3 =	vld [tilespmem:$0x40];
	_ =	sdelay $0x4  }
0x47: {  	v52 =	vshll.u32 v3, $0x1  }
0x48: {  	v3 =	vand.u32 $0x7, v3;
	v4 =	vand.u32 $0xFFFFFFF0, v52  }
0x49: {  	v3 =	vor.u32 v3, v4  }
0x4a: {  	v4 =	vperm.xlane v3, v0;
	_ =	sdelay $0x1  }
0x4b: {  	v3 =	vperm.xlane v3, v2;
	v4 =	vadd.s32 v1, v4;
	_ =	sdelay $0x1  }
0x4c: {  	v3 =	vadd.s32 v1, v3;
	_ =	sdelay $0x1  }
0x4d: {  	s7 =	simm.s32 $0x4100  }
0x4e: {  	[tilespmem:s7], [sflag:$0x1] =	stream.indirect_vreg.gather [hbm4b:s3+s2], $0x80, v4, vm0, $0xb8;
	[tilespmem:$0x10100] =	vst v63  }
0x4f: {  	_ = 	snop  }
0x50: {  	[tilespmem:s8], [sflag:$0x1] =	stream.indirect_vreg.gather [hbm4b:s3+s2], $0x80, v3, vm0, $0xb8;
	[tilespmem:$0x10100] =	vst v63  }
0x51: {  	v3 =	vld [tilespmem:$0x50];
	_ =	sdelay $0x4  }
0x52: {  	v53 =	vshll.u32 v3, $0x1  }
0x53: {  	v3 =	vand.u32 $0x7, v3;
	v4 =	vand.u32 $0xFFFFFFF0, v53  }
0x54: {  	v3 =	vor.u32 v3, v4  }
0x55: {  	v4 =	vperm.xlane v3, v0;
	_ =	sdelay $0x1  }
0x56: {  	v3 =	vperm.xlane v3, v2;
	v4 =	vadd.s32 v1, v4;
	_ =	sdelay $0x1  }
0x57: {  	v3 =	vadd.s32 v1, v3;
	_ =	sdelay $0x2  }
0x58: {  	[tilespmem:s9], [sflag:$0x1] =	stream.indirect_vreg.gather [hbm4b:s3+s2], $0x80, v4, vm0, $0xb8;
	[tilespmem:$0x10100] =	vst v63  }
0x59: {  	_ = 	snop  }
0x5a: {  	[tilespmem:s10], [sflag:$0x1] =	stream.indirect_vreg.gather [hbm4b:s3+s2], $0x80, v3, vm0, $0xb8;
	[tilespmem:$0x10100] =	vst v63  }
0x5b: {  	v3 =	vld [tilespmem:$0x60];
	_ =	sdelay $0x4  }
0x5c: {  	v54 =	vshll.u32 v3, $0x1  }
0x5d: {  	v3 =	vand.u32 $0x7, v3;
	v4 =	vand.u32 $0xFFFFFFF0, v54  }
0x5e: {  	v3 =	vor.u32 v3, v4  }
0x5f: {  	v4 =	vperm.xlane v3, v0;
	_ =	sdelay $0x1  }
0x60: {  	v3 =	vperm.xlane v3, v2;
	v4 =	vadd.s32 v1, v4;
	_ =	sdelay $0x1  }
0x61: {  	v3 =	vadd.s32 v1, v3;
	_ =	sdelay $0x2  }
0x62: {  	[tilespmem:s11], [sflag:$0x1] =	stream.indirect_vreg.gather [hbm4b:s3+s2], $0x80, v4, vm0, $0xb8;
	[tilespmem:$0x10100] =	vst v63  }
0x63: {  	_ = 	snop  }
0x64: {  	[tilespmem:s12], [sflag:$0x1] =	stream.indirect_vreg.gather [hbm4b:s3+s2], $0x80, v3, vm0, $0xb8;
	[tilespmem:$0x10100] =	vst v63  }
0x65: {  	v3 =	vld [tilespmem:$0x70];
	_ =	sdelay $0x4  }
0x66: {  	v55 =	vshll.u32 v3, $0x1  }
0x67: {  	v3 =	vand.u32 $0x7, v3;
	v4 =	vand.u32 $0xFFFFFFF0, v55  }
0x68: {  	v3 =	vor.u32 v3, v4  }
0x69: {  	v4 =	vperm.xlane v3, v0;
	_ =	sdelay $0x1  }
0x6a: {  	v3 =	vperm.xlane v3, v2;
	v4 =	vadd.s32 v1, v4;
	_ =	sdelay $0x1  }
0x6b: {  	v3 =	vadd.s32 v1, v3;
	_ =	sdelay $0x2  }
0x6c: {  	[tilespmem:s13], [sflag:$0x1] =	stream.indirect_vreg.gather [hbm4b:s3+s2], $0x80, v4, vm0, $0xb8;
	[tilespmem:$0x10100] =	vst v63  }
0x6d: {  	_ = 	snop  }
0x6e: {  	[tilespmem:s14], [sflag:$0x1] =	stream.indirect_vreg.gather [hbm4b:s3+s2], $0x80, v3, vm0, $0xb8;
	[tilespmem:$0x10100] =	vst v63  }
0x6f: {  	v3 =	vld [tilespmem:$0x80];
	_ =	sdelay $0x4  }
0x70: {  	v56 =	vshll.u32 v3, $0x1  }
0x71: {  	v3 =	vand.u32 $0x7, v3;
	v4 =	vand.u32 $0xFFFFFFF0, v56  }
0x72: {  	v3 =	vor.u32 v3, v4  }
0x73: {  	v4 =	vperm.xlane v3, v0;
	_ =	sdelay $0x1  }
0x74: {  	v3 =	vperm.xlane v3, v2;
	v4 =	vadd.s32 v1, v4;
	_ =	sdelay $0x1  }
0x75: {  	v3 =	vadd.s32 v1, v3;
	_ =	sdelay $0x2  }
0x76: {  	[tilespmem:s15], [sflag:$0x1] =	stream.indirect_vreg.gather [hbm4b:s3+s2], $0x80, v4, vm0, $0xb8;
	[tilespmem:$0x10100] =	vst v63  }
0x77: {  	_ = 	snop  }
0x78: {  	[tilespmem:s16], [sflag:$0x1] =	stream.indirect_vreg.gather [hbm4b:s3+s2], $0x80, v3, vm0, $0xb8;
	[tilespmem:$0x10100] =	vst v63  }
0x79: {  	v3 =	vld [tilespmem:$0x90];
	_ =	sdelay $0x4  }
0x7a: {  	v57 =	vshll.u32 v3, $0x1  }
0x7b: {  	v3 =	vand.u32 $0x7, v3;
	v4 =	vand.u32 $0xFFFFFFF0, v57  }
0x7c: {  	v3 =	vor.u32 v3, v4  }
0x7d: {  	v4 =	vperm.xlane v3, v0;
	_ =	sdelay $0x1  }
0x7e: {  	v3 =	vperm.xlane v3, v2;
	v4 =	vadd.s32 v1, v4;
	_ =	sdelay $0x1  }
0x7f: {  	v3 =	vadd.s32 v1, v3;
	_ =	sdelay $0x2  }
0x80: {  	[tilespmem:s17], [sflag:$0x1] =	stream.indirect_vreg.gather [hbm4b:s3+s2], $0x80, v4, vm0, $0xb8;
	[tilespmem:$0x10100] =	vst v63  }
0x81: {  	_ = 	snop  }
0x82: {  	[tilespmem:s18], [sflag:$0x1] =	stream.indirect_vreg.gather [hbm4b:s3+s2], $0x80, v3, vm0, $0xb8;
	[tilespmem:$0x10100] =	vst v63  }
0x83: {  	v3 =	vld [tilespmem:$0xA0];
	_ =	sdelay $0x4  }
0x84: {  	v58 =	vshll.u32 v3, $0x1  }
0x85: {  	v3 =	vand.u32 $0x7, v3;
	v4 =	vand.u32 $0xFFFFFFF0, v58  }
0x86: {  	v3 =	vor.u32 v3, v4  }
0x87: {  	v4 =	vperm.xlane v3, v0;
	_ =	sdelay $0x1  }
0x88: {  	v3 =	vperm.xlane v3, v2;
	v4 =	vadd.s32 v1, v4;
	_ =	sdelay $0x1  }
0x89: {  	v3 =	vadd.s32 v1, v3;
	_ =	sdelay $0x2  }
0x8a: {  	[tilespmem:s19], [sflag:$0x1] =	stream.indirect_vreg.gather [hbm4b:s3+s2], $0x80, v4, vm0, $0xb8;
	[tilespmem:$0x10100] =	vst v63  }
0x8b: {  	_ = 	snop  }
0x8c: {  	[tilespmem:s20], [sflag:$0x1] =	stream.indirect_vreg.gather [hbm4b:s3+s2], $0x80, v3, vm0, $0xb8;
	[tilespmem:$0x10100] =	vst v63  }
0x8d: {  	v3 =	vld [tilespmem:$0xB0];
	_ =	sdelay $0x4  }
0x8e: {  	v59 =	vshll.u32 v3, $0x1  }
0x8f: {  	v3 =	vand.u32 $0x7, v3;
	v4 =	vand.u32 $0xFFFFFFF0, v59  }
0x90: {  	v3 =	vor.u32 v3, v4  }
0x91: {  	v4 =	vperm.xlane v3, v0;
	_ =	sdelay $0x1  }
0x92: {  	v3 =	vperm.xlane v3, v2;
	v4 =	vadd.s32 v1, v4;
	_ =	sdelay $0x1  }
0x93: {  	v3 =	vadd.s32 v1, v3;
	_ =	sdelay $0x2  }
0x94: {  	[tilespmem:s21], [sflag:$0x1] =	stream.indirect_vreg.gather [hbm4b:s3+s2], $0x80, v4, vm0, $0xb8;
	[tilespmem:$0x10100] =	vst v63  }
0x95: {  	_ = 	snop  }
0x96: {  	[tilespmem:s22], [sflag:$0x1] =	stream.indirect_vreg.gather [hbm4b:s3+s2], $0x80, v3, vm0, $0xb8;
	[tilespmem:$0x10100] =	vst v63  }
0x97: {  	v3 =	vld [tilespmem:$0xC0];
	_ =	sdelay $0x4  }
0x98: {  	v60 =	vshll.u32 v3, $0x1  }
0x99: {  	v3 =	vand.u32 $0x7, v3;
	v4 =	vand.u32 $0xFFFFFFF0, v60  }
0x9a: {  	v3 =	vor.u32 v3, v4  }
0x9b: {  	v4 =	vperm.xlane v3, v0;
	_ =	sdelay $0x1  }
0x9c: {  	v3 =	vperm.xlane v3, v2;
	v4 =	vadd.s32 v1, v4;
	_ =	sdelay $0x1  }
0x9d: {  	v3 =	vadd.s32 v1, v3;
	_ =	sdelay $0x2  }
0x9e: {  	[tilespmem:s23], [sflag:$0x1] =	stream.indirect_vreg.gather [hbm4b:s3+s2], $0x80, v4, vm0, $0xb8;
	[tilespmem:$0x10100] =	vst v63  }
0x9f: {  	_ = 	snop  }
0xa0: {  	[tilespmem:s24], [sflag:$0x1] =	stream.indirect_vreg.gather [hbm4b:s3+s2], $0x80, v3, vm0, $0xb8;
	[tilespmem:$0x10100] =	vst v63  }
0xa1: {  	v3 =	vld [tilespmem:$0xD0];
	_ =	sdelay $0x4  }
0xa2: {  	v61 =	vshll.u32 v3, $0x1  }
0xa3: {  	v3 =	vand.u32 $0x7, v3;
	v4 =	vand.u32 $0xFFFFFFF0, v61  }
0xa4: {  	v3 =	vor.u32 v3, v4  }
0xa5: {  	v4 =	vperm.xlane v3, v0;
	_ =	sdelay $0x1  }
0xa6: {  	v3 =	vperm.xlane v3, v2;
	v4 =	vadd.s32 v1, v4;
	_ =	sdelay $0x1  }
0xa7: {  	v3 =	vadd.s32 v1, v3;
	_ =	sdelay $0x2  }
0xa8: {  	[tilespmem:s25], [sflag:$0x1] =	stream.indirect_vreg.gather [hbm4b:s3+s2], $0x80, v4, vm0, $0xb8;
	[tilespmem:$0x10100] =	vst v63  }
0xa9: {  	_ = 	snop  }
0xaa: {  	[tilespmem:s26], [sflag:$0x1] =	stream.indirect_vreg.gather [hbm4b:s3+s2], $0x80, v3, vm0, $0xb8;
	[tilespmem:$0x10100] =	vst v63  }
0xab: {  	v3 =	vld [tilespmem:$0xE0];
	_ =	sdelay $0x4  }
0xac: {  	v62 =	vshll.u32 v3, $0x1  }
0xad: {  	v3 =	vand.u32 $0x7, v3;
	v4 =	vand.u32 $0xFFFFFFF0, v62  }
0xae: {  	v3 =	vor.u32 v3, v4  }
0xaf: {  	v4 =	vperm.xlane v3, v0;
	_ =	sdelay $0x1  }
0xb0: {  	v3 =	vperm.xlane v3, v2;
	v4 =	vadd.s32 v1, v4;
	_ =	sdelay $0x1  }
0xb1: {  	v3 =	vadd.s32 v1, v3;
	_ =	sdelay $0x2  }
0xb2: {  	[tilespmem:s28], [sflag:$0x1] =	stream.indirect_vreg.gather [hbm4b:s3+s2], $0x80, v4, vm0, $0xb8;
	[tilespmem:$0x10100] =	vst v63  }
0xb3: {  	_ = 	snop  }
0xb4: {  	[tilespmem:s29], [sflag:$0x1] =	stream.indirect_vreg.gather [hbm4b:s3+s2], $0x80, v3, vm0, $0xb8;
	[tilespmem:$0x10100] =	vst v63  }
0xb5: {  	v3 =	vld [tilespmem:$0xF0];
	_ =	sdelay $0x4  }
0xb6: {  	v63 =	vshll.u32 v3, $0x1  }
0xb7: {  	v3 =	vand.u32 $0x7, v3;
	v4 =	vand.u32 $0xFFFFFFF0, v63  }
0xb8: {  	v3 =	vor.u32 v3, v4  }
0xb9: {  	v4 =	vperm.xlane v3, v0;
	_ =	sdelay $0x1  }
0xba: {  	v3 =	vperm.xlane v3, v2;
	v4 =	vadd.s32 v1, v4;
	_ =	sdelay $0x1  }
0xbb: {  	v3 =	vadd.s32 v1, v3;
	_ =	sdelay $0x2  }
0xbc: {  	[tilespmem:s30], [sflag:$0x1] =	stream.indirect_vreg.gather [hbm4b:s3+s2], $0x80, v4, vm0, $0xb8;
	[tilespmem:$0x10100] =	vst v63  }
0xbd: {  	_ = 	snop  }
0xbe: {  	[tilespmem:s31], [sflag:$0x1] =	stream.indirect_vreg.gather [hbm4b:s3+s2], $0x80, v3, vm0, $0xb8;
	[tilespmem:$0x10100] =	vst v63  }
0xbf: {  	_ =	swait.ge [sflag:s1], $0x8000  }
0xc0: {  	[sflag:s1] =	ssyncset.done $0x0  }
0xc1: {  	[sflag:s1] =	ssyncadd.s32 $0xFFFF8000  }
0xc2: {  	_ =	swait.ge [sflag:s1], $0x8000  }
0xc3: {  	p0 =	sne.s32 s4, $0x1;
	[sflag:s1] =	ssyncset.done $0x0  }
.Ltmp0:
0xc4: {  	s7 =	rddreg [dreg:$0x4];
	[sflag:s1] =	ssyncadd.s32 $0xFFFF8000;
	(pc) =	sbr.rel @p0 .LBB2_1-.Ltmp0, $4  }
0xc5: {  	[hbm4b:s7+s2] =	stream.linear.scatter [tilespmem:s6], [sflag:$0x2], $0x10000, $0x38;
	[tilespmem:$0x10100] =	vst v63  }
0xc6: {  	_ =	swait.ge [sflag:s5], $0x10000  }
0xc7: {  	[sflag:s5] =	ssyncset.done $0x0  }
0xc8: {  	s4 =	sadd.s32 $0xFFFFFFFF, s4;
	[sflag:s5] =	ssyncadd.s32 $0xFFFF0000  }
0xc9: {  	_ =	sfence.sel $0x180000  }
0xca: {  	[bflag:$0x0] =	sbarrier.arrive $0xFFFF  }
0xcb: {  	_ =	strace $0x90000047  }
0xcc: {  	s0 =	stileid.u32;
	[bflag:$0x2] =	sbarrier.arrive $0xFFFF  }
0xcd: {  	p0 =	sne.s32 s0, $0x0;
	s0 =	rddreg [dreg:$0x2]  }
0xce: {  	s0 =	sadd.s32 @!p0 $0x100000, s0  }
0xcf: {  	[sflag:s0] =	ssyncadd.tile.s32 @!p0 $0x1;
	_ =	shalt  }
.Lfunc_end2:
_tile_overlayer_lowered:
.L_overlay_start_2:
0xd0: {  	(tag) =	ssettag $0x2  }
0xd1: {  	s0 =	rddreg [dreg:$0x0];
	s2 =	stileid.u32  }
0xd2: {  	s1 =	rddreg [dreg:$0x1];
	p0 =	sne.s32 s2, $0x0  }
0xd3: {  	s3 =	rddreg [dreg:$0x2];
	[bflag:$0x3] =	sbarrier.arrive $0xFFFF;
	s2 =	simm.s32 @!p0 $0x1C02  }
0xd4: {  	[timem:s3], [sflag:s2] =	dma.local @!p0 [hbm:s0], s1  }
0xd5: {  	s0 =	simm.s32 @!p0 $0x2  }
0xd6: {  	_ =	swait.ge @!p0 [sflag:s0], s1  }
0xd7: {  	s1 =	ssub.s32 @!p0 $0x0, s1;
	[sflag:s0] =	ssyncset.done @!p0 $0x0  }
0xd8: {  	[sflag:s0] =	ssyncadd.s32 @!p0 s1  }
0xd9: {  	[bflag:$0x3] =	sbarrier.arrive $0xFFFF  }
0xda: {  	_ =	shalt  }

// kernel: kernel.9.cloned.1.call-start
scs
__scs_entry_jumppad:
0x0: {  	(pc) =	sbr.rel $0x88, $3  }
0x1: {  	(tag) =	ssettag $0x0;
	lr =	simm.s32 $0x1  }
0x2: {  	[smem:$0x3F95] =	sst lr;
	_ =	strace $0xD0000000  }
0x3: {  	_ = 	snop  }
0x4: {  	_ = 	snop  }
0x5: {  	_ = 	snop  }
0x6: {  	_ = 	snop  }
0x7: {  	_ = 	snop  }
__scs_overlays_trampoline_lowered:
0x8: {  	[smem:$0x3FA4] =	sst s0  }
0x9: {  	[smem:$0x3FA5] =	sst s1  }
0xa: {  	[smem:$0x3FA6] =	sst s2  }
0xb: {  	[smem:$0x3FA7] =	sst s3  }
0xc: {  	[smem:$0x3FA8] =	sst s4  }
0xd: {  	[smem:$0x3FA9] =	sst s5  }
0xe: {  	[smem:$0x3FAA] =	sst s6  }
0xf: {  	[smem:$0x3FAB] =	sst s7  }
0x10: {  	[smem:$0x3FAC] =	sst s8  }
0x11: {  	[smem:$0x3FAD] =	sst s9;
	s0 =	simm.s32 @!p0 $0x0  }
0x12: {  	s1 =	sld [smem:$0x3F93];
	s0 =	simm.s32 @p0 $0x1  }
0x13: {  	[smem:$0x3FAE] =	sst s0;
	s0 =	simm.s32 @!p1 $0x0  }
0x14: {  	s2 =	sld [smem:$0x3F92];
	s0 =	simm.s32 @p1 $0x1  }
0x15: {  	[smem:$0x3FAF] =	sst s0;
	s0 =	simm.s32 @!p2 $0x0  }
0x16: {  	s3 =	sld [smem:$0x3FDB];
	s0 =	simm.s32 @p2 $0x1  }
0x17: {  	s4 =	simm.s32 $0x1BF5;
	[smem:$0x3FB1] =	sst s0  }
0x18: {  	s0 =	sld [smem:$0x3F94];
	_ =	swait.ge [sflag:s4], $0x0  }
0x19: {  	s7 =	sld [smem:$0x3F95]  }
0x1a: {  	s8 =	sadd.s32 $0xFFFFE003, lr  }
0x1b: {  	s9 =	sadd.s32 $0xFFFFFEF7, lr;
	s5 =	simm.s32 $0xFFFFFFFF;
	p2 =	slt.u32 s8, $0xFFFFF086  }
0x1c: {  	p1 =	slt.u32 s9, $0xF7A;
	s5 =	simm.s32 @!p2 $0x0  }
0x1d: {  	s5 =	simm.s32 @p1 $0x1;
	p0 =	seq.s32 s7, s2  }
0x1e: {  	s7 =	smul.u32 @!p0 $0xF7A, s2;
	p2 =	seq.s32 @!p0 s5, $0x0  }
0x1f: {  	s9 =	smul.u32 $0xF7A, s1;
	s8 =	simm.s32 @!p0 $0x1BF5;
	p2 =	por !p2, p0  }
0x20: {  	[sflag:s8] =	ssyncset.s32 @!p0 $0xFFFFF086;
	s6 =	sadd.s32 @!p0 s3, s7;
	s7 =	simm.s32 @!p0 $0x108  }
0x21: {  	s3 =	sadd.s32 s3, s9;
	s6 =	sadd.s32 @!p0 $0x88, s6;
	s7 =	simm.s32 @p2 $0x1082  }
0x22: {  	[simem:s7], [sflag:s8] =	dma.local @!p0 [hbm:s6], $0xF7A  }
0x23: {  	s9 =	sor.u32 $0xD0000000, s2;
	s6 =	simm.s32 $0x108;
	_ =	swait.ge @!p0 [sflag:s8], $0x0  }
0x24: {  	s3 =	sadd.s32 $0x88, s3;
	s6 =	simm.s32 @!p1 $0x1082;
	[sflag:s4] =	ssyncset.s32 $0xFFFFF086  }
0x25: {  	[simem:s6], [sflag:s4] =	dma.local [hbm:s3], $0xF7A  }
0x26: {  	[smem:$0x3F95] =	sst s1;
	(tag) =	ssettag s2;
	_ =	strace s9  }
0x27: {  	s1 =	sld [smem:$0x3FA5]  }
0x28: {  	s2 =	sld [smem:$0x3FA6]  }
0x29: {  	s4 =	sld [smem:$0x3FA8]  }
0x2a: {  	p0 =	seq.s32 s5, $0x0;
	s5 =	sld [smem:$0x3FA9]  }
0x2b: {  	s6 =	sld [smem:$0x3FAA]  }
0x2c: {  	s7 =	sld [smem:$0x3FAB]  }
0x2d: {  	s3 =	simm.s32 $0x108;
	s8 =	sld [smem:$0x3FAC]  }
0x2e: {  	s3 =	simm.s32 @!p0 $0x1082;
	s9 =	sld [smem:$0x3FAD]  }
0x2f: {  	lr =	sadd.s32 s0, s3;
	s0 =	sld [smem:$0x3FA4]  }
0x30: {  	s3 =	sld [smem:$0x3FA7]  }
0x31: {  	[smem:$0x3FB0] =	sst s10  }
0x32: {  	s10 =	sld [smem:$0x3FAE];
	_ =	sdelay $0x3  }
0x33: {  	p0 =	seq.s32 s10, $0x1;
	s10 =	sld [smem:$0x3FB0];
	_ =	sdelay $0x3  }
0x34: {  	[smem:$0x3FB0] =	sst s10  }
0x35: {  	s10 =	sld [smem:$0x3FAF];
	_ =	sdelay $0x3  }
0x36: {  	p1 =	seq.s32 s10, $0x1;
	s10 =	sld [smem:$0x3FB0];
	_ =	sdelay $0x3  }
0x37: {  	[smem:$0x3FB0] =	sst s10  }
0x38: {  	s10 =	sld [smem:$0x3FB1]  }
0x39: {  	_ = 	snop;
	(pc) =	sbr.ind lr, $3  }
0x3a: {  	_ = 	snop  }
0x3b: {  	_ = 	snop  }
0x3c: {  	p2 =	seq.s32 s10, $0x1;
	s10 =	sld [smem:$0x3FB0]  }
0x3d: {  	_ =	shalt  }
0x3e: {  	_ =	shalt  }
0x3f: {  	_ =	shalt  }
0x40: {  	_ =	shalt  }
0x41: {  	_ =	shalt  }
0x42: {  	_ =	shalt  }
0x43: {  	_ =	shalt  }
0x44: {  	_ =	shalt  }
0x45: {  	_ =	shalt  }
0x46: {  	_ =	shalt  }
0x47: {  	_ =	shalt  }
0x48: {  	_ =	shalt  }
0x49: {  	_ =	shalt  }
0x4a: {  	_ =	shalt  }
0x4b: {  	_ =	shalt  }
0x4c: {  	_ =	shalt  }
0x4d: {  	_ =	shalt  }
0x4e: {  	_ =	shalt  }
0x4f: {  	_ =	shalt  }
0x50: {  	_ =	shalt  }
0x51: {  	_ =	shalt  }
0x52: {  	_ =	shalt  }
0x53: {  	_ =	shalt  }
0x54: {  	_ =	shalt  }
0x55: {  	_ =	shalt  }
0x56: {  	_ =	shalt  }
0x57: {  	_ =	shalt  }
0x58: {  	_ =	shalt  }
0x59: {  	_ =	shalt  }
0x5a: {  	_ =	shalt  }
0x5b: {  	_ =	shalt  }
0x5c: {  	_ =	shalt  }
0x5d: {  	_ =	shalt  }
0x5e: {  	_ =	shalt  }
0x5f: {  	_ =	shalt  }
0x60: {  	_ =	shalt  }
0x61: {  	_ =	shalt  }
0x62: {  	_ =	shalt  }
0x63: {  	_ =	shalt  }
0x64: {  	_ =	shalt  }
0x65: {  	_ =	shalt  }
0x66: {  	_ =	shalt  }
0x67: {  	_ =	shalt  }
0x68: {  	_ =	shalt  }
0x69: {  	_ =	shalt  }
0x6a: {  	_ =	shalt  }
0x6b: {  	_ =	shalt  }
0x6c: {  	_ =	shalt  }
0x6d: {  	_ =	shalt  }
0x6e: {  	_ =	shalt  }
0x6f: {  	_ =	shalt  }
0x70: {  	_ =	shalt  }
0x71: {  	_ =	shalt  }
0x72: {  	_ =	shalt  }
0x73: {  	_ =	shalt  }
0x74: {  	_ =	shalt  }
0x75: {  	_ =	shalt  }
0x76: {  	_ =	shalt  }
0x77: {  	_ =	shalt  }
0x78: {  	_ =	shalt  }
0x79: {  	_ =	shalt  }
0x7a: {  	_ =	shalt  }
0x7b: {  	_ =	shalt  }
0x7c: {  	_ =	shalt  }
0x7d: {  	_ =	shalt  }
0x7e: {  	_ =	shalt  }
0x7f: {  	_ =	shalt  }
0x80: {  	_ =	shalt  }
0x81: {  	_ =	shalt  }
0x82: {  	_ =	shalt  }
0x83: {  	_ =	shalt  }
0x84: {  	_ =	shalt  }
0x85: {  	_ =	shalt  }
0x86: {  	_ =	shalt  }
0x87: {  	_ =	shalt  }
.Lfunc_end0:
.L_simem_size_0:
called_computation.1_lowered:
.L_overlay_start_0:
0x88: {  	s2 =	sld [smem:$0x3FD9]  }
0x89: {  	s3 =	sld [smem:$0x3FFE];
	_ =	sdelay $0x1  }
0x8a: {  	s1 =	srdreg.scid  }
0x8b: {  	s0 =	sand.u32 $0x1, s1  }
0x8c: {  	s15 =	sshll.u32 s0, $0xA;
	s2 =	sadd.s32 s3, s2  }
0x8d: {  	s2 =	sadd.s32 s2, s15  }
0x8e: {  	[smem:$0x3FBC] =	sst s2  }
0x8f: {  	_ = 	snop  }
0x90: {  	s2 =	sld [smem:$0x3FD0];
	_ =	sdelay $0x2  }
0x91: {  	s16 =	simm.s32 $0xB;
	s4 =	simm.s32 $0x10  }
0x92: {  	[smem:s4], [sflag:s16] =	dma.local [hbm:s2], $0x1  }
0x93: {  	_ =	swait.eq [sflag:s16], $0x1  }
0x94: {  	[sflag:s16] =	ssyncset.done $0x0  }
0x95: {  	[sflag:s16] =	ssyncadd.s32 $0xFFFFFFFF  }
0x96: {  	s17 =	sld [smem:$0x11];
	(tm) =	ssettm $0x1  }
0x97: {  	s18 =	sld [smem:$0x3FFB];
	_ =	sdelay $0x3  }
0x98: {  	_ =	strace s18  }
0x99: {  	s2 =	sld [smem:$0x3FFC];
	_ =	sdelay $0x3  }
0x9a: {  	_ =	strace s2  }
0x9b: {  	s2 =	sld [smem:$0x3FFD];
	_ =	sdelay $0x3  }
0x9c: {  	_ =	strace s2  }
0x9d: {  	_ =	strace $0x8FFFFFFF  }
0x9e: {  	s19 =	sld [smem:$0x3FDB];
	_ =	sdelay $0x1  }
0x9f: {  	s20 =	simm.s32 $_scs_section_size  }
0xa0: {  	s5 =	simm.s32 $_size__tile_overlayer_lowered;
	s6 =	simm.s32 $_tile_overlayer_lowered  }
0xa1: {  	s7 =	simm.s32 $0x1BFF;
	s21 =	sshll.u32 s6, $0x1;
	s4 =	sadd.s32 s20, s19  }
0xa2: {  	s22 =	simm.s32 $0x0;
	s5 =	sshll.u32 s5, $0x1;
	s6 =	sadd.s32 s21, s4  }
0xa3: {  	[timem:s22], [sflag:s7] =	dma.local [hbm:s6], s5  }
0xa4: {  	_ =	swait.ge [sflag:s7], s5  }
0xa5: {  	s5 =	ssub.s32 $0x0, s5;
	[sflag:s7] =	ssyncset.done $0x0  }
0xa6: {  	[sflag:s7] =	ssyncadd.s32 s5;
	_ =	sdelay $0x1  }
0xa7: {  	s23 =	simm.s32 $0x1B8B  }
0xa8: {  	_ =	swait.ge [sflag:s23], $0x1  }
0xa9: {  	[sflag:s23] =	ssyncset.done $0x0  }
0xaa: {  	[sflag:s23] =	ssyncadd.s32 $0xFFFFFFFF  }
0xab: {  	s5 =	sld [smem:$0x0]  }
0xac: {  	s6 =	sand.u32 $0xFFFFFFFE, s1  }
0xad: {  	p0 =	sne.s32 s1, s6  }
0xae: {  	s6 =	sshll.u32 @p0 s6, $0xE  }
0xaf: {  	s6 =	sadd.s32 @p0 $0x11B8D, s6;
	s7 =	sshll.u32 @p0 s5, $0x11  }
0xb0: {  	s6 =	sor.u32 @p0 s7, s6  }
0xb1: {  	[sflag:s6] =	ssyncadd.remote.s32 @p0 $0x1;
	_ =	sdelay $0x1  }
0xb2: {  	s6 =	simm.s32 @p0 $0x1B8D  }
0xb3: {  	_ =	swait.eq @p0 [sflag:s6], $0x1  }
0xb4: {  	[sflag:s6] =	ssyncadd.s32 @p0 $0xFFFFFFFF  }
0xb5: {  	s7 =	sshll.u32 @!p0 s1, $0xE  }
0xb6: {  	s7 =	sor.u32 @!p0 $0x4000, s7;
	s6 =	simm.s32 @!p0 $0x1B8D  }
0xb7: {  	s5 =	sshll.u32 @!p0 s5, $0x11;
	s7 =	sadd.s32 @!p0 $0x11B8D, s7;
	_ =	swait.eq @!p0 [sflag:s6], $0x1  }
0xb8: {  	s5 =	sor.u32 @!p0 s5, s7;
	[sflag:s6] =	ssyncadd.s32 @!p0 $0xFFFFFFFF  }
0xb9: {  	s25 =	simm.s32 $0x1B8E;
	s24 =	sld [smem:$0x3FFE];
	[sflag:s5] =	ssyncadd.remote.s32 @!p0 $0x1  }
0xba: {  	s26 =	simm.s32 $execute0_lowered;
	[smem:$0x3FD2] =	sst s25  }
0xbb: {  	s6 =	sshll.u32 s26, $0x1;
	_ =	strace $0x80000049;
	[dreg:$0x1] =	wrdreg $0xFFFFFFFF  }
0xbc: {  	s28 =	simm.s32 $_size_execute0_lowered;
	s4 =	sadd.s32 s4, s6;
	[dreg:$0x0] =	wrdreg $0x0  }
0xbd: {  	s6 =	sshll.u32 s28, $0x1;
	[dreg:$0x2] =	wrdreg s4  }
0xbe: {  	[dreg:$0x3] =	wrdreg s6  }
0xbf: {  	[dreg:$0x4] =	wrdreg $0xC0  }
0xc0: {  	_ =	task [dreg:s22], $0x5FFFF  }
0xc1: {  	[dreg:$0x1] =	wrdreg $0xFFFFFFFF  }
0xc2: {  	[dreg:$0x0] =	wrdreg $0x60  }
0xc3: {  	[dreg:$0x2] =	wrdreg s24  }
0xc4: {  	[dreg:$0x3] =	wrdreg s17  }
0xc5: {  	[dreg:$0x4] =	wrdreg $0xA  }
0xc6: {  	_ =	task.clear_ibuf [dreg:s22], $0x5FFFF;
	_ =	strace $0x90000049  }
0xc7: {  	s29 =	simm.s32 $0xA;
	_ =	strace $0x8000004B  }
0xc8: {  	_ =	swait.ge [sflag:s29], $0x1  }
0xc9: {  	[sflag:s29] =	ssyncadd.s32 $0xFFFFFFFF  }
0xca: {  	_ =	strace $0x9000004B  }
0xcb: {  	_ =	sfence  }
0xcc: {  	s30 =	sld [smem:$0x0];
	_ =	sdelay $0x2  }
0xcd: {  	s31 =	sshll.u32 s1, $0xD;
	s1 =	sshrl.u32 s1, $0x2  }
0xce: {  	s4 =	sand.u32 $0x4000, s31;
	s1 =	sadd.s32 s1, s30  }
0xcf: {  	s0 =	sor.u32 s4, s0;
	s1 =	sshll.u32 s1, $0x11  }
0xd0: {  	s0 =	sor.u32 s1, s0  }
0xd1: {  	s0 =	sadd.s32 $0x8F2B, s0  }
0xd2: {  	[sflag:s0] =	ssyncadd.remote.s32 $0x1  }
0xd3: {  	_ =	sfence.sel $0xFFFF  }
0xd4: {  	[dreg:$0x0] =	wrdreg $0xFFFFFFFF;
	(pc) =	sbr.abs _section_cstart, $3  }
0xd5: {  	[dreg:$0x1] =	wrdreg $0xFFFFFFFF  }
0xd6: {  	_ =	task.clear_ibuf [dreg:s22], $0x2FFFF;
	_ =	strace $0x9FFFFFFF  }
0xd7: {  	(tm) =	ssettm $0x7FFFFFFF  }
tec
execute0_lowered:
.L_overlay_start_1:
0x0: {  	(tag) =	ssettag $0x1  }
0x1: {  	s1 =	srdreg.scid;
	s0 =	stileid.u32  }
0x2: {  	s5 =	rddreg [dreg:$0x0];
	s10 =	sand.u32 $0x1, s1;
	s29 =	sshll.u32 s0, $0x1  }
0x3: {  	s11 =	rddreg [dreg:$0x1];
	s12 =	sor.u32 s10, s29  }
0x4: {  	s2 =	simm.s32 $0x0;
	s1 =	rddreg [dreg:$0x2];
	s3 =	sshll.u32 s12, $0x5  }
0x5: {  	[smem:$0x7FF] =	sst s2;
	s3 =	sadd.s32 s3, s5  }
0x6: {  	_ =	strace $0x8000004A;
	s4 =	sadd.s32 $0xDC00, s3;
	s3 =	simm.s32 $0x2  }
0x7: {  	[tilespmem:s2], [sflag:$0x2] =	stream.linear.gather [hbm4b:s4+s2], $0x100, $0x38;
	[tilespmem:$0x8100] =	vst v63  }
0x8: {  	_ =	swait.ge [sflag:s3], $0x100  }
0x9: {  	s6 =	simm.s32 $0x80;
	[sflag:s3] =	ssyncset.done $0x0  }
0xa: {  	s7 =	simm.s32 $0x100;
	s5 =	sadd.s32 $0x9C00, s5;
	[sflag:s3] =	ssyncadd.s32 $0xFFFFFF00  }
0xb: {  	[tilespmem:s7], [sflag:$0x1] =	stream.indirect.gather [hbm4b:s5+s6], $0x80, s2, s6, $0xb8;
	[tilespmem:$0x8100] =	vst v63  }
0xc: {  	s8 =	simm.s32 $0x4100;
	s9 =	simm.s32 $0x1;
	s10 =	ssub.s32 $0x2, s10  }
0xd: {  	[tilespmem:s8], [sflag:$0x1] =	stream.indirect.gather [hbm4b:s5+s6], $0x80, s6, s6, $0xb8;
	[tilespmem:$0x8100] =	vst v63  }
0xe: {  	s13 =	sshrl.u32 s10, $0x1;
	_ =	swait.ge [sflag:s9], $0x4000  }
0xf: {  	s13 =	ssub.s32 s10, s13;
	[sflag:s9] =	ssyncset.done $0x0  }
0x10: {  	s31 =	smax.u32 s13, $0x1;
	[sflag:s9] =	ssyncadd.s32 $0xFFFFC000  }
0x11: {  	p0 =	sne.s32 s31, $0x1;
	_ =	swait.ge [sflag:s9], $0x4000  }
.Ltmp0:
0x12: {  	s30 =	sshll.u32 s12, $0xC;
	[sflag:s9] =	ssyncset.done $0x0;
	(pc) =	sbr.rel @!p0 .LBB2_2-.Ltmp0, $4  }
0x13: {  	s10 =	sadd.s32 s11, s30;
	[sflag:s9] =	ssyncadd.s32 $0xFFFFC000  }
0x14: {  	[hbm4b:s10+s2] =	stream.linear.scatter [tilespmem:s7], [sflag:$0x2], $0x8000, $0x38;
	[tilespmem:$0x8100] =	vst v63  }
0x15: {  	_ =	swait.ge [sflag:s3], $0x8000  }
0x16: {  	s11 =	sadd.s32 $0xFFFFFFFF, s31;
	[sflag:s3] =	ssyncset.done $0x0  }
.LBB2_1:
0x17: {  	p0 =	sne.s32 s11, $0x1;
	s11 =	sadd.s32 $0xFFFFFFFF, s11;
	[sflag:s3] =	ssyncadd.s32 $0xFFFF8000  }
0x18: {  	[tilespmem:s2], [sflag:$0x2] =	stream.linear.gather [hbm4b:s4+s2], $0x100, $0x38;
	[tilespmem:$0x8100] =	vst v63  }
0x19: {  	_ =	swait.ge [sflag:s3], $0x100  }
0x1a: {  	[sflag:s3] =	ssyncset.done $0x0  }
0x1b: {  	[sflag:s3] =	ssyncadd.s32 $0xFFFFFF00  }
0x1c: {  	[tilespmem:s7], [sflag:$0x1] =	stream.indirect.gather [hbm4b:s5+s6], $0x80, s2, s6, $0xb8;
	[tilespmem:$0x8100] =	vst v63  }
0x1d: {  	_ = 	snop  }
0x1e: {  	[tilespmem:s8], [sflag:$0x1] =	stream.indirect.gather [hbm4b:s5+s6], $0x80, s6, s6, $0xb8;
	[tilespmem:$0x8100] =	vst v63  }
0x1f: {  	_ =	swait.ge [sflag:s9], $0x4000  }
0x20: {  	[sflag:s9] =	ssyncset.done $0x0  }
0x21: {  	[sflag:s9] =	ssyncadd.s32 $0xFFFFC000  }
0x22: {  	_ =	swait.ge [sflag:s9], $0x4000  }
.Ltmp1:
0x23: {  	[sflag:s9] =	ssyncset.done $0x0;
	(pc) =	sbr.rel @p0 .LBB2_1-.Ltmp1, $4  }
0x24: {  	[sflag:s9] =	ssyncadd.s32 $0xFFFFC000  }
0x25: {  	[hbm4b:s10+s2] =	stream.linear.scatter [tilespmem:s7], [sflag:$0x2], $0x8000, $0x38;
	[tilespmem:$0x8100] =	vst v63  }
0x26: {  	_ =	swait.ge [sflag:s3], $0x8000  }
0x27: {  	[sflag:s3] =	ssyncset.done $0x0  }
.LBB2_2:
0x28: {  	[sflag:s3] =	ssyncadd.s32 $0xFFFF8000  }
0x29: {  	_ =	sfence.sel $0x180000  }
0x2a: {  	[bflag:$0x0] =	sbarrier.arrive $0xFFFF  }
0x2b: {  	p0 =	sne.s32 s0, $0x0;
	_ =	strace $0x9000004A  }
0x2c: {  	s0 =	sadd.s32 @!p0 $0x100000, s1;
	[bflag:$0x2] =	sbarrier.arrive $0xFFFF  }
0x2d: {  	[sflag:s0] =	ssyncadd.tile.s32 @!p0 $0x1;
	_ =	shalt  }
.Lfunc_end2:
_tile_overlayer_lowered:
.L_overlay_start_2:
0x2e: {  	(tag) =	ssettag $0x2  }
0x2f: {  	s0 =	rddreg [dreg:$0x0];
	s2 =	stileid.u32  }
0x30: {  	s1 =	rddreg [dreg:$0x1];
	p0 =	sne.s32 s2, $0x0  }
0x31: {  	s3 =	rddreg [dreg:$0x2];
	[bflag:$0x3] =	sbarrier.arrive $0xFFFF;
	s2 =	simm.s32 @!p0 $0x1C02  }
0x32: {  	[timem:s3], [sflag:s2] =	dma.local @!p0 [hbm:s0], s1  }
0x33: {  	s0 =	simm.s32 @!p0 $0x2  }
0x34: {  	_ =	swait.ge @!p0 [sflag:s0], s1  }
0x35: {  	s1 =	ssub.s32 @!p0 $0x0, s1;
	[sflag:s0] =	ssyncset.done @!p0 $0x0  }
0x36: {  	[sflag:s0] =	ssyncadd.s32 @!p0 s1  }
0x37: {  	[bflag:$0x3] =	sbarrier.arrive $0xFFFF  }
0x38: {  	_ =	shalt  }

</sc_bundles>
